<compile_context>
chip_gen: v7x
topology: tpu7x:2x2x1
jax: 0.10.2.dev20260603
libtpu: 0.0.44.dev20260713+nightly
codegen_flags: <defaults>
</compile_context>

<pallas_src>
import functools

import jax
import jax.numpy as jnp
from jax import lax
from jax.experimental import pallas as pl
from jax.experimental.pallas import tpu as pltpu
from jax.experimental.pallas import tpu_sc as plsc

_B = 16384
_C = 20
_NEG = 16
_D = 64
_K = 1 + _NEG
_L = 16
_ND = _D // _L

_NC = 2
_NS = 16
_NW = _NC * _NS
_BPW = _B // _NW
_CB = 32
_NCHUNK = _BPW // _CB
_G_CTX = (_CB * _C) // 128
_G_NEG = (_CB * _NEG) // 128


def _sc_body(cen_hbm, ctx_hbm, neg_hbm, wc_hbm, wx_hbm, out_hbm,
             cen_idx, ctx_idx, neg_idx, cen_rows, ctx_rows, neg_rows,
             scores_v, sem):
    wid = lax.axis_index("s") * _NC + lax.axis_index("c")
    base = wid * _BPW
    lanes = jnp.arange(_L, dtype=jnp.int32)

    def chunk_body(i, carry):
        b0 = base + i * _CB
        pltpu.sync_copy(cen_hbm.at[pl.ds(b0, _CB)], cen_idx)
        pltpu.sync_copy(ctx_hbm.at[pl.ds(b0 * _C, _CB * _C)], ctx_idx)
        pltpu.sync_copy(neg_hbm.at[pl.ds(b0 * _NEG, _CB * _NEG)], neg_idx)
        cps = []
        for g in range(_G_CTX):
            cps.append(pltpu.async_copy(
                wx_hbm.at[ctx_idx.at[pl.ds(g * 128, 128)]],
                ctx_rows.at[pl.ds(g * 128, 128)], sem))
        for g in range(_G_NEG):
            cps.append(pltpu.async_copy(
                wc_hbm.at[neg_idx.at[pl.ds(g * 128, 128)]],
                neg_rows.at[pl.ds(g * 128, 128)], sem))
        cps.append(pltpu.async_copy(wc_hbm.at[cen_idx], cen_rows, sem))
        for cp in cps:
            cp.wait()

        for bb in range(_CB // _L):
            def b_body(t, rows):
                b = bb * _L + t
                lane_mask = lanes == t
                accs = [jnp.zeros((_L,), jnp.float32) for _ in range(_ND)]
                for c in range(_C):
                    r = b * _C + c
                    for d in range(_ND):
                        accs[d] = accs[d] + ctx_rows[r, pl.ds(d * _L, _L)]

                def dot(rref, r):
                    p = rref[r, pl.ds(0, _L)] * accs[0]
                    for d in range(1, _ND):
                        p = p + rref[r, pl.ds(d * _L, _L)] * accs[d]
                    return jnp.sum(p)

                new_rows = [jnp.where(lane_mask, dot(cen_rows, b), rows[0])]
                for j in range(_NEG):
                    new_rows.append(jnp.where(
                        lane_mask, -dot(neg_rows, b * _NEG + j), rows[1 + j]))
                return tuple(new_rows)

            zeros = jnp.zeros((_L,), jnp.float32)
            rows = lax.fori_loop(0, _L, b_body, (zeros,) * _K)
            off = i * _CB + bb * _L
            for k in range(_K):
                scores_v[k, pl.ds(off, _L)] = rows[k]
        return carry

    lax.fori_loop(0, _NCHUNK, chunk_body, 0)
    pltpu.sync_copy(scores_v, out_hbm.at[wid])


_sc_scores = functools.partial(
    pl.kernel,
    mesh=plsc.VectorSubcoreMesh(core_axis_name="c", subcore_axis_name="s"),
    compiler_params=pltpu.CompilerParams(
        needs_layout_passes=False, use_tc_tiling_on_sc=False),
    out_type=jax.ShapeDtypeStruct((_NW, _K, _BPW), jnp.float32),
    scratch_types=[
        pltpu.VMEM((_CB,), jnp.int32),
        pltpu.VMEM((_CB * _C,), jnp.int32),
        pltpu.VMEM((_CB * _NEG,), jnp.int32),
        pltpu.VMEM((_CB, _D), jnp.float32),
        pltpu.VMEM((_CB * _C, _D), jnp.float32),
        pltpu.VMEM((_CB * _NEG, _D), jnp.float32),
        pltpu.VMEM((_K, _BPW), jnp.float32),
        pltpu.SemaphoreType.DMA,
    ],
)(_sc_body)


def _loss_body(s_ref, o_ref):
    x = s_ref[...]
    ls = jnp.minimum(x, 0.0) - jnp.log1p(jnp.exp(-jnp.abs(x)))
    o_ref[0, 0] = -jnp.sum(ls) * (1.0 / (_B * _K))


_loss = pl.pallas_call(
    _loss_body,
    out_shape=jax.ShapeDtypeStruct((1, 1), jnp.float32),
    out_specs=pl.BlockSpec(memory_space=pltpu.SMEM),
)


def kernel(center, contexts, negatives, W_center, W_context):
    cen = center.astype(jnp.int32)
    ctx = contexts.astype(jnp.int32).reshape(-1)
    neg = negatives.astype(jnp.int32).reshape(-1)
    scores = _sc_scores(cen, ctx, neg, W_center, W_context)
    return _loss(scores)[0, 0]

# --- scband reference (transcript-rebuilt; emitter-appended) ---
"""Pipeline reference for scband-cbo-w-11862699671706 (READ-ONLY COPY).

The authoritative reference and input builder live on the scoring server;
editing this copy changes nothing except your own understanding.
"""

import jax, jax.numpy as jnp
import numpy as np

V = 1000000
D = 64
B = 16384
C = 20
NEG = 16

def setup_inputs(seed: int = 0) -> dict:
    key = jax.random.key(seed)
    k1, k2, k3, k4, k5 = jax.random.split(key, 5)
    center = jax.random.randint(k1, (B,), 0, V, dtype=jnp.int64) if jax.config.jax_enable_x64 else jax.random.randint(k1, (B,), 0, V).astype(jnp.int32)
    contexts = jax.random.randint(k2, (B, C), 0, V).astype(center.dtype)
    negatives = jax.random.randint(k3, (B, NEG), 0, V).astype(center.dtype)
    # learned parameters: center and context embedding tables
    # (torch init: center uniform(-0.5/dim, 0.5/dim), context zeros; we use
    # small random values for both so the benchmark is non-degenerate)
    W_center = jax.random.uniform(k4, (V, D), dtype=jnp.float32, minval=-0.5 / D, maxval=0.5 / D)
    W_context = jax.random.normal(k5, (V, D), dtype=jnp.float32) * (0.5 / D)
    return {"center": center, "contexts": contexts, "negatives": negatives,
            "W_center": W_center, "W_context": W_context}

def reference(center, contexts, negatives, W_center, W_context):
    # CBoW.cbow forward
    center_emb = jnp.take(W_center, center, axis=0)        # [B, D]
    context_emb = jnp.take(W_context, contexts, axis=0)    # [B, C, D]
    negative_emb = jnp.take(W_center, negatives, axis=0)   # [B, NEG, D]
    context_vec = jnp.sum(context_emb, axis=1)             # [B, D]
    emb = jnp.concatenate([center_emb[:, None, :], -negative_emb], axis=1)  # [B, 1+NEG, D]
    # bmm(emb, context_vec.unsqueeze(2)).squeeze(2)
    score = jnp.einsum('bkd,bd->bk', emb, context_vec)     # [B, 1+NEG]
    loss = -jnp.mean(jax.nn.log_sigmoid(score))
    return loss

if __name__ == "__main__":
    import jax
    _d = setup_inputs()
    print(jax.jit(kernel)(*tuple(_d.values())))

</pallas_src>

<mosaic_0001>
#map = affine_map<(d0, d1) -> (0)>
#map1 = affine_map<(d0, d1) -> (0, 0)>
#map2 = affine_map<(d0, d1) -> (0, 0, 0)>
module attributes {stable_mosaic.version = 14 : i64} {
  func.func @_sc_body(%arg0: i32, %arg1: i32, %arg2: memref<16384xi32, #tpu.memory_space<hbm>>, %arg3: memref<327680xi32, #tpu.memory_space<hbm>>, %arg4: memref<262144xi32, #tpu.memory_space<hbm>>, %arg5: memref<1000000x64xf32, #tpu.memory_space<hbm>>, %arg6: memref<1000000x64xf32, #tpu.memory_space<hbm>>, %arg7: memref<32x17x512xf32, #tpu.memory_space<hbm>>, %arg8: memref<32xi32, #tpu.memory_space<vmem>>, %arg9: memref<640xi32, #tpu.memory_space<vmem>>, %arg10: memref<512xi32, #tpu.memory_space<vmem>>, %arg11: memref<32x64xf32, #tpu.memory_space<vmem>>, %arg12: memref<640x64xf32, #tpu.memory_space<vmem>>, %arg13: memref<512x64xf32, #tpu.memory_space<vmem>>, %arg14: memref<17x512xf32, #tpu.memory_space<vmem>>, %arg15: memref<!tpu.dma_semaphore, #tpu.memory_space<semaphore_mem>>) attributes {dimension_semantics = [#tpu.dimension_semantics<core_parallel>, #tpu.dimension_semantics<subcore_parallel>], iteration_bounds = array<i64: 2, 16>, scalar_prefetch = 0 : i64, scratch_operands = 8 : i64, tpu.core_type = #tpu.core_type<sc_vector_subcore>, window_params = [{transform_indices = #map}, {transform_indices = #map}, {transform_indices = #map}, {transform_indices = #map1}, {transform_indices = #map1}, {transform_indices = #map2}]} {
    %mul3A = arith.constant 2 : i32
    %mul3A_0 = arith.muli %arg1, %mul3A : i32
    %add3A = arith.addi %mul3A_0, %arg0 : i32
    %mul3A_1 = arith.constant 512 : i32
    %mul3A_2 = arith.muli %add3A, %mul3A_1 : i32
    %iota3A = tpu.iota {dimensions = array<i32: 0>} : vector<16xi32>
    %scan3A = arith.constant 0 : i32
    %scan3A_3 = arith.constant 0 : i32
    %scan3A_4 = arith.constant 16 : i32
    %scan3A_5 = arith.addi %scan3A_3, %scan3A_4 : i32
    %scan3A_6 = arith.constant 1 : i32
    scf.for %scan3A_8 = %scan3A_3 to %scan3A_5 step %scan3A_6  : i32 {
      %mul3A_9 = arith.constant 32 : i32
      %mul3A_10 = arith.muli %scan3A_8, %mul3A_9 : i32
      %add3A_11 = arith.addi %mul3A_2, %mul3A_10 : i32
      "tpu.region"() ({
        %run_scoped3A = tpu.sem_alloc : memref<!tpu.dma_semaphore, #tpu.memory_space<semaphore_mem>>
        %dma_start3A_322 = tpu.memref_slice %arg2[%add3A_11] : memref<16384xi32, #tpu.memory_space<hbm>> -> memref<32xi32, #tpu.memory_space<hbm>>
        %dma_start3A_323 = tpu.memref_slice %arg2[%add3A_11] : memref<16384xi32, #tpu.memory_space<hbm>> -> memref<32xi32, #tpu.memory_space<hbm>>
        tpu.enqueue_dma source(%dma_start3A_323 : memref<32xi32, #tpu.memory_space<hbm>>) target(%arg8 : memref<32xi32, #tpu.memory_space<vmem>>) target_semaphore(%run_scoped3A : memref<!tpu.dma_semaphore, #tpu.memory_space<semaphore_mem>>)
        %dma_wait3A_324 = tpu.memref_slice %arg2[%add3A_11] : memref<16384xi32, #tpu.memory_space<hbm>> -> memref<32xi32, #tpu.memory_space<hbm>>
        %dma_wait3A_325 = tpu.memref_slice %arg2[%add3A_11] : memref<16384xi32, #tpu.memory_space<hbm>> -> memref<32xi32, #tpu.memory_space<hbm>>
        tpu.wait_dma2 semaphore(%run_scoped3A : memref<!tpu.dma_semaphore, #tpu.memory_space<semaphore_mem>>) src(%dma_wait3A_325 : memref<32xi32, #tpu.memory_space<hbm>>) dst(%arg8 : memref<32xi32, #tpu.memory_space<vmem>>)
        tpu.yield
      }) : () -> ()
      %mul3A_12 = arith.constant 20 : i32
      %mul3A_13 = arith.muli %add3A_11, %mul3A_12 : i32
      "tpu.region"() ({
        %run_scoped3A = tpu.sem_alloc : memref<!tpu.dma_semaphore, #tpu.memory_space<semaphore_mem>>
        %dma_start3A_322 = tpu.memref_slice %arg3[%mul3A_13] : memref<327680xi32, #tpu.memory_space<hbm>> -> memref<640xi32, #tpu.memory_space<hbm>>
        %dma_start3A_323 = tpu.memref_slice %arg3[%mul3A_13] : memref<327680xi32, #tpu.memory_space<hbm>> -> memref<640xi32, #tpu.memory_space<hbm>>
        tpu.enqueue_dma source(%dma_start3A_323 : memref<640xi32, #tpu.memory_space<hbm>>) target(%arg9 : memref<640xi32, #tpu.memory_space<vmem>>) target_semaphore(%run_scoped3A : memref<!tpu.dma_semaphore, #tpu.memory_space<semaphore_mem>>)
        %dma_wait3A_324 = tpu.memref_slice %arg3[%mul3A_13] : memref<327680xi32, #tpu.memory_space<hbm>> -> memref<640xi32, #tpu.memory_space<hbm>>
        %dma_wait3A_325 = tpu.memref_slice %arg3[%mul3A_13] : memref<327680xi32, #tpu.memory_space<hbm>> -> memref<640xi32, #tpu.memory_space<hbm>>
        tpu.wait_dma2 semaphore(%run_scoped3A : memref<!tpu.dma_semaphore, #tpu.memory_space<semaphore_mem>>) src(%dma_wait3A_325 : memref<640xi32, #tpu.memory_space<hbm>>) dst(%arg9 : memref<640xi32, #tpu.memory_space<vmem>>)
        tpu.yield
      }) : () -> ()
      %mul3A_14 = arith.constant 16 : i32
      %mul3A_15 = arith.muli %add3A_11, %mul3A_14 : i32
      "tpu.region"() ({
        %run_scoped3A = tpu.sem_alloc : memref<!tpu.dma_semaphore, #tpu.memory_space<semaphore_mem>>
        %dma_start3A_322 = tpu.memref_slice %arg4[%mul3A_15] : memref<262144xi32, #tpu.memory_space<hbm>> -> memref<512xi32, #tpu.memory_space<hbm>>
        %dma_start3A_323 = tpu.memref_slice %arg4[%mul3A_15] : memref<262144xi32, #tpu.memory_space<hbm>> -> memref<512xi32, #tpu.memory_space<hbm>>
        tpu.enqueue_dma source(%dma_start3A_323 : memref<512xi32, #tpu.memory_space<hbm>>) target(%arg10 : memref<512xi32, #tpu.memory_space<vmem>>) target_semaphore(%run_scoped3A : memref<!tpu.dma_semaphore, #tpu.memory_space<semaphore_mem>>)
        %dma_wait3A_324 = tpu.memref_slice %arg4[%mul3A_15] : memref<262144xi32, #tpu.memory_space<hbm>> -> memref<512xi32, #tpu.memory_space<hbm>>
        %dma_wait3A_325 = tpu.memref_slice %arg4[%mul3A_15] : memref<262144xi32, #tpu.memory_space<hbm>> -> memref<512xi32, #tpu.memory_space<hbm>>
        tpu.wait_dma2 semaphore(%run_scoped3A : memref<!tpu.dma_semaphore, #tpu.memory_space<semaphore_mem>>) src(%dma_wait3A_325 : memref<512xi32, #tpu.memory_space<hbm>>) dst(%arg10 : memref<512xi32, #tpu.memory_space<vmem>>)
        tpu.yield
      }) : () -> ()
      %dma_start3A = arith.constant 0 : i32
      %dma_start3A_16 = arith.constant 0 : i32
      %dma_start3A_17 = tpu.memref_slice %arg12[%dma_start3A, %dma_start3A_16] : memref<640x64xf32, #tpu.memory_space<vmem>> -> memref<128x64xf32, #tpu.memory_space<vmem>>
      %dma_start3A_18 = arith.constant 0 : i32
      %dma_start3A_19 = tpu.memref_slice %arg9[%dma_start3A_18] : memref<640xi32, #tpu.memory_space<vmem>> -> memref<128xi32, #tpu.memory_space<vmem>>
      %dma_start3A_20 = arith.constant 0 : i32
      %dma_start3A_21 = arith.constant 0 : i32
      %dma_start3A_22 = tpu.memref_slice %arg6[%dma_start3A_20, %dma_start3A_21] : memref<1000000x64xf32, #tpu.memory_space<hbm>> -> memref<1000000x64xf32, #tpu.memory_space<hbm>>
      tpu.enqueue_indirect_dma source(%dma_start3A_22 : memref<1000000x64xf32, #tpu.memory_space<hbm>>) target(%dma_start3A_17 : memref<128x64xf32, #tpu.memory_space<vmem>>) offsets(%dma_start3A_19 : memref<128xi32, #tpu.memory_space<vmem>>) semaphore(%arg15 : memref<!tpu.dma_semaphore, #tpu.memory_space<semaphore_mem>>)
      %dma_start3A_23 = arith.constant 128 : i32
      %dma_start3A_24 = arith.constant 0 : i32
      %dma_start3A_25 = tpu.memref_slice %arg12[%dma_start3A_23, %dma_start3A_24] : memref<640x64xf32, #tpu.memory_space<vmem>> -> memref<128x64xf32, #tpu.memory_space<vmem>>
      %dma_start3A_26 = arith.constant 128 : i32
      %dma_start3A_27 = tpu.memref_slice %arg9[%dma_start3A_26] : memref<640xi32, #tpu.memory_space<vmem>> -> memref<128xi32, #tpu.memory_space<vmem>>
      %dma_start3A_28 = arith.constant 0 : i32
      %dma_start3A_29 = arith.constant 0 : i32
      %dma_start3A_30 = tpu.memref_slice %arg6[%dma_start3A_28, %dma_start3A_29] : memref<1000000x64xf32, #tpu.memory_space<hbm>> -> memref<1000000x64xf32, #tpu.memory_space<hbm>>
      tpu.enqueue_indirect_dma source(%dma_start3A_30 : memref<1000000x64xf32, #tpu.memory_space<hbm>>) target(%dma_start3A_25 : memref<128x64xf32, #tpu.memory_space<vmem>>) offsets(%dma_start3A_27 : memref<128xi32, #tpu.memory_space<vmem>>) semaphore(%arg15 : memref<!tpu.dma_semaphore, #tpu.memory_space<semaphore_mem>>)
      %dma_start3A_31 = arith.constant 256 : i32
      %dma_start3A_32 = arith.constant 0 : i32
      %dma_start3A_33 = tpu.memref_slice %arg12[%dma_start3A_31, %dma_start3A_32] : memref<640x64xf32, #tpu.memory_space<vmem>> -> memref<128x64xf32, #tpu.memory_space<vmem>>
      %dma_start3A_34 = arith.constant 256 : i32
      %dma_start3A_35 = tpu.memref_slice %arg9[%dma_start3A_34] : memref<640xi32, #tpu.memory_space<vmem>> -> memref<128xi32, #tpu.memory_space<vmem>>
      %dma_start3A_36 = arith.constant 0 : i32
      %dma_start3A_37 = arith.constant 0 : i32
      %dma_start3A_38 = tpu.memref_slice %arg6[%dma_start3A_36, %dma_start3A_37] : memref<1000000x64xf32, #tpu.memory_space<hbm>> -> memref<1000000x64xf32, #tpu.memory_space<hbm>>
      tpu.enqueue_indirect_dma source(%dma_start3A_38 : memref<1000000x64xf32, #tpu.memory_space<hbm>>) target(%dma_start3A_33 : memref<128x64xf32, #tpu.memory_space<vmem>>) offsets(%dma_start3A_35 : memref<128xi32, #tpu.memory_space<vmem>>) semaphore(%arg15 : memref<!tpu.dma_semaphore, #tpu.memory_space<semaphore_mem>>)
      %dma_start3A_39 = arith.constant 384 : i32
      %dma_start3A_40 = arith.constant 0 : i32
      %dma_start3A_41 = tpu.memref_slice %arg12[%dma_start3A_39, %dma_start3A_40] : memref<640x64xf32, #tpu.memory_space<vmem>> -> memref<128x64xf32, #tpu.memory_space<vmem>>
      %dma_start3A_42 = arith.constant 384 : i32
      %dma_start3A_43 = tpu.memref_slice %arg9[%dma_start3A_42] : memref<640xi32, #tpu.memory_space<vmem>> -> memref<128xi32, #tpu.memory_space<vmem>>
      %dma_start3A_44 = arith.constant 0 : i32
      %dma_start3A_45 = arith.constant 0 : i32
      %dma_start3A_46 = tpu.memref_slice %arg6[%dma_start3A_44, %dma_start3A_45] : memref<1000000x64xf32, #tpu.memory_space<hbm>> -> memref<1000000x64xf32, #tpu.memory_space<hbm>>
      tpu.enqueue_indirect_dma source(%dma_start3A_46 : memref<1000000x64xf32, #tpu.memory_space<hbm>>) target(%dma_start3A_41 : memref<128x64xf32, #tpu.memory_space<vmem>>) offsets(%dma_start3A_43 : memref<128xi32, #tpu.memory_space<vmem>>) semaphore(%arg15 : memref<!tpu.dma_semaphore, #tpu.memory_space<semaphore_mem>>)
      %dma_start3A_47 = arith.constant 512 : i32
      %dma_start3A_48 = arith.constant 0 : i32
      %dma_start3A_49 = tpu.memref_slice %arg12[%dma_start3A_47, %dma_start3A_48] : memref<640x64xf32, #tpu.memory_space<vmem>> -> memref<128x64xf32, #tpu.memory_space<vmem>>
      %dma_start3A_50 = arith.constant 512 : i32
      %dma_start3A_51 = tpu.memref_slice %arg9[%dma_start3A_50] : memref<640xi32, #tpu.memory_space<vmem>> -> memref<128xi32, #tpu.memory_space<vmem>>
      %dma_start3A_52 = arith.constant 0 : i32
      %dma_start3A_53 = arith.constant 0 : i32
      %dma_start3A_54 = tpu.memref_slice %arg6[%dma_start3A_52, %dma_start3A_53] : memref<1000000x64xf32, #tpu.memory_space<hbm>> -> memref<1000000x64xf32, #tpu.memory_space<hbm>>
      tpu.enqueue_indirect_dma source(%dma_start3A_54 : memref<1000000x64xf32, #tpu.memory_space<hbm>>) target(%dma_start3A_49 : memref<128x64xf32, #tpu.memory_space<vmem>>) offsets(%dma_start3A_51 : memref<128xi32, #tpu.memory_space<vmem>>) semaphore(%arg15 : memref<!tpu.dma_semaphore, #tpu.memory_space<semaphore_mem>>)
      %dma_start3A_55 = arith.constant 0 : i32
      %dma_start3A_56 = arith.constant 0 : i32
      %dma_start3A_57 = tpu.memref_slice %arg13[%dma_start3A_55, %dma_start3A_56] : memref<512x64xf32, #tpu.memory_space<vmem>> -> memref<128x64xf32, #tpu.memory_space<vmem>>
      %dma_start3A_58 = arith.constant 0 : i32
      %dma_start3A_59 = tpu.memref_slice %arg10[%dma_start3A_58] : memref<512xi32, #tpu.memory_space<vmem>> -> memref<128xi32, #tpu.memory_space<vmem>>
      %dma_start3A_60 = arith.constant 0 : i32
      %dma_start3A_61 = arith.constant 0 : i32
      %dma_start3A_62 = tpu.memref_slice %arg5[%dma_start3A_60, %dma_start3A_61] : memref<1000000x64xf32, #tpu.memory_space<hbm>> -> memref<1000000x64xf32, #tpu.memory_space<hbm>>
      tpu.enqueue_indirect_dma source(%dma_start3A_62 : memref<1000000x64xf32, #tpu.memory_space<hbm>>) target(%dma_start3A_57 : memref<128x64xf32, #tpu.memory_space<vmem>>) offsets(%dma_start3A_59 : memref<128xi32, #tpu.memory_space<vmem>>) semaphore(%arg15 : memref<!tpu.dma_semaphore, #tpu.memory_space<semaphore_mem>>)
      %dma_start3A_63 = arith.constant 128 : i32
      %dma_start3A_64 = arith.constant 0 : i32
      %dma_start3A_65 = tpu.memref_slice %arg13[%dma_start3A_63, %dma_start3A_64] : memref<512x64xf32, #tpu.memory_space<vmem>> -> memref<128x64xf32, #tpu.memory_space<vmem>>
      %dma_start3A_66 = arith.constant 128 : i32
      %dma_start3A_67 = tpu.memref_slice %arg10[%dma_start3A_66] : memref<512xi32, #tpu.memory_space<vmem>> -> memref<128xi32, #tpu.memory_space<vmem>>
      %dma_start3A_68 = arith.constant 0 : i32
      %dma_start3A_69 = arith.constant 0 : i32
      %dma_start3A_70 = tpu.memref_slice %arg5[%dma_start3A_68, %dma_start3A_69] : memref<1000000x64xf32, #tpu.memory_space<hbm>> -> memref<1000000x64xf32, #tpu.memory_space<hbm>>
      tpu.enqueue_indirect_dma source(%dma_start3A_70 : memref<1000000x64xf32, #tpu.memory_space<hbm>>) target(%dma_start3A_65 : memref<128x64xf32, #tpu.memory_space<vmem>>) offsets(%dma_start3A_67 : memref<128xi32, #tpu.memory_space<vmem>>) semaphore(%arg15 : memref<!tpu.dma_semaphore, #tpu.memory_space<semaphore_mem>>)
      %dma_start3A_71 = arith.constant 256 : i32
      %dma_start3A_72 = arith.constant 0 : i32
      %dma_start3A_73 = tpu.memref_slice %arg13[%dma_start3A_71, %dma_start3A_72] : memref<512x64xf32, #tpu.memory_space<vmem>> -> memref<128x64xf32, #tpu.memory_space<vmem>>
      %dma_start3A_74 = arith.constant 256 : i32
      %dma_start3A_75 = tpu.memref_slice %arg10[%dma_start3A_74] : memref<512xi32, #tpu.memory_space<vmem>> -> memref<128xi32, #tpu.memory_space<vmem>>
      %dma_start3A_76 = arith.constant 0 : i32
      %dma_start3A_77 = arith.constant 0 : i32
      %dma_start3A_78 = tpu.memref_slice %arg5[%dma_start3A_76, %dma_start3A_77] : memref<1000000x64xf32, #tpu.memory_space<hbm>> -> memref<1000000x64xf32, #tpu.memory_space<hbm>>
      tpu.enqueue_indirect_dma source(%dma_start3A_78 : memref<1000000x64xf32, #tpu.memory_space<hbm>>) target(%dma_start3A_73 : memref<128x64xf32, #tpu.memory_space<vmem>>) offsets(%dma_start3A_75 : memref<128xi32, #tpu.memory_space<vmem>>) semaphore(%arg15 : memref<!tpu.dma_semaphore, #tpu.memory_space<semaphore_mem>>)
      %dma_start3A_79 = arith.constant 384 : i32
      %dma_start3A_80 = arith.constant 0 : i32
      %dma_start3A_81 = tpu.memref_slice %arg13[%dma_start3A_79, %dma_start3A_80] : memref<512x64xf32, #tpu.memory_space<vmem>> -> memref<128x64xf32, #tpu.memory_space<vmem>>
      %dma_start3A_82 = arith.constant 384 : i32
      %dma_start3A_83 = tpu.memref_slice %arg10[%dma_start3A_82] : memref<512xi32, #tpu.memory_space<vmem>> -> memref<128xi32, #tpu.memory_space<vmem>>
      %dma_start3A_84 = arith.constant 0 : i32
      %dma_start3A_85 = arith.constant 0 : i32
      %dma_start3A_86 = tpu.memref_slice %arg5[%dma_start3A_84, %dma_start3A_85] : memref<1000000x64xf32, #tpu.memory_space<hbm>> -> memref<1000000x64xf32, #tpu.memory_space<hbm>>
      tpu.enqueue_indirect_dma source(%dma_start3A_86 : memref<1000000x64xf32, #tpu.memory_space<hbm>>) target(%dma_start3A_81 : memref<128x64xf32, #tpu.memory_space<vmem>>) offsets(%dma_start3A_83 : memref<128xi32, #tpu.memory_space<vmem>>) semaphore(%arg15 : memref<!tpu.dma_semaphore, #tpu.memory_space<semaphore_mem>>)
      %dma_start3A_87 = arith.constant 0 : i32
      %dma_start3A_88 = arith.constant 0 : i32
      %dma_start3A_89 = tpu.memref_slice %arg5[%dma_start3A_87, %dma_start3A_88] : memref<1000000x64xf32, #tpu.memory_space<hbm>> -> memref<1000000x64xf32, #tpu.memory_space<hbm>>
      tpu.enqueue_indirect_dma source(%dma_start3A_89 : memref<1000000x64xf32, #tpu.memory_space<hbm>>) target(%arg11 : memref<32x64xf32, #tpu.memory_space<vmem>>) offsets(%arg8 : memref<32xi32, #tpu.memory_space<vmem>>) semaphore(%arg15 : memref<!tpu.dma_semaphore, #tpu.memory_space<semaphore_mem>>)
      %dma_wait3A = arith.constant 0 : i32
      %dma_wait3A_90 = arith.constant 0 : i32
      %dma_wait3A_91 = tpu.memref_slice %arg12[%dma_wait3A, %dma_wait3A_90] : memref<640x64xf32, #tpu.memory_space<vmem>> -> memref<128x64xf32, #tpu.memory_space<vmem>>
      %dma_wait3A_92 = arith.constant 0 : i32
      %dma_wait3A_93 = tpu.memref_slice %arg9[%dma_wait3A_92] : memref<640xi32, #tpu.memory_space<vmem>> -> memref<128xi32, #tpu.memory_space<vmem>>
      %dma_wait3A_94 = arith.constant 0 : i32
      %dma_wait3A_95 = arith.constant 0 : i32
      %dma_wait3A_96 = tpu.memref_slice %arg6[%dma_wait3A_94, %dma_wait3A_95] : memref<1000000x64xf32, #tpu.memory_space<hbm>> -> memref<1000000x64xf32, #tpu.memory_space<hbm>>
      tpu.wait_indirect_dma semaphore(%arg15 : memref<!tpu.dma_semaphore, #tpu.memory_space<semaphore_mem>>) src(%dma_wait3A_96 : memref<1000000x64xf32, #tpu.memory_space<hbm>>) dst(%dma_wait3A_91 : memref<128x64xf32, #tpu.memory_space<vmem>>)
      %dma_wait3A_97 = arith.constant 128 : i32
      %dma_wait3A_98 = arith.constant 0 : i32
      %dma_wait3A_99 = tpu.memref_slice %arg12[%dma_wait3A_97, %dma_wait3A_98] : memref<640x64xf32, #tpu.memory_space<vmem>> -> memref<128x64xf32, #tpu.memory_space<vmem>>
      %dma_wait3A_100 = arith.constant 128 : i32
      %dma_wait3A_101 = tpu.memref_slice %arg9[%dma_wait3A_100] : memref<640xi32, #tpu.memory_space<vmem>> -> memref<128xi32, #tpu.memory_space<vmem>>
      %dma_wait3A_102 = arith.constant 0 : i32
      %dma_wait3A_103 = arith.constant 0 : i32
      %dma_wait3A_104 = tpu.memref_slice %arg6[%dma_wait3A_102, %dma_wait3A_103] : memref<1000000x64xf32, #tpu.memory_space<hbm>> -> memref<1000000x64xf32, #tpu.memory_space<hbm>>
      tpu.wait_indirect_dma semaphore(%arg15 : memref<!tpu.dma_semaphore, #tpu.memory_space<semaphore_mem>>) src(%dma_wait3A_104 : memref<1000000x64xf32, #tpu.memory_space<hbm>>) dst(%dma_wait3A_99 : memref<128x64xf32, #tpu.memory_space<vmem>>)
      %dma_wait3A_105 = arith.constant 256 : i32
      %dma_wait3A_106 = arith.constant 0 : i32
      %dma_wait3A_107 = tpu.memref_slice %arg12[%dma_wait3A_105, %dma_wait3A_106] : memref<640x64xf32, #tpu.memory_space<vmem>> -> memref<128x64xf32, #tpu.memory_space<vmem>>
      %dma_wait3A_108 = arith.constant 256 : i32
      %dma_wait3A_109 = tpu.memref_slice %arg9[%dma_wait3A_108] : memref<640xi32, #tpu.memory_space<vmem>> -> memref<128xi32, #tpu.memory_space<vmem>>
      %dma_wait3A_110 = arith.constant 0 : i32
      %dma_wait3A_111 = arith.constant 0 : i32
      %dma_wait3A_112 = tpu.memref_slice %arg6[%dma_wait3A_110, %dma_wait3A_111] : memref<1000000x64xf32, #tpu.memory_space<hbm>> -> memref<1000000x64xf32, #tpu.memory_space<hbm>>
      tpu.wait_indirect_dma semaphore(%arg15 : memref<!tpu.dma_semaphore, #tpu.memory_space<semaphore_mem>>) src(%dma_wait3A_112 : memref<1000000x64xf32, #tpu.memory_space<hbm>>) dst(%dma_wait3A_107 : memref<128x64xf32, #tpu.memory_space<vmem>>)
      %dma_wait3A_113 = arith.constant 384 : i32
      %dma_wait3A_114 = arith.constant 0 : i32
      %dma_wait3A_115 = tpu.memref_slice %arg12[%dma_wait3A_113, %dma_wait3A_114] : memref<640x64xf32, #tpu.memory_space<vmem>> -> memref<128x64xf32, #tpu.memory_space<vmem>>
      %dma_wait3A_116 = arith.constant 384 : i32
      %dma_wait3A_117 = tpu.memref_slice %arg9[%dma_wait3A_116] : memref<640xi32, #tpu.memory_space<vmem>> -> memref<128xi32, #tpu.memory_space<vmem>>
      %dma_wait3A_118 = arith.constant 0 : i32
      %dma_wait3A_119 = arith.constant 0 : i32
      %dma_wait3A_120 = tpu.memref_slice %arg6[%dma_wait3A_118, %dma_wait3A_119] : memref<1000000x64xf32, #tpu.memory_space<hbm>> -> memref<1000000x64xf32, #tpu.memory_space<hbm>>
      tpu.wait_indirect_dma semaphore(%arg15 : memref<!tpu.dma_semaphore, #tpu.memory_space<semaphore_mem>>) src(%dma_wait3A_120 : memref<1000000x64xf32, #tpu.memory_space<hbm>>) dst(%dma_wait3A_115 : memref<128x64xf32, #tpu.memory_space<vmem>>)
      %dma_wait3A_121 = arith.constant 512 : i32
      %dma_wait3A_122 = arith.constant 0 : i32
      %dma_wait3A_123 = tpu.memref_slice %arg12[%dma_wait3A_121, %dma_wait3A_122] : memref<640x64xf32, #tpu.memory_space<vmem>> -> memref<128x64xf32, #tpu.memory_space<vmem>>
      %dma_wait3A_124 = arith.constant 512 : i32
      %dma_wait3A_125 = tpu.memref_slice %arg9[%dma_wait3A_124] : memref<640xi32, #tpu.memory_space<vmem>> -> memref<128xi32, #tpu.memory_space<vmem>>
      %dma_wait3A_126 = arith.constant 0 : i32
      %dma_wait3A_127 = arith.constant 0 : i32
      %dma_wait3A_128 = tpu.memref_slice %arg6[%dma_wait3A_126, %dma_wait3A_127] : memref<1000000x64xf32, #tpu.memory_space<hbm>> -> memref<1000000x64xf32, #tpu.memory_space<hbm>>
      tpu.wait_indirect_dma semaphore(%arg15 : memref<!tpu.dma_semaphore, #tpu.memory_space<semaphore_mem>>) src(%dma_wait3A_128 : memref<1000000x64xf32, #tpu.memory_space<hbm>>) dst(%dma_wait3A_123 : memref<128x64xf32, #tpu.memory_space<vmem>>)
      %dma_wait3A_129 = arith.constant 0 : i32
      %dma_wait3A_130 = arith.constant 0 : i32
      %dma_wait3A_131 = tpu.memref_slice %arg13[%dma_wait3A_129, %dma_wait3A_130] : memref<512x64xf32, #tpu.memory_space<vmem>> -> memref<128x64xf32, #tpu.memory_space<vmem>>
      %dma_wait3A_132 = arith.constant 0 : i32
      %dma_wait3A_133 = tpu.memref_slice %arg10[%dma_wait3A_132] : memref<512xi32, #tpu.memory_space<vmem>> -> memref<128xi32, #tpu.memory_space<vmem>>
      %dma_wait3A_134 = arith.constant 0 : i32
      %dma_wait3A_135 = arith.constant 0 : i32
      %dma_wait3A_136 = tpu.memref_slice %arg5[%dma_wait3A_134, %dma_wait3A_135] : memref<1000000x64xf32, #tpu.memory_space<hbm>> -> memref<1000000x64xf32, #tpu.memory_space<hbm>>
      tpu.wait_indirect_dma semaphore(%arg15 : memref<!tpu.dma_semaphore, #tpu.memory_space<semaphore_mem>>) src(%dma_wait3A_136 : memref<1000000x64xf32, #tpu.memory_space<hbm>>) dst(%dma_wait3A_131 : memref<128x64xf32, #tpu.memory_space<vmem>>)
      %dma_wait3A_137 = arith.constant 128 : i32
      %dma_wait3A_138 = arith.constant 0 : i32
      %dma_wait3A_139 = tpu.memref_slice %arg13[%dma_wait3A_137, %dma_wait3A_138] : memref<512x64xf32, #tpu.memory_space<vmem>> -> memref<128x64xf32, #tpu.memory_space<vmem>>
      %dma_wait3A_140 = arith.constant 128 : i32
      %dma_wait3A_141 = tpu.memref_slice %arg10[%dma_wait3A_140] : memref<512xi32, #tpu.memory_space<vmem>> -> memref<128xi32, #tpu.memory_space<vmem>>
      %dma_wait3A_142 = arith.constant 0 : i32
      %dma_wait3A_143 = arith.constant 0 : i32
      %dma_wait3A_144 = tpu.memref_slice %arg5[%dma_wait3A_142, %dma_wait3A_143] : memref<1000000x64xf32, #tpu.memory_space<hbm>> -> memref<1000000x64xf32, #tpu.memory_space<hbm>>
      tpu.wait_indirect_dma semaphore(%arg15 : memref<!tpu.dma_semaphore, #tpu.memory_space<semaphore_mem>>) src(%dma_wait3A_144 : memref<1000000x64xf32, #tpu.memory_space<hbm>>) dst(%dma_wait3A_139 : memref<128x64xf32, #tpu.memory_space<vmem>>)
      %dma_wait3A_145 = arith.constant 256 : i32
      %dma_wait3A_146 = arith.constant 0 : i32
      %dma_wait3A_147 = tpu.memref_slice %arg13[%dma_wait3A_145, %dma_wait3A_146] : memref<512x64xf32, #tpu.memory_space<vmem>> -> memref<128x64xf32, #tpu.memory_space<vmem>>
      %dma_wait3A_148 = arith.constant 256 : i32
      %dma_wait3A_149 = tpu.memref_slice %arg10[%dma_wait3A_148] : memref<512xi32, #tpu.memory_space<vmem>> -> memref<128xi32, #tpu.memory_space<vmem>>
      %dma_wait3A_150 = arith.constant 0 : i32
      %dma_wait3A_151 = arith.constant 0 : i32
      %dma_wait3A_152 = tpu.memref_slice %arg5[%dma_wait3A_150, %dma_wait3A_151] : memref<1000000x64xf32, #tpu.memory_space<hbm>> -> memref<1000000x64xf32, #tpu.memory_space<hbm>>
      tpu.wait_indirect_dma semaphore(%arg15 : memref<!tpu.dma_semaphore, #tpu.memory_space<semaphore_mem>>) src(%dma_wait3A_152 : memref<1000000x64xf32, #tpu.memory_space<hbm>>) dst(%dma_wait3A_147 : memref<128x64xf32, #tpu.memory_space<vmem>>)
      %dma_wait3A_153 = arith.constant 384 : i32
      %dma_wait3A_154 = arith.constant 0 : i32
      %dma_wait3A_155 = tpu.memref_slice %arg13[%dma_wait3A_153, %dma_wait3A_154] : memref<512x64xf32, #tpu.memory_space<vmem>> -> memref<128x64xf32, #tpu.memory_space<vmem>>
      %dma_wait3A_156 = arith.constant 384 : i32
      %dma_wait3A_157 = tpu.memref_slice %arg10[%dma_wait3A_156] : memref<512xi32, #tpu.memory_space<vmem>> -> memref<128xi32, #tpu.memory_space<vmem>>
      %dma_wait3A_158 = arith.constant 0 : i32
      %dma_wait3A_159 = arith.constant 0 : i32
      %dma_wait3A_160 = tpu.memref_slice %arg5[%dma_wait3A_158, %dma_wait3A_159] : memref<1000000x64xf32, #tpu.memory_space<hbm>> -> memref<1000000x64xf32, #tpu.memory_space<hbm>>
      tpu.wait_indirect_dma semaphore(%arg15 : memref<!tpu.dma_semaphore, #tpu.memory_space<semaphore_mem>>) src(%dma_wait3A_160 : memref<1000000x64xf32, #tpu.memory_space<hbm>>) dst(%dma_wait3A_155 : memref<128x64xf32, #tpu.memory_space<vmem>>)
      %dma_wait3A_161 = arith.constant 0 : i32
      %dma_wait3A_162 = arith.constant 0 : i32
      %dma_wait3A_163 = tpu.memref_slice %arg5[%dma_wait3A_161, %dma_wait3A_162] : memref<1000000x64xf32, #tpu.memory_space<hbm>> -> memref<1000000x64xf32, #tpu.memory_space<hbm>>
      tpu.wait_indirect_dma semaphore(%arg15 : memref<!tpu.dma_semaphore, #tpu.memory_space<semaphore_mem>>) src(%dma_wait3A_163 : memref<1000000x64xf32, #tpu.memory_space<hbm>>) dst(%arg11 : memref<32x64xf32, #tpu.memory_space<vmem>>)
      %broadcast_in_dim3A = arith.constant 0.000000e+00 : f32
      %broadcast_in_dim3A_164 = vector.broadcast %broadcast_in_dim3A : f32 to vector<16xf32>
      %scan3A_165 = arith.constant 0 : i32
      %scan3A_166 = arith.constant 16 : i32
      %scan3A_167 = arith.addi %scan3A_165, %scan3A_166 : i32
      %scan3A_168 = arith.constant 1 : i32
      %scan3A_169:17 = scf.for %scan3A_322 = %scan3A_165 to %scan3A_167 step %scan3A_168 iter_args(%scan3A_323 = %broadcast_in_dim3A_164, %scan3A_324 = %broadcast_in_dim3A_164, %scan3A_325 = %broadcast_in_dim3A_164, %scan3A_326 = %broadcast_in_dim3A_164, %scan3A_327 = %broadcast_in_dim3A_164, %scan3A_328 = %broadcast_in_dim3A_164, %scan3A_329 = %broadcast_in_dim3A_164, %scan3A_330 = %broadcast_in_dim3A_164, %scan3A_331 = %broadcast_in_dim3A_164, %scan3A_332 = %broadcast_in_dim3A_164, %scan3A_333 = %broadcast_in_dim3A_164, %scan3A_334 = %broadcast_in_dim3A_164, %scan3A_335 = %broadcast_in_dim3A_164, %scan3A_336 = %broadcast_in_dim3A_164, %scan3A_337 = %broadcast_in_dim3A_164, %scan3A_338 = %broadcast_in_dim3A_164, %scan3A_339 = %broadcast_in_dim3A_164) -> (vector<16xf32>, vector<16xf32>, vector<16xf32>, vector<16xf32>, vector<16xf32>, vector<16xf32>, vector<16xf32>, vector<16xf32>, vector<16xf32>, vector<16xf32>, vector<16xf32>, vector<16xf32>, vector<16xf32>, vector<16xf32>, vector<16xf32>, vector<16xf32>, vector<16xf32>)  : i32 {
        %add3A_340 = arith.constant 0 : i32
        %add3A_341 = arith.addi %add3A_340, %scan3A_322 : i32
        %eq3A = vector.broadcast %scan3A_322 : i32 to vector<16xi32>
        %eq3A_342 = arith.cmpi eq, %iota3A, %eq3A : vector<16xi32>
        %broadcast_in_dim3A_343 = arith.constant 0.000000e+00 : f32
        %broadcast_in_dim3A_344 = vector.broadcast %broadcast_in_dim3A_343 : f32 to vector<16xf32>
        %broadcast_in_dim3A_345 = arith.constant 0.000000e+00 : f32
        %broadcast_in_dim3A_346 = vector.broadcast %broadcast_in_dim3A_345 : f32 to vector<16xf32>
        %broadcast_in_dim3A_347 = arith.constant 0.000000e+00 : f32
        %broadcast_in_dim3A_348 = vector.broadcast %broadcast_in_dim3A_347 : f32 to vector<16xf32>
        %broadcast_in_dim3A_349 = arith.constant 0.000000e+00 : f32
        %broadcast_in_dim3A_350 = vector.broadcast %broadcast_in_dim3A_349 : f32 to vector<16xf32>
        %mul3A_351 = arith.constant 20 : i32
        %mul3A_352 = arith.muli %add3A_341, %mul3A_351 : i32
        %add3A_353 = arith.constant 0 : i32
        %add3A_354 = arith.addi %mul3A_352, %add3A_353 : i32
        %get3A = arith.index_cast %add3A_354 : i32 to index
        %get3A_355 = arith.constant 0 : index
        %get3A_356 = tpu.vector_load %arg12[%get3A, %get3A_355] {strides = array<i32>} : memref<640x64xf32, #tpu.memory_space<vmem>>, vector<16xf32>,
        %add3A_357 = arith.addf %broadcast_in_dim3A_344, %get3A_356 : vector<16xf32>
        %get3A_358 = arith.index_cast %add3A_354 : i32 to index
        %get3A_359 = arith.constant 16 : index
        %get3A_360 = tpu.vector_load %arg12[%get3A_358, %get3A_359] {strides = array<i32>} : memref<640x64xf32, #tpu.memory_space<vmem>>, vector<16xf32>,
        %add3A_361 = arith.addf %broadcast_in_dim3A_346, %get3A_360 : vector<16xf32>
        %get3A_362 = arith.index_cast %add3A_354 : i32 to index
        %get3A_363 = arith.constant 32 : index
        %get3A_364 = tpu.vector_load %arg12[%get3A_362, %get3A_363] {strides = array<i32>} : memref<640x64xf32, #tpu.memory_space<vmem>>, vector<16xf32>,
        %add3A_365 = arith.addf %broadcast_in_dim3A_348, %get3A_364 : vector<16xf32>
        %get3A_366 = arith.index_cast %add3A_354 : i32 to index
        %get3A_367 = arith.constant 48 : index
        %get3A_368 = tpu.vector_load %arg12[%get3A_366, %get3A_367] {strides = array<i32>} : memref<640x64xf32, #tpu.memory_space<vmem>>, vector<16xf32>,
        %add3A_369 = arith.addf %broadcast_in_dim3A_350, %get3A_368 : vector<16xf32>
        %mul3A_370 = arith.constant 20 : i32
        %mul3A_371 = arith.muli %add3A_341, %mul3A_370 : i32
        %add3A_372 = arith.constant 1 : i32
        %add3A_373 = arith.addi %mul3A_371, %add3A_372 : i32
        %get3A_374 = arith.index_cast %add3A_373 : i32 to index
        %get3A_375 = arith.constant 0 : index
        %get3A_376 = tpu.vector_load %arg12[%get3A_374, %get3A_375] {strides = array<i32>} : memref<640x64xf32, #tpu.memory_space<vmem>>, vector<16xf32>,
        %add3A_377 = arith.addf %add3A_357, %get3A_376 : vector<16xf32>
        %get3A_378 = arith.index_cast %add3A_373 : i32 to index
        %get3A_379 = arith.constant 16 : index
        %get3A_380 = tpu.vector_load %arg12[%get3A_378, %get3A_379] {strides = array<i32>} : memref<640x64xf32, #tpu.memory_space<vmem>>, vector<16xf32>,
        %add3A_381 = arith.addf %add3A_361, %get3A_380 : vector<16xf32>
        %get3A_382 = arith.index_cast %add3A_373 : i32 to index
        %get3A_383 = arith.constant 32 : index
        %get3A_384 = tpu.vector_load %arg12[%get3A_382, %get3A_383] {strides = array<i32>} : memref<640x64xf32, #tpu.memory_space<vmem>>, vector<16xf32>,
        %add3A_385 = arith.addf %add3A_365, %get3A_384 : vector<16xf32>
        %get3A_386 = arith.index_cast %add3A_373 : i32 to index
        %get3A_387 = arith.constant 48 : index
        %get3A_388 = tpu.vector_load %arg12[%get3A_386, %get3A_387] {strides = array<i32>} : memref<640x64xf32, #tpu.memory_space<vmem>>, vector<16xf32>,
        %add3A_389 = arith.addf %add3A_369, %get3A_388 : vector<16xf32>
        %mul3A_390 = arith.constant 20 : i32
        %mul3A_391 = arith.muli %add3A_341, %mul3A_390 : i32
        %add3A_392 = arith.constant 2 : i32
        %add3A_393 = arith.addi %mul3A_391, %add3A_392 : i32
        %get3A_394 = arith.index_cast %add3A_393 : i32 to index
        %get3A_395 = arith.constant 0 : index
        %get3A_396 = tpu.vector_load %arg12[%get3A_394, %get3A_395] {strides = array<i32>} : memref<640x64xf32, #tpu.memory_space<vmem>>, vector<16xf32>,
        %add3A_397 = arith.addf %add3A_377, %get3A_396 : vector<16xf32>
        %get3A_398 = arith.index_cast %add3A_393 : i32 to index
        %get3A_399 = arith.constant 16 : index
        %get3A_400 = tpu.vector_load %arg12[%get3A_398, %get3A_399] {strides = array<i32>} : memref<640x64xf32, #tpu.memory_space<vmem>>, vector<16xf32>,
        %add3A_401 = arith.addf %add3A_381, %get3A_400 : vector<16xf32>
        %get3A_402 = arith.index_cast %add3A_393 : i32 to index
        %get3A_403 = arith.constant 32 : index
        %get3A_404 = tpu.vector_load %arg12[%get3A_402, %get3A_403] {strides = array<i32>} : memref<640x64xf32, #tpu.memory_space<vmem>>, vector<16xf32>,
        %add3A_405 = arith.addf %add3A_385, %get3A_404 : vector<16xf32>
        %get3A_406 = arith.index_cast %add3A_393 : i32 to index
        %get3A_407 = arith.constant 48 : index
        %get3A_408 = tpu.vector_load %arg12[%get3A_406, %get3A_407] {strides = array<i32>} : memref<640x64xf32, #tpu.memory_space<vmem>>, vector<16xf32>,
        %add3A_409 = arith.addf %add3A_389, %get3A_408 : vector<16xf32>
        %mul3A_410 = arith.constant 20 : i32
        %mul3A_411 = arith.muli %add3A_341, %mul3A_410 : i32
        %add3A_412 = arith.constant 3 : i32
        %add3A_413 = arith.addi %mul3A_411, %add3A_412 : i32
        %get3A_414 = arith.index_cast %add3A_413 : i32 to index
        %get3A_415 = arith.constant 0 : index
        %get3A_416 = tpu.vector_load %arg12[%get3A_414, %get3A_415] {strides = array<i32>} : memref<640x64xf32, #tpu.memory_space<vmem>>, vector<16xf32>,
        %add3A_417 = arith.addf %add3A_397, %get3A_416 : vector<16xf32>
        %get3A_418 = arith.index_cast %add3A_413 : i32 to index
        %get3A_419 = arith.constant 16 : index
        %get3A_420 = tpu.vector_load %arg12[%get3A_418, %get3A_419] {strides = array<i32>} : memref<640x64xf32, #tpu.memory_space<vmem>>, vector<16xf32>,
        %add3A_421 = arith.addf %add3A_401, %get3A_420 : vector<16xf32>
        %get3A_422 = arith.index_cast %add3A_413 : i32 to index
        %get3A_423 = arith.constant 32 : index
        %get3A_424 = tpu.vector_load %arg12[%get3A_422, %get3A_423] {strides = array<i32>} : memref<640x64xf32, #tpu.memory_space<vmem>>, vector<16xf32>,
        %add3A_425 = arith.addf %add3A_405, %get3A_424 : vector<16xf32>
        %get3A_426 = arith.index_cast %add3A_413 : i32 to index
        %get3A_427 = arith.constant 48 : index
        %get3A_428 = tpu.vector_load %arg12[%get3A_426, %get3A_427] {strides = array<i32>} : memref<640x64xf32, #tpu.memory_space<vmem>>, vector<16xf32>,
        %add3A_429 = arith.addf %add3A_409, %get3A_428 : vector<16xf32>
        %mul3A_430 = arith.constant 20 : i32
        %mul3A_431 = arith.muli %add3A_341, %mul3A_430 : i32
        %add3A_432 = arith.constant 4 : i32
        %add3A_433 = arith.addi %mul3A_431, %add3A_432 : i32
        %get3A_434 = arith.index_cast %add3A_433 : i32 to index
        %get3A_435 = arith.constant 0 : index
        %get3A_436 = tpu.vector_load %arg12[%get3A_434, %get3A_435] {strides = array<i32>} : memref<640x64xf32, #tpu.memory_space<vmem>>, vector<16xf32>,
        %add3A_437 = arith.addf %add3A_417, %get3A_436 : vector<16xf32>
        %get3A_438 = arith.index_cast %add3A_433 : i32 to index
        %get3A_439 = arith.constant 16 : index
        %get3A_440 = tpu.vector_load %arg12[%get3A_438, %get3A_439] {strides = array<i32>} : memref<640x64xf32, #tpu.memory_space<vmem>>, vector<16xf32>,
        %add3A_441 = arith.addf %add3A_421, %get3A_440 : vector<16xf32>
        %get3A_442 = arith.index_cast %add3A_433 : i32 to index
        %get3A_443 = arith.constant 32 : index
        %get3A_444 = tpu.vector_load %arg12[%get3A_442, %get3A_443] {strides = array<i32>} : memref<640x64xf32, #tpu.memory_space<vmem>>, vector<16xf32>,
        %add3A_445 = arith.addf %add3A_425, %get3A_444 : vector<16xf32>
        %get3A_446 = arith.index_cast %add3A_433 : i32 to index
        %get3A_447 = arith.constant 48 : index
        %get3A_448 = tpu.vector_load %arg12[%get3A_446, %get3A_447] {strides = array<i32>} : memref<640x64xf32, #tpu.memory_space<vmem>>, vector<16xf32>,
        %add3A_449 = arith.addf %add3A_429, %get3A_448 : vector<16xf32>
        %mul3A_450 = arith.constant 20 : i32
        %mul3A_451 = arith.muli %add3A_341, %mul3A_450 : i32
        %add3A_452 = arith.constant 5 : i32
        %add3A_453 = arith.addi %mul3A_451, %add3A_452 : i32
        %get3A_454 = arith.index_cast %add3A_453 : i32 to index
        %get3A_455 = arith.constant 0 : index
        %get3A_456 = tpu.vector_load %arg12[%get3A_454, %get3A_455] {strides = array<i32>} : memref<640x64xf32, #tpu.memory_space<vmem>>, vector<16xf32>,
        %add3A_457 = arith.addf %add3A_437, %get3A_456 : vector<16xf32>
        %get3A_458 = arith.index_cast %add3A_453 : i32 to index
        %get3A_459 = arith.constant 16 : index
        %get3A_460 = tpu.vector_load %arg12[%get3A_458, %get3A_459] {strides = array<i32>} : memref<640x64xf32, #tpu.memory_space<vmem>>, vector<16xf32>,
        %add3A_461 = arith.addf %add3A_441, %get3A_460 : vector<16xf32>
        %get3A_462 = arith.index_cast %add3A_453 : i32 to index
        %get3A_463 = arith.constant 32 : index
        %get3A_464 = tpu.vector_load %arg12[%get3A_462, %get3A_463] {strides = array<i32>} : memref<640x64xf32, #tpu.memory_space<vmem>>, vector<16xf32>,
        %add3A_465 = arith.addf %add3A_445, %get3A_464 : vector<16xf32>
        %get3A_466 = arith.index_cast %add3A_453 : i32 to index
        %get3A_467 = arith.constant 48 : index
        %get3A_468 = tpu.vector_load %arg12[%get3A_466, %get3A_467] {strides = array<i32>} : memref<640x64xf32, #tpu.memory_space<vmem>>, vector<16xf32>,
        %add3A_469 = arith.addf %add3A_449, %get3A_468 : vector<16xf32>
        %mul3A_470 = arith.constant 20 : i32
        %mul3A_471 = arith.muli %add3A_341, %mul3A_470 : i32
        %add3A_472 = arith.constant 6 : i32
        %add3A_473 = arith.addi %mul3A_471, %add3A_472 : i32
        %get3A_474 = arith.index_cast %add3A_473 : i32 to index
        %get3A_475 = arith.constant 0 : index
        %get3A_476 = tpu.vector_load %arg12[%get3A_474, %get3A_475] {strides = array<i32>} : memref<640x64xf32, #tpu.memory_space<vmem>>, vector<16xf32>,
        %add3A_477 = arith.addf %add3A_457, %get3A_476 : vector<16xf32>
        %get3A_478 = arith.index_cast %add3A_473 : i32 to index
        %get3A_479 = arith.constant 16 : index
        %get3A_480 = tpu.vector_load %arg12[%get3A_478, %get3A_479] {strides = array<i32>} : memref<640x64xf32, #tpu.memory_space<vmem>>, vector<16xf32>,
        %add3A_481 = arith.addf %add3A_461, %get3A_480 : vector<16xf32>
        %get3A_482 = arith.index_cast %add3A_473 : i32 to index
        %get3A_483 = arith.constant 32 : index
        %get3A_484 = tpu.vector_load %arg12[%get3A_482, %get3A_483] {strides = array<i32>} : memref<640x64xf32, #tpu.memory_space<vmem>>, vector<16xf32>,
        %add3A_485 = arith.addf %add3A_465, %get3A_484 : vector<16xf32>
        %get3A_486 = arith.index_cast %add3A_473 : i32 to index
        %get3A_487 = arith.constant 48 : index
        %get3A_488 = tpu.vector_load %arg12[%get3A_486, %get3A_487] {strides = array<i32>} : memref<640x64xf32, #tpu.memory_space<vmem>>, vector<16xf32>,
        %add3A_489 = arith.addf %add3A_469, %get3A_488 : vector<16xf32>
        %mul3A_490 = arith.constant 20 : i32
        %mul3A_491 = arith.muli %add3A_341, %mul3A_490 : i32
        %add3A_492 = arith.constant 7 : i32
        %add3A_493 = arith.addi %mul3A_491, %add3A_492 : i32
        %get3A_494 = arith.index_cast %add3A_493 : i32 to index
        %get3A_495 = arith.constant 0 : index
        %get3A_496 = tpu.vector_load %arg12[%get3A_494, %get3A_495] {strides = array<i32>} : memref<640x64xf32, #tpu.memory_space<vmem>>, vector<16xf32>,
        %add3A_497 = arith.addf %add3A_477, %get3A_496 : vector<16xf32>
        %get3A_498 = arith.index_cast %add3A_493 : i32 to index
        %get3A_499 = arith.constant 16 : index
        %get3A_500 = tpu.vector_load %arg12[%get3A_498, %get3A_499] {strides = array<i32>} : memref<640x64xf32, #tpu.memory_space<vmem>>, vector<16xf32>,
        %add3A_501 = arith.addf %add3A_481, %get3A_500 : vector<16xf32>
        %get3A_502 = arith.index_cast %add3A_493 : i32 to index
        %get3A_503 = arith.constant 32 : index
        %get3A_504 = tpu.vector_load %arg12[%get3A_502, %get3A_503] {strides = array<i32>} : memref<640x64xf32, #tpu.memory_space<vmem>>, vector<16xf32>,
        %add3A_505 = arith.addf %add3A_485, %get3A_504 : vector<16xf32>
        %get3A_506 = arith.index_cast %add3A_493 : i32 to index
        %get3A_507 = arith.constant 48 : index
        %get3A_508 = tpu.vector_load %arg12[%get3A_506, %get3A_507] {strides = array<i32>} : memref<640x64xf32, #tpu.memory_space<vmem>>, vector<16xf32>,
        %add3A_509 = arith.addf %add3A_489, %get3A_508 : vector<16xf32>
        %mul3A_510 = arith.constant 20 : i32
        %mul3A_511 = arith.muli %add3A_341, %mul3A_510 : i32
        %add3A_512 = arith.constant 8 : i32
        %add3A_513 = arith.addi %mul3A_511, %add3A_512 : i32
        %get3A_514 = arith.index_cast %add3A_513 : i32 to index
        %get3A_515 = arith.constant 0 : index
        %get3A_516 = tpu.vector_load %arg12[%get3A_514, %get3A_515] {strides = array<i32>} : memref<640x64xf32, #tpu.memory_space<vmem>>, vector<16xf32>,
        %add3A_517 = arith.addf %add3A_497, %get3A_516 : vector<16xf32>
        %get3A_518 = arith.index_cast %add3A_513 : i32 to index
        %get3A_519 = arith.constant 16 : index
        %get3A_520 = tpu.vector_load %arg12[%get3A_518, %get3A_519] {strides = array<i32>} : memref<640x64xf32, #tpu.memory_space<vmem>>, vector<16xf32>,
        %add3A_521 = arith.addf %add3A_501, %get3A_520 : vector<16xf32>
        %get3A_522 = arith.index_cast %add3A_513 : i32 to index
        %get3A_523 = arith.constant 32 : index
        %get3A_524 = tpu.vector_load %arg12[%get3A_522, %get3A_523] {strides = array<i32>} : memref<640x64xf32, #tpu.memory_space<vmem>>, vector<16xf32>,
        %add3A_525 = arith.addf %add3A_505, %get3A_524 : vector<16xf32>
        %get3A_526 = arith.index_cast %add3A_513 : i32 to index
        %get3A_527 = arith.constant 48 : index
        %get3A_528 = tpu.vector_load %arg12[%get3A_526, %get3A_527] {strides = array<i32>} : memref<640x64xf32, #tpu.memory_space<vmem>>, vector<16xf32>,
        %add3A_529 = arith.addf %add3A_509, %get3A_528 : vector<16xf32>
        %mul3A_530 = arith.constant 20 : i32
        %mul3A_531 = arith.muli %add3A_341, %mul3A_530 : i32
        %add3A_532 = arith.constant 9 : i32
        %add3A_533 = arith.addi %mul3A_531, %add3A_532 : i32
        %get3A_534 = arith.index_cast %add3A_533 : i32 to index
        %get3A_535 = arith.constant 0 : index
        %get3A_536 = tpu.vector_load %arg12[%get3A_534, %get3A_535] {strides = array<i32>} : memref<640x64xf32, #tpu.memory_space<vmem>>, vector<16xf32>,
        %add3A_537 = arith.addf %add3A_517, %get3A_536 : vector<16xf32>
        %get3A_538 = arith.index_cast %add3A_533 : i32 to index
        %get3A_539 = arith.constant 16 : index
        %get3A_540 = tpu.vector_load %arg12[%get3A_538, %get3A_539] {strides = array<i32>} : memref<640x64xf32, #tpu.memory_space<vmem>>, vector<16xf32>,
        %add3A_541 = arith.addf %add3A_521, %get3A_540 : vector<16xf32>
        %get3A_542 = arith.index_cast %add3A_533 : i32 to index
        %get3A_543 = arith.constant 32 : index
        %get3A_544 = tpu.vector_load %arg12[%get3A_542, %get3A_543] {strides = array<i32>} : memref<640x64xf32, #tpu.memory_space<vmem>>, vector<16xf32>,
        %add3A_545 = arith.addf %add3A_525, %get3A_544 : vector<16xf32>
        %get3A_546 = arith.index_cast %add3A_533 : i32 to index
        %get3A_547 = arith.constant 48 : index
        %get3A_548 = tpu.vector_load %arg12[%get3A_546, %get3A_547] {strides = array<i32>} : memref<640x64xf32, #tpu.memory_space<vmem>>, vector<16xf32>,
        %add3A_549 = arith.addf %add3A_529, %get3A_548 : vector<16xf32>
        %mul3A_550 = arith.constant 20 : i32
        %mul3A_551 = arith.muli %add3A_341, %mul3A_550 : i32
        %add3A_552 = arith.constant 10 : i32
        %add3A_553 = arith.addi %mul3A_551, %add3A_552 : i32
        %get3A_554 = arith.index_cast %add3A_553 : i32 to index
        %get3A_555 = arith.constant 0 : index
        %get3A_556 = tpu.vector_load %arg12[%get3A_554, %get3A_555] {strides = array<i32>} : memref<640x64xf32, #tpu.memory_space<vmem>>, vector<16xf32>,
        %add3A_557 = arith.addf %add3A_537, %get3A_556 : vector<16xf32>
        %get3A_558 = arith.index_cast %add3A_553 : i32 to index
        %get3A_559 = arith.constant 16 : index
        %get3A_560 = tpu.vector_load %arg12[%get3A_558, %get3A_559] {strides = array<i32>} : memref<640x64xf32, #tpu.memory_space<vmem>>, vector<16xf32>,
        %add3A_561 = arith.addf %add3A_541, %get3A_560 : vector<16xf32>
        %get3A_562 = arith.index_cast %add3A_553 : i32 to index
        %get3A_563 = arith.constant 32 : index
        %get3A_564 = tpu.vector_load %arg12[%get3A_562, %get3A_563] {strides = array<i32>} : memref<640x64xf32, #tpu.memory_space<vmem>>, vector<16xf32>,
        %add3A_565 = arith.addf %add3A_545, %get3A_564 : vector<16xf32>
        %get3A_566 = arith.index_cast %add3A_553 : i32 to index
        %get3A_567 = arith.constant 48 : index
        %get3A_568 = tpu.vector_load %arg12[%get3A_566, %get3A_567] {strides = array<i32>} : memref<640x64xf32, #tpu.memory_space<vmem>>, vector<16xf32>,
        %add3A_569 = arith.addf %add3A_549, %get3A_568 : vector<16xf32>
        %mul3A_570 = arith.constant 20 : i32
        %mul3A_571 = arith.muli %add3A_341, %mul3A_570 : i32
        %add3A_572 = arith.constant 11 : i32
        %add3A_573 = arith.addi %mul3A_571, %add3A_572 : i32
        %get3A_574 = arith.index_cast %add3A_573 : i32 to index
        %get3A_575 = arith.constant 0 : index
        %get3A_576 = tpu.vector_load %arg12[%get3A_574, %get3A_575] {strides = array<i32>} : memref<640x64xf32, #tpu.memory_space<vmem>>, vector<16xf32>,
        %add3A_577 = arith.addf %add3A_557, %get3A_576 : vector<16xf32>
        %get3A_578 = arith.index_cast %add3A_573 : i32 to index
        %get3A_579 = arith.constant 16 : index
        %get3A_580 = tpu.vector_load %arg12[%get3A_578, %get3A_579] {strides = array<i32>} : memref<640x64xf32, #tpu.memory_space<vmem>>, vector<16xf32>,
        %add3A_581 = arith.addf %add3A_561, %get3A_580 : vector<16xf32>
        %get3A_582 = arith.index_cast %add3A_573 : i32 to index
        %get3A_583 = arith.constant 32 : index
        %get3A_584 = tpu.vector_load %arg12[%get3A_582, %get3A_583] {strides = array<i32>} : memref<640x64xf32, #tpu.memory_space<vmem>>, vector<16xf32>,
        %add3A_585 = arith.addf %add3A_565, %get3A_584 : vector<16xf32>
        %get3A_586 = arith.index_cast %add3A_573 : i32 to index
        %get3A_587 = arith.constant 48 : index
        %get3A_588 = tpu.vector_load %arg12[%get3A_586, %get3A_587] {strides = array<i32>} : memref<640x64xf32, #tpu.memory_space<vmem>>, vector<16xf32>,
        %add3A_589 = arith.addf %add3A_569, %get3A_588 : vector<16xf32>
        %mul3A_590 = arith.constant 20 : i32
        %mul3A_591 = arith.muli %add3A_341, %mul3A_590 : i32
        %add3A_592 = arith.constant 12 : i32
        %add3A_593 = arith.addi %mul3A_591, %add3A_592 : i32
        %get3A_594 = arith.index_cast %add3A_593 : i32 to index
        %get3A_595 = arith.constant 0 : index
        %get3A_596 = tpu.vector_load %arg12[%get3A_594, %get3A_595] {strides = array<i32>} : memref<640x64xf32, #tpu.memory_space<vmem>>, vector<16xf32>,
        %add3A_597 = arith.addf %add3A_577, %get3A_596 : vector<16xf32>
        %get3A_598 = arith.index_cast %add3A_593 : i32 to index
        %get3A_599 = arith.constant 16 : index
        %get3A_600 = tpu.vector_load %arg12[%get3A_598, %get3A_599] {strides = array<i32>} : memref<640x64xf32, #tpu.memory_space<vmem>>, vector<16xf32>,
        %add3A_601 = arith.addf %add3A_581, %get3A_600 : vector<16xf32>
        %get3A_602 = arith.index_cast %add3A_593 : i32 to index
        %get3A_603 = arith.constant 32 : index
        %get3A_604 = tpu.vector_load %arg12[%get3A_602, %get3A_603] {strides = array<i32>} : memref<640x64xf32, #tpu.memory_space<vmem>>, vector<16xf32>,
        %add3A_605 = arith.addf %add3A_585, %get3A_604 : vector<16xf32>
        %get3A_606 = arith.index_cast %add3A_593 : i32 to index
        %get3A_607 = arith.constant 48 : index
        %get3A_608 = tpu.vector_load %arg12[%get3A_606, %get3A_607] {strides = array<i32>} : memref<640x64xf32, #tpu.memory_space<vmem>>, vector<16xf32>,
        %add3A_609 = arith.addf %add3A_589, %get3A_608 : vector<16xf32>
        %mul3A_610 = arith.constant 20 : i32
        %mul3A_611 = arith.muli %add3A_341, %mul3A_610 : i32
        %add3A_612 = arith.constant 13 : i32
        %add3A_613 = arith.addi %mul3A_611, %add3A_612 : i32
        %get3A_614 = arith.index_cast %add3A_613 : i32 to index
        %get3A_615 = arith.constant 0 : index
        %get3A_616 = tpu.vector_load %arg12[%get3A_614, %get3A_615] {strides = array<i32>} : memref<640x64xf32, #tpu.memory_space<vmem>>, vector<16xf32>,
        %add3A_617 = arith.addf %add3A_597, %get3A_616 : vector<16xf32>
        %get3A_618 = arith.index_cast %add3A_613 : i32 to index
        %get3A_619 = arith.constant 16 : index
        %get3A_620 = tpu.vector_load %arg12[%get3A_618, %get3A_619] {strides = array<i32>} : memref<640x64xf32, #tpu.memory_space<vmem>>, vector<16xf32>,
        %add3A_621 = arith.addf %add3A_601, %get3A_620 : vector<16xf32>
        %get3A_622 = arith.index_cast %add3A_613 : i32 to index
        %get3A_623 = arith.constant 32 : index
        %get3A_624 = tpu.vector_load %arg12[%get3A_622, %get3A_623] {strides = array<i32>} : memref<640x64xf32, #tpu.memory_space<vmem>>, vector<16xf32>,
        %add3A_625 = arith.addf %add3A_605, %get3A_624 : vector<16xf32>
        %get3A_626 = arith.index_cast %add3A_613 : i32 to index
        %get3A_627 = arith.constant 48 : index
        %get3A_628 = tpu.vector_load %arg12[%get3A_626, %get3A_627] {strides = array<i32>} : memref<640x64xf32, #tpu.memory_space<vmem>>, vector<16xf32>,
        %add3A_629 = arith.addf %add3A_609, %get3A_628 : vector<16xf32>
        %mul3A_630 = arith.constant 20 : i32
        %mul3A_631 = arith.muli %add3A_341, %mul3A_630 : i32
        %add3A_632 = arith.constant 14 : i32
        %add3A_633 = arith.addi %mul3A_631, %add3A_632 : i32
        %get3A_634 = arith.index_cast %add3A_633 : i32 to index
        %get3A_635 = arith.constant 0 : index
        %get3A_636 = tpu.vector_load %arg12[%get3A_634, %get3A_635] {strides = array<i32>} : memref<640x64xf32, #tpu.memory_space<vmem>>, vector<16xf32>,
        %add3A_637 = arith.addf %add3A_617, %get3A_636 : vector<16xf32>
        %get3A_638 = arith.index_cast %add3A_633 : i32 to index
        %get3A_639 = arith.constant 16 : index
        %get3A_640 = tpu.vector_load %arg12[%get3A_638, %get3A_639] {strides = array<i32>} : memref<640x64xf32, #tpu.memory_space<vmem>>, vector<16xf32>,
        %add3A_641 = arith.addf %add3A_621, %get3A_640 : vector<16xf32>
        %get3A_642 = arith.index_cast %add3A_633 : i32 to index
        %get3A_643 = arith.constant 32 : index
        %get3A_644 = tpu.vector_load %arg12[%get3A_642, %get3A_643] {strides = array<i32>} : memref<640x64xf32, #tpu.memory_space<vmem>>, vector<16xf32>,
        %add3A_645 = arith.addf %add3A_625, %get3A_644 : vector<16xf32>
        %get3A_646 = arith.index_cast %add3A_633 : i32 to index
        %get3A_647 = arith.constant 48 : index
        %get3A_648 = tpu.vector_load %arg12[%get3A_646, %get3A_647] {strides = array<i32>} : memref<640x64xf32, #tpu.memory_space<vmem>>, vector<16xf32>,
        %add3A_649 = arith.addf %add3A_629, %get3A_648 : vector<16xf32>
        %mul3A_650 = arith.constant 20 : i32
        %mul3A_651 = arith.muli %add3A_341, %mul3A_650 : i32
        %add3A_652 = arith.constant 15 : i32
        %add3A_653 = arith.addi %mul3A_651, %add3A_652 : i32
        %get3A_654 = arith.index_cast %add3A_653 : i32 to index
        %get3A_655 = arith.constant 0 : index
        %get3A_656 = tpu.vector_load %arg12[%get3A_654, %get3A_655] {strides = array<i32>} : memref<640x64xf32, #tpu.memory_space<vmem>>, vector<16xf32>,
        %add3A_657 = arith.addf %add3A_637, %get3A_656 : vector<16xf32>
        %get3A_658 = arith.index_cast %add3A_653 : i32 to index
        %get3A_659 = arith.constant 16 : index
        %get3A_660 = tpu.vector_load %arg12[%get3A_658, %get3A_659] {strides = array<i32>} : memref<640x64xf32, #tpu.memory_space<vmem>>, vector<16xf32>,
        %add3A_661 = arith.addf %add3A_641, %get3A_660 : vector<16xf32>
        %get3A_662 = arith.index_cast %add3A_653 : i32 to index
        %get3A_663 = arith.constant 32 : index
        %get3A_664 = tpu.vector_load %arg12[%get3A_662, %get3A_663] {strides = array<i32>} : memref<640x64xf32, #tpu.memory_space<vmem>>, vector<16xf32>,
        %add3A_665 = arith.addf %add3A_645, %get3A_664 : vector<16xf32>
        %get3A_666 = arith.index_cast %add3A_653 : i32 to index
        %get3A_667 = arith.constant 48 : index
        %get3A_668 = tpu.vector_load %arg12[%get3A_666, %get3A_667] {strides = array<i32>} : memref<640x64xf32, #tpu.memory_space<vmem>>, vector<16xf32>,
        %add3A_669 = arith.addf %add3A_649, %get3A_668 : vector<16xf32>
        %mul3A_670 = arith.constant 20 : i32
        %mul3A_671 = arith.muli %add3A_341, %mul3A_670 : i32
        %add3A_672 = arith.constant 16 : i32
        %add3A_673 = arith.addi %mul3A_671, %add3A_672 : i32
        %get3A_674 = arith.index_cast %add3A_673 : i32 to index
        %get3A_675 = arith.constant 0 : index
        %get3A_676 = tpu.vector_load %arg12[%get3A_674, %get3A_675] {strides = array<i32>} : memref<640x64xf32, #tpu.memory_space<vmem>>, vector<16xf32>,
        %add3A_677 = arith.addf %add3A_657, %get3A_676 : vector<16xf32>
        %get3A_678 = arith.index_cast %add3A_673 : i32 to index
        %get3A_679 = arith.constant 16 : index
        %get3A_680 = tpu.vector_load %arg12[%get3A_678, %get3A_679] {strides = array<i32>} : memref<640x64xf32, #tpu.memory_space<vmem>>, vector<16xf32>,
        %add3A_681 = arith.addf %add3A_661, %get3A_680 : vector<16xf32>
        %get3A_682 = arith.index_cast %add3A_673 : i32 to index
        %get3A_683 = arith.constant 32 : index
        %get3A_684 = tpu.vector_load %arg12[%get3A_682, %get3A_683] {strides = array<i32>} : memref<640x64xf32, #tpu.memory_space<vmem>>, vector<16xf32>,
        %add3A_685 = arith.addf %add3A_665, %get3A_684 : vector<16xf32>
        %get3A_686 = arith.index_cast %add3A_673 : i32 to index
        %get3A_687 = arith.constant 48 : index
        %get3A_688 = tpu.vector_load %arg12[%get3A_686, %get3A_687] {strides = array<i32>} : memref<640x64xf32, #tpu.memory_space<vmem>>, vector<16xf32>,
        %add3A_689 = arith.addf %add3A_669, %get3A_688 : vector<16xf32>
        %mul3A_690 = arith.constant 20 : i32
        %mul3A_691 = arith.muli %add3A_341, %mul3A_690 : i32
        %add3A_692 = arith.constant 17 : i32
        %add3A_693 = arith.addi %mul3A_691, %add3A_692 : i32
        %get3A_694 = arith.index_cast %add3A_693 : i32 to index
        %get3A_695 = arith.constant 0 : index
        %get3A_696 = tpu.vector_load %arg12[%get3A_694, %get3A_695] {strides = array<i32>} : memref<640x64xf32, #tpu.memory_space<vmem>>, vector<16xf32>,
        %add3A_697 = arith.addf %add3A_677, %get3A_696 : vector<16xf32>
        %get3A_698 = arith.index_cast %add3A_693 : i32 to index
        %get3A_699 = arith.constant 16 : index
        %get3A_700 = tpu.vector_load %arg12[%get3A_698, %get3A_699] {strides = array<i32>} : memref<640x64xf32, #tpu.memory_space<vmem>>, vector<16xf32>,
        %add3A_701 = arith.addf %add3A_681, %get3A_700 : vector<16xf32>
        %get3A_702 = arith.index_cast %add3A_693 : i32 to index
        %get3A_703 = arith.constant 32 : index
        %get3A_704 = tpu.vector_load %arg12[%get3A_702, %get3A_703] {strides = array<i32>} : memref<640x64xf32, #tpu.memory_space<vmem>>, vector<16xf32>,
        %add3A_705 = arith.addf %add3A_685, %get3A_704 : vector<16xf32>
        %get3A_706 = arith.index_cast %add3A_693 : i32 to index
        %get3A_707 = arith.constant 48 : index
        %get3A_708 = tpu.vector_load %arg12[%get3A_706, %get3A_707] {strides = array<i32>} : memref<640x64xf32, #tpu.memory_space<vmem>>, vector<16xf32>,
        %add3A_709 = arith.addf %add3A_689, %get3A_708 : vector<16xf32>
        %mul3A_710 = arith.constant 20 : i32
        %mul3A_711 = arith.muli %add3A_341, %mul3A_710 : i32
        %add3A_712 = arith.constant 18 : i32
        %add3A_713 = arith.addi %mul3A_711, %add3A_712 : i32
        %get3A_714 = arith.index_cast %add3A_713 : i32 to index
        %get3A_715 = arith.constant 0 : index
        %get3A_716 = tpu.vector_load %arg12[%get3A_714, %get3A_715] {strides = array<i32>} : memref<640x64xf32, #tpu.memory_space<vmem>>, vector<16xf32>,
        %add3A_717 = arith.addf %add3A_697, %get3A_716 : vector<16xf32>
        %get3A_718 = arith.index_cast %add3A_713 : i32 to index
        %get3A_719 = arith.constant 16 : index
        %get3A_720 = tpu.vector_load %arg12[%get3A_718, %get3A_719] {strides = array<i32>} : memref<640x64xf32, #tpu.memory_space<vmem>>, vector<16xf32>,
        %add3A_721 = arith.addf %add3A_701, %get3A_720 : vector<16xf32>
        %get3A_722 = arith.index_cast %add3A_713 : i32 to index
        %get3A_723 = arith.constant 32 : index
        %get3A_724 = tpu.vector_load %arg12[%get3A_722, %get3A_723] {strides = array<i32>} : memref<640x64xf32, #tpu.memory_space<vmem>>, vector<16xf32>,
        %add3A_725 = arith.addf %add3A_705, %get3A_724 : vector<16xf32>
        %get3A_726 = arith.index_cast %add3A_713 : i32 to index
        %get3A_727 = arith.constant 48 : index
        %get3A_728 = tpu.vector_load %arg12[%get3A_726, %get3A_727] {strides = array<i32>} : memref<640x64xf32, #tpu.memory_space<vmem>>, vector<16xf32>,
        %add3A_729 = arith.addf %add3A_709, %get3A_728 : vector<16xf32>
        %mul3A_730 = arith.constant 20 : i32
        %mul3A_731 = arith.muli %add3A_341, %mul3A_730 : i32
        %add3A_732 = arith.constant 19 : i32
        %add3A_733 = arith.addi %mul3A_731, %add3A_732 : i32
        %get3A_734 = arith.index_cast %add3A_733 : i32 to index
        %get3A_735 = arith.constant 0 : index
        %get3A_736 = tpu.vector_load %arg12[%get3A_734, %get3A_735] {strides = array<i32>} : memref<640x64xf32, #tpu.memory_space<vmem>>, vector<16xf32>,
        %add3A_737 = arith.addf %add3A_717, %get3A_736 : vector<16xf32>
        %get3A_738 = arith.index_cast %add3A_733 : i32 to index
        %get3A_739 = arith.constant 16 : index
        %get3A_740 = tpu.vector_load %arg12[%get3A_738, %get3A_739] {strides = array<i32>} : memref<640x64xf32, #tpu.memory_space<vmem>>, vector<16xf32>,
        %add3A_741 = arith.addf %add3A_721, %get3A_740 : vector<16xf32>
        %get3A_742 = arith.index_cast %add3A_733 : i32 to index
        %get3A_743 = arith.constant 32 : index
        %get3A_744 = tpu.vector_load %arg12[%get3A_742, %get3A_743] {strides = array<i32>} : memref<640x64xf32, #tpu.memory_space<vmem>>, vector<16xf32>,
        %add3A_745 = arith.addf %add3A_725, %get3A_744 : vector<16xf32>
        %get3A_746 = arith.index_cast %add3A_733 : i32 to index
        %get3A_747 = arith.constant 48 : index
        %get3A_748 = tpu.vector_load %arg12[%get3A_746, %get3A_747] {strides = array<i32>} : memref<640x64xf32, #tpu.memory_space<vmem>>, vector<16xf32>,
        %add3A_749 = arith.addf %add3A_729, %get3A_748 : vector<16xf32>
        %get3A_750 = arith.index_cast %add3A_341 : i32 to index
        %get3A_751 = arith.constant 0 : index
        %get3A_752 = tpu.vector_load %arg11[%get3A_750, %get3A_751] {strides = array<i32>} : memref<32x64xf32, #tpu.memory_space<vmem>>, vector<16xf32>,
        %mul3A_753 = arith.mulf %get3A_752, %add3A_737 : vector<16xf32>
        %get3A_754 = arith.index_cast %add3A_341 : i32 to index
        %get3A_755 = arith.constant 16 : index
        %get3A_756 = tpu.vector_load %arg11[%get3A_754, %get3A_755] {strides = array<i32>} : memref<32x64xf32, #tpu.memory_space<vmem>>, vector<16xf32>,
        %mul3A_757 = arith.mulf %get3A_756, %add3A_741 : vector<16xf32>
        %add3A_758 = arith.addf %mul3A_753, %mul3A_757 : vector<16xf32>
        %get3A_759 = arith.index_cast %add3A_341 : i32 to index
        %get3A_760 = arith.constant 32 : index
        %get3A_761 = tpu.vector_load %arg11[%get3A_759, %get3A_760] {strides = array<i32>} : memref<32x64xf32, #tpu.memory_space<vmem>>, vector<16xf32>,
        %mul3A_762 = arith.mulf %get3A_761, %add3A_745 : vector<16xf32>
        %add3A_763 = arith.addf %add3A_758, %mul3A_762 : vector<16xf32>
        %get3A_764 = arith.index_cast %add3A_341 : i32 to index
        %get3A_765 = arith.constant 48 : index
        %get3A_766 = tpu.vector_load %arg11[%get3A_764, %get3A_765] {strides = array<i32>} : memref<32x64xf32, #tpu.memory_space<vmem>>, vector<16xf32>,
        %mul3A_767 = arith.mulf %get3A_766, %add3A_749 : vector<16xf32>
        %add3A_768 = arith.addf %add3A_763, %mul3A_767 : vector<16xf32>
        %reduce_sum3A = arith.constant true
        %reduce_sum3A_769 = vector.broadcast %reduce_sum3A : i1 to vector<16xi1>
        %reduce_sum3A_770 = tpu.scan <sum>, %add3A_768 masked %reduce_sum3A_769 : vector<16xf32>, vector<16xi1> -> vector<16xf32>
        %reduce_sum3A_771 = vector.extract %reduce_sum3A_770[15] : f32 from vector<16xf32>
        %broadcast_in_dim3A_772 = vector.broadcast %reduce_sum3A_771 : f32 to vector<16xf32>
        %select_n3A = arith.select %eq3A_342, %broadcast_in_dim3A_772, %scan3A_323 : vector<16xi1>, vector<16xf32>
        %mul3A_773 = arith.constant 16 : i32
        %mul3A_774 = arith.muli %add3A_341, %mul3A_773 : i32
        %add3A_775 = arith.constant 0 : i32
        %add3A_776 = arith.addi %mul3A_774, %add3A_775 : i32
        %get3A_777 = arith.index_cast %add3A_776 : i32 to index
        %get3A_778 = arith.constant 0 : index
        %get3A_779 = tpu.vector_load %arg13[%get3A_777, %get3A_778] {strides = array<i32>} : memref<512x64xf32, #tpu.memory_space<vmem>>, vector<16xf32>,
        %mul3A_780 = arith.mulf %get3A_779, %add3A_737 : vector<16xf32>
        %get3A_781 = arith.index_cast %add3A_776 : i32 to index
        %get3A_782 = arith.constant 16 : index
        %get3A_783 = tpu.vector_load %arg13[%get3A_781, %get3A_782] {strides = array<i32>} : memref<512x64xf32, #tpu.memory_space<vmem>>, vector<16xf32>,
        %mul3A_784 = arith.mulf %get3A_783, %add3A_741 : vector<16xf32>
        %add3A_785 = arith.addf %mul3A_780, %mul3A_784 : vector<16xf32>
        %get3A_786 = arith.index_cast %add3A_776 : i32 to index
        %get3A_787 = arith.constant 32 : index
        %get3A_788 = tpu.vector_load %arg13[%get3A_786, %get3A_787] {strides = array<i32>} : memref<512x64xf32, #tpu.memory_space<vmem>>, vector<16xf32>,
        %mul3A_789 = arith.mulf %get3A_788, %add3A_745 : vector<16xf32>
        %add3A_790 = arith.addf %add3A_785, %mul3A_789 : vector<16xf32>
        %get3A_791 = arith.index_cast %add3A_776 : i32 to index
        %get3A_792 = arith.constant 48 : index
        %get3A_793 = tpu.vector_load %arg13[%get3A_791, %get3A_792] {strides = array<i32>} : memref<512x64xf32, #tpu.memory_space<vmem>>, vector<16xf32>,
        %mul3A_794 = arith.mulf %get3A_793, %add3A_749 : vector<16xf32>
        %add3A_795 = arith.addf %add3A_790, %mul3A_794 : vector<16xf32>
        %reduce_sum3A_796 = arith.constant true
        %reduce_sum3A_797 = vector.broadcast %reduce_sum3A_796 : i1 to vector<16xi1>
        %reduce_sum3A_798 = tpu.scan <sum>, %add3A_795 masked %reduce_sum3A_797 : vector<16xf32>, vector<16xi1> -> vector<16xf32>
        %reduce_sum3A_799 = vector.extract %reduce_sum3A_798[15] : f32 from vector<16xf32>
        %neg3A = arith.constant 0.000000e+00 : f32
        %neg3A_800 = arith.subf %neg3A, %reduce_sum3A_799 : f32
        %broadcast_in_dim3A_801 = vector.broadcast %neg3A_800 : f32 to vector<16xf32>
        %select_n3A_802 = arith.select %eq3A_342, %broadcast_in_dim3A_801, %scan3A_324 : vector<16xi1>, vector<16xf32>
        %mul3A_803 = arith.constant 16 : i32
        %mul3A_804 = arith.muli %add3A_341, %mul3A_803 : i32
        %add3A_805 = arith.constant 1 : i32
        %add3A_806 = arith.addi %mul3A_804, %add3A_805 : i32
        %get3A_807 = arith.index_cast %add3A_806 : i32 to index
        %get3A_808 = arith.constant 0 : index
        %get3A_809 = tpu.vector_load %arg13[%get3A_807, %get3A_808] {strides = array<i32>} : memref<512x64xf32, #tpu.memory_space<vmem>>, vector<16xf32>,
        %mul3A_810 = arith.mulf %get3A_809, %add3A_737 : vector<16xf32>
        %get3A_811 = arith.index_cast %add3A_806 : i32 to index
        %get3A_812 = arith.constant 16 : index
        %get3A_813 = tpu.vector_load %arg13[%get3A_811, %get3A_812] {strides = array<i32>} : memref<512x64xf32, #tpu.memory_space<vmem>>, vector<16xf32>,
        %mul3A_814 = arith.mulf %get3A_813, %add3A_741 : vector<16xf32>
        %add3A_815 = arith.addf %mul3A_810, %mul3A_814 : vector<16xf32>
        %get3A_816 = arith.index_cast %add3A_806 : i32 to index
        %get3A_817 = arith.constant 32 : index
        %get3A_818 = tpu.vector_load %arg13[%get3A_816, %get3A_817] {strides = array<i32>} : memref<512x64xf32, #tpu.memory_space<vmem>>, vector<16xf32>,
        %mul3A_819 = arith.mulf %get3A_818, %add3A_745 : vector<16xf32>
        %add3A_820 = arith.addf %add3A_815, %mul3A_819 : vector<16xf32>
        %get3A_821 = arith.index_cast %add3A_806 : i32 to index
        %get3A_822 = arith.constant 48 : index
        %get3A_823 = tpu.vector_load %arg13[%get3A_821, %get3A_822] {strides = array<i32>} : memref<512x64xf32, #tpu.memory_space<vmem>>, vector<16xf32>,
        %mul3A_824 = arith.mulf %get3A_823, %add3A_749 : vector<16xf32>
        %add3A_825 = arith.addf %add3A_820, %mul3A_824 : vector<16xf32>
        %reduce_sum3A_826 = arith.constant true
        %reduce_sum3A_827 = vector.broadcast %reduce_sum3A_826 : i1 to vector<16xi1>
        %reduce_sum3A_828 = tpu.scan <sum>, %add3A_825 masked %reduce_sum3A_827 : vector<16xf32>, vector<16xi1> -> vector<16xf32>
        %reduce_sum3A_829 = vector.extract %reduce_sum3A_828[15] : f32 from vector<16xf32>
        %neg3A_830 = arith.constant 0.000000e+00 : f32
        %neg3A_831 = arith.subf %neg3A_830, %reduce_sum3A_829 : f32
        %broadcast_in_dim3A_832 = vector.broadcast %neg3A_831 : f32 to vector<16xf32>
        %select_n3A_833 = arith.select %eq3A_342, %broadcast_in_dim3A_832, %scan3A_325 : vector<16xi1>, vector<16xf32>
        %mul3A_834 = arith.constant 16 : i32
        %mul3A_835 = arith.muli %add3A_341, %mul3A_834 : i32
        %add3A_836 = arith.constant 2 : i32
        %add3A_837 = arith.addi %mul3A_835, %add3A_836 : i32
        %get3A_838 = arith.index_cast %add3A_837 : i32 to index
        %get3A_839 = arith.constant 0 : index
        %get3A_840 = tpu.vector_load %arg13[%get3A_838, %get3A_839] {strides = array<i32>} : memref<512x64xf32, #tpu.memory_space<vmem>>, vector<16xf32>,
        %mul3A_841 = arith.mulf %get3A_840, %add3A_737 : vector<16xf32>
        %get3A_842 = arith.index_cast %add3A_837 : i32 to index
        %get3A_843 = arith.constant 16 : index
        %get3A_844 = tpu.vector_load %arg13[%get3A_842, %get3A_843] {strides = array<i32>} : memref<512x64xf32, #tpu.memory_space<vmem>>, vector<16xf32>,
        %mul3A_845 = arith.mulf %get3A_844, %add3A_741 : vector<16xf32>
        %add3A_846 = arith.addf %mul3A_841, %mul3A_845 : vector<16xf32>
        %get3A_847 = arith.index_cast %add3A_837 : i32 to index
        %get3A_848 = arith.constant 32 : index
        %get3A_849 = tpu.vector_load %arg13[%get3A_847, %get3A_848] {strides = array<i32>} : memref<512x64xf32, #tpu.memory_space<vmem>>, vector<16xf32>,
        %mul3A_850 = arith.mulf %get3A_849, %add3A_745 : vector<16xf32>
        %add3A_851 = arith.addf %add3A_846, %mul3A_850 : vector<16xf32>
        %get3A_852 = arith.index_cast %add3A_837 : i32 to index
        %get3A_853 = arith.constant 48 : index
        %get3A_854 = tpu.vector_load %arg13[%get3A_852, %get3A_853] {strides = array<i32>} : memref<512x64xf32, #tpu.memory_space<vmem>>, vector<16xf32>,
        %mul3A_855 = arith.mulf %get3A_854, %add3A_749 : vector<16xf32>
        %add3A_856 = arith.addf %add3A_851, %mul3A_855 : vector<16xf32>
        %reduce_sum3A_857 = arith.constant true
        %reduce_sum3A_858 = vector.broadcast %reduce_sum3A_857 : i1 to vector<16xi1>
        %reduce_sum3A_859 = tpu.scan <sum>, %add3A_856 masked %reduce_sum3A_858 : vector<16xf32>, vector<16xi1> -> vector<16xf32>
        %reduce_sum3A_860 = vector.extract %reduce_sum3A_859[15] : f32 from vector<16xf32>
        %neg3A_861 = arith.constant 0.000000e+00 : f32
        %neg3A_862 = arith.subf %neg3A_861, %reduce_sum3A_860 : f32
        %broadcast_in_dim3A_863 = vector.broadcast %neg3A_862 : f32 to vector<16xf32>
        %select_n3A_864 = arith.select %eq3A_342, %broadcast_in_dim3A_863, %scan3A_326 : vector<16xi1>, vector<16xf32>
        %mul3A_865 = arith.constant 16 : i32
        %mul3A_866 = arith.muli %add3A_341, %mul3A_865 : i32
        %add3A_867 = arith.constant 3 : i32
        %add3A_868 = arith.addi %mul3A_866, %add3A_867 : i32
        %get3A_869 = arith.index_cast %add3A_868 : i32 to index
        %get3A_870 = arith.constant 0 : index
        %get3A_871 = tpu.vector_load %arg13[%get3A_869, %get3A_870] {strides = array<i32>} : memref<512x64xf32, #tpu.memory_space<vmem>>, vector<16xf32>,
        %mul3A_872 = arith.mulf %get3A_871, %add3A_737 : vector<16xf32>
        %get3A_873 = arith.index_cast %add3A_868 : i32 to index
        %get3A_874 = arith.constant 16 : index
        %get3A_875 = tpu.vector_load %arg13[%get3A_873, %get3A_874] {strides = array<i32>} : memref<512x64xf32, #tpu.memory_space<vmem>>, vector<16xf32>,
        %mul3A_876 = arith.mulf %get3A_875, %add3A_741 : vector<16xf32>
        %add3A_877 = arith.addf %mul3A_872, %mul3A_876 : vector<16xf32>
        %get3A_878 = arith.index_cast %add3A_868 : i32 to index
        %get3A_879 = arith.constant 32 : index
        %get3A_880 = tpu.vector_load %arg13[%get3A_878, %get3A_879] {strides = array<i32>} : memref<512x64xf32, #tpu.memory_space<vmem>>, vector<16xf32>,
        %mul3A_881 = arith.mulf %get3A_880, %add3A_745 : vector<16xf32>
        %add3A_882 = arith.addf %add3A_877, %mul3A_881 : vector<16xf32>
        %get3A_883 = arith.index_cast %add3A_868 : i32 to index
        %get3A_884 = arith.constant 48 : index
        %get3A_885 = tpu.vector_load %arg13[%get3A_883, %get3A_884] {strides = array<i32>} : memref<512x64xf32, #tpu.memory_space<vmem>>, vector<16xf32>,
        %mul3A_886 = arith.mulf %get3A_885, %add3A_749 : vector<16xf32>
        %add3A_887 = arith.addf %add3A_882, %mul3A_886 : vector<16xf32>
        %reduce_sum3A_888 = arith.constant true
        %reduce_sum3A_889 = vector.broadcast %reduce_sum3A_888 : i1 to vector<16xi1>
        %reduce_sum3A_890 = tpu.scan <sum>, %add3A_887 masked %reduce_sum3A_889 : vector<16xf32>, vector<16xi1> -> vector<16xf32>
        %reduce_sum3A_891 = vector.extract %reduce_sum3A_890[15] : f32 from vector<16xf32>
        %neg3A_892 = arith.constant 0.000000e+00 : f32
        %neg3A_893 = arith.subf %neg3A_892, %reduce_sum3A_891 : f32
        %broadcast_in_dim3A_894 = vector.broadcast %neg3A_893 : f32 to vector<16xf32>
        %select_n3A_895 = arith.select %eq3A_342, %broadcast_in_dim3A_894, %scan3A_327 : vector<16xi1>, vector<16xf32>
        %mul3A_896 = arith.constant 16 : i32
        %mul3A_897 = arith.muli %add3A_341, %mul3A_896 : i32
        %add3A_898 = arith.constant 4 : i32
        %add3A_899 = arith.addi %mul3A_897, %add3A_898 : i32
        %get3A_900 = arith.index_cast %add3A_899 : i32 to index
        %get3A_901 = arith.constant 0 : index
        %get3A_902 = tpu.vector_load %arg13[%get3A_900, %get3A_901] {strides = array<i32>} : memref<512x64xf32, #tpu.memory_space<vmem>>, vector<16xf32>,
        %mul3A_903 = arith.mulf %get3A_902, %add3A_737 : vector<16xf32>
        %get3A_904 = arith.index_cast %add3A_899 : i32 to index
        %get3A_905 = arith.constant 16 : index
        %get3A_906 = tpu.vector_load %arg13[%get3A_904, %get3A_905] {strides = array<i32>} : memref<512x64xf32, #tpu.memory_space<vmem>>, vector<16xf32>,
        %mul3A_907 = arith.mulf %get3A_906, %add3A_741 : vector<16xf32>
        %add3A_908 = arith.addf %mul3A_903, %mul3A_907 : vector<16xf32>
        %get3A_909 = arith.index_cast %add3A_899 : i32 to index
        %get3A_910 = arith.constant 32 : index
        %get3A_911 = tpu.vector_load %arg13[%get3A_909, %get3A_910] {strides = array<i32>} : memref<512x64xf32, #tpu.memory_space<vmem>>, vector<16xf32>,
        %mul3A_912 = arith.mulf %get3A_911, %add3A_745 : vector<16xf32>
        %add3A_913 = arith.addf %add3A_908, %mul3A_912 : vector<16xf32>
        %get3A_914 = arith.index_cast %add3A_899 : i32 to index
        %get3A_915 = arith.constant 48 : index
        %get3A_916 = tpu.vector_load %arg13[%get3A_914, %get3A_915] {strides = array<i32>} : memref<512x64xf32, #tpu.memory_space<vmem>>, vector<16xf32>,
        %mul3A_917 = arith.mulf %get3A_916, %add3A_749 : vector<16xf32>
        %add3A_918 = arith.addf %add3A_913, %mul3A_917 : vector<16xf32>
        %reduce_sum3A_919 = arith.constant true
        %reduce_sum3A_920 = vector.broadcast %reduce_sum3A_919 : i1 to vector<16xi1>
        %reduce_sum3A_921 = tpu.scan <sum>, %add3A_918 masked %reduce_sum3A_920 : vector<16xf32>, vector<16xi1> -> vector<16xf32>
        %reduce_sum3A_922 = vector.extract %reduce_sum3A_921[15] : f32 from vector<16xf32>
        %neg3A_923 = arith.constant 0.000000e+00 : f32
        %neg3A_924 = arith.subf %neg3A_923, %reduce_sum3A_922 : f32
        %broadcast_in_dim3A_925 = vector.broadcast %neg3A_924 : f32 to vector<16xf32>
        %select_n3A_926 = arith.select %eq3A_342, %broadcast_in_dim3A_925, %scan3A_328 : vector<16xi1>, vector<16xf32>
        %mul3A_927 = arith.constant 16 : i32
        %mul3A_928 = arith.muli %add3A_341, %mul3A_927 : i32
        %add3A_929 = arith.constant 5 : i32
        %add3A_930 = arith.addi %mul3A_928, %add3A_929 : i32
        %get3A_931 = arith.index_cast %add3A_930 : i32 to index
        %get3A_932 = arith.constant 0 : index
        %get3A_933 = tpu.vector_load %arg13[%get3A_931, %get3A_932] {strides = array<i32>} : memref<512x64xf32, #tpu.memory_space<vmem>>, vector<16xf32>,
        %mul3A_934 = arith.mulf %get3A_933, %add3A_737 : vector<16xf32>
        %get3A_935 = arith.index_cast %add3A_930 : i32 to index
        %get3A_936 = arith.constant 16 : index
        %get3A_937 = tpu.vector_load %arg13[%get3A_935, %get3A_936] {strides = array<i32>} : memref<512x64xf32, #tpu.memory_space<vmem>>, vector<16xf32>,
        %mul3A_938 = arith.mulf %get3A_937, %add3A_741 : vector<16xf32>
        %add3A_939 = arith.addf %mul3A_934, %mul3A_938 : vector<16xf32>
        %get3A_940 = arith.index_cast %add3A_930 : i32 to index
        %get3A_941 = arith.constant 32 : index
        %get3A_942 = tpu.vector_load %arg13[%get3A_940, %get3A_941] {strides = array<i32>} : memref<512x64xf32, #tpu.memory_space<vmem>>, vector<16xf32>,
        %mul3A_943 = arith.mulf %get3A_942, %add3A_745 : vector<16xf32>
        %add3A_944 = arith.addf %add3A_939, %mul3A_943 : vector<16xf32>
        %get3A_945 = arith.index_cast %add3A_930 : i32 to index
        %get3A_946 = arith.constant 48 : index
        %get3A_947 = tpu.vector_load %arg13[%get3A_945, %get3A_946] {strides = array<i32>} : memref<512x64xf32, #tpu.memory_space<vmem>>, vector<16xf32>,
        %mul3A_948 = arith.mulf %get3A_947, %add3A_749 : vector<16xf32>
        %add3A_949 = arith.addf %add3A_944, %mul3A_948 : vector<16xf32>
        %reduce_sum3A_950 = arith.constant true
        %reduce_sum3A_951 = vector.broadcast %reduce_sum3A_950 : i1 to vector<16xi1>
        %reduce_sum3A_952 = tpu.scan <sum>, %add3A_949 masked %reduce_sum3A_951 : vector<16xf32>, vector<16xi1> -> vector<16xf32>
        %reduce_sum3A_953 = vector.extract %reduce_sum3A_952[15] : f32 from vector<16xf32>
        %neg3A_954 = arith.constant 0.000000e+00 : f32
        %neg3A_955 = arith.subf %neg3A_954, %reduce_sum3A_953 : f32
        %broadcast_in_dim3A_956 = vector.broadcast %neg3A_955 : f32 to vector<16xf32>
        %select_n3A_957 = arith.select %eq3A_342, %broadcast_in_dim3A_956, %scan3A_329 : vector<16xi1>, vector<16xf32>
        %mul3A_958 = arith.constant 16 : i32
        %mul3A_959 = arith.muli %add3A_341, %mul3A_958 : i32
        %add3A_960 = arith.constant 6 : i32
        %add3A_961 = arith.addi %mul3A_959, %add3A_960 : i32
        %get3A_962 = arith.index_cast %add3A_961 : i32 to index
        %get3A_963 = arith.constant 0 : index
        %get3A_964 = tpu.vector_load %arg13[%get3A_962, %get3A_963] {strides = array<i32>} : memref<512x64xf32, #tpu.memory_space<vmem>>, vector<16xf32>,
        %mul3A_965 = arith.mulf %get3A_964, %add3A_737 : vector<16xf32>
        %get3A_966 = arith.index_cast %add3A_961 : i32 to index
        %get3A_967 = arith.constant 16 : index
        %get3A_968 = tpu.vector_load %arg13[%get3A_966, %get3A_967] {strides = array<i32>} : memref<512x64xf32, #tpu.memory_space<vmem>>, vector<16xf32>,
        %mul3A_969 = arith.mulf %get3A_968, %add3A_741 : vector<16xf32>
        %add3A_970 = arith.addf %mul3A_965, %mul3A_969 : vector<16xf32>
        %get3A_971 = arith.index_cast %add3A_961 : i32 to index
        %get3A_972 = arith.constant 32 : index
        %get3A_973 = tpu.vector_load %arg13[%get3A_971, %get3A_972] {strides = array<i32>} : memref<512x64xf32, #tpu.memory_space<vmem>>, vector<16xf32>,
        %mul3A_974 = arith.mulf %get3A_973, %add3A_745 : vector<16xf32>
        %add3A_975 = arith.addf %add3A_970, %mul3A_974 : vector<16xf32>
        %get3A_976 = arith.index_cast %add3A_961 : i32 to index
        %get3A_977 = arith.constant 48 : index
        %get3A_978 = tpu.vector_load %arg13[%get3A_976, %get3A_977] {strides = array<i32>} : memref<512x64xf32, #tpu.memory_space<vmem>>, vector<16xf32>,
        %mul3A_979 = arith.mulf %get3A_978, %add3A_749 : vector<16xf32>
        %add3A_980 = arith.addf %add3A_975, %mul3A_979 : vector<16xf32>
        %reduce_sum3A_981 = arith.constant true
        %reduce_sum3A_982 = vector.broadcast %reduce_sum3A_981 : i1 to vector<16xi1>
        %reduce_sum3A_983 = tpu.scan <sum>, %add3A_980 masked %reduce_sum3A_982 : vector<16xf32>, vector<16xi1> -> vector<16xf32>
        %reduce_sum3A_984 = vector.extract %reduce_sum3A_983[15] : f32 from vector<16xf32>
        %neg3A_985 = arith.constant 0.000000e+00 : f32
        %neg3A_986 = arith.subf %neg3A_985, %reduce_sum3A_984 : f32
        %broadcast_in_dim3A_987 = vector.broadcast %neg3A_986 : f32 to vector<16xf32>
        %select_n3A_988 = arith.select %eq3A_342, %broadcast_in_dim3A_987, %scan3A_330 : vector<16xi1>, vector<16xf32>
        %mul3A_989 = arith.constant 16 : i32
        %mul3A_990 = arith.muli %add3A_341, %mul3A_989 : i32
        %add3A_991 = arith.constant 7 : i32
        %add3A_992 = arith.addi %mul3A_990, %add3A_991 : i32
        %get3A_993 = arith.index_cast %add3A_992 : i32 to index
        %get3A_994 = arith.constant 0 : index
        %get3A_995 = tpu.vector_load %arg13[%get3A_993, %get3A_994] {strides = array<i32>} : memref<512x64xf32, #tpu.memory_space<vmem>>, vector<16xf32>,
        %mul3A_996 = arith.mulf %get3A_995, %add3A_737 : vector<16xf32>
        %get3A_997 = arith.index_cast %add3A_992 : i32 to index
        %get3A_998 = arith.constant 16 : index
        %get3A_999 = tpu.vector_load %arg13[%get3A_997, %get3A_998] {strides = array<i32>} : memref<512x64xf32, #tpu.memory_space<vmem>>, vector<16xf32>,
        %mul3A_1000 = arith.mulf %get3A_999, %add3A_741 : vector<16xf32>
        %add3A_1001 = arith.addf %mul3A_996, %mul3A_1000 : vector<16xf32>
        %get3A_1002 = arith.index_cast %add3A_992 : i32 to index
        %get3A_1003 = arith.constant 32 : index
        %get3A_1004 = tpu.vector_load %arg13[%get3A_1002, %get3A_1003] {strides = array<i32>} : memref<512x64xf32, #tpu.memory_space<vmem>>, vector<16xf32>,
        %mul3A_1005 = arith.mulf %get3A_1004, %add3A_745 : vector<16xf32>
        %add3A_1006 = arith.addf %add3A_1001, %mul3A_1005 : vector<16xf32>
        %get3A_1007 = arith.index_cast %add3A_992 : i32 to index
        %get3A_1008 = arith.constant 48 : index
        %get3A_1009 = tpu.vector_load %arg13[%get3A_1007, %get3A_1008] {strides = array<i32>} : memref<512x64xf32, #tpu.memory_space<vmem>>, vector<16xf32>,
        %mul3A_1010 = arith.mulf %get3A_1009, %add3A_749 : vector<16xf32>
        %add3A_1011 = arith.addf %add3A_1006, %mul3A_1010 : vector<16xf32>
        %reduce_sum3A_1012 = arith.constant true
        %reduce_sum3A_1013 = vector.broadcast %reduce_sum3A_1012 : i1 to vector<16xi1>
        %reduce_sum3A_1014 = tpu.scan <sum>, %add3A_1011 masked %reduce_sum3A_1013 : vector<16xf32>, vector<16xi1> -> vector<16xf32>
        %reduce_sum3A_1015 = vector.extract %reduce_sum3A_1014[15] : f32 from vector<16xf32>
        %neg3A_1016 = arith.constant 0.000000e+00 : f32
        %neg3A_1017 = arith.subf %neg3A_1016, %reduce_sum3A_1015 : f32
        %broadcast_in_dim3A_1018 = vector.broadcast %neg3A_1017 : f32 to vector<16xf32>
        %select_n3A_1019 = arith.select %eq3A_342, %broadcast_in_dim3A_1018, %scan3A_331 : vector<16xi1>, vector<16xf32>
        %mul3A_1020 = arith.constant 16 : i32
        %mul3A_1021 = arith.muli %add3A_341, %mul3A_1020 : i32
        %add3A_1022 = arith.constant 8 : i32
        %add3A_1023 = arith.addi %mul3A_1021, %add3A_1022 : i32
        %get3A_1024 = arith.index_cast %add3A_1023 : i32 to index
        %get3A_1025 = arith.constant 0 : index
        %get3A_1026 = tpu.vector_load %arg13[%get3A_1024, %get3A_1025] {strides = array<i32>} : memref<512x64xf32, #tpu.memory_space<vmem>>, vector<16xf32>,
        %mul3A_1027 = arith.mulf %get3A_1026, %add3A_737 : vector<16xf32>
        %get3A_1028 = arith.index_cast %add3A_1023 : i32 to index
        %get3A_1029 = arith.constant 16 : index
        %get3A_1030 = tpu.vector_load %arg13[%get3A_1028, %get3A_1029] {strides = array<i32>} : memref<512x64xf32, #tpu.memory_space<vmem>>, vector<16xf32>,
        %mul3A_1031 = arith.mulf %get3A_1030, %add3A_741 : vector<16xf32>
        %add3A_1032 = arith.addf %mul3A_1027, %mul3A_1031 : vector<16xf32>
        %get3A_1033 = arith.index_cast %add3A_1023 : i32 to index
        %get3A_1034 = arith.constant 32 : index
        %get3A_1035 = tpu.vector_load %arg13[%get3A_1033, %get3A_1034] {strides = array<i32>} : memref<512x64xf32, #tpu.memory_space<vmem>>, vector<16xf32>,
        %mul3A_1036 = arith.mulf %get3A_1035, %add3A_745 : vector<16xf32>
        %add3A_1037 = arith.addf %add3A_1032, %mul3A_1036 : vector<16xf32>
        %get3A_1038 = arith.index_cast %add3A_1023 : i32 to index
        %get3A_1039 = arith.constant 48 : index
        %get3A_1040 = tpu.vector_load %arg13[%get3A_1038, %get3A_1039] {strides = array<i32>} : memref<512x64xf32, #tpu.memory_space<vmem>>, vector<16xf32>,
        %mul3A_1041 = arith.mulf %get3A_1040, %add3A_749 : vector<16xf32>
        %add3A_1042 = arith.addf %add3A_1037, %mul3A_1041 : vector<16xf32>
        %reduce_sum3A_1043 = arith.constant true
        %reduce_sum3A_1044 = vector.broadcast %reduce_sum3A_1043 : i1 to vector<16xi1>
        %reduce_sum3A_1045 = tpu.scan <sum>, %add3A_1042 masked %reduce_sum3A_1044 : vector<16xf32>, vector<16xi1> -> vector<16xf32>
        %reduce_sum3A_1046 = vector.extract %reduce_sum3A_1045[15] : f32 from vector<16xf32>
        %neg3A_1047 = arith.constant 0.000000e+00 : f32
        %neg3A_1048 = arith.subf %neg3A_1047, %reduce_sum3A_1046 : f32
        %broadcast_in_dim3A_1049 = vector.broadcast %neg3A_1048 : f32 to vector<16xf32>
        %select_n3A_1050 = arith.select %eq3A_342, %broadcast_in_dim3A_1049, %scan3A_332 : vector<16xi1>, vector<16xf32>
        %mul3A_1051 = arith.constant 16 : i32
        %mul3A_1052 = arith.muli %add3A_341, %mul3A_1051 : i32
        %add3A_1053 = arith.constant 9 : i32
        %add3A_1054 = arith.addi %mul3A_1052, %add3A_1053 : i32
        %get3A_1055 = arith.index_cast %add3A_1054 : i32 to index
        %get3A_1056 = arith.constant 0 : index
        %get3A_1057 = tpu.vector_load %arg13[%get3A_1055, %get3A_1056] {strides = array<i32>} : memref<512x64xf32, #tpu.memory_space<vmem>>, vector<16xf32>,
        %mul3A_1058 = arith.mulf %get3A_1057, %add3A_737 : vector<16xf32>
        %get3A_1059 = arith.index_cast %add3A_1054 : i32 to index
        %get3A_1060 = arith.constant 16 : index
        %get3A_1061 = tpu.vector_load %arg13[%get3A_1059, %get3A_1060] {strides = array<i32>} : memref<512x64xf32, #tpu.memory_space<vmem>>, vector<16xf32>,
        %mul3A_1062 = arith.mulf %get3A_1061, %add3A_741 : vector<16xf32>
        %add3A_1063 = arith.addf %mul3A_1058, %mul3A_1062 : vector<16xf32>
        %get3A_1064 = arith.index_cast %add3A_1054 : i32 to index
        %get3A_1065 = arith.constant 32 : index
        %get3A_1066 = tpu.vector_load %arg13[%get3A_1064, %get3A_1065] {strides = array<i32>} : memref<512x64xf32, #tpu.memory_space<vmem>>, vector<16xf32>,
        %mul3A_1067 = arith.mulf %get3A_1066, %add3A_745 : vector<16xf32>
        %add3A_1068 = arith.addf %add3A_1063, %mul3A_1067 : vector<16xf32>
        %get3A_1069 = arith.index_cast %add3A_1054 : i32 to index
        %get3A_1070 = arith.constant 48 : index
        %get3A_1071 = tpu.vector_load %arg13[%get3A_1069, %get3A_1070] {strides = array<i32>} : memref<512x64xf32, #tpu.memory_space<vmem>>, vector<16xf32>,
        %mul3A_1072 = arith.mulf %get3A_1071, %add3A_749 : vector<16xf32>
        %add3A_1073 = arith.addf %add3A_1068, %mul3A_1072 : vector<16xf32>
        %reduce_sum3A_1074 = arith.constant true
        %reduce_sum3A_1075 = vector.broadcast %reduce_sum3A_1074 : i1 to vector<16xi1>
        %reduce_sum3A_1076 = tpu.scan <sum>, %add3A_1073 masked %reduce_sum3A_1075 : vector<16xf32>, vector<16xi1> -> vector<16xf32>
        %reduce_sum3A_1077 = vector.extract %reduce_sum3A_1076[15] : f32 from vector<16xf32>
        %neg3A_1078 = arith.constant 0.000000e+00 : f32
        %neg3A_1079 = arith.subf %neg3A_1078, %reduce_sum3A_1077 : f32
        %broadcast_in_dim3A_1080 = vector.broadcast %neg3A_1079 : f32 to vector<16xf32>
        %select_n3A_1081 = arith.select %eq3A_342, %broadcast_in_dim3A_1080, %scan3A_333 : vector<16xi1>, vector<16xf32>
        %mul3A_1082 = arith.constant 16 : i32
        %mul3A_1083 = arith.muli %add3A_341, %mul3A_1082 : i32
        %add3A_1084 = arith.constant 10 : i32
        %add3A_1085 = arith.addi %mul3A_1083, %add3A_1084 : i32
        %get3A_1086 = arith.index_cast %add3A_1085 : i32 to index
        %get3A_1087 = arith.constant 0 : index
        %get3A_1088 = tpu.vector_load %arg13[%get3A_1086, %get3A_1087] {strides = array<i32>} : memref<512x64xf32, #tpu.memory_space<vmem>>, vector<16xf32>,
        %mul3A_1089 = arith.mulf %get3A_1088, %add3A_737 : vector<16xf32>
        %get3A_1090 = arith.index_cast %add3A_1085 : i32 to index
        %get3A_1091 = arith.constant 16 : index
        %get3A_1092 = tpu.vector_load %arg13[%get3A_1090, %get3A_1091] {strides = array<i32>} : memref<512x64xf32, #tpu.memory_space<vmem>>, vector<16xf32>,
        %mul3A_1093 = arith.mulf %get3A_1092, %add3A_741 : vector<16xf32>
        %add3A_1094 = arith.addf %mul3A_1089, %mul3A_1093 : vector<16xf32>
        %get3A_1095 = arith.index_cast %add3A_1085 : i32 to index
        %get3A_1096 = arith.constant 32 : index
        %get3A_1097 = tpu.vector_load %arg13[%get3A_1095, %get3A_1096] {strides = array<i32>} : memref<512x64xf32, #tpu.memory_space<vmem>>, vector<16xf32>,
        %mul3A_1098 = arith.mulf %get3A_1097, %add3A_745 : vector<16xf32>
        %add3A_1099 = arith.addf %add3A_1094, %mul3A_1098 : vector<16xf32>
        %get3A_1100 = arith.index_cast %add3A_1085 : i32 to index
        %get3A_1101 = arith.constant 48 : index
        %get3A_1102 = tpu.vector_load %arg13[%get3A_1100, %get3A_1101] {strides = array<i32>} : memref<512x64xf32, #tpu.memory_space<vmem>>, vector<16xf32>,
        %mul3A_1103 = arith.mulf %get3A_1102, %add3A_749 : vector<16xf32>
        %add3A_1104 = arith.addf %add3A_1099, %mul3A_1103 : vector<16xf32>
        %reduce_sum3A_1105 = arith.constant true
        %reduce_sum3A_1106 = vector.broadcast %reduce_sum3A_1105 : i1 to vector<16xi1>
        %reduce_sum3A_1107 = tpu.scan <sum>, %add3A_1104 masked %reduce_sum3A_1106 : vector<16xf32>, vector<16xi1> -> vector<16xf32>
        %reduce_sum3A_1108 = vector.extract %reduce_sum3A_1107[15] : f32 from vector<16xf32>
        %neg3A_1109 = arith.constant 0.000000e+00 : f32
        %neg3A_1110 = arith.subf %neg3A_1109, %reduce_sum3A_1108 : f32
        %broadcast_in_dim3A_1111 = vector.broadcast %neg3A_1110 : f32 to vector<16xf32>
        %select_n3A_1112 = arith.select %eq3A_342, %broadcast_in_dim3A_1111, %scan3A_334 : vector<16xi1>, vector<16xf32>
        %mul3A_1113 = arith.constant 16 : i32
        %mul3A_1114 = arith.muli %add3A_341, %mul3A_1113 : i32
        %add3A_1115 = arith.constant 11 : i32
        %add3A_1116 = arith.addi %mul3A_1114, %add3A_1115 : i32
        %get3A_1117 = arith.index_cast %add3A_1116 : i32 to index
        %get3A_1118 = arith.constant 0 : index
        %get3A_1119 = tpu.vector_load %arg13[%get3A_1117, %get3A_1118] {strides = array<i32>} : memref<512x64xf32, #tpu.memory_space<vmem>>, vector<16xf32>,
        %mul3A_1120 = arith.mulf %get3A_1119, %add3A_737 : vector<16xf32>
        %get3A_1121 = arith.index_cast %add3A_1116 : i32 to index
        %get3A_1122 = arith.constant 16 : index
        %get3A_1123 = tpu.vector_load %arg13[%get3A_1121, %get3A_1122] {strides = array<i32>} : memref<512x64xf32, #tpu.memory_space<vmem>>, vector<16xf32>,
        %mul3A_1124 = arith.mulf %get3A_1123, %add3A_741 : vector<16xf32>
        %add3A_1125 = arith.addf %mul3A_1120, %mul3A_1124 : vector<16xf32>
        %get3A_1126 = arith.index_cast %add3A_1116 : i32 to index
        %get3A_1127 = arith.constant 32 : index
        %get3A_1128 = tpu.vector_load %arg13[%get3A_1126, %get3A_1127] {strides = array<i32>} : memref<512x64xf32, #tpu.memory_space<vmem>>, vector<16xf32>,
        %mul3A_1129 = arith.mulf %get3A_1128, %add3A_745 : vector<16xf32>
        %add3A_1130 = arith.addf %add3A_1125, %mul3A_1129 : vector<16xf32>
        %get3A_1131 = arith.index_cast %add3A_1116 : i32 to index
        %get3A_1132 = arith.constant 48 : index
        %get3A_1133 = tpu.vector_load %arg13[%get3A_1131, %get3A_1132] {strides = array<i32>} : memref<512x64xf32, #tpu.memory_space<vmem>>, vector<16xf32>,
        %mul3A_1134 = arith.mulf %get3A_1133, %add3A_749 : vector<16xf32>
        %add3A_1135 = arith.addf %add3A_1130, %mul3A_1134 : vector<16xf32>
        %reduce_sum3A_1136 = arith.constant true
        %reduce_sum3A_1137 = vector.broadcast %reduce_sum3A_1136 : i1 to vector<16xi1>
        %reduce_sum3A_1138 = tpu.scan <sum>, %add3A_1135 masked %reduce_sum3A_1137 : vector<16xf32>, vector<16xi1> -> vector<16xf32>
        %reduce_sum3A_1139 = vector.extract %reduce_sum3A_1138[15] : f32 from vector<16xf32>
        %neg3A_1140 = arith.constant 0.000000e+00 : f32
        %neg3A_1141 = arith.subf %neg3A_1140, %reduce_sum3A_1139 : f32
        %broadcast_in_dim3A_1142 = vector.broadcast %neg3A_1141 : f32 to vector<16xf32>
        %select_n3A_1143 = arith.select %eq3A_342, %broadcast_in_dim3A_1142, %scan3A_335 : vector<16xi1>, vector<16xf32>
        %mul3A_1144 = arith.constant 16 : i32
        %mul3A_1145 = arith.muli %add3A_341, %mul3A_1144 : i32
        %add3A_1146 = arith.constant 12 : i32
        %add3A_1147 = arith.addi %mul3A_1145, %add3A_1146 : i32
        %get3A_1148 = arith.index_cast %add3A_1147 : i32 to index
        %get3A_1149 = arith.constant 0 : index
        %get3A_1150 = tpu.vector_load %arg13[%get3A_1148, %get3A_1149] {strides = array<i32>} : memref<512x64xf32, #tpu.memory_space<vmem>>, vector<16xf32>,
        %mul3A_1151 = arith.mulf %get3A_1150, %add3A_737 : vector<16xf32>
        %get3A_1152 = arith.index_cast %add3A_1147 : i32 to index
        %get3A_1153 = arith.constant 16 : index
        %get3A_1154 = tpu.vector_load %arg13[%get3A_1152, %get3A_1153] {strides = array<i32>} : memref<512x64xf32, #tpu.memory_space<vmem>>, vector<16xf32>,
        %mul3A_1155 = arith.mulf %get3A_1154, %add3A_741 : vector<16xf32>
        %add3A_1156 = arith.addf %mul3A_1151, %mul3A_1155 : vector<16xf32>
        %get3A_1157 = arith.index_cast %add3A_1147 : i32 to index
        %get3A_1158 = arith.constant 32 : index
        %get3A_1159 = tpu.vector_load %arg13[%get3A_1157, %get3A_1158] {strides = array<i32>} : memref<512x64xf32, #tpu.memory_space<vmem>>, vector<16xf32>,
        %mul3A_1160 = arith.mulf %get3A_1159, %add3A_745 : vector<16xf32>
        %add3A_1161 = arith.addf %add3A_1156, %mul3A_1160 : vector<16xf32>
        %get3A_1162 = arith.index_cast %add3A_1147 : i32 to index
        %get3A_1163 = arith.constant 48 : index
        %get3A_1164 = tpu.vector_load %arg13[%get3A_1162, %get3A_1163] {strides = array<i32>} : memref<512x64xf32, #tpu.memory_space<vmem>>, vector<16xf32>,
        %mul3A_1165 = arith.mulf %get3A_1164, %add3A_749 : vector<16xf32>
        %add3A_1166 = arith.addf %add3A_1161, %mul3A_1165 : vector<16xf32>
        %reduce_sum3A_1167 = arith.constant true
        %reduce_sum3A_1168 = vector.broadcast %reduce_sum3A_1167 : i1 to vector<16xi1>
        %reduce_sum3A_1169 = tpu.scan <sum>, %add3A_1166 masked %reduce_sum3A_1168 : vector<16xf32>, vector<16xi1> -> vector<16xf32>
        %reduce_sum3A_1170 = vector.extract %reduce_sum3A_1169[15] : f32 from vector<16xf32>
        %neg3A_1171 = arith.constant 0.000000e+00 : f32
        %neg3A_1172 = arith.subf %neg3A_1171, %reduce_sum3A_1170 : f32
        %broadcast_in_dim3A_1173 = vector.broadcast %neg3A_1172 : f32 to vector<16xf32>
        %select_n3A_1174 = arith.select %eq3A_342, %broadcast_in_dim3A_1173, %scan3A_336 : vector<16xi1>, vector<16xf32>
        %mul3A_1175 = arith.constant 16 : i32
        %mul3A_1176 = arith.muli %add3A_341, %mul3A_1175 : i32
        %add3A_1177 = arith.constant 13 : i32
        %add3A_1178 = arith.addi %mul3A_1176, %add3A_1177 : i32
        %get3A_1179 = arith.index_cast %add3A_1178 : i32 to index
        %get3A_1180 = arith.constant 0 : index
        %get3A_1181 = tpu.vector_load %arg13[%get3A_1179, %get3A_1180] {strides = array<i32>} : memref<512x64xf32, #tpu.memory_space<vmem>>, vector<16xf32>,
        %mul3A_1182 = arith.mulf %get3A_1181, %add3A_737 : vector<16xf32>
        %get3A_1183 = arith.index_cast %add3A_1178 : i32 to index
        %get3A_1184 = arith.constant 16 : index
        %get3A_1185 = tpu.vector_load %arg13[%get3A_1183, %get3A_1184] {strides = array<i32>} : memref<512x64xf32, #tpu.memory_space<vmem>>, vector<16xf32>,
        %mul3A_1186 = arith.mulf %get3A_1185, %add3A_741 : vector<16xf32>
        %add3A_1187 = arith.addf %mul3A_1182, %mul3A_1186 : vector<16xf32>
        %get3A_1188 = arith.index_cast %add3A_1178 : i32 to index
        %get3A_1189 = arith.constant 32 : index
        %get3A_1190 = tpu.vector_load %arg13[%get3A_1188, %get3A_1189] {strides = array<i32>} : memref<512x64xf32, #tpu.memory_space<vmem>>, vector<16xf32>,
        %mul3A_1191 = arith.mulf %get3A_1190, %add3A_745 : vector<16xf32>
        %add3A_1192 = arith.addf %add3A_1187, %mul3A_1191 : vector<16xf32>
        %get3A_1193 = arith.index_cast %add3A_1178 : i32 to index
        %get3A_1194 = arith.constant 48 : index
        %get3A_1195 = tpu.vector_load %arg13[%get3A_1193, %get3A_1194] {strides = array<i32>} : memref<512x64xf32, #tpu.memory_space<vmem>>, vector<16xf32>,
        %mul3A_1196 = arith.mulf %get3A_1195, %add3A_749 : vector<16xf32>
        %add3A_1197 = arith.addf %add3A_1192, %mul3A_1196 : vector<16xf32>
        %reduce_sum3A_1198 = arith.constant true
        %reduce_sum3A_1199 = vector.broadcast %reduce_sum3A_1198 : i1 to vector<16xi1>
        %reduce_sum3A_1200 = tpu.scan <sum>, %add3A_1197 masked %reduce_sum3A_1199 : vector<16xf32>, vector<16xi1> -> vector<16xf32>
        %reduce_sum3A_1201 = vector.extract %reduce_sum3A_1200[15] : f32 from vector<16xf32>
        %neg3A_1202 = arith.constant 0.000000e+00 : f32
        %neg3A_1203 = arith.subf %neg3A_1202, %reduce_sum3A_1201 : f32
        %broadcast_in_dim3A_1204 = vector.broadcast %neg3A_1203 : f32 to vector<16xf32>
        %select_n3A_1205 = arith.select %eq3A_342, %broadcast_in_dim3A_1204, %scan3A_337 : vector<16xi1>, vector<16xf32>
        %mul3A_1206 = arith.constant 16 : i32
        %mul3A_1207 = arith.muli %add3A_341, %mul3A_1206 : i32
        %add3A_1208 = arith.constant 14 : i32
        %add3A_1209 = arith.addi %mul3A_1207, %add3A_1208 : i32
        %get3A_1210 = arith.index_cast %add3A_1209 : i32 to index
        %get3A_1211 = arith.constant 0 : index
        %get3A_1212 = tpu.vector_load %arg13[%get3A_1210, %get3A_1211] {strides = array<i32>} : memref<512x64xf32, #tpu.memory_space<vmem>>, vector<16xf32>,
        %mul3A_1213 = arith.mulf %get3A_1212, %add3A_737 : vector<16xf32>
        %get3A_1214 = arith.index_cast %add3A_1209 : i32 to index
        %get3A_1215 = arith.constant 16 : index
        %get3A_1216 = tpu.vector_load %arg13[%get3A_1214, %get3A_1215] {strides = array<i32>} : memref<512x64xf32, #tpu.memory_space<vmem>>, vector<16xf32>,
        %mul3A_1217 = arith.mulf %get3A_1216, %add3A_741 : vector<16xf32>
        %add3A_1218 = arith.addf %mul3A_1213, %mul3A_1217 : vector<16xf32>
        %get3A_1219 = arith.index_cast %add3A_1209 : i32 to index
        %get3A_1220 = arith.constant 32 : index
        %get3A_1221 = tpu.vector_load %arg13[%get3A_1219, %get3A_1220] {strides = array<i32>} : memref<512x64xf32, #tpu.memory_space<vmem>>, vector<16xf32>,
        %mul3A_1222 = arith.mulf %get3A_1221, %add3A_745 : vector<16xf32>
        %add3A_1223 = arith.addf %add3A_1218, %mul3A_1222 : vector<16xf32>
        %get3A_1224 = arith.index_cast %add3A_1209 : i32 to index
        %get3A_1225 = arith.constant 48 : index
        %get3A_1226 = tpu.vector_load %arg13[%get3A_1224, %get3A_1225] {strides = array<i32>} : memref<512x64xf32, #tpu.memory_space<vmem>>, vector<16xf32>,
        %mul3A_1227 = arith.mulf %get3A_1226, %add3A_749 : vector<16xf32>
        %add3A_1228 = arith.addf %add3A_1223, %mul3A_1227 : vector<16xf32>
        %reduce_sum3A_1229 = arith.constant true
        %reduce_sum3A_1230 = vector.broadcast %reduce_sum3A_1229 : i1 to vector<16xi1>
        %reduce_sum3A_1231 = tpu.scan <sum>, %add3A_1228 masked %reduce_sum3A_1230 : vector<16xf32>, vector<16xi1> -> vector<16xf32>
        %reduce_sum3A_1232 = vector.extract %reduce_sum3A_1231[15] : f32 from vector<16xf32>
        %neg3A_1233 = arith.constant 0.000000e+00 : f32
        %neg3A_1234 = arith.subf %neg3A_1233, %reduce_sum3A_1232 : f32
        %broadcast_in_dim3A_1235 = vector.broadcast %neg3A_1234 : f32 to vector<16xf32>
        %select_n3A_1236 = arith.select %eq3A_342, %broadcast_in_dim3A_1235, %scan3A_338 : vector<16xi1>, vector<16xf32>
        %mul3A_1237 = arith.constant 16 : i32
        %mul3A_1238 = arith.muli %add3A_341, %mul3A_1237 : i32
        %add3A_1239 = arith.constant 15 : i32
        %add3A_1240 = arith.addi %mul3A_1238, %add3A_1239 : i32
        %get3A_1241 = arith.index_cast %add3A_1240 : i32 to index
        %get3A_1242 = arith.constant 0 : index
        %get3A_1243 = tpu.vector_load %arg13[%get3A_1241, %get3A_1242] {strides = array<i32>} : memref<512x64xf32, #tpu.memory_space<vmem>>, vector<16xf32>,
        %mul3A_1244 = arith.mulf %get3A_1243, %add3A_737 : vector<16xf32>
        %get3A_1245 = arith.index_cast %add3A_1240 : i32 to index
        %get3A_1246 = arith.constant 16 : index
        %get3A_1247 = tpu.vector_load %arg13[%get3A_1245, %get3A_1246] {strides = array<i32>} : memref<512x64xf32, #tpu.memory_space<vmem>>, vector<16xf32>,
        %mul3A_1248 = arith.mulf %get3A_1247, %add3A_741 : vector<16xf32>
        %add3A_1249 = arith.addf %mul3A_1244, %mul3A_1248 : vector<16xf32>
        %get3A_1250 = arith.index_cast %add3A_1240 : i32 to index
        %get3A_1251 = arith.constant 32 : index
        %get3A_1252 = tpu.vector_load %arg13[%get3A_1250, %get3A_1251] {strides = array<i32>} : memref<512x64xf32, #tpu.memory_space<vmem>>, vector<16xf32>,
        %mul3A_1253 = arith.mulf %get3A_1252, %add3A_745 : vector<16xf32>
        %add3A_1254 = arith.addf %add3A_1249, %mul3A_1253 : vector<16xf32>
        %get3A_1255 = arith.index_cast %add3A_1240 : i32 to index
        %get3A_1256 = arith.constant 48 : index
        %get3A_1257 = tpu.vector_load %arg13[%get3A_1255, %get3A_1256] {strides = array<i32>} : memref<512x64xf32, #tpu.memory_space<vmem>>, vector<16xf32>,
        %mul3A_1258 = arith.mulf %get3A_1257, %add3A_749 : vector<16xf32>
        %add3A_1259 = arith.addf %add3A_1254, %mul3A_1258 : vector<16xf32>
        %reduce_sum3A_1260 = arith.constant true
        %reduce_sum3A_1261 = vector.broadcast %reduce_sum3A_1260 : i1 to vector<16xi1>
        %reduce_sum3A_1262 = tpu.scan <sum>, %add3A_1259 masked %reduce_sum3A_1261 : vector<16xf32>, vector<16xi1> -> vector<16xf32>
        %reduce_sum3A_1263 = vector.extract %reduce_sum3A_1262[15] : f32 from vector<16xf32>
        %neg3A_1264 = arith.constant 0.000000e+00 : f32
        %neg3A_1265 = arith.subf %neg3A_1264, %reduce_sum3A_1263 : f32
        %broadcast_in_dim3A_1266 = vector.broadcast %neg3A_1265 : f32 to vector<16xf32>
        %select_n3A_1267 = arith.select %eq3A_342, %broadcast_in_dim3A_1266, %scan3A_339 : vector<16xi1>, vector<16xf32>
        scf.yield %select_n3A, %select_n3A_802, %select_n3A_833, %select_n3A_864, %select_n3A_895, %select_n3A_926, %select_n3A_957, %select_n3A_988, %select_n3A_1019, %select_n3A_1050, %select_n3A_1081, %select_n3A_1112, %select_n3A_1143, %select_n3A_1174, %select_n3A_1205, %select_n3A_1236, %select_n3A_1267 : vector<16xf32>, vector<16xf32>, vector<16xf32>, vector<16xf32>, vector<16xf32>, vector<16xf32>, vector<16xf32>, vector<16xf32>, vector<16xf32>, vector<16xf32>, vector<16xf32>, vector<16xf32>, vector<16xf32>, vector<16xf32>, vector<16xf32>, vector<16xf32>, vector<16xf32>
      }
      %scan3A_170 = arith.constant 16 : i32
      %mul3A_171 = arith.constant 32 : i32
      %mul3A_172 = arith.muli %scan3A_8, %mul3A_171 : i32
      %add3A_173 = arith.constant 0 : i32
      %add3A_174 = arith.addi %mul3A_172, %add3A_173 : i32
      %swap3A = arith.constant 0 : i32
      %swap3A_175 = arith.index_cast %swap3A : i32 to index
      %swap3A_176 = arith.index_cast %add3A_174 : i32 to index
      %swap3A_177 = tpu.vector_load %arg14[%swap3A_175, %swap3A_176] {strides = array<i32>} : memref<17x512xf32, #tpu.memory_space<vmem>>, vector<16xf32>,
      tpu.vector_store %arg14[%swap3A_175, %swap3A_176], %scan3A_169#0 {strides = array<i32>} : memref<17x512xf32, #tpu.memory_space<vmem>>, vector<16xf32>,
      %swap3A_178 = arith.constant 1 : i32
      %swap3A_179 = arith.index_cast %swap3A_178 : i32 to index
      %swap3A_180 = arith.index_cast %add3A_174 : i32 to index
      %swap3A_181 = tpu.vector_load %arg14[%swap3A_179, %swap3A_180] {strides = array<i32>} : memref<17x512xf32, #tpu.memory_space<vmem>>, vector<16xf32>,
      tpu.vector_store %arg14[%swap3A_179, %swap3A_180], %scan3A_169#1 {strides = array<i32>} : memref<17x512xf32, #tpu.memory_space<vmem>>, vector<16xf32>,
      %swap3A_182 = arith.constant 2 : i32
      %swap3A_183 = arith.index_cast %swap3A_182 : i32 to index
      %swap3A_184 = arith.index_cast %add3A_174 : i32 to index
      %swap3A_185 = tpu.vector_load %arg14[%swap3A_183, %swap3A_184] {strides = array<i32>} : memref<17x512xf32, #tpu.memory_space<vmem>>, vector<16xf32>,
      tpu.vector_store %arg14[%swap3A_183, %swap3A_184], %scan3A_169#2 {strides = array<i32>} : memref<17x512xf32, #tpu.memory_space<vmem>>, vector<16xf32>,
      %swap3A_186 = arith.constant 3 : i32
      %swap3A_187 = arith.index_cast %swap3A_186 : i32 to index
      %swap3A_188 = arith.index_cast %add3A_174 : i32 to index
      %swap3A_189 = tpu.vector_load %arg14[%swap3A_187, %swap3A_188] {strides = array<i32>} : memref<17x512xf32, #tpu.memory_space<vmem>>, vector<16xf32>,
      tpu.vector_store %arg14[%swap3A_187, %swap3A_188], %scan3A_169#3 {strides = array<i32>} : memref<17x512xf32, #tpu.memory_space<vmem>>, vector<16xf32>,
      %swap3A_190 = arith.constant 4 : i32
      %swap3A_191 = arith.index_cast %swap3A_190 : i32 to index
      %swap3A_192 = arith.index_cast %add3A_174 : i32 to index
      %swap3A_193 = tpu.vector_load %arg14[%swap3A_191, %swap3A_192] {strides = array<i32>} : memref<17x512xf32, #tpu.memory_space<vmem>>, vector<16xf32>,
      tpu.vector_store %arg14[%swap3A_191, %swap3A_192], %scan3A_169#4 {strides = array<i32>} : memref<17x512xf32, #tpu.memory_space<vmem>>, vector<16xf32>,
      %swap3A_194 = arith.constant 5 : i32
      %swap3A_195 = arith.index_cast %swap3A_194 : i32 to index
      %swap3A_196 = arith.index_cast %add3A_174 : i32 to index
      %swap3A_197 = tpu.vector_load %arg14[%swap3A_195, %swap3A_196] {strides = array<i32>} : memref<17x512xf32, #tpu.memory_space<vmem>>, vector<16xf32>,
      tpu.vector_store %arg14[%swap3A_195, %swap3A_196], %scan3A_169#5 {strides = array<i32>} : memref<17x512xf32, #tpu.memory_space<vmem>>, vector<16xf32>,
      %swap3A_198 = arith.constant 6 : i32
      %swap3A_199 = arith.index_cast %swap3A_198 : i32 to index
      %swap3A_200 = arith.index_cast %add3A_174 : i32 to index
      %swap3A_201 = tpu.vector_load %arg14[%swap3A_199, %swap3A_200] {strides = array<i32>} : memref<17x512xf32, #tpu.memory_space<vmem>>, vector<16xf32>,
      tpu.vector_store %arg14[%swap3A_199, %swap3A_200], %scan3A_169#6 {strides = array<i32>} : memref<17x512xf32, #tpu.memory_space<vmem>>, vector<16xf32>,
      %swap3A_202 = arith.constant 7 : i32
      %swap3A_203 = arith.index_cast %swap3A_202 : i32 to index
      %swap3A_204 = arith.index_cast %add3A_174 : i32 to index
      %swap3A_205 = tpu.vector_load %arg14[%swap3A_203, %swap3A_204] {strides = array<i32>} : memref<17x512xf32, #tpu.memory_space<vmem>>, vector<16xf32>,
      tpu.vector_store %arg14[%swap3A_203, %swap3A_204], %scan3A_169#7 {strides = array<i32>} : memref<17x512xf32, #tpu.memory_space<vmem>>, vector<16xf32>,
      %swap3A_206 = arith.constant 8 : i32
      %swap3A_207 = arith.index_cast %swap3A_206 : i32 to index
      %swap3A_208 = arith.index_cast %add3A_174 : i32 to index
      %swap3A_209 = tpu.vector_load %arg14[%swap3A_207, %swap3A_208] {strides = array<i32>} : memref<17x512xf32, #tpu.memory_space<vmem>>, vector<16xf32>,
      tpu.vector_store %arg14[%swap3A_207, %swap3A_208], %scan3A_169#8 {strides = array<i32>} : memref<17x512xf32, #tpu.memory_space<vmem>>, vector<16xf32>,
      %swap3A_210 = arith.constant 9 : i32
      %swap3A_211 = arith.index_cast %swap3A_210 : i32 to index
      %swap3A_212 = arith.index_cast %add3A_174 : i32 to index
      %swap3A_213 = tpu.vector_load %arg14[%swap3A_211, %swap3A_212] {strides = array<i32>} : memref<17x512xf32, #tpu.memory_space<vmem>>, vector<16xf32>,
      tpu.vector_store %arg14[%swap3A_211, %swap3A_212], %scan3A_169#9 {strides = array<i32>} : memref<17x512xf32, #tpu.memory_space<vmem>>, vector<16xf32>,
      %swap3A_214 = arith.constant 10 : i32
      %swap3A_215 = arith.index_cast %swap3A_214 : i32 to index
      %swap3A_216 = arith.index_cast %add3A_174 : i32 to index
      %swap3A_217 = tpu.vector_load %arg14[%swap3A_215, %swap3A_216] {strides = array<i32>} : memref<17x512xf32, #tpu.memory_space<vmem>>, vector<16xf32>,
      tpu.vector_store %arg14[%swap3A_215, %swap3A_216], %scan3A_169#10 {strides = array<i32>} : memref<17x512xf32, #tpu.memory_space<vmem>>, vector<16xf32>,
      %swap3A_218 = arith.constant 11 : i32
      %swap3A_219 = arith.index_cast %swap3A_218 : i32 to index
      %swap3A_220 = arith.index_cast %add3A_174 : i32 to index
      %swap3A_221 = tpu.vector_load %arg14[%swap3A_219, %swap3A_220] {strides = array<i32>} : memref<17x512xf32, #tpu.memory_space<vmem>>, vector<16xf32>,
      tpu.vector_store %arg14[%swap3A_219, %swap3A_220], %scan3A_169#11 {strides = array<i32>} : memref<17x512xf32, #tpu.memory_space<vmem>>, vector<16xf32>,
      %swap3A_222 = arith.constant 12 : i32
      %swap3A_223 = arith.index_cast %swap3A_222 : i32 to index
      %swap3A_224 = arith.index_cast %add3A_174 : i32 to index
      %swap3A_225 = tpu.vector_load %arg14[%swap3A_223, %swap3A_224] {strides = array<i32>} : memref<17x512xf32, #tpu.memory_space<vmem>>, vector<16xf32>,
      tpu.vector_store %arg14[%swap3A_223, %swap3A_224], %scan3A_169#12 {strides = array<i32>} : memref<17x512xf32, #tpu.memory_space<vmem>>, vector<16xf32>,
      %swap3A_226 = arith.constant 13 : i32
      %swap3A_227 = arith.index_cast %swap3A_226 : i32 to index
      %swap3A_228 = arith.index_cast %add3A_174 : i32 to index
      %swap3A_229 = tpu.vector_load %arg14[%swap3A_227, %swap3A_228] {strides = array<i32>} : memref<17x512xf32, #tpu.memory_space<vmem>>, vector<16xf32>,
      tpu.vector_store %arg14[%swap3A_227, %swap3A_228], %scan3A_169#13 {strides = array<i32>} : memref<17x512xf32, #tpu.memory_space<vmem>>, vector<16xf32>,
      %swap3A_230 = arith.constant 14 : i32
      %swap3A_231 = arith.index_cast %swap3A_230 : i32 to index
      %swap3A_232 = arith.index_cast %add3A_174 : i32 to index
      %swap3A_233 = tpu.vector_load %arg14[%swap3A_231, %swap3A_232] {strides = array<i32>} : memref<17x512xf32, #tpu.memory_space<vmem>>, vector<16xf32>,
      tpu.vector_store %arg14[%swap3A_231, %swap3A_232], %scan3A_169#14 {strides = array<i32>} : memref<17x512xf32, #tpu.memory_space<vmem>>, vector<16xf32>,
      %swap3A_234 = arith.constant 15 : i32
      %swap3A_235 = arith.index_cast %swap3A_234 : i32 to index
      %swap3A_236 = arith.index_cast %add3A_174 : i32 to index
      %swap3A_237 = tpu.vector_load %arg14[%swap3A_235, %swap3A_236] {strides = array<i32>} : memref<17x512xf32, #tpu.memory_space<vmem>>, vector<16xf32>,
      tpu.vector_store %arg14[%swap3A_235, %swap3A_236], %scan3A_169#15 {strides = array<i32>} : memref<17x512xf32, #tpu.memory_space<vmem>>, vector<16xf32>,
      %swap3A_238 = arith.constant 16 : i32
      %swap3A_239 = arith.index_cast %swap3A_238 : i32 to index
      %swap3A_240 = arith.index_cast %add3A_174 : i32 to index
      %swap3A_241 = tpu.vector_load %arg14[%swap3A_239, %swap3A_240] {strides = array<i32>} : memref<17x512xf32, #tpu.memory_space<vmem>>, vector<16xf32>,
      tpu.vector_store %arg14[%swap3A_239, %swap3A_240], %scan3A_169#16 {strides = array<i32>} : memref<17x512xf32, #tpu.memory_space<vmem>>, vector<16xf32>,
      %broadcast_in_dim3A_242 = arith.constant 0.000000e+00 : f32
      %broadcast_in_dim3A_243 = vector.broadcast %broadcast_in_dim3A_242 : f32 to vector<16xf32>
      %scan3A_244 = arith.constant 0 : i32
      %scan3A_245 = arith.constant 16 : i32
      %scan3A_246 = arith.addi %scan3A_244, %scan3A_245 : i32
      %scan3A_247 = arith.constant 1 : i32
      %scan3A_248:17 = scf.for %scan3A_322 = %scan3A_244 to %scan3A_246 step %scan3A_247 iter_args(%scan3A_323 = %broadcast_in_dim3A_243, %scan3A_324 = %broadcast_in_dim3A_243, %scan3A_325 = %broadcast_in_dim3A_243, %scan3A_326 = %broadcast_in_dim3A_243, %scan3A_327 = %broadcast_in_dim3A_243, %scan3A_328 = %broadcast_in_dim3A_243, %scan3A_329 = %broadcast_in_dim3A_243, %scan3A_330 = %broadcast_in_dim3A_243, %scan3A_331 = %broadcast_in_dim3A_243, %scan3A_332 = %broadcast_in_dim3A_243, %scan3A_333 = %broadcast_in_dim3A_243, %scan3A_334 = %broadcast_in_dim3A_243, %scan3A_335 = %broadcast_in_dim3A_243, %scan3A_336 = %broadcast_in_dim3A_243, %scan3A_337 = %broadcast_in_dim3A_243, %scan3A_338 = %broadcast_in_dim3A_243, %scan3A_339 = %broadcast_in_dim3A_243) -> (vector<16xf32>, vector<16xf32>, vector<16xf32>, vector<16xf32>, vector<16xf32>, vector<16xf32>, vector<16xf32>, vector<16xf32>, vector<16xf32>, vector<16xf32>, vector<16xf32>, vector<16xf32>, vector<16xf32>, vector<16xf32>, vector<16xf32>, vector<16xf32>, vector<16xf32>)  : i32 {
        %add3A_340 = arith.constant 16 : i32
        %add3A_341 = arith.addi %add3A_340, %scan3A_322 : i32
        %eq3A = vector.broadcast %scan3A_322 : i32 to vector<16xi32>
        %eq3A_342 = arith.cmpi eq, %iota3A, %eq3A : vector<16xi32>
        %broadcast_in_dim3A_343 = arith.constant 0.000000e+00 : f32
        %broadcast_in_dim3A_344 = vector.broadcast %broadcast_in_dim3A_343 : f32 to vector<16xf32>
        %broadcast_in_dim3A_345 = arith.constant 0.000000e+00 : f32
        %broadcast_in_dim3A_346 = vector.broadcast %broadcast_in_dim3A_345 : f32 to vector<16xf32>
        %broadcast_in_dim3A_347 = arith.constant 0.000000e+00 : f32
        %broadcast_in_dim3A_348 = vector.broadcast %broadcast_in_dim3A_347 : f32 to vector<16xf32>
        %broadcast_in_dim3A_349 = arith.constant 0.000000e+00 : f32
        %broadcast_in_dim3A_350 = vector.broadcast %broadcast_in_dim3A_349 : f32 to vector<16xf32>
        %mul3A_351 = arith.constant 20 : i32
        %mul3A_352 = arith.muli %add3A_341, %mul3A_351 : i32
        %add3A_353 = arith.constant 0 : i32
        %add3A_354 = arith.addi %mul3A_352, %add3A_353 : i32
        %get3A = arith.index_cast %add3A_354 : i32 to index
        %get3A_355 = arith.constant 0 : index
        %get3A_356 = tpu.vector_load %arg12[%get3A, %get3A_355] {strides = array<i32>} : memref<640x64xf32, #tpu.memory_space<vmem>>, vector<16xf32>,
        %add3A_357 = arith.addf %broadcast_in_dim3A_344, %get3A_356 : vector<16xf32>
        %get3A_358 = arith.index_cast %add3A_354 : i32 to index
        %get3A_359 = arith.constant 16 : index
        %get3A_360 = tpu.vector_load %arg12[%get3A_358, %get3A_359] {strides = array<i32>} : memref<640x64xf32, #tpu.memory_space<vmem>>, vector<16xf32>,
        %add3A_361 = arith.addf %broadcast_in_dim3A_346, %get3A_360 : vector<16xf32>
        %get3A_362 = arith.index_cast %add3A_354 : i32 to index
        %get3A_363 = arith.constant 32 : index
        %get3A_364 = tpu.vector_load %arg12[%get3A_362, %get3A_363] {strides = array<i32>} : memref<640x64xf32, #tpu.memory_space<vmem>>, vector<16xf32>,
        %add3A_365 = arith.addf %broadcast_in_dim3A_348, %get3A_364 : vector<16xf32>
        %get3A_366 = arith.index_cast %add3A_354 : i32 to index
        %get3A_367 = arith.constant 48 : index
        %get3A_368 = tpu.vector_load %arg12[%get3A_366, %get3A_367] {strides = array<i32>} : memref<640x64xf32, #tpu.memory_space<vmem>>, vector<16xf32>,
        %add3A_369 = arith.addf %broadcast_in_dim3A_350, %get3A_368 : vector<16xf32>
        %mul3A_370 = arith.constant 20 : i32
        %mul3A_371 = arith.muli %add3A_341, %mul3A_370 : i32
        %add3A_372 = arith.constant 1 : i32
        %add3A_373 = arith.addi %mul3A_371, %add3A_372 : i32
        %get3A_374 = arith.index_cast %add3A_373 : i32 to index
        %get3A_375 = arith.constant 0 : index
        %get3A_376 = tpu.vector_load %arg12[%get3A_374, %get3A_375] {strides = array<i32>} : memref<640x64xf32, #tpu.memory_space<vmem>>, vector<16xf32>,
        %add3A_377 = arith.addf %add3A_357, %get3A_376 : vector<16xf32>
        %get3A_378 = arith.index_cast %add3A_373 : i32 to index
        %get3A_379 = arith.constant 16 : index
        %get3A_380 = tpu.vector_load %arg12[%get3A_378, %get3A_379] {strides = array<i32>} : memref<640x64xf32, #tpu.memory_space<vmem>>, vector<16xf32>,
        %add3A_381 = arith.addf %add3A_361, %get3A_380 : vector<16xf32>
        %get3A_382 = arith.index_cast %add3A_373 : i32 to index
        %get3A_383 = arith.constant 32 : index
        %get3A_384 = tpu.vector_load %arg12[%get3A_382, %get3A_383] {strides = array<i32>} : memref<640x64xf32, #tpu.memory_space<vmem>>, vector<16xf32>,
        %add3A_385 = arith.addf %add3A_365, %get3A_384 : vector<16xf32>
        %get3A_386 = arith.index_cast %add3A_373 : i32 to index
        %get3A_387 = arith.constant 48 : index
        %get3A_388 = tpu.vector_load %arg12[%get3A_386, %get3A_387] {strides = array<i32>} : memref<640x64xf32, #tpu.memory_space<vmem>>, vector<16xf32>,
        %add3A_389 = arith.addf %add3A_369, %get3A_388 : vector<16xf32>
        %mul3A_390 = arith.constant 20 : i32
        %mul3A_391 = arith.muli %add3A_341, %mul3A_390 : i32
        %add3A_392 = arith.constant 2 : i32
        %add3A_393 = arith.addi %mul3A_391, %add3A_392 : i32
        %get3A_394 = arith.index_cast %add3A_393 : i32 to index
        %get3A_395 = arith.constant 0 : index
        %get3A_396 = tpu.vector_load %arg12[%get3A_394, %get3A_395] {strides = array<i32>} : memref<640x64xf32, #tpu.memory_space<vmem>>, vector<16xf32>,
        %add3A_397 = arith.addf %add3A_377, %get3A_396 : vector<16xf32>
        %get3A_398 = arith.index_cast %add3A_393 : i32 to index
        %get3A_399 = arith.constant 16 : index
        %get3A_400 = tpu.vector_load %arg12[%get3A_398, %get3A_399] {strides = array<i32>} : memref<640x64xf32, #tpu.memory_space<vmem>>, vector<16xf32>,
        %add3A_401 = arith.addf %add3A_381, %get3A_400 : vector<16xf32>
        %get3A_402 = arith.index_cast %add3A_393 : i32 to index
        %get3A_403 = arith.constant 32 : index
        %get3A_404 = tpu.vector_load %arg12[%get3A_402, %get3A_403] {strides = array<i32>} : memref<640x64xf32, #tpu.memory_space<vmem>>, vector<16xf32>,
        %add3A_405 = arith.addf %add3A_385, %get3A_404 : vector<16xf32>
        %get3A_406 = arith.index_cast %add3A_393 : i32 to index
        %get3A_407 = arith.constant 48 : index
        %get3A_408 = tpu.vector_load %arg12[%get3A_406, %get3A_407] {strides = array<i32>} : memref<640x64xf32, #tpu.memory_space<vmem>>, vector<16xf32>,
        %add3A_409 = arith.addf %add3A_389, %get3A_408 : vector<16xf32>
        %mul3A_410 = arith.constant 20 : i32
        %mul3A_411 = arith.muli %add3A_341, %mul3A_410 : i32
        %add3A_412 = arith.constant 3 : i32
        %add3A_413 = arith.addi %mul3A_411, %add3A_412 : i32
        %get3A_414 = arith.index_cast %add3A_413 : i32 to index
        %get3A_415 = arith.constant 0 : index
        %get3A_416 = tpu.vector_load %arg12[%get3A_414, %get3A_415] {strides = array<i32>} : memref<640x64xf32, #tpu.memory_space<vmem>>, vector<16xf32>,
        %add3A_417 = arith.addf %add3A_397, %get3A_416 : vector<16xf32>
        %get3A_418 = arith.index_cast %add3A_413 : i32 to index
        %get3A_419 = arith.constant 16 : index
        %get3A_420 = tpu.vector_load %arg12[%get3A_418, %get3A_419] {strides = array<i32>} : memref<640x64xf32, #tpu.memory_space<vmem>>, vector<16xf32>,
        %add3A_421 = arith.addf %add3A_401, %get3A_420 : vector<16xf32>
        %get3A_422 = arith.index_cast %add3A_413 : i32 to index
        %get3A_423 = arith.constant 32 : index
        %get3A_424 = tpu.vector_load %arg12[%get3A_422, %get3A_423] {strides = array<i32>} : memref<640x64xf32, #tpu.memory_space<vmem>>, vector<16xf32>,
        %add3A_425 = arith.addf %add3A_405, %get3A_424 : vector<16xf32>
        %get3A_426 = arith.index_cast %add3A_413 : i32 to index
        %get3A_427 = arith.constant 48 : index
        %get3A_428 = tpu.vector_load %arg12[%get3A_426, %get3A_427] {strides = array<i32>} : memref<640x64xf32, #tpu.memory_space<vmem>>, vector<16xf32>,
        %add3A_429 = arith.addf %add3A_409, %get3A_428 : vector<16xf32>
        %mul3A_430 = arith.constant 20 : i32
        %mul3A_431 = arith.muli %add3A_341, %mul3A_430 : i32
        %add3A_432 = arith.constant 4 : i32
        %add3A_433 = arith.addi %mul3A_431, %add3A_432 : i32
        %get3A_434 = arith.index_cast %add3A_433 : i32 to index
        %get3A_435 = arith.constant 0 : index
        %get3A_436 = tpu.vector_load %arg12[%get3A_434, %get3A_435] {strides = array<i32>} : memref<640x64xf32, #tpu.memory_space<vmem>>, vector<16xf32>,
        %add3A_437 = arith.addf %add3A_417, %get3A_436 : vector<16xf32>
        %get3A_438 = arith.index_cast %add3A_433 : i32 to index
        %get3A_439 = arith.constant 16 : index
        %get3A_440 = tpu.vector_load %arg12[%get3A_438, %get3A_439] {strides = array<i32>} : memref<640x64xf32, #tpu.memory_space<vmem>>, vector<16xf32>,
        %add3A_441 = arith.addf %add3A_421, %get3A_440 : vector<16xf32>
        %get3A_442 = arith.index_cast %add3A_433 : i32 to index
        %get3A_443 = arith.constant 32 : index
        %get3A_444 = tpu.vector_load %arg12[%get3A_442, %get3A_443] {strides = array<i32>} : memref<640x64xf32, #tpu.memory_space<vmem>>, vector<16xf32>,
        %add3A_445 = arith.addf %add3A_425, %get3A_444 : vector<16xf32>
        %get3A_446 = arith.index_cast %add3A_433 : i32 to index
        %get3A_447 = arith.constant 48 : index
        %get3A_448 = tpu.vector_load %arg12[%get3A_446, %get3A_447] {strides = array<i32>} : memref<640x64xf32, #tpu.memory_space<vmem>>, vector<16xf32>,
        %add3A_449 = arith.addf %add3A_429, %get3A_448 : vector<16xf32>
        %mul3A_450 = arith.constant 20 : i32
        %mul3A_451 = arith.muli %add3A_341, %mul3A_450 : i32
        %add3A_452 = arith.constant 5 : i32
        %add3A_453 = arith.addi %mul3A_451, %add3A_452 : i32
        %get3A_454 = arith.index_cast %add3A_453 : i32 to index
        %get3A_455 = arith.constant 0 : index
        %get3A_456 = tpu.vector_load %arg12[%get3A_454, %get3A_455] {strides = array<i32>} : memref<640x64xf32, #tpu.memory_space<vmem>>, vector<16xf32>,
        %add3A_457 = arith.addf %add3A_437, %get3A_456 : vector<16xf32>
        %get3A_458 = arith.index_cast %add3A_453 : i32 to index
        %get3A_459 = arith.constant 16 : index
        %get3A_460 = tpu.vector_load %arg12[%get3A_458, %get3A_459] {strides = array<i32>} : memref<640x64xf32, #tpu.memory_space<vmem>>, vector<16xf32>,
        %add3A_461 = arith.addf %add3A_441, %get3A_460 : vector<16xf32>
        %get3A_462 = arith.index_cast %add3A_453 : i32 to index
        %get3A_463 = arith.constant 32 : index
        %get3A_464 = tpu.vector_load %arg12[%get3A_462, %get3A_463] {strides = array<i32>} : memref<640x64xf32, #tpu.memory_space<vmem>>, vector<16xf32>,
        %add3A_465 = arith.addf %add3A_445, %get3A_464 : vector<16xf32>
        %get3A_466 = arith.index_cast %add3A_453 : i32 to index
        %get3A_467 = arith.constant 48 : index
        %get3A_468 = tpu.vector_load %arg12[%get3A_466, %get3A_467] {strides = array<i32>} : memref<640x64xf32, #tpu.memory_space<vmem>>, vector<16xf32>,
        %add3A_469 = arith.addf %add3A_449, %get3A_468 : vector<16xf32>
        %mul3A_470 = arith.constant 20 : i32
        %mul3A_471 = arith.muli %add3A_341, %mul3A_470 : i32
        %add3A_472 = arith.constant 6 : i32
        %add3A_473 = arith.addi %mul3A_471, %add3A_472 : i32
        %get3A_474 = arith.index_cast %add3A_473 : i32 to index
        %get3A_475 = arith.constant 0 : index
        %get3A_476 = tpu.vector_load %arg12[%get3A_474, %get3A_475] {strides = array<i32>} : memref<640x64xf32, #tpu.memory_space<vmem>>, vector<16xf32>,
        %add3A_477 = arith.addf %add3A_457, %get3A_476 : vector<16xf32>
        %get3A_478 = arith.index_cast %add3A_473 : i32 to index
        %get3A_479 = arith.constant 16 : index
        %get3A_480 = tpu.vector_load %arg12[%get3A_478, %get3A_479] {strides = array<i32>} : memref<640x64xf32, #tpu.memory_space<vmem>>, vector<16xf32>,
        %add3A_481 = arith.addf %add3A_461, %get3A_480 : vector<16xf32>
        %get3A_482 = arith.index_cast %add3A_473 : i32 to index
        %get3A_483 = arith.constant 32 : index
        %get3A_484 = tpu.vector_load %arg12[%get3A_482, %get3A_483] {strides = array<i32>} : memref<640x64xf32, #tpu.memory_space<vmem>>, vector<16xf32>,
        %add3A_485 = arith.addf %add3A_465, %get3A_484 : vector<16xf32>
        %get3A_486 = arith.index_cast %add3A_473 : i32 to index
        %get3A_487 = arith.constant 48 : index
        %get3A_488 = tpu.vector_load %arg12[%get3A_486, %get3A_487] {strides = array<i32>} : memref<640x64xf32, #tpu.memory_space<vmem>>, vector<16xf32>,
        %add3A_489 = arith.addf %add3A_469, %get3A_488 : vector<16xf32>
        %mul3A_490 = arith.constant 20 : i32
        %mul3A_491 = arith.muli %add3A_341, %mul3A_490 : i32
        %add3A_492 = arith.constant 7 : i32
        %add3A_493 = arith.addi %mul3A_491, %add3A_492 : i32
        %get3A_494 = arith.index_cast %add3A_493 : i32 to index
        %get3A_495 = arith.constant 0 : index
        %get3A_496 = tpu.vector_load %arg12[%get3A_494, %get3A_495] {strides = array<i32>} : memref<640x64xf32, #tpu.memory_space<vmem>>, vector<16xf32>,
        %add3A_497 = arith.addf %add3A_477, %get3A_496 : vector<16xf32>
        %get3A_498 = arith.index_cast %add3A_493 : i32 to index
        %get3A_499 = arith.constant 16 : index
        %get3A_500 = tpu.vector_load %arg12[%get3A_498, %get3A_499] {strides = array<i32>} : memref<640x64xf32, #tpu.memory_space<vmem>>, vector<16xf32>,
        %add3A_501 = arith.addf %add3A_481, %get3A_500 : vector<16xf32>
        %get3A_502 = arith.index_cast %add3A_493 : i32 to index
        %get3A_503 = arith.constant 32 : index
        %get3A_504 = tpu.vector_load %arg12[%get3A_502, %get3A_503] {strides = array<i32>} : memref<640x64xf32, #tpu.memory_space<vmem>>, vector<16xf32>,
        %add3A_505 = arith.addf %add3A_485, %get3A_504 : vector<16xf32>
        %get3A_506 = arith.index_cast %add3A_493 : i32 to index
        %get3A_507 = arith.constant 48 : index
        %get3A_508 = tpu.vector_load %arg12[%get3A_506, %get3A_507] {strides = array<i32>} : memref<640x64xf32, #tpu.memory_space<vmem>>, vector<16xf32>,
        %add3A_509 = arith.addf %add3A_489, %get3A_508 : vector<16xf32>
        %mul3A_510 = arith.constant 20 : i32
        %mul3A_511 = arith.muli %add3A_341, %mul3A_510 : i32
        %add3A_512 = arith.constant 8 : i32
        %add3A_513 = arith.addi %mul3A_511, %add3A_512 : i32
        %get3A_514 = arith.index_cast %add3A_513 : i32 to index
        %get3A_515 = arith.constant 0 : index
        %get3A_516 = tpu.vector_load %arg12[%get3A_514, %get3A_515] {strides = array<i32>} : memref<640x64xf32, #tpu.memory_space<vmem>>, vector<16xf32>,
        %add3A_517 = arith.addf %add3A_497, %get3A_516 : vector<16xf32>
        %get3A_518 = arith.index_cast %add3A_513 : i32 to index
        %get3A_519 = arith.constant 16 : index
        %get3A_520 = tpu.vector_load %arg12[%get3A_518, %get3A_519] {strides = array<i32>} : memref<640x64xf32, #tpu.memory_space<vmem>>, vector<16xf32>,
        %add3A_521 = arith.addf %add3A_501, %get3A_520 : vector<16xf32>
        %get3A_522 = arith.index_cast %add3A_513 : i32 to index
        %get3A_523 = arith.constant 32 : index
        %get3A_524 = tpu.vector_load %arg12[%get3A_522, %get3A_523] {strides = array<i32>} : memref<640x64xf32, #tpu.memory_space<vmem>>, vector<16xf32>,
        %add3A_525 = arith.addf %add3A_505, %get3A_524 : vector<16xf32>
        %get3A_526 = arith.index_cast %add3A_513 : i32 to index
        %get3A_527 = arith.constant 48 : index
        %get3A_528 = tpu.vector_load %arg12[%get3A_526, %get3A_527] {strides = array<i32>} : memref<640x64xf32, #tpu.memory_space<vmem>>, vector<16xf32>,
        %add3A_529 = arith.addf %add3A_509, %get3A_528 : vector<16xf32>
        %mul3A_530 = arith.constant 20 : i32
        %mul3A_531 = arith.muli %add3A_341, %mul3A_530 : i32
        %add3A_532 = arith.constant 9 : i32
        %add3A_533 = arith.addi %mul3A_531, %add3A_532 : i32
        %get3A_534 = arith.index_cast %add3A_533 : i32 to index
        %get3A_535 = arith.constant 0 : index
        %get3A_536 = tpu.vector_load %arg12[%get3A_534, %get3A_535] {strides = array<i32>} : memref<640x64xf32, #tpu.memory_space<vmem>>, vector<16xf32>,
        %add3A_537 = arith.addf %add3A_517, %get3A_536 : vector<16xf32>
        %get3A_538 = arith.index_cast %add3A_533 : i32 to index
        %get3A_539 = arith.constant 16 : index
        %get3A_540 = tpu.vector_load %arg12[%get3A_538, %get3A_539] {strides = array<i32>} : memref<640x64xf32, #tpu.memory_space<vmem>>, vector<16xf32>,
        %add3A_541 = arith.addf %add3A_521, %get3A_540 : vector<16xf32>
        %get3A_542 = arith.index_cast %add3A_533 : i32 to index
        %get3A_543 = arith.constant 32 : index
        %get3A_544 = tpu.vector_load %arg12[%get3A_542, %get3A_543] {strides = array<i32>} : memref<640x64xf32, #tpu.memory_space<vmem>>, vector<16xf32>,
        %add3A_545 = arith.addf %add3A_525, %get3A_544 : vector<16xf32>
        %get3A_546 = arith.index_cast %add3A_533 : i32 to index
        %get3A_547 = arith.constant 48 : index
        %get3A_548 = tpu.vector_load %arg12[%get3A_546, %get3A_547] {strides = array<i32>} : memref<640x64xf32, #tpu.memory_space<vmem>>, vector<16xf32>,
        %add3A_549 = arith.addf %add3A_529, %get3A_548 : vector<16xf32>
        %mul3A_550 = arith.constant 20 : i32
        %mul3A_551 = arith.muli %add3A_341, %mul3A_550 : i32
        %add3A_552 = arith.constant 10 : i32
        %add3A_553 = arith.addi %mul3A_551, %add3A_552 : i32
        %get3A_554 = arith.index_cast %add3A_553 : i32 to index
        %get3A_555 = arith.constant 0 : index
        %get3A_556 = tpu.vector_load %arg12[%get3A_554, %get3A_555] {strides = array<i32>} : memref<640x64xf32, #tpu.memory_space<vmem>>, vector<16xf32>,
        %add3A_557 = arith.addf %add3A_537, %get3A_556 : vector<16xf32>
        %get3A_558 = arith.index_cast %add3A_553 : i32 to index
        %get3A_559 = arith.constant 16 : index
        %get3A_560 = tpu.vector_load %arg12[%get3A_558, %get3A_559] {strides = array<i32>} : memref<640x64xf32, #tpu.memory_space<vmem>>, vector<16xf32>,
        %add3A_561 = arith.addf %add3A_541, %get3A_560 : vector<16xf32>
        %get3A_562 = arith.index_cast %add3A_553 : i32 to index
        %get3A_563 = arith.constant 32 : index
        %get3A_564 = tpu.vector_load %arg12[%get3A_562, %get3A_563] {strides = array<i32>} : memref<640x64xf32, #tpu.memory_space<vmem>>, vector<16xf32>,
        %add3A_565 = arith.addf %add3A_545, %get3A_564 : vector<16xf32>
        %get3A_566 = arith.index_cast %add3A_553 : i32 to index
        %get3A_567 = arith.constant 48 : index
        %get3A_568 = tpu.vector_load %arg12[%get3A_566, %get3A_567] {strides = array<i32>} : memref<640x64xf32, #tpu.memory_space<vmem>>, vector<16xf32>,
        %add3A_569 = arith.addf %add3A_549, %get3A_568 : vector<16xf32>
        %mul3A_570 = arith.constant 20 : i32
        %mul3A_571 = arith.muli %add3A_341, %mul3A_570 : i32
        %add3A_572 = arith.constant 11 : i32
        %add3A_573 = arith.addi %mul3A_571, %add3A_572 : i32
        %get3A_574 = arith.index_cast %add3A_573 : i32 to index
        %get3A_575 = arith.constant 0 : index
        %get3A_576 = tpu.vector_load %arg12[%get3A_574, %get3A_575] {strides = array<i32>} : memref<640x64xf32, #tpu.memory_space<vmem>>, vector<16xf32>,
        %add3A_577 = arith.addf %add3A_557, %get3A_576 : vector<16xf32>
        %get3A_578 = arith.index_cast %add3A_573 : i32 to index
        %get3A_579 = arith.constant 16 : index
        %get3A_580 = tpu.vector_load %arg12[%get3A_578, %get3A_579] {strides = array<i32>} : memref<640x64xf32, #tpu.memory_space<vmem>>, vector<16xf32>,
        %add3A_581 = arith.addf %add3A_561, %get3A_580 : vector<16xf32>
        %get3A_582 = arith.index_cast %add3A_573 : i32 to index
        %get3A_583 = arith.constant 32 : index
        %get3A_584 = tpu.vector_load %arg12[%get3A_582, %get3A_583] {strides = array<i32>} : memref<640x64xf32, #tpu.memory_space<vmem>>, vector<16xf32>,
        %add3A_585 = arith.addf %add3A_565, %get3A_584 : vector<16xf32>
        %get3A_586 = arith.index_cast %add3A_573 : i32 to index
        %get3A_587 = arith.constant 48 : index
        %get3A_588 = tpu.vector_load %arg12[%get3A_586, %get3A_587] {strides = array<i32>} : memref<640x64xf32, #tpu.memory_space<vmem>>, vector<16xf32>,
        %add3A_589 = arith.addf %add3A_569, %get3A_588 : vector<16xf32>
        %mul3A_590 = arith.constant 20 : i32
        %mul3A_591 = arith.muli %add3A_341, %mul3A_590 : i32
        %add3A_592 = arith.constant 12 : i32
        %add3A_593 = arith.addi %mul3A_591, %add3A_592 : i32
        %get3A_594 = arith.index_cast %add3A_593 : i32 to index
        %get3A_595 = arith.constant 0 : index
        %get3A_596 = tpu.vector_load %arg12[%get3A_594, %get3A_595] {strides = array<i32>} : memref<640x64xf32, #tpu.memory_space<vmem>>, vector<16xf32>,
        %add3A_597 = arith.addf %add3A_577, %get3A_596 : vector<16xf32>
        %get3A_598 = arith.index_cast %add3A_593 : i32 to index
        %get3A_599 = arith.constant 16 : index
        %get3A_600 = tpu.vector_load %arg12[%get3A_598, %get3A_599] {strides = array<i32>} : memref<640x64xf32, #tpu.memory_space<vmem>>, vector<16xf32>,
        %add3A_601 = arith.addf %add3A_581, %get3A_600 : vector<16xf32>
        %get3A_602 = arith.index_cast %add3A_593 : i32 to index
        %get3A_603 = arith.constant 32 : index
        %get3A_604 = tpu.vector_load %arg12[%get3A_602, %get3A_603] {strides = array<i32>} : memref<640x64xf32, #tpu.memory_space<vmem>>, vector<16xf32>,
        %add3A_605 = arith.addf %add3A_585, %get3A_604 : vector<16xf32>
        %get3A_606 = arith.index_cast %add3A_593 : i32 to index
        %get3A_607 = arith.constant 48 : index
        %get3A_608 = tpu.vector_load %arg12[%get3A_606, %get3A_607] {strides = array<i32>} : memref<640x64xf32, #tpu.memory_space<vmem>>, vector<16xf32>,
        %add3A_609 = arith.addf %add3A_589, %get3A_608 : vector<16xf32>
        %mul3A_610 = arith.constant 20 : i32
        %mul3A_611 = arith.muli %add3A_341, %mul3A_610 : i32
        %add3A_612 = arith.constant 13 : i32
        %add3A_613 = arith.addi %mul3A_611, %add3A_612 : i32
        %get3A_614 = arith.index_cast %add3A_613 : i32 to index
        %get3A_615 = arith.constant 0 : index
        %get3A_616 = tpu.vector_load %arg12[%get3A_614, %get3A_615] {strides = array<i32>} : memref<640x64xf32, #tpu.memory_space<vmem>>, vector<16xf32>,
        %add3A_617 = arith.addf %add3A_597, %get3A_616 : vector<16xf32>
        %get3A_618 = arith.index_cast %add3A_613 : i32 to index
        %get3A_619 = arith.constant 16 : index
        %get3A_620 = tpu.vector_load %arg12[%get3A_618, %get3A_619] {strides = array<i32>} : memref<640x64xf32, #tpu.memory_space<vmem>>, vector<16xf32>,
        %add3A_621 = arith.addf %add3A_601, %get3A_620 : vector<16xf32>
        %get3A_622 = arith.index_cast %add3A_613 : i32 to index
        %get3A_623 = arith.constant 32 : index
        %get3A_624 = tpu.vector_load %arg12[%get3A_622, %get3A_623] {strides = array<i32>} : memref<640x64xf32, #tpu.memory_space<vmem>>, vector<16xf32>,
        %add3A_625 = arith.addf %add3A_605, %get3A_624 : vector<16xf32>
        %get3A_626 = arith.index_cast %add3A_613 : i32 to index
        %get3A_627 = arith.constant 48 : index
        %get3A_628 = tpu.vector_load %arg12[%get3A_626, %get3A_627] {strides = array<i32>} : memref<640x64xf32, #tpu.memory_space<vmem>>, vector<16xf32>,
        %add3A_629 = arith.addf %add3A_609, %get3A_628 : vector<16xf32>
        %mul3A_630 = arith.constant 20 : i32
        %mul3A_631 = arith.muli %add3A_341, %mul3A_630 : i32
        %add3A_632 = arith.constant 14 : i32
        %add3A_633 = arith.addi %mul3A_631, %add3A_632 : i32
        %get3A_634 = arith.index_cast %add3A_633 : i32 to index
        %get3A_635 = arith.constant 0 : index
        %get3A_636 = tpu.vector_load %arg12[%get3A_634, %get3A_635] {strides = array<i32>} : memref<640x64xf32, #tpu.memory_space<vmem>>, vector<16xf32>,
        %add3A_637 = arith.addf %add3A_617, %get3A_636 : vector<16xf32>
        %get3A_638 = arith.index_cast %add3A_633 : i32 to index
        %get3A_639 = arith.constant 16 : index
        %get3A_640 = tpu.vector_load %arg12[%get3A_638, %get3A_639] {strides = array<i32>} : memref<640x64xf32, #tpu.memory_space<vmem>>, vector<16xf32>,
        %add3A_641 = arith.addf %add3A_621, %get3A_640 : vector<16xf32>
        %get3A_642 = arith.index_cast %add3A_633 : i32 to index
        %get3A_643 = arith.constant 32 : index
        %get3A_644 = tpu.vector_load %arg12[%get3A_642, %get3A_643] {strides = array<i32>} : memref<640x64xf32, #tpu.memory_space<vmem>>, vector<16xf32>,
        %add3A_645 = arith.addf %add3A_625, %get3A_644 : vector<16xf32>
        %get3A_646 = arith.index_cast %add3A_633 : i32 to index
        %get3A_647 = arith.constant 48 : index
        %get3A_648 = tpu.vector_load %arg12[%get3A_646, %get3A_647] {strides = array<i32>} : memref<640x64xf32, #tpu.memory_space<vmem>>, vector<16xf32>,
        %add3A_649 = arith.addf %add3A_629, %get3A_648 : vector<16xf32>
        %mul3A_650 = arith.constant 20 : i32
        %mul3A_651 = arith.muli %add3A_341, %mul3A_650 : i32
        %add3A_652 = arith.constant 15 : i32
        %add3A_653 = arith.addi %mul3A_651, %add3A_652 : i32
        %get3A_654 = arith.index_cast %add3A_653 : i32 to index
        %get3A_655 = arith.constant 0 : index
        %get3A_656 = tpu.vector_load %arg12[%get3A_654, %get3A_655] {strides = array<i32>} : memref<640x64xf32, #tpu.memory_space<vmem>>, vector<16xf32>,
        %add3A_657 = arith.addf %add3A_637, %get3A_656 : vector<16xf32>
        %get3A_658 = arith.index_cast %add3A_653 : i32 to index
        %get3A_659 = arith.constant 16 : index
        %get3A_660 = tpu.vector_load %arg12[%get3A_658, %get3A_659] {strides = array<i32>} : memref<640x64xf32, #tpu.memory_space<vmem>>, vector<16xf32>,
        %add3A_661 = arith.addf %add3A_641, %get3A_660 : vector<16xf32>
        %get3A_662 = arith.index_cast %add3A_653 : i32 to index
        %get3A_663 = arith.constant 32 : index
        %get3A_664 = tpu.vector_load %arg12[%get3A_662, %get3A_663] {strides = array<i32>} : memref<640x64xf32, #tpu.memory_space<vmem>>, vector<16xf32>,
        %add3A_665 = arith.addf %add3A_645, %get3A_664 : vector<16xf32>
        %get3A_666 = arith.index_cast %add3A_653 : i32 to index
        %get3A_667 = arith.constant 48 : index
        %get3A_668 = tpu.vector_load %arg12[%get3A_666, %get3A_667] {strides = array<i32>} : memref<640x64xf32, #tpu.memory_space<vmem>>, vector<16xf32>,
        %add3A_669 = arith.addf %add3A_649, %get3A_668 : vector<16xf32>
        %mul3A_670 = arith.constant 20 : i32
        %mul3A_671 = arith.muli %add3A_341, %mul3A_670 : i32
        %add3A_672 = arith.constant 16 : i32
        %add3A_673 = arith.addi %mul3A_671, %add3A_672 : i32
        %get3A_674 = arith.index_cast %add3A_673 : i32 to index
        %get3A_675 = arith.constant 0 : index
        %get3A_676 = tpu.vector_load %arg12[%get3A_674, %get3A_675] {strides = array<i32>} : memref<640x64xf32, #tpu.memory_space<vmem>>, vector<16xf32>,
        %add3A_677 = arith.addf %add3A_657, %get3A_676 : vector<16xf32>
        %get3A_678 = arith.index_cast %add3A_673 : i32 to index
        %get3A_679 = arith.constant 16 : index
        %get3A_680 = tpu.vector_load %arg12[%get3A_678, %get3A_679] {strides = array<i32>} : memref<640x64xf32, #tpu.memory_space<vmem>>, vector<16xf32>,
        %add3A_681 = arith.addf %add3A_661, %get3A_680 : vector<16xf32>
        %get3A_682 = arith.index_cast %add3A_673 : i32 to index
        %get3A_683 = arith.constant 32 : index
        %get3A_684 = tpu.vector_load %arg12[%get3A_682, %get3A_683] {strides = array<i32>} : memref<640x64xf32, #tpu.memory_space<vmem>>, vector<16xf32>,
        %add3A_685 = arith.addf %add3A_665, %get3A_684 : vector<16xf32>
        %get3A_686 = arith.index_cast %add3A_673 : i32 to index
        %get3A_687 = arith.constant 48 : index
        %get3A_688 = tpu.vector_load %arg12[%get3A_686, %get3A_687] {strides = array<i32>} : memref<640x64xf32, #tpu.memory_space<vmem>>, vector<16xf32>,
        %add3A_689 = arith.addf %add3A_669, %get3A_688 : vector<16xf32>
        %mul3A_690 = arith.constant 20 : i32
        %mul3A_691 = arith.muli %add3A_341, %mul3A_690 : i32
        %add3A_692 = arith.constant 17 : i32
        %add3A_693 = arith.addi %mul3A_691, %add3A_692 : i32
        %get3A_694 = arith.index_cast %add3A_693 : i32 to index
        %get3A_695 = arith.constant 0 : index
        %get3A_696 = tpu.vector_load %arg12[%get3A_694, %get3A_695] {strides = array<i32>} : memref<640x64xf32, #tpu.memory_space<vmem>>, vector<16xf32>,
        %add3A_697 = arith.addf %add3A_677, %get3A_696 : vector<16xf32>
        %get3A_698 = arith.index_cast %add3A_693 : i32 to index
        %get3A_699 = arith.constant 16 : index
        %get3A_700 = tpu.vector_load %arg12[%get3A_698, %get3A_699] {strides = array<i32>} : memref<640x64xf32, #tpu.memory_space<vmem>>, vector<16xf32>,
        %add3A_701 = arith.addf %add3A_681, %get3A_700 : vector<16xf32>
        %get3A_702 = arith.index_cast %add3A_693 : i32 to index
        %get3A_703 = arith.constant 32 : index
        %get3A_704 = tpu.vector_load %arg12[%get3A_702, %get3A_703] {strides = array<i32>} : memref<640x64xf32, #tpu.memory_space<vmem>>, vector<16xf32>,
        %add3A_705 = arith.addf %add3A_685, %get3A_704 : vector<16xf32>
        %get3A_706 = arith.index_cast %add3A_693 : i32 to index
        %get3A_707 = arith.constant 48 : index
        %get3A_708 = tpu.vector_load %arg12[%get3A_706, %get3A_707] {strides = array<i32>} : memref<640x64xf32, #tpu.memory_space<vmem>>, vector<16xf32>,
        %add3A_709 = arith.addf %add3A_689, %get3A_708 : vector<16xf32>
        %mul3A_710 = arith.constant 20 : i32
        %mul3A_711 = arith.muli %add3A_341, %mul3A_710 : i32
        %add3A_712 = arith.constant 18 : i32
        %add3A_713 = arith.addi %mul3A_711, %add3A_712 : i32
        %get3A_714 = arith.index_cast %add3A_713 : i32 to index
        %get3A_715 = arith.constant 0 : index
        %get3A_716 = tpu.vector_load %arg12[%get3A_714, %get3A_715] {strides = array<i32>} : memref<640x64xf32, #tpu.memory_space<vmem>>, vector<16xf32>,
        %add3A_717 = arith.addf %add3A_697, %get3A_716 : vector<16xf32>
        %get3A_718 = arith.index_cast %add3A_713 : i32 to index
        %get3A_719 = arith.constant 16 : index
        %get3A_720 = tpu.vector_load %arg12[%get3A_718, %get3A_719] {strides = array<i32>} : memref<640x64xf32, #tpu.memory_space<vmem>>, vector<16xf32>,
        %add3A_721 = arith.addf %add3A_701, %get3A_720 : vector<16xf32>
        %get3A_722 = arith.index_cast %add3A_713 : i32 to index
        %get3A_723 = arith.constant 32 : index
        %get3A_724 = tpu.vector_load %arg12[%get3A_722, %get3A_723] {strides = array<i32>} : memref<640x64xf32, #tpu.memory_space<vmem>>, vector<16xf32>,
        %add3A_725 = arith.addf %add3A_705, %get3A_724 : vector<16xf32>
        %get3A_726 = arith.index_cast %add3A_713 : i32 to index
        %get3A_727 = arith.constant 48 : index
        %get3A_728 = tpu.vector_load %arg12[%get3A_726, %get3A_727] {strides = array<i32>} : memref<640x64xf32, #tpu.memory_space<vmem>>, vector<16xf32>,
        %add3A_729 = arith.addf %add3A_709, %get3A_728 : vector<16xf32>
        %mul3A_730 = arith.constant 20 : i32
        %mul3A_731 = arith.muli %add3A_341, %mul3A_730 : i32
        %add3A_732 = arith.constant 19 : i32
        %add3A_733 = arith.addi %mul3A_731, %add3A_732 : i32
        %get3A_734 = arith.index_cast %add3A_733 : i32 to index
        %get3A_735 = arith.constant 0 : index
        %get3A_736 = tpu.vector_load %arg12[%get3A_734, %get3A_735] {strides = array<i32>} : memref<640x64xf32, #tpu.memory_space<vmem>>, vector<16xf32>,
        %add3A_737 = arith.addf %add3A_717, %get3A_736 : vector<16xf32>
        %get3A_738 = arith.index_cast %add3A_733 : i32 to index
        %get3A_739 = arith.constant 16 : index
        %get3A_740 = tpu.vector_load %arg12[%get3A_738, %get3A_739] {strides = array<i32>} : memref<640x64xf32, #tpu.memory_space<vmem>>, vector<16xf32>,
        %add3A_741 = arith.addf %add3A_721, %get3A_740 : vector<16xf32>
        %get3A_742 = arith.index_cast %add3A_733 : i32 to index
        %get3A_743 = arith.constant 32 : index
        %get3A_744 = tpu.vector_load %arg12[%get3A_742, %get3A_743] {strides = array<i32>} : memref<640x64xf32, #tpu.memory_space<vmem>>, vector<16xf32>,
        %add3A_745 = arith.addf %add3A_725, %get3A_744 : vector<16xf32>
        %get3A_746 = arith.index_cast %add3A_733 : i32 to index
        %get3A_747 = arith.constant 48 : index
        %get3A_748 = tpu.vector_load %arg12[%get3A_746, %get3A_747] {strides = array<i32>} : memref<640x64xf32, #tpu.memory_space<vmem>>, vector<16xf32>,
        %add3A_749 = arith.addf %add3A_729, %get3A_748 : vector<16xf32>
        %get3A_750 = arith.index_cast %add3A_341 : i32 to index
        %get3A_751 = arith.constant 0 : index
        %get3A_752 = tpu.vector_load %arg11[%get3A_750, %get3A_751] {strides = array<i32>} : memref<32x64xf32, #tpu.memory_space<vmem>>, vector<16xf32>,
        %mul3A_753 = arith.mulf %get3A_752, %add3A_737 : vector<16xf32>
        %get3A_754 = arith.index_cast %add3A_341 : i32 to index
        %get3A_755 = arith.constant 16 : index
        %get3A_756 = tpu.vector_load %arg11[%get3A_754, %get3A_755] {strides = array<i32>} : memref<32x64xf32, #tpu.memory_space<vmem>>, vector<16xf32>,
        %mul3A_757 = arith.mulf %get3A_756, %add3A_741 : vector<16xf32>
        %add3A_758 = arith.addf %mul3A_753, %mul3A_757 : vector<16xf32>
        %get3A_759 = arith.index_cast %add3A_341 : i32 to index
        %get3A_760 = arith.constant 32 : index
        %get3A_761 = tpu.vector_load %arg11[%get3A_759, %get3A_760] {strides = array<i32>} : memref<32x64xf32, #tpu.memory_space<vmem>>, vector<16xf32>,
        %mul3A_762 = arith.mulf %get3A_761, %add3A_745 : vector<16xf32>
        %add3A_763 = arith.addf %add3A_758, %mul3A_762 : vector<16xf32>
        %get3A_764 = arith.index_cast %add3A_341 : i32 to index
        %get3A_765 = arith.constant 48 : index
        %get3A_766 = tpu.vector_load %arg11[%get3A_764, %get3A_765] {strides = array<i32>} : memref<32x64xf32, #tpu.memory_space<vmem>>, vector<16xf32>,
        %mul3A_767 = arith.mulf %get3A_766, %add3A_749 : vector<16xf32>
        %add3A_768 = arith.addf %add3A_763, %mul3A_767 : vector<16xf32>
        %reduce_sum3A = arith.constant true
        %reduce_sum3A_769 = vector.broadcast %reduce_sum3A : i1 to vector<16xi1>
        %reduce_sum3A_770 = tpu.scan <sum>, %add3A_768 masked %reduce_sum3A_769 : vector<16xf32>, vector<16xi1> -> vector<16xf32>
        %reduce_sum3A_771 = vector.extract %reduce_sum3A_770[15] : f32 from vector<16xf32>
        %broadcast_in_dim3A_772 = vector.broadcast %reduce_sum3A_771 : f32 to vector<16xf32>
        %select_n3A = arith.select %eq3A_342, %broadcast_in_dim3A_772, %scan3A_323 : vector<16xi1>, vector<16xf32>
        %mul3A_773 = arith.constant 16 : i32
        %mul3A_774 = arith.muli %add3A_341, %mul3A_773 : i32
        %add3A_775 = arith.constant 0 : i32
        %add3A_776 = arith.addi %mul3A_774, %add3A_775 : i32
        %get3A_777 = arith.index_cast %add3A_776 : i32 to index
        %get3A_778 = arith.constant 0 : index
        %get3A_779 = tpu.vector_load %arg13[%get3A_777, %get3A_778] {strides = array<i32>} : memref<512x64xf32, #tpu.memory_space<vmem>>, vector<16xf32>,
        %mul3A_780 = arith.mulf %get3A_779, %add3A_737 : vector<16xf32>
        %get3A_781 = arith.index_cast %add3A_776 : i32 to index
        %get3A_782 = arith.constant 16 : index
        %get3A_783 = tpu.vector_load %arg13[%get3A_781, %get3A_782] {strides = array<i32>} : memref<512x64xf32, #tpu.memory_space<vmem>>, vector<16xf32>,
        %mul3A_784 = arith.mulf %get3A_783, %add3A_741 : vector<16xf32>
        %add3A_785 = arith.addf %mul3A_780, %mul3A_784 : vector<16xf32>
        %get3A_786 = arith.index_cast %add3A_776 : i32 to index
        %get3A_787 = arith.constant 32 : index
        %get3A_788 = tpu.vector_load %arg13[%get3A_786, %get3A_787] {strides = array<i32>} : memref<512x64xf32, #tpu.memory_space<vmem>>, vector<16xf32>,
        %mul3A_789 = arith.mulf %get3A_788, %add3A_745 : vector<16xf32>
        %add3A_790 = arith.addf %add3A_785, %mul3A_789 : vector<16xf32>
        %get3A_791 = arith.index_cast %add3A_776 : i32 to index
        %get3A_792 = arith.constant 48 : index
        %get3A_793 = tpu.vector_load %arg13[%get3A_791, %get3A_792] {strides = array<i32>} : memref<512x64xf32, #tpu.memory_space<vmem>>, vector<16xf32>,
        %mul3A_794 = arith.mulf %get3A_793, %add3A_749 : vector<16xf32>
        %add3A_795 = arith.addf %add3A_790, %mul3A_794 : vector<16xf32>
        %reduce_sum3A_796 = arith.constant true
        %reduce_sum3A_797 = vector.broadcast %reduce_sum3A_796 : i1 to vector<16xi1>
        %reduce_sum3A_798 = tpu.scan <sum>, %add3A_795 masked %reduce_sum3A_797 : vector<16xf32>, vector<16xi1> -> vector<16xf32>
        %reduce_sum3A_799 = vector.extract %reduce_sum3A_798[15] : f32 from vector<16xf32>
        %neg3A = arith.constant 0.000000e+00 : f32
        %neg3A_800 = arith.subf %neg3A, %reduce_sum3A_799 : f32
        %broadcast_in_dim3A_801 = vector.broadcast %neg3A_800 : f32 to vector<16xf32>
        %select_n3A_802 = arith.select %eq3A_342, %broadcast_in_dim3A_801, %scan3A_324 : vector<16xi1>, vector<16xf32>
        %mul3A_803 = arith.constant 16 : i32
        %mul3A_804 = arith.muli %add3A_341, %mul3A_803 : i32
        %add3A_805 = arith.constant 1 : i32
        %add3A_806 = arith.addi %mul3A_804, %add3A_805 : i32
        %get3A_807 = arith.index_cast %add3A_806 : i32 to index
        %get3A_808 = arith.constant 0 : index
        %get3A_809 = tpu.vector_load %arg13[%get3A_807, %get3A_808] {strides = array<i32>} : memref<512x64xf32, #tpu.memory_space<vmem>>, vector<16xf32>,
        %mul3A_810 = arith.mulf %get3A_809, %add3A_737 : vector<16xf32>
        %get3A_811 = arith.index_cast %add3A_806 : i32 to index
        %get3A_812 = arith.constant 16 : index
        %get3A_813 = tpu.vector_load %arg13[%get3A_811, %get3A_812] {strides = array<i32>} : memref<512x64xf32, #tpu.memory_space<vmem>>, vector<16xf32>,
        %mul3A_814 = arith.mulf %get3A_813, %add3A_741 : vector<16xf32>
        %add3A_815 = arith.addf %mul3A_810, %mul3A_814 : vector<16xf32>
        %get3A_816 = arith.index_cast %add3A_806 : i32 to index
        %get3A_817 = arith.constant 32 : index
        %get3A_818 = tpu.vector_load %arg13[%get3A_816, %get3A_817] {strides = array<i32>} : memref<512x64xf32, #tpu.memory_space<vmem>>, vector<16xf32>,
        %mul3A_819 = arith.mulf %get3A_818, %add3A_745 : vector<16xf32>
        %add3A_820 = arith.addf %add3A_815, %mul3A_819 : vector<16xf32>
        %get3A_821 = arith.index_cast %add3A_806 : i32 to index
        %get3A_822 = arith.constant 48 : index
        %get3A_823 = tpu.vector_load %arg13[%get3A_821, %get3A_822] {strides = array<i32>} : memref<512x64xf32, #tpu.memory_space<vmem>>, vector<16xf32>,
        %mul3A_824 = arith.mulf %get3A_823, %add3A_749 : vector<16xf32>
        %add3A_825 = arith.addf %add3A_820, %mul3A_824 : vector<16xf32>
        %reduce_sum3A_826 = arith.constant true
        %reduce_sum3A_827 = vector.broadcast %reduce_sum3A_826 : i1 to vector<16xi1>
        %reduce_sum3A_828 = tpu.scan <sum>, %add3A_825 masked %reduce_sum3A_827 : vector<16xf32>, vector<16xi1> -> vector<16xf32>
        %reduce_sum3A_829 = vector.extract %reduce_sum3A_828[15] : f32 from vector<16xf32>
        %neg3A_830 = arith.constant 0.000000e+00 : f32
        %neg3A_831 = arith.subf %neg3A_830, %reduce_sum3A_829 : f32
        %broadcast_in_dim3A_832 = vector.broadcast %neg3A_831 : f32 to vector<16xf32>
        %select_n3A_833 = arith.select %eq3A_342, %broadcast_in_dim3A_832, %scan3A_325 : vector<16xi1>, vector<16xf32>
        %mul3A_834 = arith.constant 16 : i32
        %mul3A_835 = arith.muli %add3A_341, %mul3A_834 : i32
        %add3A_836 = arith.constant 2 : i32
        %add3A_837 = arith.addi %mul3A_835, %add3A_836 : i32
        %get3A_838 = arith.index_cast %add3A_837 : i32 to index
        %get3A_839 = arith.constant 0 : index
        %get3A_840 = tpu.vector_load %arg13[%get3A_838, %get3A_839] {strides = array<i32>} : memref<512x64xf32, #tpu.memory_space<vmem>>, vector<16xf32>,
        %mul3A_841 = arith.mulf %get3A_840, %add3A_737 : vector<16xf32>
        %get3A_842 = arith.index_cast %add3A_837 : i32 to index
        %get3A_843 = arith.constant 16 : index
        %get3A_844 = tpu.vector_load %arg13[%get3A_842, %get3A_843] {strides = array<i32>} : memref<512x64xf32, #tpu.memory_space<vmem>>, vector<16xf32>,
        %mul3A_845 = arith.mulf %get3A_844, %add3A_741 : vector<16xf32>
        %add3A_846 = arith.addf %mul3A_841, %mul3A_845 : vector<16xf32>
        %get3A_847 = arith.index_cast %add3A_837 : i32 to index
        %get3A_848 = arith.constant 32 : index
        %get3A_849 = tpu.vector_load %arg13[%get3A_847, %get3A_848] {strides = array<i32>} : memref<512x64xf32, #tpu.memory_space<vmem>>, vector<16xf32>,
        %mul3A_850 = arith.mulf %get3A_849, %add3A_745 : vector<16xf32>
        %add3A_851 = arith.addf %add3A_846, %mul3A_850 : vector<16xf32>
        %get3A_852 = arith.index_cast %add3A_837 : i32 to index
        %get3A_853 = arith.constant 48 : index
        %get3A_854 = tpu.vector_load %arg13[%get3A_852, %get3A_853] {strides = array<i32>} : memref<512x64xf32, #tpu.memory_space<vmem>>, vector<16xf32>,
        %mul3A_855 = arith.mulf %get3A_854, %add3A_749 : vector<16xf32>
        %add3A_856 = arith.addf %add3A_851, %mul3A_855 : vector<16xf32>
        %reduce_sum3A_857 = arith.constant true
        %reduce_sum3A_858 = vector.broadcast %reduce_sum3A_857 : i1 to vector<16xi1>
        %reduce_sum3A_859 = tpu.scan <sum>, %add3A_856 masked %reduce_sum3A_858 : vector<16xf32>, vector<16xi1> -> vector<16xf32>
        %reduce_sum3A_860 = vector.extract %reduce_sum3A_859[15] : f32 from vector<16xf32>
        %neg3A_861 = arith.constant 0.000000e+00 : f32
        %neg3A_862 = arith.subf %neg3A_861, %reduce_sum3A_860 : f32
        %broadcast_in_dim3A_863 = vector.broadcast %neg3A_862 : f32 to vector<16xf32>
        %select_n3A_864 = arith.select %eq3A_342, %broadcast_in_dim3A_863, %scan3A_326 : vector<16xi1>, vector<16xf32>
        %mul3A_865 = arith.constant 16 : i32
        %mul3A_866 = arith.muli %add3A_341, %mul3A_865 : i32
        %add3A_867 = arith.constant 3 : i32
        %add3A_868 = arith.addi %mul3A_866, %add3A_867 : i32
        %get3A_869 = arith.index_cast %add3A_868 : i32 to index
        %get3A_870 = arith.constant 0 : index
        %get3A_871 = tpu.vector_load %arg13[%get3A_869, %get3A_870] {strides = array<i32>} : memref<512x64xf32, #tpu.memory_space<vmem>>, vector<16xf32>,
        %mul3A_872 = arith.mulf %get3A_871, %add3A_737 : vector<16xf32>
        %get3A_873 = arith.index_cast %add3A_868 : i32 to index
        %get3A_874 = arith.constant 16 : index
        %get3A_875 = tpu.vector_load %arg13[%get3A_873, %get3A_874] {strides = array<i32>} : memref<512x64xf32, #tpu.memory_space<vmem>>, vector<16xf32>,
        %mul3A_876 = arith.mulf %get3A_875, %add3A_741 : vector<16xf32>
        %add3A_877 = arith.addf %mul3A_872, %mul3A_876 : vector<16xf32>
        %get3A_878 = arith.index_cast %add3A_868 : i32 to index
        %get3A_879 = arith.constant 32 : index
        %get3A_880 = tpu.vector_load %arg13[%get3A_878, %get3A_879] {strides = array<i32>} : memref<512x64xf32, #tpu.memory_space<vmem>>, vector<16xf32>,
        %mul3A_881 = arith.mulf %get3A_880, %add3A_745 : vector<16xf32>
        %add3A_882 = arith.addf %add3A_877, %mul3A_881 : vector<16xf32>
        %get3A_883 = arith.index_cast %add3A_868 : i32 to index
        %get3A_884 = arith.constant 48 : index
        %get3A_885 = tpu.vector_load %arg13[%get3A_883, %get3A_884] {strides = array<i32>} : memref<512x64xf32, #tpu.memory_space<vmem>>, vector<16xf32>,
        %mul3A_886 = arith.mulf %get3A_885, %add3A_749 : vector<16xf32>
        %add3A_887 = arith.addf %add3A_882, %mul3A_886 : vector<16xf32>
        %reduce_sum3A_888 = arith.constant true
        %reduce_sum3A_889 = vector.broadcast %reduce_sum3A_888 : i1 to vector<16xi1>
        %reduce_sum3A_890 = tpu.scan <sum>, %add3A_887 masked %reduce_sum3A_889 : vector<16xf32>, vector<16xi1> -> vector<16xf32>
        %reduce_sum3A_891 = vector.extract %reduce_sum3A_890[15] : f32 from vector<16xf32>
        %neg3A_892 = arith.constant 0.000000e+00 : f32
        %neg3A_893 = arith.subf %neg3A_892, %reduce_sum3A_891 : f32
        %broadcast_in_dim3A_894 = vector.broadcast %neg3A_893 : f32 to vector<16xf32>
        %select_n3A_895 = arith.select %eq3A_342, %broadcast_in_dim3A_894, %scan3A_327 : vector<16xi1>, vector<16xf32>
        %mul3A_896 = arith.constant 16 : i32
        %mul3A_897 = arith.muli %add3A_341, %mul3A_896 : i32
        %add3A_898 = arith.constant 4 : i32
        %add3A_899 = arith.addi %mul3A_897, %add3A_898 : i32
        %get3A_900 = arith.index_cast %add3A_899 : i32 to index
        %get3A_901 = arith.constant 0 : index
        %get3A_902 = tpu.vector_load %arg13[%get3A_900, %get3A_901] {strides = array<i32>} : memref<512x64xf32, #tpu.memory_space<vmem>>, vector<16xf32>,
        %mul3A_903 = arith.mulf %get3A_902, %add3A_737 : vector<16xf32>
        %get3A_904 = arith.index_cast %add3A_899 : i32 to index
        %get3A_905 = arith.constant 16 : index
        %get3A_906 = tpu.vector_load %arg13[%get3A_904, %get3A_905] {strides = array<i32>} : memref<512x64xf32, #tpu.memory_space<vmem>>, vector<16xf32>,
        %mul3A_907 = arith.mulf %get3A_906, %add3A_741 : vector<16xf32>
        %add3A_908 = arith.addf %mul3A_903, %mul3A_907 : vector<16xf32>
        %get3A_909 = arith.index_cast %add3A_899 : i32 to index
        %get3A_910 = arith.constant 32 : index
        %get3A_911 = tpu.vector_load %arg13[%get3A_909, %get3A_910] {strides = array<i32>} : memref<512x64xf32, #tpu.memory_space<vmem>>, vector<16xf32>,
        %mul3A_912 = arith.mulf %get3A_911, %add3A_745 : vector<16xf32>
        %add3A_913 = arith.addf %add3A_908, %mul3A_912 : vector<16xf32>
        %get3A_914 = arith.index_cast %add3A_899 : i32 to index
        %get3A_915 = arith.constant 48 : index
        %get3A_916 = tpu.vector_load %arg13[%get3A_914, %get3A_915] {strides = array<i32>} : memref<512x64xf32, #tpu.memory_space<vmem>>, vector<16xf32>,
        %mul3A_917 = arith.mulf %get3A_916, %add3A_749 : vector<16xf32>
        %add3A_918 = arith.addf %add3A_913, %mul3A_917 : vector<16xf32>
        %reduce_sum3A_919 = arith.constant true
        %reduce_sum3A_920 = vector.broadcast %reduce_sum3A_919 : i1 to vector<16xi1>
        %reduce_sum3A_921 = tpu.scan <sum>, %add3A_918 masked %reduce_sum3A_920 : vector<16xf32>, vector<16xi1> -> vector<16xf32>
        %reduce_sum3A_922 = vector.extract %reduce_sum3A_921[15] : f32 from vector<16xf32>
        %neg3A_923 = arith.constant 0.000000e+00 : f32
        %neg3A_924 = arith.subf %neg3A_923, %reduce_sum3A_922 : f32
        %broadcast_in_dim3A_925 = vector.broadcast %neg3A_924 : f32 to vector<16xf32>
        %select_n3A_926 = arith.select %eq3A_342, %broadcast_in_dim3A_925, %scan3A_328 : vector<16xi1>, vector<16xf32>
        %mul3A_927 = arith.constant 16 : i32
        %mul3A_928 = arith.muli %add3A_341, %mul3A_927 : i32
        %add3A_929 = arith.constant 5 : i32
        %add3A_930 = arith.addi %mul3A_928, %add3A_929 : i32
        %get3A_931 = arith.index_cast %add3A_930 : i32 to index
        %get3A_932 = arith.constant 0 : index
        %get3A_933 = tpu.vector_load %arg13[%get3A_931, %get3A_932] {strides = array<i32>} : memref<512x64xf32, #tpu.memory_space<vmem>>, vector<16xf32>,
        %mul3A_934 = arith.mulf %get3A_933, %add3A_737 : vector<16xf32>
        %get3A_935 = arith.index_cast %add3A_930 : i32 to index
        %get3A_936 = arith.constant 16 : index
        %get3A_937 = tpu.vector_load %arg13[%get3A_935, %get3A_936] {strides = array<i32>} : memref<512x64xf32, #tpu.memory_space<vmem>>, vector<16xf32>,
        %mul3A_938 = arith.mulf %get3A_937, %add3A_741 : vector<16xf32>
        %add3A_939 = arith.addf %mul3A_934, %mul3A_938 : vector<16xf32>
        %get3A_940 = arith.index_cast %add3A_930 : i32 to index
        %get3A_941 = arith.constant 32 : index
        %get3A_942 = tpu.vector_load %arg13[%get3A_940, %get3A_941] {strides = array<i32>} : memref<512x64xf32, #tpu.memory_space<vmem>>, vector<16xf32>,
        %mul3A_943 = arith.mulf %get3A_942, %add3A_745 : vector<16xf32>
        %add3A_944 = arith.addf %add3A_939, %mul3A_943 : vector<16xf32>
        %get3A_945 = arith.index_cast %add3A_930 : i32 to index
        %get3A_946 = arith.constant 48 : index
        %get3A_947 = tpu.vector_load %arg13[%get3A_945, %get3A_946] {strides = array<i32>} : memref<512x64xf32, #tpu.memory_space<vmem>>, vector<16xf32>,
        %mul3A_948 = arith.mulf %get3A_947, %add3A_749 : vector<16xf32>
        %add3A_949 = arith.addf %add3A_944, %mul3A_948 : vector<16xf32>
        %reduce_sum3A_950 = arith.constant true
        %reduce_sum3A_951 = vector.broadcast %reduce_sum3A_950 : i1 to vector<16xi1>
        %reduce_sum3A_952 = tpu.scan <sum>, %add3A_949 masked %reduce_sum3A_951 : vector<16xf32>, vector<16xi1> -> vector<16xf32>
        %reduce_sum3A_953 = vector.extract %reduce_sum3A_952[15] : f32 from vector<16xf32>
        %neg3A_954 = arith.constant 0.000000e+00 : f32
        %neg3A_955 = arith.subf %neg3A_954, %reduce_sum3A_953 : f32
        %broadcast_in_dim3A_956 = vector.broadcast %neg3A_955 : f32 to vector<16xf32>
        %select_n3A_957 = arith.select %eq3A_342, %broadcast_in_dim3A_956, %scan3A_329 : vector<16xi1>, vector<16xf32>
        %mul3A_958 = arith.constant 16 : i32
        %mul3A_959 = arith.muli %add3A_341, %mul3A_958 : i32
        %add3A_960 = arith.constant 6 : i32
        %add3A_961 = arith.addi %mul3A_959, %add3A_960 : i32
        %get3A_962 = arith.index_cast %add3A_961 : i32 to index
        %get3A_963 = arith.constant 0 : index
        %get3A_964 = tpu.vector_load %arg13[%get3A_962, %get3A_963] {strides = array<i32>} : memref<512x64xf32, #tpu.memory_space<vmem>>, vector<16xf32>,
        %mul3A_965 = arith.mulf %get3A_964, %add3A_737 : vector<16xf32>
        %get3A_966 = arith.index_cast %add3A_961 : i32 to index
        %get3A_967 = arith.constant 16 : index
        %get3A_968 = tpu.vector_load %arg13[%get3A_966, %get3A_967] {strides = array<i32>} : memref<512x64xf32, #tpu.memory_space<vmem>>, vector<16xf32>,
        %mul3A_969 = arith.mulf %get3A_968, %add3A_741 : vector<16xf32>
        %add3A_970 = arith.addf %mul3A_965, %mul3A_969 : vector<16xf32>
        %get3A_971 = arith.index_cast %add3A_961 : i32 to index
        %get3A_972 = arith.constant 32 : index
        %get3A_973 = tpu.vector_load %arg13[%get3A_971, %get3A_972] {strides = array<i32>} : memref<512x64xf32, #tpu.memory_space<vmem>>, vector<16xf32>,
        %mul3A_974 = arith.mulf %get3A_973, %add3A_745 : vector<16xf32>
        %add3A_975 = arith.addf %add3A_970, %mul3A_974 : vector<16xf32>
        %get3A_976 = arith.index_cast %add3A_961 : i32 to index
        %get3A_977 = arith.constant 48 : index
        %get3A_978 = tpu.vector_load %arg13[%get3A_976, %get3A_977] {strides = array<i32>} : memref<512x64xf32, #tpu.memory_space<vmem>>, vector<16xf32>,
        %mul3A_979 = arith.mulf %get3A_978, %add3A_749 : vector<16xf32>
        %add3A_980 = arith.addf %add3A_975, %mul3A_979 : vector<16xf32>
        %reduce_sum3A_981 = arith.constant true
        %reduce_sum3A_982 = vector.broadcast %reduce_sum3A_981 : i1 to vector<16xi1>
        %reduce_sum3A_983 = tpu.scan <sum>, %add3A_980 masked %reduce_sum3A_982 : vector<16xf32>, vector<16xi1> -> vector<16xf32>
        %reduce_sum3A_984 = vector.extract %reduce_sum3A_983[15] : f32 from vector<16xf32>
        %neg3A_985 = arith.constant 0.000000e+00 : f32
        %neg3A_986 = arith.subf %neg3A_985, %reduce_sum3A_984 : f32
        %broadcast_in_dim3A_987 = vector.broadcast %neg3A_986 : f32 to vector<16xf32>
        %select_n3A_988 = arith.select %eq3A_342, %broadcast_in_dim3A_987, %scan3A_330 : vector<16xi1>, vector<16xf32>
        %mul3A_989 = arith.constant 16 : i32
        %mul3A_990 = arith.muli %add3A_341, %mul3A_989 : i32
        %add3A_991 = arith.constant 7 : i32
        %add3A_992 = arith.addi %mul3A_990, %add3A_991 : i32
        %get3A_993 = arith.index_cast %add3A_992 : i32 to index
        %get3A_994 = arith.constant 0 : index
        %get3A_995 = tpu.vector_load %arg13[%get3A_993, %get3A_994] {strides = array<i32>} : memref<512x64xf32, #tpu.memory_space<vmem>>, vector<16xf32>,
        %mul3A_996 = arith.mulf %get3A_995, %add3A_737 : vector<16xf32>
        %get3A_997 = arith.index_cast %add3A_992 : i32 to index
        %get3A_998 = arith.constant 16 : index
        %get3A_999 = tpu.vector_load %arg13[%get3A_997, %get3A_998] {strides = array<i32>} : memref<512x64xf32, #tpu.memory_space<vmem>>, vector<16xf32>,
        %mul3A_1000 = arith.mulf %get3A_999, %add3A_741 : vector<16xf32>
        %add3A_1001 = arith.addf %mul3A_996, %mul3A_1000 : vector<16xf32>
        %get3A_1002 = arith.index_cast %add3A_992 : i32 to index
        %get3A_1003 = arith.constant 32 : index
        %get3A_1004 = tpu.vector_load %arg13[%get3A_1002, %get3A_1003] {strides = array<i32>} : memref<512x64xf32, #tpu.memory_space<vmem>>, vector<16xf32>,
        %mul3A_1005 = arith.mulf %get3A_1004, %add3A_745 : vector<16xf32>
        %add3A_1006 = arith.addf %add3A_1001, %mul3A_1005 : vector<16xf32>
        %get3A_1007 = arith.index_cast %add3A_992 : i32 to index
        %get3A_1008 = arith.constant 48 : index
        %get3A_1009 = tpu.vector_load %arg13[%get3A_1007, %get3A_1008] {strides = array<i32>} : memref<512x64xf32, #tpu.memory_space<vmem>>, vector<16xf32>,
        %mul3A_1010 = arith.mulf %get3A_1009, %add3A_749 : vector<16xf32>
        %add3A_1011 = arith.addf %add3A_1006, %mul3A_1010 : vector<16xf32>
        %reduce_sum3A_1012 = arith.constant true
        %reduce_sum3A_1013 = vector.broadcast %reduce_sum3A_1012 : i1 to vector<16xi1>
        %reduce_sum3A_1014 = tpu.scan <sum>, %add3A_1011 masked %reduce_sum3A_1013 : vector<16xf32>, vector<16xi1> -> vector<16xf32>
        %reduce_sum3A_1015 = vector.extract %reduce_sum3A_1014[15] : f32 from vector<16xf32>
        %neg3A_1016 = arith.constant 0.000000e+00 : f32
        %neg3A_1017 = arith.subf %neg3A_1016, %reduce_sum3A_1015 : f32
        %broadcast_in_dim3A_1018 = vector.broadcast %neg3A_1017 : f32 to vector<16xf32>
        %select_n3A_1019 = arith.select %eq3A_342, %broadcast_in_dim3A_1018, %scan3A_331 : vector<16xi1>, vector<16xf32>
        %mul3A_1020 = arith.constant 16 : i32
        %mul3A_1021 = arith.muli %add3A_341, %mul3A_1020 : i32
        %add3A_1022 = arith.constant 8 : i32
        %add3A_1023 = arith.addi %mul3A_1021, %add3A_1022 : i32
        %get3A_1024 = arith.index_cast %add3A_1023 : i32 to index
        %get3A_1025 = arith.constant 0 : index
        %get3A_1026 = tpu.vector_load %arg13[%get3A_1024, %get3A_1025] {strides = array<i32>} : memref<512x64xf32, #tpu.memory_space<vmem>>, vector<16xf32>,
        %mul3A_1027 = arith.mulf %get3A_1026, %add3A_737 : vector<16xf32>
        %get3A_1028 = arith.index_cast %add3A_1023 : i32 to index
        %get3A_1029 = arith.constant 16 : index
        %get3A_1030 = tpu.vector_load %arg13[%get3A_1028, %get3A_1029] {strides = array<i32>} : memref<512x64xf32, #tpu.memory_space<vmem>>, vector<16xf32>,
        %mul3A_1031 = arith.mulf %get3A_1030, %add3A_741 : vector<16xf32>
        %add3A_1032 = arith.addf %mul3A_1027, %mul3A_1031 : vector<16xf32>
        %get3A_1033 = arith.index_cast %add3A_1023 : i32 to index
        %get3A_1034 = arith.constant 32 : index
        %get3A_1035 = tpu.vector_load %arg13[%get3A_1033, %get3A_1034] {strides = array<i32>} : memref<512x64xf32, #tpu.memory_space<vmem>>, vector<16xf32>,
        %mul3A_1036 = arith.mulf %get3A_1035, %add3A_745 : vector<16xf32>
        %add3A_1037 = arith.addf %add3A_1032, %mul3A_1036 : vector<16xf32>
        %get3A_1038 = arith.index_cast %add3A_1023 : i32 to index
        %get3A_1039 = arith.constant 48 : index
        %get3A_1040 = tpu.vector_load %arg13[%get3A_1038, %get3A_1039] {strides = array<i32>} : memref<512x64xf32, #tpu.memory_space<vmem>>, vector<16xf32>,
        %mul3A_1041 = arith.mulf %get3A_1040, %add3A_749 : vector<16xf32>
        %add3A_1042 = arith.addf %add3A_1037, %mul3A_1041 : vector<16xf32>
        %reduce_sum3A_1043 = arith.constant true
        %reduce_sum3A_1044 = vector.broadcast %reduce_sum3A_1043 : i1 to vector<16xi1>
        %reduce_sum3A_1045 = tpu.scan <sum>, %add3A_1042 masked %reduce_sum3A_1044 : vector<16xf32>, vector<16xi1> -> vector<16xf32>
        %reduce_sum3A_1046 = vector.extract %reduce_sum3A_1045[15] : f32 from vector<16xf32>
        %neg3A_1047 = arith.constant 0.000000e+00 : f32
        %neg3A_1048 = arith.subf %neg3A_1047, %reduce_sum3A_1046 : f32
        %broadcast_in_dim3A_1049 = vector.broadcast %neg3A_1048 : f32 to vector<16xf32>
        %select_n3A_1050 = arith.select %eq3A_342, %broadcast_in_dim3A_1049, %scan3A_332 : vector<16xi1>, vector<16xf32>
        %mul3A_1051 = arith.constant 16 : i32
        %mul3A_1052 = arith.muli %add3A_341, %mul3A_1051 : i32
        %add3A_1053 = arith.constant 9 : i32
        %add3A_1054 = arith.addi %mul3A_1052, %add3A_1053 : i32
        %get3A_1055 = arith.index_cast %add3A_1054 : i32 to index
        %get3A_1056 = arith.constant 0 : index
        %get3A_1057 = tpu.vector_load %arg13[%get3A_1055, %get3A_1056] {strides = array<i32>} : memref<512x64xf32, #tpu.memory_space<vmem>>, vector<16xf32>,
        %mul3A_1058 = arith.mulf %get3A_1057, %add3A_737 : vector<16xf32>
        %get3A_1059 = arith.index_cast %add3A_1054 : i32 to index
        %get3A_1060 = arith.constant 16 : index
        %get3A_1061 = tpu.vector_load %arg13[%get3A_1059, %get3A_1060] {strides = array<i32>} : memref<512x64xf32, #tpu.memory_space<vmem>>, vector<16xf32>,
        %mul3A_1062 = arith.mulf %get3A_1061, %add3A_741 : vector<16xf32>
        %add3A_1063 = arith.addf %mul3A_1058, %mul3A_1062 : vector<16xf32>
        %get3A_1064 = arith.index_cast %add3A_1054 : i32 to index
        %get3A_1065 = arith.constant 32 : index
        %get3A_1066 = tpu.vector_load %arg13[%get3A_1064, %get3A_1065] {strides = array<i32>} : memref<512x64xf32, #tpu.memory_space<vmem>>, vector<16xf32>,
        %mul3A_1067 = arith.mulf %get3A_1066, %add3A_745 : vector<16xf32>
        %add3A_1068 = arith.addf %add3A_1063, %mul3A_1067 : vector<16xf32>
        %get3A_1069 = arith.index_cast %add3A_1054 : i32 to index
        %get3A_1070 = arith.constant 48 : index
        %get3A_1071 = tpu.vector_load %arg13[%get3A_1069, %get3A_1070] {strides = array<i32>} : memref<512x64xf32, #tpu.memory_space<vmem>>, vector<16xf32>,
        %mul3A_1072 = arith.mulf %get3A_1071, %add3A_749 : vector<16xf32>
        %add3A_1073 = arith.addf %add3A_1068, %mul3A_1072 : vector<16xf32>
        %reduce_sum3A_1074 = arith.constant true
        %reduce_sum3A_1075 = vector.broadcast %reduce_sum3A_1074 : i1 to vector<16xi1>
        %reduce_sum3A_1076 = tpu.scan <sum>, %add3A_1073 masked %reduce_sum3A_1075 : vector<16xf32>, vector<16xi1> -> vector<16xf32>
        %reduce_sum3A_1077 = vector.extract %reduce_sum3A_1076[15] : f32 from vector<16xf32>
        %neg3A_1078 = arith.constant 0.000000e+00 : f32
        %neg3A_1079 = arith.subf %neg3A_1078, %reduce_sum3A_1077 : f32
        %broadcast_in_dim3A_1080 = vector.broadcast %neg3A_1079 : f32 to vector<16xf32>
        %select_n3A_1081 = arith.select %eq3A_342, %broadcast_in_dim3A_1080, %scan3A_333 : vector<16xi1>, vector<16xf32>
        %mul3A_1082 = arith.constant 16 : i32
        %mul3A_1083 = arith.muli %add3A_341, %mul3A_1082 : i32
        %add3A_1084 = arith.constant 10 : i32
        %add3A_1085 = arith.addi %mul3A_1083, %add3A_1084 : i32
        %get3A_1086 = arith.index_cast %add3A_1085 : i32 to index
        %get3A_1087 = arith.constant 0 : index
        %get3A_1088 = tpu.vector_load %arg13[%get3A_1086, %get3A_1087] {strides = array<i32>} : memref<512x64xf32, #tpu.memory_space<vmem>>, vector<16xf32>,
        %mul3A_1089 = arith.mulf %get3A_1088, %add3A_737 : vector<16xf32>
        %get3A_1090 = arith.index_cast %add3A_1085 : i32 to index
        %get3A_1091 = arith.constant 16 : index
        %get3A_1092 = tpu.vector_load %arg13[%get3A_1090, %get3A_1091] {strides = array<i32>} : memref<512x64xf32, #tpu.memory_space<vmem>>, vector<16xf32>,
        %mul3A_1093 = arith.mulf %get3A_1092, %add3A_741 : vector<16xf32>
        %add3A_1094 = arith.addf %mul3A_1089, %mul3A_1093 : vector<16xf32>
        %get3A_1095 = arith.index_cast %add3A_1085 : i32 to index
        %get3A_1096 = arith.constant 32 : index
        %get3A_1097 = tpu.vector_load %arg13[%get3A_1095, %get3A_1096] {strides = array<i32>} : memref<512x64xf32, #tpu.memory_space<vmem>>, vector<16xf32>,
        %mul3A_1098 = arith.mulf %get3A_1097, %add3A_745 : vector<16xf32>
        %add3A_1099 = arith.addf %add3A_1094, %mul3A_1098 : vector<16xf32>
        %get3A_1100 = arith.index_cast %add3A_1085 : i32 to index
        %get3A_1101 = arith.constant 48 : index
        %get3A_1102 = tpu.vector_load %arg13[%get3A_1100, %get3A_1101] {strides = array<i32>} : memref<512x64xf32, #tpu.memory_space<vmem>>, vector<16xf32>,
        %mul3A_1103 = arith.mulf %get3A_1102, %add3A_749 : vector<16xf32>
        %add3A_1104 = arith.addf %add3A_1099, %mul3A_1103 : vector<16xf32>
        %reduce_sum3A_1105 = arith.constant true
        %reduce_sum3A_1106 = vector.broadcast %reduce_sum3A_1105 : i1 to vector<16xi1>
        %reduce_sum3A_1107 = tpu.scan <sum>, %add3A_1104 masked %reduce_sum3A_1106 : vector<16xf32>, vector<16xi1> -> vector<16xf32>
        %reduce_sum3A_1108 = vector.extract %reduce_sum3A_1107[15] : f32 from vector<16xf32>
        %neg3A_1109 = arith.constant 0.000000e+00 : f32
        %neg3A_1110 = arith.subf %neg3A_1109, %reduce_sum3A_1108 : f32
        %broadcast_in_dim3A_1111 = vector.broadcast %neg3A_1110 : f32 to vector<16xf32>
        %select_n3A_1112 = arith.select %eq3A_342, %broadcast_in_dim3A_1111, %scan3A_334 : vector<16xi1>, vector<16xf32>
        %mul3A_1113 = arith.constant 16 : i32
        %mul3A_1114 = arith.muli %add3A_341, %mul3A_1113 : i32
        %add3A_1115 = arith.constant 11 : i32
        %add3A_1116 = arith.addi %mul3A_1114, %add3A_1115 : i32
        %get3A_1117 = arith.index_cast %add3A_1116 : i32 to index
        %get3A_1118 = arith.constant 0 : index
        %get3A_1119 = tpu.vector_load %arg13[%get3A_1117, %get3A_1118] {strides = array<i32>} : memref<512x64xf32, #tpu.memory_space<vmem>>, vector<16xf32>,
        %mul3A_1120 = arith.mulf %get3A_1119, %add3A_737 : vector<16xf32>
        %get3A_1121 = arith.index_cast %add3A_1116 : i32 to index
        %get3A_1122 = arith.constant 16 : index
        %get3A_1123 = tpu.vector_load %arg13[%get3A_1121, %get3A_1122] {strides = array<i32>} : memref<512x64xf32, #tpu.memory_space<vmem>>, vector<16xf32>,
        %mul3A_1124 = arith.mulf %get3A_1123, %add3A_741 : vector<16xf32>
        %add3A_1125 = arith.addf %mul3A_1120, %mul3A_1124 : vector<16xf32>
        %get3A_1126 = arith.index_cast %add3A_1116 : i32 to index
        %get3A_1127 = arith.constant 32 : index
        %get3A_1128 = tpu.vector_load %arg13[%get3A_1126, %get3A_1127] {strides = array<i32>} : memref<512x64xf32, #tpu.memory_space<vmem>>, vector<16xf32>,
        %mul3A_1129 = arith.mulf %get3A_1128, %add3A_745 : vector<16xf32>
        %add3A_1130 = arith.addf %add3A_1125, %mul3A_1129 : vector<16xf32>
        %get3A_1131 = arith.index_cast %add3A_1116 : i32 to index
        %get3A_1132 = arith.constant 48 : index
        %get3A_1133 = tpu.vector_load %arg13[%get3A_1131, %get3A_1132] {strides = array<i32>} : memref<512x64xf32, #tpu.memory_space<vmem>>, vector<16xf32>,
        %mul3A_1134 = arith.mulf %get3A_1133, %add3A_749 : vector<16xf32>
        %add3A_1135 = arith.addf %add3A_1130, %mul3A_1134 : vector<16xf32>
        %reduce_sum3A_1136 = arith.constant true
        %reduce_sum3A_1137 = vector.broadcast %reduce_sum3A_1136 : i1 to vector<16xi1>
        %reduce_sum3A_1138 = tpu.scan <sum>, %add3A_1135 masked %reduce_sum3A_1137 : vector<16xf32>, vector<16xi1> -> vector<16xf32>
        %reduce_sum3A_1139 = vector.extract %reduce_sum3A_1138[15] : f32 from vector<16xf32>
        %neg3A_1140 = arith.constant 0.000000e+00 : f32
        %neg3A_1141 = arith.subf %neg3A_1140, %reduce_sum3A_1139 : f32
        %broadcast_in_dim3A_1142 = vector.broadcast %neg3A_1141 : f32 to vector<16xf32>
        %select_n3A_1143 = arith.select %eq3A_342, %broadcast_in_dim3A_1142, %scan3A_335 : vector<16xi1>, vector<16xf32>
        %mul3A_1144 = arith.constant 16 : i32
        %mul3A_1145 = arith.muli %add3A_341, %mul3A_1144 : i32
        %add3A_1146 = arith.constant 12 : i32
        %add3A_1147 = arith.addi %mul3A_1145, %add3A_1146 : i32
        %get3A_1148 = arith.index_cast %add3A_1147 : i32 to index
        %get3A_1149 = arith.constant 0 : index
        %get3A_1150 = tpu.vector_load %arg13[%get3A_1148, %get3A_1149] {strides = array<i32>} : memref<512x64xf32, #tpu.memory_space<vmem>>, vector<16xf32>,
        %mul3A_1151 = arith.mulf %get3A_1150, %add3A_737 : vector<16xf32>
        %get3A_1152 = arith.index_cast %add3A_1147 : i32 to index
        %get3A_1153 = arith.constant 16 : index
        %get3A_1154 = tpu.vector_load %arg13[%get3A_1152, %get3A_1153] {strides = array<i32>} : memref<512x64xf32, #tpu.memory_space<vmem>>, vector<16xf32>,
        %mul3A_1155 = arith.mulf %get3A_1154, %add3A_741 : vector<16xf32>
        %add3A_1156 = arith.addf %mul3A_1151, %mul3A_1155 : vector<16xf32>
        %get3A_1157 = arith.index_cast %add3A_1147 : i32 to index
        %get3A_1158 = arith.constant 32 : index
        %get3A_1159 = tpu.vector_load %arg13[%get3A_1157, %get3A_1158] {strides = array<i32>} : memref<512x64xf32, #tpu.memory_space<vmem>>, vector<16xf32>,
        %mul3A_1160 = arith.mulf %get3A_1159, %add3A_745 : vector<16xf32>
        %add3A_1161 = arith.addf %add3A_1156, %mul3A_1160 : vector<16xf32>
        %get3A_1162 = arith.index_cast %add3A_1147 : i32 to index
        %get3A_1163 = arith.constant 48 : index
        %get3A_1164 = tpu.vector_load %arg13[%get3A_1162, %get3A_1163] {strides = array<i32>} : memref<512x64xf32, #tpu.memory_space<vmem>>, vector<16xf32>,
        %mul3A_1165 = arith.mulf %get3A_1164, %add3A_749 : vector<16xf32>
        %add3A_1166 = arith.addf %add3A_1161, %mul3A_1165 : vector<16xf32>
        %reduce_sum3A_1167 = arith.constant true
        %reduce_sum3A_1168 = vector.broadcast %reduce_sum3A_1167 : i1 to vector<16xi1>
        %reduce_sum3A_1169 = tpu.scan <sum>, %add3A_1166 masked %reduce_sum3A_1168 : vector<16xf32>, vector<16xi1> -> vector<16xf32>
        %reduce_sum3A_1170 = vector.extract %reduce_sum3A_1169[15] : f32 from vector<16xf32>
        %neg3A_1171 = arith.constant 0.000000e+00 : f32
        %neg3A_1172 = arith.subf %neg3A_1171, %reduce_sum3A_1170 : f32
        %broadcast_in_dim3A_1173 = vector.broadcast %neg3A_1172 : f32 to vector<16xf32>
        %select_n3A_1174 = arith.select %eq3A_342, %broadcast_in_dim3A_1173, %scan3A_336 : vector<16xi1>, vector<16xf32>
        %mul3A_1175 = arith.constant 16 : i32
        %mul3A_1176 = arith.muli %add3A_341, %mul3A_1175 : i32
        %add3A_1177 = arith.constant 13 : i32
        %add3A_1178 = arith.addi %mul3A_1176, %add3A_1177 : i32
        %get3A_1179 = arith.index_cast %add3A_1178 : i32 to index
        %get3A_1180 = arith.constant 0 : index
        %get3A_1181 = tpu.vector_load %arg13[%get3A_1179, %get3A_1180] {strides = array<i32>} : memref<512x64xf32, #tpu.memory_space<vmem>>, vector<16xf32>,
        %mul3A_1182 = arith.mulf %get3A_1181, %add3A_737 : vector<16xf32>
        %get3A_1183 = arith.index_cast %add3A_1178 : i32 to index
        %get3A_1184 = arith.constant 16 : index
        %get3A_1185 = tpu.vector_load %arg13[%get3A_1183, %get3A_1184] {strides = array<i32>} : memref<512x64xf32, #tpu.memory_space<vmem>>, vector<16xf32>,
        %mul3A_1186 = arith.mulf %get3A_1185, %add3A_741 : vector<16xf32>
        %add3A_1187 = arith.addf %mul3A_1182, %mul3A_1186 : vector<16xf32>
        %get3A_1188 = arith.index_cast %add3A_1178 : i32 to index
        %get3A_1189 = arith.constant 32 : index
        %get3A_1190 = tpu.vector_load %arg13[%get3A_1188, %get3A_1189] {strides = array<i32>} : memref<512x64xf32, #tpu.memory_space<vmem>>, vector<16xf32>,
        %mul3A_1191 = arith.mulf %get3A_1190, %add3A_745 : vector<16xf32>
        %add3A_1192 = arith.addf %add3A_1187, %mul3A_1191 : vector<16xf32>
        %get3A_1193 = arith.index_cast %add3A_1178 : i32 to index
        %get3A_1194 = arith.constant 48 : index
        %get3A_1195 = tpu.vector_load %arg13[%get3A_1193, %get3A_1194] {strides = array<i32>} : memref<512x64xf32, #tpu.memory_space<vmem>>, vector<16xf32>,
        %mul3A_1196 = arith.mulf %get3A_1195, %add3A_749 : vector<16xf32>
        %add3A_1197 = arith.addf %add3A_1192, %mul3A_1196 : vector<16xf32>
        %reduce_sum3A_1198 = arith.constant true
        %reduce_sum3A_1199 = vector.broadcast %reduce_sum3A_1198 : i1 to vector<16xi1>
        %reduce_sum3A_1200 = tpu.scan <sum>, %add3A_1197 masked %reduce_sum3A_1199 : vector<16xf32>, vector<16xi1> -> vector<16xf32>
        %reduce_sum3A_1201 = vector.extract %reduce_sum3A_1200[15] : f32 from vector<16xf32>
        %neg3A_1202 = arith.constant 0.000000e+00 : f32
        %neg3A_1203 = arith.subf %neg3A_1202, %reduce_sum3A_1201 : f32
        %broadcast_in_dim3A_1204 = vector.broadcast %neg3A_1203 : f32 to vector<16xf32>
        %select_n3A_1205 = arith.select %eq3A_342, %broadcast_in_dim3A_1204, %scan3A_337 : vector<16xi1>, vector<16xf32>
        %mul3A_1206 = arith.constant 16 : i32
        %mul3A_1207 = arith.muli %add3A_341, %mul3A_1206 : i32
        %add3A_1208 = arith.constant 14 : i32
        %add3A_1209 = arith.addi %mul3A_1207, %add3A_1208 : i32
        %get3A_1210 = arith.index_cast %add3A_1209 : i32 to index
        %get3A_1211 = arith.constant 0 : index
        %get3A_1212 = tpu.vector_load %arg13[%get3A_1210, %get3A_1211] {strides = array<i32>} : memref<512x64xf32, #tpu.memory_space<vmem>>, vector<16xf32>,
        %mul3A_1213 = arith.mulf %get3A_1212, %add3A_737 : vector<16xf32>
        %get3A_1214 = arith.index_cast %add3A_1209 : i32 to index
        %get3A_1215 = arith.constant 16 : index
        %get3A_1216 = tpu.vector_load %arg13[%get3A_1214, %get3A_1215] {strides = array<i32>} : memref<512x64xf32, #tpu.memory_space<vmem>>, vector<16xf32>,
        %mul3A_1217 = arith.mulf %get3A_1216, %add3A_741 : vector<16xf32>
        %add3A_1218 = arith.addf %mul3A_1213, %mul3A_1217 : vector<16xf32>
        %get3A_1219 = arith.index_cast %add3A_1209 : i32 to index
        %get3A_1220 = arith.constant 32 : index
        %get3A_1221 = tpu.vector_load %arg13[%get3A_1219, %get3A_1220] {strides = array<i32>} : memref<512x64xf32, #tpu.memory_space<vmem>>, vector<16xf32>,
        %mul3A_1222 = arith.mulf %get3A_1221, %add3A_745 : vector<16xf32>
        %add3A_1223 = arith.addf %add3A_1218, %mul3A_1222 : vector<16xf32>
        %get3A_1224 = arith.index_cast %add3A_1209 : i32 to index
        %get3A_1225 = arith.constant 48 : index
        %get3A_1226 = tpu.vector_load %arg13[%get3A_1224, %get3A_1225] {strides = array<i32>} : memref<512x64xf32, #tpu.memory_space<vmem>>, vector<16xf32>,
        %mul3A_1227 = arith.mulf %get3A_1226, %add3A_749 : vector<16xf32>
        %add3A_1228 = arith.addf %add3A_1223, %mul3A_1227 : vector<16xf32>
        %reduce_sum3A_1229 = arith.constant true
        %reduce_sum3A_1230 = vector.broadcast %reduce_sum3A_1229 : i1 to vector<16xi1>
        %reduce_sum3A_1231 = tpu.scan <sum>, %add3A_1228 masked %reduce_sum3A_1230 : vector<16xf32>, vector<16xi1> -> vector<16xf32>
        %reduce_sum3A_1232 = vector.extract %reduce_sum3A_1231[15] : f32 from vector<16xf32>
        %neg3A_1233 = arith.constant 0.000000e+00 : f32
        %neg3A_1234 = arith.subf %neg3A_1233, %reduce_sum3A_1232 : f32
        %broadcast_in_dim3A_1235 = vector.broadcast %neg3A_1234 : f32 to vector<16xf32>
        %select_n3A_1236 = arith.select %eq3A_342, %broadcast_in_dim3A_1235, %scan3A_338 : vector<16xi1>, vector<16xf32>
        %mul3A_1237 = arith.constant 16 : i32
        %mul3A_1238 = arith.muli %add3A_341, %mul3A_1237 : i32
        %add3A_1239 = arith.constant 15 : i32
        %add3A_1240 = arith.addi %mul3A_1238, %add3A_1239 : i32
        %get3A_1241 = arith.index_cast %add3A_1240 : i32 to index
        %get3A_1242 = arith.constant 0 : index
        %get3A_1243 = tpu.vector_load %arg13[%get3A_1241, %get3A_1242] {strides = array<i32>} : memref<512x64xf32, #tpu.memory_space<vmem>>, vector<16xf32>,
        %mul3A_1244 = arith.mulf %get3A_1243, %add3A_737 : vector<16xf32>
        %get3A_1245 = arith.index_cast %add3A_1240 : i32 to index
        %get3A_1246 = arith.constant 16 : index
        %get3A_1247 = tpu.vector_load %arg13[%get3A_1245, %get3A_1246] {strides = array<i32>} : memref<512x64xf32, #tpu.memory_space<vmem>>, vector<16xf32>,
        %mul3A_1248 = arith.mulf %get3A_1247, %add3A_741 : vector<16xf32>
        %add3A_1249 = arith.addf %mul3A_1244, %mul3A_1248 : vector<16xf32>
        %get3A_1250 = arith.index_cast %add3A_1240 : i32 to index
        %get3A_1251 = arith.constant 32 : index
        %get3A_1252 = tpu.vector_load %arg13[%get3A_1250, %get3A_1251] {strides = array<i32>} : memref<512x64xf32, #tpu.memory_space<vmem>>, vector<16xf32>,
        %mul3A_1253 = arith.mulf %get3A_1252, %add3A_745 : vector<16xf32>
        %add3A_1254 = arith.addf %add3A_1249, %mul3A_1253 : vector<16xf32>
        %get3A_1255 = arith.index_cast %add3A_1240 : i32 to index
        %get3A_1256 = arith.constant 48 : index
        %get3A_1257 = tpu.vector_load %arg13[%get3A_1255, %get3A_1256] {strides = array<i32>} : memref<512x64xf32, #tpu.memory_space<vmem>>, vector<16xf32>,
        %mul3A_1258 = arith.mulf %get3A_1257, %add3A_749 : vector<16xf32>
        %add3A_1259 = arith.addf %add3A_1254, %mul3A_1258 : vector<16xf32>
        %reduce_sum3A_1260 = arith.constant true
        %reduce_sum3A_1261 = vector.broadcast %reduce_sum3A_1260 : i1 to vector<16xi1>
        %reduce_sum3A_1262 = tpu.scan <sum>, %add3A_1259 masked %reduce_sum3A_1261 : vector<16xf32>, vector<16xi1> -> vector<16xf32>
        %reduce_sum3A_1263 = vector.extract %reduce_sum3A_1262[15] : f32 from vector<16xf32>
        %neg3A_1264 = arith.constant 0.000000e+00 : f32
        %neg3A_1265 = arith.subf %neg3A_1264, %reduce_sum3A_1263 : f32
        %broadcast_in_dim3A_1266 = vector.broadcast %neg3A_1265 : f32 to vector<16xf32>
        %select_n3A_1267 = arith.select %eq3A_342, %broadcast_in_dim3A_1266, %scan3A_339 : vector<16xi1>, vector<16xf32>
        scf.yield %select_n3A, %select_n3A_802, %select_n3A_833, %select_n3A_864, %select_n3A_895, %select_n3A_926, %select_n3A_957, %select_n3A_988, %select_n3A_1019, %select_n3A_1050, %select_n3A_1081, %select_n3A_1112, %select_n3A_1143, %select_n3A_1174, %select_n3A_1205, %select_n3A_1236, %select_n3A_1267 : vector<16xf32>, vector<16xf32>, vector<16xf32>, vector<16xf32>, vector<16xf32>, vector<16xf32>, vector<16xf32>, vector<16xf32>, vector<16xf32>, vector<16xf32>, vector<16xf32>, vector<16xf32>, vector<16xf32>, vector<16xf32>, vector<16xf32>, vector<16xf32>, vector<16xf32>
      }
      %scan3A_249 = arith.constant 16 : i32
      %mul3A_250 = arith.constant 32 : i32
      %mul3A_251 = arith.muli %scan3A_8, %mul3A_250 : i32
      %add3A_252 = arith.constant 16 : i32
      %add3A_253 = arith.addi %mul3A_251, %add3A_252 : i32
      %swap3A_254 = arith.constant 0 : i32
      %swap3A_255 = arith.index_cast %swap3A_254 : i32 to index
      %swap3A_256 = arith.index_cast %add3A_253 : i32 to index
      %swap3A_257 = tpu.vector_load %arg14[%swap3A_255, %swap3A_256] {strides = array<i32>} : memref<17x512xf32, #tpu.memory_space<vmem>>, vector<16xf32>,
      tpu.vector_store %arg14[%swap3A_255, %swap3A_256], %scan3A_248#0 {strides = array<i32>} : memref<17x512xf32, #tpu.memory_space<vmem>>, vector<16xf32>,
      %swap3A_258 = arith.constant 1 : i32
      %swap3A_259 = arith.index_cast %swap3A_258 : i32 to index
      %swap3A_260 = arith.index_cast %add3A_253 : i32 to index
      %swap3A_261 = tpu.vector_load %arg14[%swap3A_259, %swap3A_260] {strides = array<i32>} : memref<17x512xf32, #tpu.memory_space<vmem>>, vector<16xf32>,
      tpu.vector_store %arg14[%swap3A_259, %swap3A_260], %scan3A_248#1 {strides = array<i32>} : memref<17x512xf32, #tpu.memory_space<vmem>>, vector<16xf32>,
      %swap3A_262 = arith.constant 2 : i32
      %swap3A_263 = arith.index_cast %swap3A_262 : i32 to index
      %swap3A_264 = arith.index_cast %add3A_253 : i32 to index
      %swap3A_265 = tpu.vector_load %arg14[%swap3A_263, %swap3A_264] {strides = array<i32>} : memref<17x512xf32, #tpu.memory_space<vmem>>, vector<16xf32>,
      tpu.vector_store %arg14[%swap3A_263, %swap3A_264], %scan3A_248#2 {strides = array<i32>} : memref<17x512xf32, #tpu.memory_space<vmem>>, vector<16xf32>,
      %swap3A_266 = arith.constant 3 : i32
      %swap3A_267 = arith.index_cast %swap3A_266 : i32 to index
      %swap3A_268 = arith.index_cast %add3A_253 : i32 to index
      %swap3A_269 = tpu.vector_load %arg14[%swap3A_267, %swap3A_268] {strides = array<i32>} : memref<17x512xf32, #tpu.memory_space<vmem>>, vector<16xf32>,
      tpu.vector_store %arg14[%swap3A_267, %swap3A_268], %scan3A_248#3 {strides = array<i32>} : memref<17x512xf32, #tpu.memory_space<vmem>>, vector<16xf32>,
      %swap3A_270 = arith.constant 4 : i32
      %swap3A_271 = arith.index_cast %swap3A_270 : i32 to index
      %swap3A_272 = arith.index_cast %add3A_253 : i32 to index
      %swap3A_273 = tpu.vector_load %arg14[%swap3A_271, %swap3A_272] {strides = array<i32>} : memref<17x512xf32, #tpu.memory_space<vmem>>, vector<16xf32>,
      tpu.vector_store %arg14[%swap3A_271, %swap3A_272], %scan3A_248#4 {strides = array<i32>} : memref<17x512xf32, #tpu.memory_space<vmem>>, vector<16xf32>,
      %swap3A_274 = arith.constant 5 : i32
      %swap3A_275 = arith.index_cast %swap3A_274 : i32 to index
      %swap3A_276 = arith.index_cast %add3A_253 : i32 to index
      %swap3A_277 = tpu.vector_load %arg14[%swap3A_275, %swap3A_276] {strides = array<i32>} : memref<17x512xf32, #tpu.memory_space<vmem>>, vector<16xf32>,
      tpu.vector_store %arg14[%swap3A_275, %swap3A_276], %scan3A_248#5 {strides = array<i32>} : memref<17x512xf32, #tpu.memory_space<vmem>>, vector<16xf32>,
      %swap3A_278 = arith.constant 6 : i32
      %swap3A_279 = arith.index_cast %swap3A_278 : i32 to index
      %swap3A_280 = arith.index_cast %add3A_253 : i32 to index
      %swap3A_281 = tpu.vector_load %arg14[%swap3A_279, %swap3A_280] {strides = array<i32>} : memref<17x512xf32, #tpu.memory_space<vmem>>, vector<16xf32>,
      tpu.vector_store %arg14[%swap3A_279, %swap3A_280], %scan3A_248#6 {strides = array<i32>} : memref<17x512xf32, #tpu.memory_space<vmem>>, vector<16xf32>,
      %swap3A_282 = arith.constant 7 : i32
      %swap3A_283 = arith.index_cast %swap3A_282 : i32 to index
      %swap3A_284 = arith.index_cast %add3A_253 : i32 to index
      %swap3A_285 = tpu.vector_load %arg14[%swap3A_283, %swap3A_284] {strides = array<i32>} : memref<17x512xf32, #tpu.memory_space<vmem>>, vector<16xf32>,
      tpu.vector_store %arg14[%swap3A_283, %swap3A_284], %scan3A_248#7 {strides = array<i32>} : memref<17x512xf32, #tpu.memory_space<vmem>>, vector<16xf32>,
      %swap3A_286 = arith.constant 8 : i32
      %swap3A_287 = arith.index_cast %swap3A_286 : i32 to index
      %swap3A_288 = arith.index_cast %add3A_253 : i32 to index
      %swap3A_289 = tpu.vector_load %arg14[%swap3A_287, %swap3A_288] {strides = array<i32>} : memref<17x512xf32, #tpu.memory_space<vmem>>, vector<16xf32>,
      tpu.vector_store %arg14[%swap3A_287, %swap3A_288], %scan3A_248#8 {strides = array<i32>} : memref<17x512xf32, #tpu.memory_space<vmem>>, vector<16xf32>,
      %swap3A_290 = arith.constant 9 : i32
      %swap3A_291 = arith.index_cast %swap3A_290 : i32 to index
      %swap3A_292 = arith.index_cast %add3A_253 : i32 to index
      %swap3A_293 = tpu.vector_load %arg14[%swap3A_291, %swap3A_292] {strides = array<i32>} : memref<17x512xf32, #tpu.memory_space<vmem>>, vector<16xf32>,
      tpu.vector_store %arg14[%swap3A_291, %swap3A_292], %scan3A_248#9 {strides = array<i32>} : memref<17x512xf32, #tpu.memory_space<vmem>>, vector<16xf32>,
      %swap3A_294 = arith.constant 10 : i32
      %swap3A_295 = arith.index_cast %swap3A_294 : i32 to index
      %swap3A_296 = arith.index_cast %add3A_253 : i32 to index
      %swap3A_297 = tpu.vector_load %arg14[%swap3A_295, %swap3A_296] {strides = array<i32>} : memref<17x512xf32, #tpu.memory_space<vmem>>, vector<16xf32>,
      tpu.vector_store %arg14[%swap3A_295, %swap3A_296], %scan3A_248#10 {strides = array<i32>} : memref<17x512xf32, #tpu.memory_space<vmem>>, vector<16xf32>,
      %swap3A_298 = arith.constant 11 : i32
      %swap3A_299 = arith.index_cast %swap3A_298 : i32 to index
      %swap3A_300 = arith.index_cast %add3A_253 : i32 to index
      %swap3A_301 = tpu.vector_load %arg14[%swap3A_299, %swap3A_300] {strides = array<i32>} : memref<17x512xf32, #tpu.memory_space<vmem>>, vector<16xf32>,
      tpu.vector_store %arg14[%swap3A_299, %swap3A_300], %scan3A_248#11 {strides = array<i32>} : memref<17x512xf32, #tpu.memory_space<vmem>>, vector<16xf32>,
      %swap3A_302 = arith.constant 12 : i32
      %swap3A_303 = arith.index_cast %swap3A_302 : i32 to index
      %swap3A_304 = arith.index_cast %add3A_253 : i32 to index
      %swap3A_305 = tpu.vector_load %arg14[%swap3A_303, %swap3A_304] {strides = array<i32>} : memref<17x512xf32, #tpu.memory_space<vmem>>, vector<16xf32>,
      tpu.vector_store %arg14[%swap3A_303, %swap3A_304], %scan3A_248#12 {strides = array<i32>} : memref<17x512xf32, #tpu.memory_space<vmem>>, vector<16xf32>,
      %swap3A_306 = arith.constant 13 : i32
      %swap3A_307 = arith.index_cast %swap3A_306 : i32 to index
      %swap3A_308 = arith.index_cast %add3A_253 : i32 to index
      %swap3A_309 = tpu.vector_load %arg14[%swap3A_307, %swap3A_308] {strides = array<i32>} : memref<17x512xf32, #tpu.memory_space<vmem>>, vector<16xf32>,
      tpu.vector_store %arg14[%swap3A_307, %swap3A_308], %scan3A_248#13 {strides = array<i32>} : memref<17x512xf32, #tpu.memory_space<vmem>>, vector<16xf32>,
      %swap3A_310 = arith.constant 14 : i32
      %swap3A_311 = arith.index_cast %swap3A_310 : i32 to index
      %swap3A_312 = arith.index_cast %add3A_253 : i32 to index
      %swap3A_313 = tpu.vector_load %arg14[%swap3A_311, %swap3A_312] {strides = array<i32>} : memref<17x512xf32, #tpu.memory_space<vmem>>, vector<16xf32>,
      tpu.vector_store %arg14[%swap3A_311, %swap3A_312], %scan3A_248#14 {strides = array<i32>} : memref<17x512xf32, #tpu.memory_space<vmem>>, vector<16xf32>,
      %swap3A_314 = arith.constant 15 : i32
      %swap3A_315 = arith.index_cast %swap3A_314 : i32 to index
      %swap3A_316 = arith.index_cast %add3A_253 : i32 to index
      %swap3A_317 = tpu.vector_load %arg14[%swap3A_315, %swap3A_316] {strides = array<i32>} : memref<17x512xf32, #tpu.memory_space<vmem>>, vector<16xf32>,
      tpu.vector_store %arg14[%swap3A_315, %swap3A_316], %scan3A_248#15 {strides = array<i32>} : memref<17x512xf32, #tpu.memory_space<vmem>>, vector<16xf32>,
      %swap3A_318 = arith.constant 16 : i32
      %swap3A_319 = arith.index_cast %swap3A_318 : i32 to index
      %swap3A_320 = arith.index_cast %add3A_253 : i32 to index
      %swap3A_321 = tpu.vector_load %arg14[%swap3A_319, %swap3A_320] {strides = array<i32>} : memref<17x512xf32, #tpu.memory_space<vmem>>, vector<16xf32>,
      tpu.vector_store %arg14[%swap3A_319, %swap3A_320], %scan3A_248#16 {strides = array<i32>} : memref<17x512xf32, #tpu.memory_space<vmem>>, vector<16xf32>,
    }
    %scan3A_7 = arith.constant 16 : i32
    "tpu.region"() ({
      %run_scoped3A = tpu.sem_alloc : memref<!tpu.dma_semaphore, #tpu.memory_space<semaphore_mem>>
      %dma_start3A = arith.constant 0 : i32
      %dma_start3A_8 = arith.constant 0 : i32
      %dma_start3A_9 = tpu.memref_slice %arg7[%add3A, %dma_start3A, %dma_start3A_8] : memref<32x17x512xf32, #tpu.memory_space<hbm>> -> memref<1x17x512xf32, #tpu.memory_space<hbm>>
      %dma_start3A_10 = tpu.memref_squeeze %dma_start3A_9 : memref<1x17x512xf32, #tpu.memory_space<hbm>> -> memref<17x512xf32, #tpu.memory_space<hbm>>
      %dma_start3A_11 = arith.constant 0 : i32
      %dma_start3A_12 = arith.constant 0 : i32
      %dma_start3A_13 = tpu.memref_slice %arg7[%add3A, %dma_start3A_11, %dma_start3A_12] : memref<32x17x512xf32, #tpu.memory_space<hbm>> -> memref<1x17x512xf32, #tpu.memory_space<hbm>>
      %dma_start3A_14 = tpu.memref_squeeze %dma_start3A_13 : memref<1x17x512xf32, #tpu.memory_space<hbm>> -> memref<17x512xf32, #tpu.memory_space<hbm>>
      tpu.enqueue_dma source(%arg14 : memref<17x512xf32, #tpu.memory_space<vmem>>) target(%dma_start3A_14 : memref<17x512xf32, #tpu.memory_space<hbm>>) target_semaphore(%run_scoped3A : memref<!tpu.dma_semaphore, #tpu.memory_space<semaphore_mem>>)
      %dma_wait3A = arith.constant 0 : i32
      %dma_wait3A_15 = arith.constant 0 : i32
      %dma_wait3A_16 = tpu.memref_slice %arg7[%add3A, %dma_wait3A, %dma_wait3A_15] : memref<32x17x512xf32, #tpu.memory_space<hbm>> -> memref<1x17x512xf32, #tpu.memory_space<hbm>>
      %dma_wait3A_17 = tpu.memref_squeeze %dma_wait3A_16 : memref<1x17x512xf32, #tpu.memory_space<hbm>> -> memref<17x512xf32, #tpu.memory_space<hbm>>
      %dma_wait3A_18 = arith.constant 0 : i32
      %dma_wait3A_19 = arith.constant 0 : i32
      %dma_wait3A_20 = tpu.memref_slice %arg7[%add3A, %dma_wait3A_18, %dma_wait3A_19] : memref<32x17x512xf32, #tpu.memory_space<hbm>> -> memref<1x17x512xf32, #tpu.memory_space<hbm>>
      %dma_wait3A_21 = tpu.memref_squeeze %dma_wait3A_20 : memref<1x17x512xf32, #tpu.memory_space<hbm>> -> memref<17x512xf32, #tpu.memory_space<hbm>>
      tpu.wait_dma2 semaphore(%run_scoped3A : memref<!tpu.dma_semaphore, #tpu.memory_space<semaphore_mem>>) src(%arg14 : memref<17x512xf32, #tpu.memory_space<vmem>>) dst(%dma_wait3A_21 : memref<17x512xf32, #tpu.memory_space<hbm>>)
      tpu.yield
    }) : () -> ()
    return
  }
}

module attributes {stable_mosaic.version = 14 : i64} {
  func.func @_loss_body(%arg0: memref<32x17x512xf32, #tpu.memory_space<vmem>>, %arg1: memref<1x1xf32, #tpu.memory_space<smem>>) attributes {dimension_semantics = [], scalar_prefetch = 0 : i64, scratch_operands = 0 : i64, tpu.core_type = #tpu.core_type<tc>} {
    %get3A = arith.constant 0 : index
    %get3A_0 = arith.constant 0 : index
    %get3A_1 = arith.constant 0 : index
    %get3A_2 = vector.load %arg0[%get3A, %get3A_0, %get3A_1] : memref<32x17x512xf32, #tpu.memory_space<vmem>>, vector<32x17x512xf32>
    %min3A = arith.constant 0.000000e+00 : f32
    %min3A_3 = vector.broadcast %min3A : f32 to vector<32x17x512xf32>
    %min3A_4 = arith.minimumf %get3A_2, %min3A_3 : vector<32x17x512xf32>
    %abs3A = math.absf %get3A_2 : vector<32x17x512xf32>
    %neg3A = arith.constant 0.000000e+00 : f32
    %neg3A_5 = vector.broadcast %neg3A : f32 to vector<32x17x512xf32>
    %neg3A_6 = arith.subf %neg3A_5, %abs3A : vector<32x17x512xf32>
    %exp3A = math.exp %neg3A_6 : vector<32x17x512xf32>
    %log1p3A = math.log1p %exp3A : vector<32x17x512xf32>
    %sub3A = arith.subf %min3A_4, %log1p3A : vector<32x17x512xf32>
    %reduce_sum3A = vector.shape_cast %sub3A : vector<32x17x512xf32> to vector<1x32x17x512xf32>
    %reduce_sum3A_7 = arith.constant dense<0.000000e+00> : vector<1xf32>
    %reduce_sum3A_8 = vector.multi_reduction <add>, %reduce_sum3A, %reduce_sum3A_7 [1, 2, 3] : vector<1x32x17x512xf32> to vector<1xf32>
    %reduce_sum3A_9 = vector.shape_cast %reduce_sum3A_8 : vector<1xf32> to vector<1x1x1x1xf32>
    %reduce_sum3A_10 = vector.extract %reduce_sum3A_9[0, 0, 0, 0] : f32 from vector<1x1x1x1xf32>
    %neg3A_11 = arith.constant 0.000000e+00 : f32
    %neg3A_12 = arith.subf %neg3A_11, %reduce_sum3A_10 : f32
    %mul3A = arith.constant 3.59030332E-6 : f32
    %mul3A_13 = arith.mulf %neg3A_12, %mul3A : f32
    %swap3A = arith.constant 0 : index
    %swap3A_14 = arith.constant 0 : index
    %swap3A_15 = memref.load %arg1[%swap3A, %swap3A_14] : memref<1x1xf32, #tpu.memory_space<smem>>
    memref.store %mul3A_13, %arg1[%swap3A, %swap3A_14] : memref<1x1xf32, #tpu.memory_space<smem>>
    return
  }
}

</mosaic_0001>

<sc_bundles>
// kernel: kernel.4.cloned.1.call-start
scs
__scs_entry_jumppad:
0x0: {  	(pc) =	sbr.rel $0x88, $3  }
0x1: {  	(tag) =	ssettag $0x0;
	lr =	simm.s32 $0x1  }
0x2: {  	[smem:$0x3F9C] =	sst lr;
	_ =	strace $0xD0000000  }
0x3: {  	_ = 	snop  }
0x4: {  	_ = 	snop  }
0x5: {  	_ = 	snop  }
0x6: {  	_ = 	snop  }
0x7: {  	_ = 	snop  }
__scs_overlays_trampoline_lowered:
0x8: {  	[smem:$0x3FAB] =	sst s0  }
0x9: {  	[smem:$0x3FAC] =	sst s1  }
0xa: {  	[smem:$0x3FAD] =	sst s2  }
0xb: {  	[smem:$0x3FAE] =	sst s3  }
0xc: {  	[smem:$0x3FAF] =	sst s4  }
0xd: {  	[smem:$0x3FB0] =	sst s5  }
0xe: {  	[smem:$0x3FB1] =	sst s6  }
0xf: {  	[smem:$0x3FB2] =	sst s7  }
0x10: {  	[smem:$0x3FB3] =	sst s8  }
0x11: {  	[smem:$0x3FB4] =	sst s9;
	s0 =	simm.s32 @!p0 $0x0  }
0x12: {  	s1 =	sld [smem:$0x3F9A];
	s0 =	simm.s32 @p0 $0x1  }
0x13: {  	[smem:$0x3FB5] =	sst s0;
	s0 =	simm.s32 @!p1 $0x0  }
0x14: {  	s2 =	sld [smem:$0x3F99];
	s0 =	simm.s32 @p1 $0x1  }
0x15: {  	[smem:$0x3FB6] =	sst s0;
	s0 =	simm.s32 @!p2 $0x0  }
0x16: {  	s3 =	sld [smem:$0x3FDB];
	s0 =	simm.s32 @p2 $0x1  }
0x17: {  	s4 =	simm.s32 $0x1BF5;
	[smem:$0x3FB8] =	sst s0  }
0x18: {  	s0 =	sld [smem:$0x3F9B];
	_ =	swait.ge [sflag:s4], $0x0  }
0x19: {  	s7 =	sld [smem:$0x3F9C]  }
0x1a: {  	s8 =	sadd.s32 $0xFFFFE003, lr  }
0x1b: {  	s9 =	sadd.s32 $0xFFFFFEF7, lr;
	s5 =	simm.s32 $0xFFFFFFFF;
	p2 =	slt.u32 s8, $0xFFFFF086  }
0x1c: {  	p1 =	slt.u32 s9, $0xF7A;
	s5 =	simm.s32 @!p2 $0x0  }
0x1d: {  	s5 =	simm.s32 @p1 $0x1;
	p0 =	seq.s32 s7, s2  }
0x1e: {  	s7 =	smul.u32 @!p0 $0xF7A, s2;
	p2 =	seq.s32 @!p0 s5, $0x0  }
0x1f: {  	s9 =	smul.u32 $0xF7A, s1;
	s8 =	simm.s32 @!p0 $0x1BF5;
	p2 =	por !p2, p0  }
0x20: {  	[sflag:s8] =	ssyncset.s32 @!p0 $0xFFFFF086;
	s6 =	sadd.s32 @!p0 s3, s7;
	s7 =	simm.s32 @!p0 $0x108  }
0x21: {  	s3 =	sadd.s32 s3, s9;
	s6 =	sadd.s32 @!p0 $0x88, s6;
	s7 =	simm.s32 @p2 $0x1082  }
0x22: {  	[simem:s7], [sflag:s8] =	dma.local @!p0 [hbm:s6], $0xF7A  }
0x23: {  	s9 =	sor.u32 $0xD0000000, s2;
	s6 =	simm.s32 $0x108;
	_ =	swait.ge @!p0 [sflag:s8], $0x0  }
0x24: {  	s3 =	sadd.s32 $0x88, s3;
	s6 =	simm.s32 @!p1 $0x1082;
	[sflag:s4] =	ssyncset.s32 $0xFFFFF086  }
0x25: {  	[simem:s6], [sflag:s4] =	dma.local [hbm:s3], $0xF7A  }
0x26: {  	[smem:$0x3F9C] =	sst s1;
	(tag) =	ssettag s2;
	_ =	strace s9  }
0x27: {  	s1 =	sld [smem:$0x3FAC]  }
0x28: {  	s2 =	sld [smem:$0x3FAD]  }
0x29: {  	s4 =	sld [smem:$0x3FAF]  }
0x2a: {  	p0 =	seq.s32 s5, $0x0;
	s5 =	sld [smem:$0x3FB0]  }
0x2b: {  	s6 =	sld [smem:$0x3FB1]  }
0x2c: {  	s7 =	sld [smem:$0x3FB2]  }
0x2d: {  	s3 =	simm.s32 $0x108;
	s8 =	sld [smem:$0x3FB3]  }
0x2e: {  	s3 =	simm.s32 @!p0 $0x1082;
	s9 =	sld [smem:$0x3FB4]  }
0x2f: {  	lr =	sadd.s32 s0, s3;
	s0 =	sld [smem:$0x3FAB]  }
0x30: {  	s3 =	sld [smem:$0x3FAE]  }
0x31: {  	[smem:$0x3FB7] =	sst s10  }
0x32: {  	s10 =	sld [smem:$0x3FB5];
	_ =	sdelay $0x3  }
0x33: {  	p0 =	seq.s32 s10, $0x1;
	s10 =	sld [smem:$0x3FB7];
	_ =	sdelay $0x3  }
0x34: {  	[smem:$0x3FB7] =	sst s10  }
0x35: {  	s10 =	sld [smem:$0x3FB6];
	_ =	sdelay $0x3  }
0x36: {  	p1 =	seq.s32 s10, $0x1;
	s10 =	sld [smem:$0x3FB7];
	_ =	sdelay $0x3  }
0x37: {  	[smem:$0x3FB7] =	sst s10  }
0x38: {  	s10 =	sld [smem:$0x3FB8]  }
0x39: {  	_ = 	snop;
	(pc) =	sbr.ind lr, $3  }
0x3a: {  	_ = 	snop  }
0x3b: {  	_ = 	snop  }
0x3c: {  	p2 =	seq.s32 s10, $0x1;
	s10 =	sld [smem:$0x3FB7]  }
0x3d: {  	_ =	shalt  }
0x3e: {  	_ =	shalt  }
0x3f: {  	_ =	shalt  }
0x40: {  	_ =	shalt  }
0x41: {  	_ =	shalt  }
0x42: {  	_ =	shalt  }
0x43: {  	_ =	shalt  }
0x44: {  	_ =	shalt  }
0x45: {  	_ =	shalt  }
0x46: {  	_ =	shalt  }
0x47: {  	_ =	shalt  }
0x48: {  	_ =	shalt  }
0x49: {  	_ =	shalt  }
0x4a: {  	_ =	shalt  }
0x4b: {  	_ =	shalt  }
0x4c: {  	_ =	shalt  }
0x4d: {  	_ =	shalt  }
0x4e: {  	_ =	shalt  }
0x4f: {  	_ =	shalt  }
0x50: {  	_ =	shalt  }
0x51: {  	_ =	shalt  }
0x52: {  	_ =	shalt  }
0x53: {  	_ =	shalt  }
0x54: {  	_ =	shalt  }
0x55: {  	_ =	shalt  }
0x56: {  	_ =	shalt  }
0x57: {  	_ =	shalt  }
0x58: {  	_ =	shalt  }
0x59: {  	_ =	shalt  }
0x5a: {  	_ =	shalt  }
0x5b: {  	_ =	shalt  }
0x5c: {  	_ =	shalt  }
0x5d: {  	_ =	shalt  }
0x5e: {  	_ =	shalt  }
0x5f: {  	_ =	shalt  }
0x60: {  	_ =	shalt  }
0x61: {  	_ =	shalt  }
0x62: {  	_ =	shalt  }
0x63: {  	_ =	shalt  }
0x64: {  	_ =	shalt  }
0x65: {  	_ =	shalt  }
0x66: {  	_ =	shalt  }
0x67: {  	_ =	shalt  }
0x68: {  	_ =	shalt  }
0x69: {  	_ =	shalt  }
0x6a: {  	_ =	shalt  }
0x6b: {  	_ =	shalt  }
0x6c: {  	_ =	shalt  }
0x6d: {  	_ =	shalt  }
0x6e: {  	_ =	shalt  }
0x6f: {  	_ =	shalt  }
0x70: {  	_ =	shalt  }
0x71: {  	_ =	shalt  }
0x72: {  	_ =	shalt  }
0x73: {  	_ =	shalt  }
0x74: {  	_ =	shalt  }
0x75: {  	_ =	shalt  }
0x76: {  	_ =	shalt  }
0x77: {  	_ =	shalt  }
0x78: {  	_ =	shalt  }
0x79: {  	_ =	shalt  }
0x7a: {  	_ =	shalt  }
0x7b: {  	_ =	shalt  }
0x7c: {  	_ =	shalt  }
0x7d: {  	_ =	shalt  }
0x7e: {  	_ =	shalt  }
0x7f: {  	_ =	shalt  }
0x80: {  	_ =	shalt  }
0x81: {  	_ =	shalt  }
0x82: {  	_ =	shalt  }
0x83: {  	_ =	shalt  }
0x84: {  	_ =	shalt  }
0x85: {  	_ =	shalt  }
0x86: {  	_ =	shalt  }
0x87: {  	_ =	shalt  }
.Lfunc_end0:
.L_simem_size_0:
called_computation_lowered:
.L_overlay_start_0:
0x88: {  	s2 =	sld [smem:$0x3FD9]  }
0x89: {  	s3 =	sld [smem:$0x3FFE];
	_ =	sdelay $0x1  }
0x8a: {  	s1 =	srdreg.scid  }
0x8b: {  	s0 =	sand.u32 $0x1, s1  }
0x8c: {  	s17 =	sshll.u32 s0, $0xA;
	s2 =	sadd.s32 s3, s2  }
0x8d: {  	s2 =	sadd.s32 s2, s17  }
0x8e: {  	[smem:$0x3FC3] =	sst s2  }
0x8f: {  	_ = 	snop  }
0x90: {  	s2 =	sld [smem:$0x3FC9];
	(tm) =	ssettm $0x1  }
0x91: {  	s18 =	sld [smem:$0x3FFB];
	_ =	sdelay $0x3  }
0x92: {  	_ =	strace s18  }
0x93: {  	s3 =	sld [smem:$0x3FFC];
	_ =	sdelay $0x3  }
0x94: {  	_ =	strace s3  }
0x95: {  	s3 =	sld [smem:$0x3FFD];
	_ =	sdelay $0x3  }
0x96: {  	_ =	strace s3  }
0x97: {  	_ =	strace $0x8FFFFFFF  }
0x98: {  	s19 =	sld [smem:$0x3FDB];
	_ =	sdelay $0x1  }
0x99: {  	s4 =	simm.s32 $_scs_section_size  }
0x9a: {  	s5 =	simm.s32 $_size__tile_overlayer_lowered;
	s6 =	simm.s32 $_tile_overlayer_lowered  }
0x9b: {  	s22 =	simm.s32 $0x1BFF;
	s21 =	sshll.u32 s6, $0x1;
	s3 =	sadd.s32 s4, s19  }
0x9c: {  	s7 =	simm.s32 $0x0;
	s20 =	sshll.u32 s5, $0x1;
	s5 =	sadd.s32 s21, s3  }
0x9d: {  	[timem:s7], [sflag:s22] =	dma.local [hbm:s5], s20  }
0x9e: {  	_ =	swait.ge [sflag:s22], s20  }
0x9f: {  	s4 =	ssub.s32 $0x0, s20;
	[sflag:s22] =	ssyncset.done $0x0  }
0xa0: {  	[sflag:s22] =	ssyncadd.s32 s4;
	_ =	sdelay $0x1  }
0xa1: {  	s23 =	simm.s32 $0x1B8B  }
0xa2: {  	_ =	swait.ge [sflag:s23], $0x1  }
0xa3: {  	[sflag:s23] =	ssyncset.done $0x0  }
0xa4: {  	s25 =	simm.s32 $0x1B8E;
	s24 =	sld [smem:$0x3FFE];
	[sflag:s23] =	ssyncadd.s32 $0xFFFFFFFF  }
0xa5: {  	s26 =	simm.s32 $execute0_lowered;
	[smem:$0x3FD2] =	sst s25  }
0xa6: {  	s5 =	sshll.u32 s26, $0x1;
	_ =	strace $0x80000046;
	[dreg:$0x1] =	wrdreg $0xFFFFFFFF  }
0xa7: {  	s28 =	simm.s32 $_size_execute0_lowered;
	s3 =	sadd.s32 s3, s5;
	[dreg:$0x0] =	wrdreg $0x0  }
0xa8: {  	s5 =	sshll.u32 s28, $0x1;
	[dreg:$0x2] =	wrdreg s3  }
0xa9: {  	[dreg:$0x3] =	wrdreg s5  }
0xaa: {  	[dreg:$0x4] =	wrdreg $0xC0  }
0xab: {  	_ =	task [dreg:s7], $0x5FFFF  }
0xac: {  	[dreg:$0x1] =	wrdreg $0xFFFFFFFF  }
0xad: {  	[dreg:$0x0] =	wrdreg $0x60  }
0xae: {  	[dreg:$0x2] =	wrdreg s2  }
0xaf: {  	[dreg:$0x3] =	wrdreg s24  }
0xb0: {  	[dreg:$0x4] =	wrdreg $0x9  }
0xb1: {  	_ =	task.clear_ibuf [dreg:s7], $0x5FFFF;
	_ =	strace $0x90000046  }
0xb2: {  	s29 =	simm.s32 $0x9;
	_ =	strace $0x80000048  }
0xb3: {  	_ =	swait.ge [sflag:s29], $0x1  }
0xb4: {  	[sflag:s29] =	ssyncadd.s32 $0xFFFFFFFF  }
0xb5: {  	_ =	strace $0x90000048  }
0xb6: {  	_ =	sfence  }
0xb7: {  	s30 =	sld [smem:$0x0];
	_ =	sdelay $0x2  }
0xb8: {  	s31 =	sshll.u32 s1, $0xD;
	s1 =	sshrl.u32 s1, $0x2  }
0xb9: {  	s3 =	sand.u32 $0x4000, s31;
	s1 =	sadd.s32 s1, s30  }
0xba: {  	s0 =	sor.u32 s3, s0;
	s1 =	sshll.u32 s1, $0x11  }
0xbb: {  	s0 =	sor.u32 s1, s0  }
0xbc: {  	s0 =	sadd.s32 $0x8F2B, s0  }
0xbd: {  	[sflag:s0] =	ssyncadd.remote.s32 $0x1  }
0xbe: {  	_ =	sfence.sel $0xFFFF  }
0xbf: {  	[dreg:$0x0] =	wrdreg $0xFFFFFFFF;
	(pc) =	sbr.abs _section_cstart, $3  }
0xc0: {  	[dreg:$0x1] =	wrdreg $0xFFFFFFFF  }
0xc1: {  	_ =	task.clear_ibuf [dreg:s7], $0x2FFFF;
	_ =	strace $0x9FFFFFFF  }
0xc2: {  	(tm) =	ssettm $0x7FFFFFFF  }
0xc3: {  	_ =	shalt  }
tec
execute0_lowered:
.L_overlay_start_1:
0x0: {  	(tag) =	ssettag $0x1  }
0x1: {  	s0 =	rddreg [dreg:$0x1];
	s3 =	simm.s32 $0x0;
	s1 =	srdreg.scid  }
0x2: {  	s2 =	stileid.u32;
	s11 =	simm.s32 $0x2;
	s12 =	simm.s32 $0x20  }
0x3: {  	s13 =	simm.s32 $0x2A0;
	s14 =	simm.s32 $0x80;
	s28 =	simm.s32 $0x3A0  }
0x4: {  	s29 =	simm.s32 $0xECA0;
	s30 =	simm.s32 $0x420;
	s31 =	simm.s32 $0x10CA0  }
0x5: {  	[smem:$0x7FF] =	sst s3;
	s1 =	sand.u32 $0x1, s1;
	s2 =	sshll.u32 s2, $0x1  }
0x6: {  	s4 =	sadd.s32 $0x800, s0;
	s5 =	sadd.s32 $0xA800, s0;
	s6 =	sadd.s32 $0x16E3E00, s0  }
0x7: {  	s7 =	sadd.s32 $0xF42C00, s0;
	s2 =	sor.u32 s1, s2;
	s1 =	ssub.s32 $0x2, s1  }
0x8: {  	s3 =	simm.s32 $0x0;
	s25 =	smul.u32 $0x440, s2;
	s8 =	sshrl.u32 s1, $0x1  }
0x9: {  	_ =	strace $0x80000047;
	s1 =	ssub.s32 s1, s8;
	s8 =	sshll.u32 s2, $0x9  }
0xa: {  	s2 =	simm.s32 $0x1;
	s0 =	sadd.s32 s25, s0;
	s26 =	smax.u32 s1, $0x1  }
0xb: {  	s25 =	simm.s32 $0x320;
	s0 =	sadd.s32 $0x12800, s0;
	[dreg:$0x4] =	wrdreg s26  }
0xc: {  	v0 =	vlaneseq.u32;
	s26 =	simm.s32 $0xCCA0;
	[dreg:$0x3] =	wrdreg s0;
	s0 =	simm.s32 $0x4A0  }
.LBB2_1:
0xd: {  	[dreg:$0x5] =	wrdreg s3;
	s9 =	simm.s32 $0x0  }
.LBB2_2:
0xe: {  	s10 =	sshll.u32 s9, $0x5  }
0xf: {  	s3 =	sadd.s32 s8, s10  }
0x10: {  	s15 =	rddreg [dreg:$0x0];
	s1 =	sshrl.u32 s3, $0x3  }
0x11: {  	s21 =	smul.u32 $0x14, s3;
	s15 =	sadd.s32 s15, s1;
	s1 =	simm.s32 $0x0  }
0x12: {  	[tilespmem:s1], [sflag:$0x2] =	stream.linear.gather [hbm4b:s15+s1], $0x20, $0x38;
	[tilespmem:$0x14EA0] =	vst v63  }
0x13: {  	_ =	swait.ge [sflag:s11], $0x20  }
0x14: {  	s15 =	sshrl.u32 s21, $0x3;
	[sflag:s11] =	ssyncset.done $0x0  }
0x15: {  	s15 =	sadd.s32 s4, s15;
	[sflag:s11] =	ssyncadd.s32 $0xFFFFFFE0  }
0x16: {  	[tilespmem:s12], [sflag:$0x2] =	stream.linear.gather [hbm4b:s15+s1], $0x280, $0x38;
	[tilespmem:$0x14EA0] =	vst v63  }
0x17: {  	_ =	swait.ge [sflag:s11], $0x280  }
0x18: {  	s3 =	sshll.u32 s3, $0x1;
	[sflag:s11] =	ssyncset.done $0x0  }
0x19: {  	s3 =	sadd.s32 s5, s3;
	[sflag:s11] =	ssyncadd.s32 $0xFFFFFD80  }
0x1a: {  	[tilespmem:s13], [sflag:$0x2] =	stream.linear.gather [hbm4b:s3+s1], $0x200, $0x38;
	[tilespmem:$0x14EA0] =	vst v63  }
0x1b: {  	_ =	swait.ge [sflag:s11], $0x200  }
0x1c: {  	[sflag:s11] =	ssyncset.done $0x0  }
0x1d: {  	s22 =	simm.s32 $0xCA0;
	[sflag:s11] =	ssyncadd.s32 $0xFFFFFE00  }
0x1e: {  	[tilespmem:s22], [sflag:$0x1] =	stream.indirect.gather [hbm4b:s7+s14], $0x40, s12, s14, $0xb8;
	[tilespmem:$0x14EA0] =	vst v63  }
0x1f: {  	s23 =	simm.s32 $0xA0;
	s24 =	simm.s32 $0x2CA0  }
0x20: {  	[tilespmem:s24], [sflag:$0x1] =	stream.indirect.gather [hbm4b:s7+s14], $0x40, s23, s14, $0xb8;
	[tilespmem:$0x14EA0] =	vst v63  }
0x21: {  	s16 =	simm.s32 $0x4CA0;
	s15 =	simm.s32 $0x120  }
0x22: {  	[tilespmem:s16], [sflag:$0x1] =	stream.indirect.gather [hbm4b:s7+s14], $0x40, s15, s14, $0xb8;
	[tilespmem:$0x14EA0] =	vst v63  }
0x23: {  	s17 =	simm.s32 $0x1A0;
	s18 =	simm.s32 $0x6CA0  }
0x24: {  	[tilespmem:s18], [sflag:$0x1] =	stream.indirect.gather [hbm4b:s7+s14], $0x40, s17, s14, $0xb8;
	[tilespmem:$0x14EA0] =	vst v63  }
0x25: {  	s19 =	simm.s32 $0x220;
	s20 =	simm.s32 $0x8CA0  }
0x26: {  	[tilespmem:s20], [sflag:$0x1] =	stream.indirect.gather [hbm4b:s7+s14], $0x40, s19, s14, $0xb8;
	[tilespmem:$0x14EA0] =	vst v63  }
0x27: {  	s21 =	simm.s32 $0xACA0  }
0x28: {  	[tilespmem:s21], [sflag:$0x1] =	stream.indirect.gather [hbm4b:s6+s14], $0x40, s13, s14, $0xb8;
	[tilespmem:$0x14EA0] =	vst v63  }
0x29: {  	_ = 	snop  }
0x2a: {  	[tilespmem:s26], [sflag:$0x1] =	stream.indirect.gather [hbm4b:s6+s14], $0x40, s25, s14, $0xb8;
	[tilespmem:$0x14EA0] =	vst v63  }
0x2b: {  	_ = 	snop  }
0x2c: {  	[tilespmem:s29], [sflag:$0x1] =	stream.indirect.gather [hbm4b:s6+s14], $0x40, s28, s14, $0xb8;
	[tilespmem:$0x14EA0] =	vst v63  }
0x2d: {  	_ = 	snop  }
0x2e: {  	[tilespmem:s31], [sflag:$0x1] =	stream.indirect.gather [hbm4b:s6+s14], $0x40, s30, s14, $0xb8;
	[tilespmem:$0x14EA0] =	vst v63  }
0x2f: {  	_ = 	snop  }
0x30: {  	[tilespmem:s0], [sflag:$0x1] =	stream.indirect.gather [hbm4b:s6+s12], $0x40, s1, s12, $0xb8;
	[tilespmem:$0x14EA0] =	vst v63  }
0x31: {  	_ =	swait.ge [sflag:s2], $0x2000  }
0x32: {  	[sflag:s2] =	ssyncset.done $0x0  }
0x33: {  	[sflag:s2] =	ssyncadd.s32 $0xFFFFE000  }
0x34: {  	_ =	swait.ge [sflag:s2], $0x2000  }
0x35: {  	[sflag:s2] =	ssyncset.done $0x0  }
0x36: {  	[sflag:s2] =	ssyncadd.s32 $0xFFFFE000  }
0x37: {  	_ =	swait.ge [sflag:s2], $0x2000  }
0x38: {  	[sflag:s2] =	ssyncset.done $0x0  }
0x39: {  	[sflag:s2] =	ssyncadd.s32 $0xFFFFE000  }
0x3a: {  	_ =	swait.ge [sflag:s2], $0x2000  }
0x3b: {  	[sflag:s2] =	ssyncset.done $0x0  }
0x3c: {  	[sflag:s2] =	ssyncadd.s32 $0xFFFFE000  }
0x3d: {  	_ =	swait.ge [sflag:s2], $0x2000  }
0x3e: {  	[sflag:s2] =	ssyncset.done $0x0  }
0x3f: {  	[sflag:s2] =	ssyncadd.s32 $0xFFFFE000  }
0x40: {  	_ =	swait.ge [sflag:s2], $0x2000  }
0x41: {  	[sflag:s2] =	ssyncset.done $0x0  }
0x42: {  	[sflag:s2] =	ssyncadd.s32 $0xFFFFE000  }
0x43: {  	_ =	swait.ge [sflag:s2], $0x2000  }
0x44: {  	[sflag:s2] =	ssyncset.done $0x0  }
0x45: {  	[sflag:s2] =	ssyncadd.s32 $0xFFFFE000  }
0x46: {  	_ =	swait.ge [sflag:s2], $0x2000  }
0x47: {  	[sflag:s2] =	ssyncset.done $0x0  }
0x48: {  	[sflag:s2] =	ssyncadd.s32 $0xFFFFE000  }
0x49: {  	_ =	swait.ge [sflag:s2], $0x2000  }
0x4a: {  	[sflag:s2] =	ssyncset.done $0x0  }
0x4b: {  	[sflag:s2] =	ssyncadd.s32 $0xFFFFE000  }
0x4c: {  	_ =	swait.ge [sflag:s2], $0x800  }
0x4d: {  	[sflag:s2] =	ssyncset.done $0x0  }
0x4e: {  	s22 =	simm.s32 $0x4C0;
	[sflag:s2] =	ssyncadd.s32 $0xFFFFF800  }
0x4f: {  	v1 =	vld [tilespmem:s22+$0x10];
	_ =	sdelay $0x4  }
0x50: {  	[tilespmem:$0x1FF60] =	vst v1;
	v1 =	vld [tilespmem:s22+$0x0];
	_ =	sdelay $0x4  }
0x51: {  	[tilespmem:$0x1FF30] =	vst v1;
	v1 =	vld [tilespmem:s22+$0xFFFFFFE0];
	_ =	sdelay $0x4  }
0x52: {  	[tilespmem:$0x1FEF0] =	vst v1;
	v1 =	vld [tilespmem:s22+$0xFFFFFFF0];
	_ =	sdelay $0x3  }
0x53: {  	s23 =	simm.s32 $0xF20  }
0x54: {  	[tilespmem:$0x1FF00] =	vst v1;
	v1 =	vld [tilespmem:s23+$0x230];
	_ =	sdelay $0x4  }
0x55: {  	[tilespmem:$0x1FED0] =	vst v1;
	v1 =	vld [tilespmem:s23+$0x260];
	_ =	sdelay $0x4  }
0x56: {  	[tilespmem:$0x1FEE0] =	vst v1;
	v1 =	vld [tilespmem:s23+$0x1F0];
	_ =	sdelay $0x4  }
0x57: {  	[tilespmem:$0x1FEB0] =	vst v1;
	v1 =	vld [tilespmem:s23+$0x220];
	_ =	sdelay $0x4  }
0x58: {  	[tilespmem:$0x1FEC0] =	vst v1;
	v1 =	vld [tilespmem:s23+$0x1B0];
	_ =	sdelay $0x4  }
0x59: {  	[tilespmem:$0x1FE90] =	vst v1;
	v1 =	vld [tilespmem:s23+$0x1E0];
	_ =	sdelay $0x4  }
0x5a: {  	[tilespmem:$0x1FEA0] =	vst v1;
	v1 =	vld [tilespmem:s23+$0x170];
	_ =	sdelay $0x4  }
0x5b: {  	[tilespmem:$0x1FE70] =	vst v1;
	v1 =	vld [tilespmem:s23+$0x1A0];
	_ =	sdelay $0x4  }
0x5c: {  	[tilespmem:$0x1FE80] =	vst v1;
	v1 =	vld [tilespmem:s23+$0x130];
	_ =	sdelay $0x4  }
0x5d: {  	[tilespmem:$0x1FE50] =	vst v1;
	v1 =	vld [tilespmem:s23+$0x160];
	_ =	sdelay $0x4  }
0x5e: {  	[tilespmem:$0x1FE60] =	vst v1;
	v1 =	vld [tilespmem:s23+$0xF0];
	_ =	sdelay $0x4  }
0x5f: {  	[tilespmem:$0x1FE30] =	vst v1;
	v1 =	vld [tilespmem:s23+$0x120];
	_ =	sdelay $0x4  }
0x60: {  	[tilespmem:$0x1FE40] =	vst v1;
	v1 =	vld [tilespmem:s23+$0xB0];
	_ =	sdelay $0x4  }
0x61: {  	[tilespmem:$0x1FE10] =	vst v1;
	v1 =	vld [tilespmem:s23+$0xE0];
	_ =	sdelay $0x4  }
0x62: {  	[tilespmem:$0x1FE20] =	vst v1;
	v1 =	vld [tilespmem:s23+$0x70];
	_ =	sdelay $0x4  }
0x63: {  	[tilespmem:$0x1FDF0] =	vst v1;
	v1 =	vld [tilespmem:s23+$0xA0];
	_ =	sdelay $0x4  }
0x64: {  	[tilespmem:$0x1FE00] =	vst v1;
	v1 =	vld [tilespmem:s23+$0x30];
	_ =	sdelay $0x4  }
0x65: {  	[tilespmem:$0x1FDD0] =	vst v1;
	v1 =	vld [tilespmem:s23+$0x60];
	_ =	sdelay $0x4  }
0x66: {  	[tilespmem:$0x1FDE0] =	vst v1;
	v1 =	vld [tilespmem:s23+$0xFFFFFFF0];
	_ =	sdelay $0x4  }
0x67: {  	[tilespmem:$0x1FDB0] =	vst v1;
	v1 =	vld [tilespmem:s23+$0x20];
	_ =	sdelay $0x4  }
0x68: {  	[tilespmem:$0x1FDC0] =	vst v1;
	v1 =	vld [tilespmem:s23+$0x270];
	_ =	sdelay $0x3  }
0x69: {  	s3 =	simm.s32 $0xAEA0  }
0x6a: {  	[tilespmem:$0x1FF10] =	vst v1;
	v1 =	vld [tilespmem:s3+$0x1E0];
	_ =	sdelay $0x4  }
0x6b: {  	[tilespmem:$0x1FF20] =	vst v1;
	v1 =	vld [tilespmem:s3+$0xFFFFFE00];
	_ =	sdelay $0x4  }
0x6c: {  	[tilespmem:$0x1FF40] =	vst v1;
	v1 =	vld [tilespmem:s3+$0x1F0];
	_ =	sdelay $0x4  }
0x6d: {  	[tilespmem:$0x1FF50] =	vst v1;
	v1 =	vld [tilespmem:s3+$0xFFFFFE10];
	_ =	sdelay $0x4  }
0x6e: {  	[tilespmem:$0x1FF70] =	vst v1;
	v1 =	vld [tilespmem:s3+$0xFFFFFE40];
	_ =	sdelay $0x2  }
0x6f: {  	v26 =	vld [tilespmem:s23+$0xFFFFFF30]  }
0x70: {  	v21 =	vld [tilespmem:s23+$0xFFFFFEF0]  }
0x71: {  	[tilespmem:$0x1FF80] =	vst v1;
	v1 =	vld [tilespmem:s3+$0xFFFFFE50]  }
0x72: {  	v29 =	vld [tilespmem:s23+$0xFFFFFEB0]  }
0x73: {  	v28 =	vld [tilespmem:s23+$0xFFFFFE70]  }
0x74: {  	v40 =	vld [tilespmem:s23+$0xFFFFFE30]  }
0x75: {  	v41 =	vld [tilespmem:s23+$0xFFFFFE60]  }
0x76: {  	[tilespmem:$0x1FF90] =	vst v1;
	v1 =	vld [tilespmem:s3+$0xFFFFFE80]  }
0x77: {  	v43 =	vld [tilespmem:s23+$0xFFFFFDF0]  }
0x78: {  	v50 =	vld [tilespmem:s23+$0xFFFFFE20]  }
0x79: {  	v47 =	vld [tilespmem:s23+$0xFFFFFDB0]  }
0x7a: {  	v39 =	vld [tilespmem:s23+$0xFFFFFD80]  }
0x7b: {  	[tilespmem:$0x1FFA0] =	vst v1;
	v1 =	vld [tilespmem:s3+$0xFFFFFE90]  }
0x7c: {  	v44 =	vld [tilespmem:s23+$0xFFFFFD90]  }
0x7d: {  	v51 =	vld [tilespmem:s23+$0xFFFFFDC0]  }
0x7e: {  	v53 =	vld [tilespmem:s23+$0xFFFFFDD0]  }
0x7f: {  	v48 =	vld [tilespmem:s23+$0xFFFFFDE0]  }
0x80: {  	v54 =	vld [tilespmem:s23+$0xFFFFFE00];
	[tilespmem:$0x1FFB0] =	vst v1;
	v1 =	vadd.f32 $0.0e+00, v39  }
0x81: {  	v42 =	vld [tilespmem:s23+$0xFFFFFDA0];
	v44 =	vadd.f32 $0.0e+00, v44  }
0x82: {  	v61 =	vld [tilespmem:s23+$0xFFFFFE40];
	v1 =	vadd.f32 v51, v1  }
0x83: {  	v56 =	vld [tilespmem:s23+$0xFFFFFE10];
	v51 =	vadd.f32 v53, v44;
	v53 =	vadd.f32 $0.0e+00, v47  }
0x84: {  	v63 =	vld [tilespmem:s23+$0xFFFFFE80]  }
0x85: {  	v62 =	vld [tilespmem:s23+$0xFFFFFE50];
	v1 =	vadd.f32 v54, v1;
	v43 =	vadd.f32 v43, v53  }
0x86: {  	v4 =	vld [tilespmem:s23+$0xFFFFFEC0];
	v2 =	vadd.f32 $0.0e+00, v42  }
0x87: {  	v3 =	vld [tilespmem:s23+$0xFFFFFE90];
	v1 =	vadd.f32 v61, v1;
	v40 =	vadd.f32 v40, v43  }
0x88: {  	v38 =	vld [tilespmem:s23+$0xFFFFFEA0];
	v2 =	vadd.f32 v48, v2;
	v51 =	vadd.f32 v56, v51  }
0x89: {  	v5 =	vld [tilespmem:s23+$0xFFFFFED0];
	v1 =	vadd.f32 v63, v1;
	v40 =	vadd.f32 v28, v40  }
0x8a: {  	v30 =	vld [tilespmem:s23+$0xFFFFFEE0];
	v2 =	vadd.f32 v50, v2;
	v62 =	vadd.f32 v62, v51  }
0x8b: {  	v7 =	vld [tilespmem:s23+$0xFFFFFF10];
	v1 =	vadd.f32 v4, v1;
	v4 =	vadd.f32 v29, v40  }
0x8c: {  	v45 =	vld [tilespmem:s23+$0xFFFFFF70];
	v2 =	vadd.f32 v41, v2;
	v3 =	vadd.f32 v3, v62  }
0x8d: {  	v31 =	vld [tilespmem:s23+$0xFFFFFF20];
	v4 =	vadd.f32 v21, v4  }
0x8e: {  	v55 =	vld [tilespmem:s23+$0xFFFFFFB0];
	v2 =	vadd.f32 v38, v2;
	v3 =	vadd.f32 v5, v3  }
0x8f: {  	v32 =	vld [tilespmem:s23+$0xFFFFFF60];
	v4 =	vadd.f32 v26, v4  }
0x90: {  	v2 =	vadd.f32 v30, v2;
	v3 =	vadd.f32 v7, v3;
	v7 =	vld [tilespmem:$0x1FDB0]  }
0x91: {  	v37 =	vld [tilespmem:s23+$0xFFFFFFA0];
	v4 =	vadd.f32 v45, v4  }
0x92: {  	v2 =	vadd.f32 v31, v2  }
0x93: {  	v57 =	vld [tilespmem:s23+$0xFFFFFFE0];
	v4 =	vadd.f32 v55, v4  }
0x94: {  	v2 =	vadd.f32 v32, v2  }
0x95: {  	v4 =	vadd.f32 v7, v4;
	v7 =	vld [tilespmem:$0x1FDC0]  }
0x96: {  	v5 =	vadd.f32 v37, v2;
	_ =	sdelay $0x1  }
0x97: {  	v5 =	vadd.f32 v57, v5;
	_ =	sdelay $0x1  }
0x98: {  	v5 =	vadd.f32 v7, v5;
	v7 =	vld [tilespmem:$0x1FDD0];
	_ =	sdelay $0x4  }
0x99: {  	v4 =	vadd.f32 v7, v4;
	v7 =	vld [tilespmem:$0x1FDE0]  }
0x9a: {  	v6 =	vld [tilespmem:s23+$0xFFFFFF00]  }
0x9b: {  	v8 =	vld [tilespmem:s23+$0xFFFFFF40]  }
0x9c: {  	v9 =	vld [tilespmem:s23+$0xFFFFFF50]  }
0x9d: {  	v10 =	vld [tilespmem:s23+$0xFFFFFF80]  }
0x9e: {  	v5 =	vadd.f32 v7, v5;
	v7 =	vld [tilespmem:$0x1FDF0]  }
0x9f: {  	v11 =	vld [tilespmem:s23+$0xFFFFFF90]  }
0xa0: {  	v12 =	vld [tilespmem:s23+$0xFFFFFFC0]  }
0xa1: {  	v13 =	vld [tilespmem:s23+$0xFFFFFFD0]  }
0xa2: {  	v14 =	vld [tilespmem:s23+$0x0]  }
0xa3: {  	v4 =	vadd.f32 v7, v4;
	v7 =	vld [tilespmem:$0x1FE00]  }
0xa4: {  	v15 =	vld [tilespmem:s23+$0x10]  }
0xa5: {  	v16 =	vld [tilespmem:s23+$0x40]  }
0xa6: {  	v17 =	vld [tilespmem:s23+$0x50]  }
0xa7: {  	v18 =	vld [tilespmem:s23+$0x80]  }
0xa8: {  	v5 =	vadd.f32 v7, v5;
	v7 =	vld [tilespmem:$0x1FE10]  }
0xa9: {  	v19 =	vld [tilespmem:s23+$0x90]  }
0xaa: {  	v22 =	vld [tilespmem:s23+$0xC0]  }
0xab: {  	v20 =	vld [tilespmem:s23+$0xD0]  }
0xac: {  	v23 =	vld [tilespmem:s23+$0x100]  }
0xad: {  	v4 =	vadd.f32 v7, v4;
	v7 =	vld [tilespmem:$0x1FE20]  }
0xae: {  	v24 =	vld [tilespmem:s23+$0x110]  }
0xaf: {  	v27 =	vld [tilespmem:s23+$0x140]  }
0xb0: {  	v25 =	vld [tilespmem:s23+$0x150]  }
0xb1: {  	v33 =	vld [tilespmem:s23+$0x180]  }
0xb2: {  	v5 =	vadd.f32 v7, v5;
	v7 =	vld [tilespmem:$0x1FE30]  }
0xb3: {  	v34 =	vld [tilespmem:s23+$0x190]  }
0xb4: {  	v35 =	vld [tilespmem:s23+$0x1C0]  }
0xb5: {  	v36 =	vld [tilespmem:s23+$0x1D0]  }
0xb6: {  	v46 =	vld [tilespmem:s23+$0x200]  }
0xb7: {  	v4 =	vadd.f32 v7, v4;
	v7 =	vld [tilespmem:$0x1FE40]  }
0xb8: {  	v49 =	vld [tilespmem:s23+$0x210]  }
0xb9: {  	v58 =	vld [tilespmem:s23+$0x240]  }
0xba: {  	v52 =	vld [tilespmem:s23+$0x250]  }
0xbb: {  	v59 =	vld [tilespmem:s3+$0x1C0]  }
0xbc: {  	v5 =	vadd.f32 v7, v5;
	v7 =	vld [tilespmem:$0x1FE50]  }
0xbd: {  	v60 =	vld [tilespmem:s3+$0x1D0]  }
0xbe: {  	v42 =	vld [tilespmem:s3+$0xFFFFFED0]  }
0xbf: {  	v48 =	vld [tilespmem:s3+$0xFFFFFF40]  }
0xc0: {  	v50 =	vld [tilespmem:s3+$0xFFFFFF50]  }
0xc1: {  	v4 =	vadd.f32 v7, v4;
	v7 =	vld [tilespmem:$0x1FE60]  }
0xc2: {  	v41 =	vld [tilespmem:s3+$0x120]  }
0xc3: {  	v38 =	vld [tilespmem:s3+$0xA0]  }
0xc4: {  	v30 =	vld [tilespmem:s3+$0x40];
	v3 =	vadd.f32 v9, v3  }
0xc5: {  	v31 =	vld [tilespmem:s3+$0x80]  }
0xc6: {  	v3 =	vadd.f32 v11, v3;
	v5 =	vadd.f32 v7, v5;
	v7 =	vld [tilespmem:$0x1FE70]  }
0xc7: {  	v32 =	vld [tilespmem:s3+$0x90]  }
0xc8: {  	v39 =	vld [tilespmem:s3+$0xFFFFFEC0];
	v3 =	vadd.f32 v13, v3  }
0xc9: {  	v44 =	vld [tilespmem:s3+$0xFFFFFF00]  }
0xca: {  	v47 =	vld [tilespmem:s3+$0xFFFFFF10];
	v3 =	vadd.f32 v15, v3  }
0xcb: {  	v4 =	vadd.f32 v7, v4;
	v7 =	vld [tilespmem:$0x1FE80]  }
0xcc: {  	v53 =	vld [tilespmem:s3+$0xFFFFFF90];
	v3 =	vadd.f32 v17, v3  }
0xcd: {  	v54 =	vld [tilespmem:s3+$0xFFFFFFC0]  }
0xce: {  	v56 =	vld [tilespmem:s3+$0xFFFFFFD0];
	v3 =	vadd.f32 v19, v3  }
0xcf: {  	v51 =	vld [tilespmem:s3+$0xFFFFFF80];
	v1 =	vadd.f32 v6, v1  }
0xd0: {  	v3 =	vadd.f32 v20, v3;
	v5 =	vadd.f32 v7, v5;
	v7 =	vld [tilespmem:$0x1FE90]  }
0xd1: {  	v61 =	vld [tilespmem:s3+$0x110];
	v1 =	vadd.f32 v8, v1  }
0xd2: {  	v43 =	vld [tilespmem:s3+$0x160];
	v3 =	vadd.f32 v24, v3  }
0xd3: {  	v28 =	vld [tilespmem:s3+$0x0];
	v1 =	vadd.f32 v10, v1  }
0xd4: {  	v63 =	vld [tilespmem:s3+$0x50];
	v3 =	vadd.f32 v25, v3  }
0xd5: {  	v6 =	vadd.f32 v12, v1;
	v4 =	vadd.f32 v7, v4;
	v7 =	vld [tilespmem:$0x1FEA0]  }
0xd6: {  	v62 =	vld [tilespmem:s3+$0xC0];
	v3 =	vadd.f32 v34, v3  }
0xd7: {  	v29 =	vld [tilespmem:s3+$0x10];
	v6 =	vadd.f32 v14, v6  }
0xd8: {  	v2 =	vld [tilespmem:s3+$0xD0];
	v3 =	vadd.f32 v36, v3  }
0xd9: {  	v40 =	vld [tilespmem:s3+$0xE0];
	v6 =	vadd.f32 v16, v6  }
0xda: {  	v3 =	vadd.f32 v49, v3;
	v5 =	vadd.f32 v7, v5;
	v7 =	vld [tilespmem:$0x1FEB0]  }
0xdb: {  	v37 =	vld [tilespmem:s3+$0xFFFFFF70];
	v6 =	vadd.f32 v18, v6  }
0xdc: {  	v10 =	vadd.f32 v52, v3;
	v3 =	vld [tilespmem:$0x1FED0]  }
0xdd: {  	v21 =	vld [tilespmem:s3+$0xFFFFFF20];
	v6 =	vadd.f32 v22, v6  }
0xde: {  	v57 =	vld [tilespmem:$0x1FF40]  }
0xdf: {  	v6 =	vadd.f32 v23, v6;
	v4 =	vadd.f32 v7, v4;
	v7 =	vld [tilespmem:$0x1FEC0]  }
0xe0: {  	v26 =	vld [tilespmem:s3+$0xFFFFFE70]  }
0xe1: {  	v6 =	vadd.f32 v27, v6;
	v3 =	vadd.f32 v3, v4;
	v4 =	vld [tilespmem:$0x1FEE0]  }
0xe2: {  	v1 =	vld [tilespmem:s3+$0x100]  }
0xe3: {  	v13 =	vld [tilespmem:s3+$0x140];
	v6 =	vadd.f32 v33, v6  }
0xe4: {  	v12 =	vld [tilespmem:s3+$0x150];
	v5 =	vadd.f32 v7, v5  }
0xe5: {  	v55 =	vld [tilespmem:s3+$0xFFFFFFF0];
	v6 =	vadd.f32 v35, v6  }
0xe6: {  	v7 =	vadd.f32 v4, v5;
	v4 =	vld [tilespmem:$0x1FEF0]  }
0xe7: {  	v14 =	vld [tilespmem:s3+$0x180];
	v6 =	vadd.f32 v46, v6  }
0xe8: {  	v15 =	vld [tilespmem:s3+$0x60]  }
0xe9: {  	v16 =	vld [tilespmem:s3+$0x190];
	v9 =	vadd.f32 v58, v6  }
0xea: {  	v17 =	vld [tilespmem:s3+$0xFFFFFE20]  }
0xeb: {  	v11 =	vmul.f32 v4, v9;
	v4 =	vld [tilespmem:$0x1FF00]  }
0xec: {  	v18 =	vld [tilespmem:s3+$0xFFFFFE60]  }
0xed: {  	v19 =	vld [tilespmem:s3+$0xFFFFFEA0]  }
0xee: {  	v20 =	vld [tilespmem:s3+$0xFFFFFEE0]  }
0xef: {  	v22 =	vld [tilespmem:s3+$0xFFFFFF60]  }
0xf0: {  	v27 =	vmul.f32 v4, v10;
	v4 =	vld [tilespmem:$0x1FF10]  }
0xf1: {  	v23 =	vld [tilespmem:s3+$0xFFFFFFA0]  }
0xf2: {  	v24 =	vld [tilespmem:s3+$0xFFFFFE30]  }
0xf3: {  	v25 =	vld [tilespmem:s3+$0xFFFFFFE0];
	v8 =	vmul.f32 v60, v10;
	v5 =	vmul.f32 v59, v9  }
0xf4: {  	v34 =	vld [tilespmem:s3+$0x20]  }
0xf5: {  	v4 =	vadd.f32 v4, v3;
	v3 =	vadd.f32 v8, v5;
	v5 =	vld [tilespmem:$0x1FF20]  }
0xf6: {  	v33 =	vld [tilespmem:s3+$0xFFFFFEB0]  }
0xf7: {  	v8 =	vadd.f32 v27, v11;
	v11 =	vld [tilespmem:$0x1FF30]  }
0xf8: {  	v35 =	vld [tilespmem:s3+$0xFFFFFEF0]  }
0xf9: {  	v46 =	vld [tilespmem:s3+$0xFFFFFFB0]  }
0xfa: {  	v6 =	vld [tilespmem:s3+$0x1A0];
	v5 =	vmul.f32 v5, v7  }
0xfb: {  	v58 =	vld [tilespmem:$0x1FF60]  }
0xfc: {  	v60 =	vmul.f32 v42, v10;
	v11 =	vmul.f32 v11, v7;
	v3 =	vadd.f32 v5, v3;
	v5 =	vld [tilespmem:$0x1FF50]  }
0xfd: {  	v42 =	vld [tilespmem:s3+$0xB0];
	v51 =	vmul.f32 v51, v9;
	v53 =	vmul.f32 v53, v10  }
0xfe: {  	v54 =	vmul.f32 v54, v9;
	v56 =	vmul.f32 v56, v10;
	v8 =	vadd.f32 v11, v8;
	v11 =	vld [tilespmem:$0x1FF70]  }
0xff: {  	s16 =	simm.s32 $0x500;
	v13 =	vmul.f32 v13, v9;
	v12 =	vmul.f32 v12, v10;
	v51 =	vadd.f32 v53, v51;
	v59 =	vld [tilespmem:$0x1FF80]  }
0x100: {  	s15 =	simm.s32 $0x1420;
	v53 =	vadd.f32 v56, v54;
	v56 =	vmul.f32 v21, v7;
	v21 =	vld [tilespmem:s16+$0xFFFFFFF0];
	v45 =	vmul.f32 v58, v4  }
0x101: {  	v12 =	vadd.f32 v12, v13;
	v13 =	vmul.f32 v38, v7;
	v38 =	vld [tilespmem:s15+$0x30];
	v5 =	vmul.f32 v5, v4  }
0x102: {  	v36 =	vmul.f32 v57, v9;
	v57 =	vadd.f32 v45, v8;
	v8 =	vld [tilespmem:$0x1FFB0]  }
0x103: {  	v11 =	vmul.f32 v11, v10;
	v52 =	vadd.f32 v5, v3;
	v3 =	vld [tilespmem:$0x1FF90]  }
0x104: {  	v27 =	vld [tilespmem:s3+$0xFFFFFF30]  }
0x105: {  	v17 =	vmul.f32 v17, v7;
	v49 =	vmul.f32 v59, v9;
	v5 =	vld [tilespmem:$0x1FFA0];
	v36 =	vadd.f32 v11, v36  }
0x106: {  	v59 =	vmul.f32 v47, v10;
	v58 =	vld [tilespmem:s3+$0x30];
	v24 =	vmul.f32 v24, v4  }
0x107: {  	v54 =	vmul.f32 v46, v4;
	v46 =	vld [tilespmem:s15+$0xFFFFFF30];
	v11 =	vmul.f32 v39, v9;
	v17 =	vadd.f32 v17, v36  }
0x108: {  	v45 =	vld [tilespmem:s3+$0x70];
	v8 =	vmul.f32 v8, v10;
	v3 =	vmul.f32 v3, v10  }
0x109: {  	v39 =	vadd.f32 v60, v11;
	v60 =	vmul.f32 v18, v7;
	v18 =	vld [tilespmem:s16+$0x10];
	(xrf2) =	vadd.scan.msk.f32 $0xffff, v52;
	v17 =	vadd.f32 v24, v17  }
0x10a: {  	v11 =	vld [tilespmem:s3+$0x170];
	(xrf2) =	vadd.scan.msk.f32 $0xffff, v57;
	v5 =	vmul.f32 v5, v9;
	v49 =	vadd.f32 v3, v49;
	v3 =	vmul.f32 v44, v9  }
0x10b: {  	v57 =	vmul.f32 v28, v9;
	v28 =	vld [tilespmem:s15+$0x170];
	(xrf2) =	vadd.scan.msk.f32 $0xffff, v17;
	v17 =	vmul.f32 v25, v7  }
0x10c: {  	v25 =	vld [tilespmem:s15+$0x220];
	v47 =	vadd.f32 v8, v5;
	v44 =	vadd.f32 v59, v3;
	v59 =	vmul.f32 v19, v7  }
0x10d: {  	v48 =	vmul.f32 v48, v9;
	v26 =	vmul.f32 v26, v4;
	v5 =	vld [tilespmem:s3+$0xF0];
	v36 =	vadd.f32 v60, v49  }
0x10e: {  	v50 =	vmul.f32 v50, v10;
	v24 =	vmul.f32 v33, v4;
	[tilespmem:$0x1FFC0] =	vst v18;
	v18 =	vld [tilespmem:s16+$0x0];
	v47 =	vadd.f32 v59, v47  }
0x10f: {  	v8 =	vld [tilespmem:s3+$0x130];
	v60 =	vmul.f32 v20, v7;
	v26 =	vadd.f32 v26, v36  }
0x110: {  	v48 =	vadd.f32 v50, v48;
	v3 =	vld [tilespmem:s3+$0x1B0];
	v47 =	vadd.f32 v24, v47  }
0x111: {  	v35 =	vmul.f32 v35, v4;
	v39 =	vadd.f32 v60, v39;
	v59 =	vmul.f32 v22, v7;
	v22 =	vld [tilespmem:s15+$0x230];
	(xrf2) =	vadd.scan.msk.f32 $0xffff, v26  }
0x112: {  	v27 =	vmul.f32 v27, v4;
	v44 =	vadd.f32 v56, v44;
	v60 =	vmul.f32 v23, v7;
	v23 =	vld [tilespmem:s15+$0x260];
	(xrf2) =	vadd.scan.msk.f32 $0xffff, v47  }
0x113: {  	v37 =	vmul.f32 v37, v4;
	[tilespmem:$0x1FFD0] =	vst v18;
	v18 =	vld [tilespmem:s16+$0xFFFFFFE0];
	v50 =	vadd.f32 v59, v48;
	v35 =	vadd.f32 v35, v39  }
0x114: {  	v24 =	vld [tilespmem:s15+$0x1F0];
	v33 =	vadd.f32 v60, v51;
	v52 =	vadd.f32 v27, v44;
	v59 =	vmul.f32 v29, v10  }
0x115: {  	v17 =	vadd.f32 v17, v53;
	v56 =	vmul.f32 v55, v4;
	v26 =	vld [tilespmem:s15+$0x1B0];
	v36 =	vadd.f32 v37, v50;
	(xrf2) =	vadd.scan.msk.f32 $0xffff, v35  }
0x116: {  	v34 =	vmul.f32 v34, v7;
	v27 =	vld [tilespmem:s15+$0x1E0];
	v33 =	vadd.f32 v54, v33;
	v35 =	vadd.f32 v59, v57;
	(xrf2) =	vadd.scan.msk.f32 $0xffff, v52  }
0x117: {  	v2 =	vmul.f32 v2, v10;
	v1 =	vmul.f32 v1, v9;
	v17 =	vadd.f32 v56, v17;
	v29 =	vld [tilespmem:s15+$0x1A0];
	(xrf2) =	vadd.scan.msk.f32 $0xffff, v36  }
0x118: {  	v49 =	vmul.f32 v58, v4;
	v44 =	vmul.f32 v30, v9;
	v30 =	vld [tilespmem:s15+$0x130];
	v60, _, _ =	vpop (xrf2);
	v34 =	vadd.f32 v34, v35;
	(xrf2) =	vadd.scan.msk.f32 $0xffff, v33  }
0x119: {  	v48 =	vmul.f32 v31, v9;
	v31 =	vld [tilespmem:s15+$0x160];
	v51 =	vmul.f32 v62, v9;
	v55, _, _ =	vpop (xrf2);
	(xrf2) =	vadd.scan.msk.f32 $0xffff, v17  }
0x11a: {  	v56 =	vmul.f32 v61, v10;
	v39 =	vld [tilespmem:s15+$0x60];
	v61 =	vmul.f32 v40, v7;
	v52, _, _ =	vpop (xrf2);
	v53 =	vadd.f32 v49, v34  }
0x11b: {  	v40 =	vld [tilespmem:s15+$0xFFFFFFF0];
	v62 =	vmul.f32 v41, v7;
	v47 =	vmul.f32 v63, v10;
	v2 =	vadd.f32 v2, v51;
	v54, _, _ =	vpop (xrf2)  }
0x11c: {  	v41 =	vld [tilespmem:s15+$0x20];
	v1 =	vadd.f32 v56, v1;
	(v2sf) =	vpush v60, $0xF;
	v17 =	vmul.f32 v32, v10;
	v57, _, _ =	vpop (xrf2);
	(xrf2) =	vadd.scan.msk.f32 $0xffff, v53  }
0x11d: {  	v37 =	vld [tilespmem:s15+$0xA0];
	v50 =	vadd.f32 v47, v44;
	(v2sf) =	vpush v52, $0xF  }
0x11e: {  	v63 =	vmul.f32 v42, v4;
	v42 =	vld [tilespmem:s15+$0xFFFFFFB0];
	v17 =	vadd.f32 v17, v48;
	(v2sf) =	vpush v54, $0xF  }
0x11f: {  	v15 =	vmul.f32 v15, v7;
	v51 =	vld [tilespmem:s15+$0xFFFFFEE0];
	v2 =	vadd.f32 v61, v2;
	v58, _, _ =	vpop (xrf2);
	(v2sf) =	vpush v57, $0xF  }
0x120: {  	v56 =	vld [tilespmem:s15+$0xFFFFFDF0];
	v1 =	vadd.f32 v62, v1;
	(v2sf) =	vpush v58, $0xF;
	v59, _, _ =	vpop (xrf2)  }
0x121: {  	v45 =	vmul.f32 v45, v4;
	v44 =	vld [tilespmem:s15+$0xFFFFFF70];
	v15 =	vadd.f32 v15, v50;
	(v2sf) =	vpush v59, $0xF;
	v60, _, _ =	vpop (xrf2)  }
0x122: {  	v8 =	vmul.f32 v8, v4;
	v47 =	vld [tilespmem:s15+$0xFFFFFF60];
	v13 =	vadd.f32 v13, v17;
	(v2sf) =	vpush v60, $0xF;
	v17, _, _ =	vpop (xrf2)  }
0x123: {  	v5 =	vmul.f32 v5, v4;
	v61 =	vld [tilespmem:s15+$0xFFFFFD80];
	v15 =	vadd.f32 v45, v15;
	(v2sf) =	vpush v17, $0xF;
	v17, _, _ =	vpop (xrf2)  }
0x124: {  	v62 =	vld [tilespmem:s15+$0xFFFFFD90];
	v13 =	vadd.f32 v63, v13;
	(v2sf) =	vpush v17, $0xF  }
0x125: {  	v35 =	vld [tilespmem:s15+$0xE0];
	v2 =	vadd.f32 v5, v2;
	(xrf2) =	vadd.scan.msk.f32 $0xffff, v15;
	v17 =	vmul.f32 v43, v7  }
0x126: {  	v36 =	vld [tilespmem:s15+$0x70];
	v1 =	vadd.f32 v8, v1;
	(xrf2) =	vadd.scan.msk.f32 $0xffff, v13;
	v8, _, _ =	vpop (xrf2)  }
0x127: {  	v52 =	vld [tilespmem:s15+$0xFFFFFE70];
	v5 =	vmul.f32 v11, v4;
	(xrf2) =	vadd.scan.msk.f32 $0xffff, v2;
	v12 =	vadd.f32 v17, v12;
	(v2sf) =	vpush v8, $0xF  }
0x128: {  	v33 =	vld [tilespmem:s15+$0x120]  }
0x129: {  	v50 =	vld [tilespmem:s15+$0xFFFFFEB0];
	v5 =	vadd.f32 v5, v12;
	(xrf2) =	vadd.scan.msk.f32 $0xffff, v1  }
0x12a: {  	v32 =	vld [tilespmem:s15+$0xF0]  }
0x12b: {  	v6 =	vmul.f32 v6, v7;
	v34 =	vld [tilespmem:s15+$0xB0];
	s17 =	spop (v2sf);
	(xrf2) =	vadd.scan.msk.f32 $0xffff, v5  }
0x12c: {  	v49 =	vld [tilespmem:s15+$0xFFFFFF20];
	s17 =	ssub.f32 $0.0e+00, s17;
	s18 =	spop (v2sf);
	v1 =	vmul.f32 v14, v9;
	v8 =	vmov s1;
	v5 =	vmul.f32 v16, v10  }
0x12d: {  	v45 =	vld [tilespmem:s15+$0xFFFFFFA0];
	v2 =	vimm.f32 $0.0e+00;
	s18 =	ssub.f32 $0.0e+00, s18;
	s19 =	spop (v2sf)  }
0x12e: {  	v48 =	vld [tilespmem:s15+$0xFFFFFEF0];
	v12 =	vbroadcast v55, $0xF;
	vm0 =	veq.s32 v8, v0;
	v5 =	vadd.f32 v5, v1;
	s24 =	ssub.f32 $0.0e+00, s19;
	s20 =	spop (v2sf)  }
0x12f: {  	v3 =	vmul.f32 v3, v4;
	v54 =	vld [tilespmem:s15+$0xFFFFFE30];
	v0 =	vsel vm0, s17, v2;
	v9 =	vsel vm0, s18, v2;
	v8, _, _ =	vpop (xrf2);
	s19 =	ssub.f32 $0.0e+00, s20;
	s21 =	spop (v2sf)  }
0x130: {  	v53 =	vld [tilespmem:s15+$0xFFFFFEA0];
	v17 =	vsel vm0, v12, v2;
	(v2sf) =	vpush v8, $0xF;
	v5 =	vadd.f32 v6, v5;
	v6, _, _ =	vpop (xrf2);
	s22 =	ssub.f32 $0.0e+00, s21;
	s23 =	spop (v2sf)  }
0x131: {  	v57 =	vld [tilespmem:s15+$0xFFFFFE20];
	v12 =	vimm.f32 $0.0e+00;
	v7 =	vsel vm0, s24, v2;
	(v2sf) =	vpush v6, $0xF;
	v4, _, _ =	vpop (xrf2);
	s24 =	ssub.f32 $0.0e+00, s23;
	s20 =	spop (v2sf)  }
0x132: {  	v58 =	vld [tilespmem:s15+$0xFFFFFDB0];
	v8 =	vimm.f32 $0.0e+00;
	v6 =	vimm.f32 $0.0e+00;
	(v2sf) =	vpush v4, $0xF;
	s18 =	ssub.f32 $0.0e+00, s20;
	s21 =	spop (v2sf)  }
0x133: {  	v59 =	vld [tilespmem:s15+$0xFFFFFDE0];
	v3 =	vadd.f32 v3, v5;
	v5 =	vimm.f32 $0.0e+00;
	v11 =	vsel vm0, s22, v2;
	v4, _, _ =	vpop (xrf2);
	s22 =	ssub.f32 $0.0e+00, s21;
	s23 =	spop (v2sf)  }
0x134: {  	[tilespmem:$0x1FFE0] =	vst v18;
	v60 =	vld [tilespmem:s15+$0xFFFFFDA0];
	v10 =	vsel vm0, s19, v2;
	v13 =	vsel vm0, s24, v2;
	(v2sf) =	vpush v4, $0xF;
	s24 =	ssub.f32 $0.0e+00, s23  }
0x135: {  	v43 =	vld [tilespmem:s15+$0xFFFFFFE0];
	v15 =	vsel vm0, s18, v2;
	v4, _, _ =	vpop (xrf2);
	(xrf2) =	vadd.scan.msk.f32 $0xffff, v3;
	v3 =	vimm.f32 $0.0e+00;
	v16 =	vsel vm0, s22, v2  }
0x136: {  	v55 =	vld [tilespmem:s15+$0xFFFFFE60];
	s1 =	simm.s32 $0x1;
	s17 =	simm.s32 $0x2;
	[tilespmem:$0x1FFF0] =	vst v0;
	(v2sf) =	vpush v4, $0xF;
	v4 =	vimm.f32 $0.0e+00;
	v14 =	vsel vm0, s24, v2;
	s18 =	spop (v2sf)  }
.LBB2_3:
0x137: {  	_ =	sdelay $0x1  }
0x138: {  	v0 =	vld [tilespmem:s15+$0xFFFFFDD0]  }
0x139: {  	v63 =	vld [tilespmem:s15+$0xFFFFFDC0]  }
0x13a: {  	v19 =	vld [tilespmem:s15+$0xFFFFFE00]  }
0x13b: {  	v1 =	vld [tilespmem:s15+$0xFFFFFE40];
	v62 =	vadd.f32 $0.0e+00, v62  }
0x13c: {  	v20 =	vld [tilespmem:s15+$0xFFFFFE50];
	v61 =	vadd.f32 $0.0e+00, v61;
	v60 =	vadd.f32 $0.0e+00, v60  }
0x13d: {  	v58 =	vadd.f32 $0.0e+00, v58;
	v0 =	vadd.f32 v0, v62;
	v62 =	vld [tilespmem:s15+$0xFFFFFE80]  }
0x13e: {  	v59 =	vadd.f32 v59, v60;
	v60 =	vld [tilespmem:s15+$0xFFFFFE90]  }
0x13f: {  	v61 =	vadd.f32 v63, v61;
	v56 =	vadd.f32 v56, v58;
	v58 =	vld [tilespmem:s15+$0xFFFFFED0];
	v18, _, _ =	vpop (xrf2)  }
0x140: {  	s22 =	spop (v2sf);
	(v2sf) =	vpush v18, $0xF;
	v18 =	vld [tilespmem:s15+$0xFFFFFE10]  }
0x141: {  	v19 =	vadd.f32 v19, v61;
	v61 =	vld [tilespmem:s15+$0xFFFFFF10]  }
0x142: {  	v57 =	vadd.f32 v57, v59;
	v59 =	vld [tilespmem:s15+$0xFFFFFF90]  }
0x143: {  	v1 =	vadd.f32 v1, v19;
	v19 =	vld [tilespmem:s15+$0xFFFFFF00]  }
0x144: {  	v63 =	vadd.f32 v55, v57;
	v57 =	vld [tilespmem:s15+$0xFFFFFF50]  }
0x145: {  	v0 =	vadd.f32 v18, v0;
	v18 =	vld [tilespmem:s15+$0xFFFFFEC0]  }
0x146: {  	v55 =	vld [tilespmem:s15+$0xC0];
	v1 =	vadd.f32 v62, v1  }
0x147: {  	v62 =	vld [tilespmem:s15+$0xFFFFFF40];
	v0 =	vadd.f32 v20, v0;
	v20 =	vadd.f32 v54, v56  }
0x148: {  	v54 =	vld [tilespmem:s15+$0x90]  }
0x149: {  	v0 =	vadd.f32 v60, v0;
	v20 =	vadd.f32 v52, v20;
	v52 =	vld [tilespmem:s15+$0x50]  }
0x14a: {  	s3 =	sadd.s32 $0x400, s3;
	v63 =	vadd.f32 v53, v63;
	v1 =	vadd.f32 v18, v1;
	v18 =	vld [tilespmem:s15+$0xFFFFFF80]  }
0x14b: {  	v0 =	vadd.f32 v58, v0;
	v20 =	vadd.f32 v50, v20;
	v50 =	vld [tilespmem:s3+$0x110]  }
0x14c: {  	v1 =	vadd.f32 v19, v1;
	v19 =	vld [tilespmem:s15+$0xFFFFFFC0]  }
0x14d: {  	v58 =	vadd.f32 v51, v63;
	v0 =	vadd.f32 v61, v0;
	v61 =	vld [tilespmem:s15+$0xFFFFFFD0]  }
0x14e: {  	v20 =	vadd.f32 v48, v20;
	v48 =	vld [tilespmem:s15+$0x10]  }
0x14f: {  	v60 =	vadd.f32 v49, v58;
	v49 =	vld [tilespmem:s3+$0x100]  }
0x150: {  	v1 =	vadd.f32 v62, v1;
	v62 =	vld [tilespmem:s15+$0x0]  }
0x151: {  	v0 =	vadd.f32 v57, v0;
	v57 =	vld [tilespmem:s15+$0xD0]  }
0x152: {  	v20 =	vadd.f32 v46, v20;
	v46 =	vld [tilespmem:s3+$0xC0]  }
0x153: {  	v63 =	vadd.f32 v47, v60;
	v1 =	vadd.f32 v18, v1;
	v18 =	vld [tilespmem:s15+$0x40]  }
0x154: {  	v0 =	vadd.f32 v59, v0;
	v59 =	vld [tilespmem:s15+$0x110]  }
0x155: {  	v51 =	vadd.f32 v45, v63;
	v45 =	vld [tilespmem:s3+$0x90]  }
0x156: {  	v20 =	vadd.f32 v44, v20;
	v1 =	vadd.f32 v19, v1;
	v19 =	vld [tilespmem:s15+$0x80]  }
0x157: {  	v0 =	vadd.f32 v61, v0;
	v61 =	vld [tilespmem:s15+$0x150]  }
0x158: {  	v20 =	vadd.f32 v42, v20;
	v53 =	vadd.f32 v43, v51;
	v42 =	vld [tilespmem:s3+$0x10]  }
0x159: {  	v43 =	vld [tilespmem:s3+$0x50];
	v1 =	vadd.f32 v62, v1  }
0x15a: {  	v51 =	vld [tilespmem:s3+$0x140];
	v20 =	vadd.f32 v40, v20;
	v56 =	vadd.f32 v41, v53  }
0x15b: {  	v62 =	vld [tilespmem:s15+$0x180];
	v0 =	vadd.f32 v48, v0;
	v1 =	vadd.f32 v18, v1  }
0x15c: {  	v18 =	vld [tilespmem:s15+$0x100];
	v20 =	vadd.f32 v38, v20;
	v58 =	vadd.f32 v39, v56  }
0x15d: {  	v40 =	vld [tilespmem:s15+$0x1D0];
	v0 =	vadd.f32 v52, v0;
	v1 =	vadd.f32 v19, v1  }
0x15e: {  	v19 =	vld [tilespmem:s15+$0x140];
	v20 =	vadd.f32 v36, v20;
	v60 =	vadd.f32 v37, v58  }
0x15f: {  	v41 =	vld [tilespmem:s15+$0x240];
	v0 =	vadd.f32 v54, v0;
	v1 =	vadd.f32 v55, v1  }
0x160: {  	v48 =	vld [tilespmem:s3+$0xD0];
	v20 =	vadd.f32 v34, v20;
	v63 =	vadd.f32 v35, v60  }
0x161: {  	v36 =	vld [tilespmem:s15+$0x190];
	v0 =	vadd.f32 v57, v0;
	v1 =	vadd.f32 v18, v1  }
0x162: {  	v18 =	vld [tilespmem:s15+$0x1C0];
	v20 =	vadd.f32 v32, v20;
	v39 =	vadd.f32 v33, v63  }
0x163: {  	v53 =	vld [tilespmem:s3+$0x180];
	v0 =	vadd.f32 v59, v0;
	v1 =	vadd.f32 v19, v1  }
0x164: {  	v19 =	vld [tilespmem:s15+$0x200];
	v20 =	vadd.f32 v30, v20;
	v30 =	vadd.f32 v31, v39  }
0x165: {  	v52 =	vld [tilespmem:s3+$0x150];
	v0 =	vadd.f32 v61, v0;
	v1 =	vadd.f32 v62, v1  }
0x166: {  	v31 =	vld [tilespmem:s15+$0x210];
	v20 =	vadd.f32 v28, v20;
	v28 =	vadd.f32 v29, v30  }
0x167: {  	v54 =	vld [tilespmem:s3+$0x190];
	v0 =	vadd.f32 v36, v0;
	v1 =	vadd.f32 v18, v1  }
0x168: {  	v29 =	vld [tilespmem:s15+$0x250];
	v20 =	vadd.f32 v26, v20;
	v26 =	vadd.f32 v27, v28  }
0x169: {  	v18 =	vld [tilespmem:s3+$0x1C0];
	v0 =	vadd.f32 v40, v0;
	v1 =	vadd.f32 v19, v1  }
0x16a: {  	v27 =	vld [tilespmem:s3+$0x1D0];
	v20 =	vadd.f32 v24, v20;
	v26 =	vadd.f32 v25, v26  }
0x16b: {  	v58 =	vld [tilespmem:s3+$0xFFFFFEA0];
	v0 =	vadd.f32 v31, v0;
	v25 =	vadd.f32 v41, v1  }
0x16c: {  	v1 =	vadd.f32 v22, v20;
	v22 =	vadd.f32 v23, v26;
	v23 =	vld [tilespmem:$0x1FFE0]  }
0x16d: {  	v30 =	vld [tilespmem:s3+$0xFFFFFE40];
	v24 =	vadd.f32 v29, v0  }
0x16e: {  	v28 =	vld [tilespmem:s3+$0x1E0]  }
0x16f: {  	v19 =	vld [tilespmem:s15+$0x270];
	v18 =	vmul.f32 v18, v25;
	v27 =	vmul.f32 v27, v24  }
0x170: {  	v20 =	vld [tilespmem:s3+$0x1F0]  }
0x171: {  	v21 =	vmul.f32 v21, v24;
	v18 =	vadd.f32 v27, v18;
	v27 =	vld [tilespmem:$0x1FFD0];
	v29 =	vmul.f32 v23, v25  }
0x172: {  	v26 =	vld [tilespmem:s3+$0xFFFFFE10]  }
0x173: {  	v21 =	vadd.f32 v21, v29;
	v29 =	vld [tilespmem:$0x1FFC0]  }
0x174: {  	v0 =	vld [tilespmem:s3+$0xFFFFFE00]  }
0x175: {  	v23 =	vadd.f32 v19, v1;
	v1 =	vld [tilespmem:s3+$0xFFFFFE50];
	v19 =	vmul.f32 v28, v22  }
0x176: {  	v28 =	vld [tilespmem:s3+$0xFFFFFE80];
	v27 =	vmul.f32 v27, v22  }
0x177: {  	v31 =	vld [tilespmem:s3+$0xFFFFFE90];
	v18 =	vadd.f32 v19, v18;
	v19 =	vmul.f32 v20, v23  }
0x178: {  	v20 =	vadd.f32 v27, v21;
	v21 =	vmul.f32 v26, v24;
	v26 =	vld [tilespmem:s3+$0xFFFFFEC0];
	v29 =	vmul.f32 v29, v23  }
0x179: {  	v0 =	vmul.f32 v0, v25;
	v27 =	vmul.f32 v30, v25;
	v30 =	vld [tilespmem:s3+$0xFFFFFED0]  }
0x17a: {  	v18 =	vadd.f32 v19, v18;
	v1 =	vmul.f32 v1, v24;
	v19 =	vadd.f32 v29, v20;
	v20 =	vld [tilespmem:s3+$0xFFFFFF00]  }
0x17b: {  	v0 =	vadd.f32 v21, v0;
	v21 =	vmul.f32 v28, v25;
	v28 =	vld [tilespmem:s3+$0xFFFFFF10]  }
0x17c: {  	(xrf2) =	vadd.scan.msk.f32 $0xffff, v18;
	v18 =	vmul.f32 v31, v24;
	v1 =	vadd.f32 v1, v27;
	v27 =	vld [tilespmem:s3+$0xFFFFFF40]  }
0x17d: {  	v29 =	vld [tilespmem:s3+$0xFFFFFF50]  }
0x17e: {  	s18 =	ssub.f32 $0.0e+00, s18;
	v18 =	vadd.f32 v18, v21;
	v21 =	vmul.f32 v30, v24;
	v30 =	vld [tilespmem:s3+$0xFFFFFF80]  }
0x17f: {  	v26 =	vmul.f32 v26, v25;
	(xrf2) =	vadd.scan.msk.f32 $0xffff, v19;
	v19 =	vmul.f32 v20, v25;
	v20 =	vld [tilespmem:s3+$0xFFFFFF90]  }
0x180: {  	v2 =	vsel vm0, s18, v2;
	s18 =	ssub.f32 $0.0e+00, s22;
	v31 =	vld [tilespmem:s3+$0xFFFFFFD0]  }
0x181: {  	v21 =	vadd.f32 v21, v26;
	v26 =	vmul.f32 v28, v24;
	v28 =	vld [tilespmem:s3+$0xFFFFFFC0]  }
0x182: {  	s23 =	spop (v2sf);
	v12 =	vsel vm0, s18, v12;
	v55 =	vld [tilespmem:s3+$0xFFFFFE20]  }
0x183: {  	s18 =	ssub.f32 $0.0e+00, s23;
	v27 =	vmul.f32 v27, v25;
	v19 =	vadd.f32 v26, v19;
	v26 =	vmul.f32 v29, v24;
	v29 =	vld [tilespmem:s3+$0x0]  }
0x184: {  	s24 =	spop (v2sf);
	v57 =	vld [tilespmem:s3+$0xFFFFFE60];
	v30 =	vmul.f32 v30, v25;
	v20 =	vmul.f32 v20, v24  }
0x185: {  	v8 =	vsel vm0, s18, v8;
	s18 =	ssub.f32 $0.0e+00, s24;
	v26 =	vadd.f32 v26, v27;
	v27 =	vld [tilespmem:s3+$0x40]  }
0x186: {  	s19 =	spop (v2sf);
	v60 =	vld [tilespmem:s3+$0xFFFFFEE0];
	v28 =	vmul.f32 v28, v25;
	v20 =	vadd.f32 v20, v30;
	v30 =	vmul.f32 v31, v24  }
0x187: {  	v5 =	vsel vm0, s18, v5;
	s18 =	ssub.f32 $0.0e+00, s19;
	v31 =	vld [tilespmem:s3+$0x80]  }
0x188: {  	v63 =	vld [tilespmem:s3+$0xFFFFFF60];
	v29 =	vmul.f32 v29, v25;
	v28 =	vadd.f32 v30, v28;
	v30 =	vmul.f32 v42, v24  }
0x189: {  	v6 =	vsel vm0, s18, v6;
	v61 =	vld [tilespmem:s3+$0xFFFFFF20];
	s15 =	sadd.s32 $0x500, s15;
	v32 =	vmul.f32 v46, v25;
	v33 =	vmul.f32 v49, v25  }
0x18a: {  	s20 =	spop (v2sf);
	v36 =	vld [tilespmem:s15+$0x70];
	v44, _, _ =	vpop (xrf2);
	v27 =	vmul.f32 v27, v25;
	v29 =	vadd.f32 v30, v29;
	v30 =	vmul.f32 v43, v24  }
0x18b: {  	s18 =	ssub.f32 $0.0e+00, s20;
	s21 =	spop (v2sf);
	v38 =	vld [tilespmem:s15+$0x30];
	v34 =	vmul.f32 v51, v25;
	v56 =	vmul.f32 v50, v24;
	(v2sf) =	vpush v44, $0xF  }
0x18c: {  	v39 =	vld [tilespmem:s15+$0x60];
	v31 =	vmul.f32 v31, v25;
	v27 =	vadd.f32 v30, v27;
	v30 =	vmul.f32 v45, v24  }
0x18d: {  	v4 =	vsel vm0, s18, v4;
	s18 =	ssub.f32 $0.0e+00, s21;
	v46 =	vld [tilespmem:s3+$0xFFFFFFA0];
	v59 =	vmul.f32 v52, v24;
	v25 =	vmul.f32 v53, v25  }
0x18e: {  	v49 =	vld [tilespmem:s3+$0x20];
	v30 =	vadd.f32 v30, v31;
	v31 =	vmul.f32 v48, v24;
	v24 =	vmul.f32 v54, v24  }
0x18f: {  	v3 =	vsel vm0, s18, v3;
	v51 =	vld [tilespmem:s3+$0x60];
	v62 =	vmul.f32 v55, v22  }
0x190: {  	v55 =	vld [tilespmem:s3+$0x120];
	v47, _, _ =	vpop (xrf2);
	v45 =	vmov s1;
	v24 =	vadd.f32 v24, v25;
	v25 =	vlaneseq.u32  }
0x191: {  	v35 =	vbroadcast v47, $0xF;
	v47 =	vld [tilespmem:s3+$0xFFFFFFE0];
	vm0 =	veq.s32 v45, v25;
	v25 =	vmul.f32 v58, v22  }
0x192: {  	v53 =	vld [tilespmem:s3+$0xA0]  }
0x193: {  	v54 =	vld [tilespmem:s3+$0xE0];
	v18 =	vadd.f32 v25, v18;
	v25 =	vmul.f32 v61, v22  }
0x194: {  	v31 =	vadd.f32 v31, v32;
	v32 =	vadd.f32 v56, v33;
	v56 =	vld [tilespmem:s3+$0x160]  }
0x195: {  	v33 =	vadd.f32 v59, v34;
	v59 =	vld [tilespmem:s3+$0xFFFFFE30];
	v19 =	vadd.f32 v25, v19;
	v25 =	vmul.f32 v46, v22  }
0x196: {  	v37 =	vmul.f32 v57, v22;
	v52 =	vmul.f32 v63, v22;
	v58 =	vld [tilespmem:s3+$0x1A0]  }
0x197: {  	v48 =	vmul.f32 v60, v22;
	v60 =	vld [tilespmem:s3+$0xFFFFFE70];
	v20 =	vadd.f32 v25, v20;
	v25 =	vmul.f32 v49, v22  }
0x198: {  	v50 =	vld [tilespmem:$0x1FFF0];
	v57 =	vmul.f32 v51, v22;
	v34 =	vmul.f32 v47, v22  }
0x199: {  	v63 =	vld [tilespmem:s3+$0xFFFFFEF0];
	v61 =	vmul.f32 v54, v22;
	v25 =	vadd.f32 v25, v29;
	v29 =	vmul.f32 v53, v22  }
0x19a: {  	v0 =	vadd.f32 v62, v0;
	v62 =	vld [tilespmem:s3+$0xFFFFFEB0];
	s22 =	spop (v2sf);
	v44 =	vmul.f32 v56, v22;
	v46 =	vmul.f32 v59, v23  }
0x19b: {  	v47 =	vld [tilespmem:s3+$0xFFFFFF70];
	s18 =	ssub.f32 $0.0e+00, s22;
	v29 =	vadd.f32 v29, v30;
	v30 =	vmul.f32 v55, v22;
	v22 =	vmul.f32 v58, v22  }
0x19c: {  	v41 =	vld [tilespmem:s15+$0x20];
	v1 =	vadd.f32 v37, v1;
	v21 =	vadd.f32 v48, v21;
	v48 =	vmul.f32 v60, v23  }
0x19d: {  	v40 =	vsel vm0, s18, v50;
	v0 =	vadd.f32 v46, v0;
	v50 =	vadd.f32 v22, v24;
	v24 =	vld [tilespmem:s3+$0xFFFFFFF0]  }
0x19e: {  	v51 =	vld [tilespmem:s15+$0xFFFFFEE0];
	v53 =	vmul.f32 v63, v23  }
0x19f: {  	v37 =	vld [tilespmem:s15+$0xA0];
	v1 =	vadd.f32 v48, v1;
	(xrf2) =	vadd.scan.msk.f32 $0xffff, v0;
	v22 =	vmul.f32 v62, v23  }
0x1a0: {  	v26 =	vadd.f32 v52, v26;
	v45 =	vld [tilespmem:s3+$0xFFFFFF30];
	v0 =	vadd.f32 v53, v21;
	v21 =	vmul.f32 v47, v23  }
0x1a1: {  	v52 =	vld [tilespmem:s15+$0xFFFFFE70];
	(xrf2) =	vadd.scan.msk.f32 $0xffff, v1;
	v18 =	vadd.f32 v22, v18  }
0x1a2: {  	v42 =	vld [tilespmem:s15+$0xFFFFFFB0];
	v28 =	vadd.f32 v34, v28;
	v58 =	vadd.f32 v21, v26;
	v21 =	vmul.f32 v24, v23  }
0x1a3: {  	s16 =	sadd.s32 $0x40, s16;
	(xrf2) =	vadd.scan.msk.f32 $0xffff, v18;
	v24 =	vld [tilespmem:s3+$0x130]  }
0x1a4: {  	v59 =	vadd.f32 v21, v28;
	v28 =	vld [tilespmem:s16+$0x10]  }
0x1a5: {  	v49 =	vld [tilespmem:s3+$0xFFFFFFB0];
	v22 =	vmul.f32 v45, v23  }
0x1a6: {  	v43 =	vld [tilespmem:s15+$0xFFFFFFE0];
	(xrf2) =	vadd.scan.msk.f32 $0xffff, v0  }
0x1a7: {  	v27 =	vadd.f32 v57, v27;
	v57 =	vld [tilespmem:s3+$0xF0];
	v19 =	vadd.f32 v22, v19  }
0x1a8: {  	v34 =	vld [tilespmem:s15+$0xB0]  }
0x1a9: {  	v17 =	vsel vm0, v35, v17;
	v35 =	vld [tilespmem:s15+$0xE0];
	[tilespmem:$0x1FFC0] =	vst v28;
	v28 =	vmul.f32 v24, v23;
	v24, _, _ =	vpop (xrf2)  }
0x1aa: {  	v54 =	vld [tilespmem:s3+$0x30];
	v22 =	vmul.f32 v49, v23;
	(v2sf) =	vpush v24, $0xF  }
0x1ab: {  	v56 =	vld [tilespmem:s3+$0xB0];
	(xrf2) =	vadd.scan.msk.f32 $0xffff, v19;
	v19, _, _ =	vpop (xrf2)  }
0x1ac: {  	[tilespmem:$0x1FFF0] =	vst v40;
	v40 =	vld [tilespmem:s15+$0xFFFFFFF0];
	v1 =	vadd.f32 v22, v20;
	(v2sf) =	vpush v19, $0xF  }
0x1ad: {  	v48 =	vld [tilespmem:s15+$0xFFFFFEF0];
	v19, _, _ =	vpop (xrf2)  }
0x1ae: {  	v33 =	vadd.f32 v44, v33;
	v44 =	vld [tilespmem:s15+$0xFFFFFF70];
	(xrf2) =	vadd.scan.msk.f32 $0xffff, v58;
	(v2sf) =	vpush v19, $0xF  }
0x1af: {  	v46 =	vld [tilespmem:s15+$0xFFFFFF30]  }
0x1b0: {  	v55 =	vld [tilespmem:s3+$0x70];
	(xrf2) =	vadd.scan.msk.f32 $0xffff, v1;
	v1, _, _ =	vpop (xrf2)  }
0x1b1: {  	v47 =	vld [tilespmem:s15+$0xFFFFFF60];
	v20 =	vmul.f32 v54, v23;
	(v2sf) =	vpush v1, $0xF  }
0x1b2: {  	v26 =	vld [tilespmem:s3+$0x1B0];
	(xrf2) =	vadd.scan.msk.f32 $0xffff, v59  }
0x1b3: {  	v18 =	vld [tilespmem:s16+$0x0];
	v20 =	vadd.f32 v20, v25  }
0x1b4: {  	v53 =	vld [tilespmem:s15+$0xFFFFFEA0]  }
0x1b5: {  	v30 =	vadd.f32 v30, v32;
	v32 =	vld [tilespmem:s15+$0xF0];
	v1, _, _ =	vpop (xrf2);
	(xrf2) =	vadd.scan.msk.f32 $0xffff, v20  }
0x1b6: {  	v45 =	vld [tilespmem:s15+$0xFFFFFFA0];
	v21 =	vmul.f32 v55, v23  }
0x1b7: {  	v49 =	vld [tilespmem:s15+$0xFFFFFF20];
	(v2sf) =	vpush v1, $0xF  }
0x1b8: {  	v26 =	vmul.f32 v26, v23;
	v22 =	vld [tilespmem:s3+$0x170];
	[tilespmem:$0x1FFD0] =	vst v18;
	v18 =	vadd.f32 v21, v27;
	v1, _, _ =	vpop (xrf2)  }
0x1b9: {  	v54 =	vld [tilespmem:s15+$0xFFFFFE30];
	s23 =	spop (v2sf);
	(v2sf) =	vpush v1, $0xF  }
0x1ba: {  	v63 =	vadd.f32 v26, v50;
	v26 =	vld [tilespmem:s15+$0x1B0];
	(xrf2) =	vadd.scan.msk.f32 $0xffff, v18;
	v1, _, _ =	vpop (xrf2)  }
0x1bb: {  	v50 =	vld [tilespmem:s15+$0xFFFFFEB0];
	s24 =	spop (v2sf);
	(v2sf) =	vpush v1, $0xF  }
0x1bc: {  	v31 =	vadd.f32 v61, v31;
	v55 =	vld [tilespmem:s15+$0xFFFFFE60];
	v1, _, _ =	vpop (xrf2)  }
0x1bd: {  	v25 =	vmul.f32 v56, v23;
	v56 =	vld [tilespmem:s15+$0xFFFFFDF0];
	v27 =	vmul.f32 v57, v23;
	s19 =	spop (v2sf);
	(v2sf) =	vpush v1, $0xF  }
0x1be: {  	v21 =	vld [tilespmem:s16+$0xFFFFFFE0]  }
0x1bf: {  	v57 =	vld [tilespmem:s15+$0xFFFFFE20];
	v60 =	vadd.f32 v25, v29;
	v61 =	vadd.f32 v27, v31;
	s18 =	ssub.f32 $0.0e+00, s23;
	v1, _, _ =	vpop (xrf2)  }
0x1c0: {  	v29 =	vld [tilespmem:s15+$0x1A0];
	v25 =	vmul.f32 v22, v23;
	v0 =	vadd.f32 v28, v30;
	s20 =	spop (v2sf);
	(v2sf) =	vpush v1, $0xF  }
0x1c1: {  	v22 =	vld [tilespmem:s15+$0x230];
	(xrf2) =	vadd.scan.msk.f32 $0xffff, v60;
	v9 =	vsel vm0, s18, v9;
	s18 =	ssub.f32 $0.0e+00, s24  }
0x1c2: {  	v27 =	vld [tilespmem:s15+$0x1E0];
	v62 =	vadd.f32 v25, v33;
	(xrf2) =	vadd.scan.msk.f32 $0xffff, v61  }
0x1c3: {  	v31 =	vld [tilespmem:s15+$0x160];
	(xrf2) =	vadd.scan.msk.f32 $0xffff, v0;
	v7 =	vsel vm0, s18, v7;
	s18 =	ssub.f32 $0.0e+00, s19  }
0x1c4: {  	v23 =	vld [tilespmem:s15+$0x260];
	v0, _, _ =	vpop (xrf2);
	(xrf2) =	vadd.scan.msk.f32 $0xffff, v62  }
0x1c5: {  	v24 =	vld [tilespmem:s15+$0x1F0];
	v10 =	vsel vm0, s18, v10;
	s18 =	ssub.f32 $0.0e+00, s20  }
0x1c6: {  	v25 =	vld [tilespmem:s15+$0x220];
	s21 =	spop (v2sf)  }
0x1c7: {  	v33 =	vld [tilespmem:s15+$0x120];
	v11 =	vsel vm0, s18, v11;
	s18 =	ssub.f32 $0.0e+00, s21  }
0x1c8: {  	v58 =	vld [tilespmem:s15+$0xFFFFFDB0];
	s22 =	spop (v2sf)  }
0x1c9: {  	[tilespmem:$0x1FFE0] =	vst v21;
	v21 =	vld [tilespmem:s16+$0xFFFFFFF0];
	v13 =	vsel vm0, s18, v13;
	s18 =	ssub.f32 $0.0e+00, s22  }
0x1ca: {  	p0 =	sne.s32 s17, $0xF;
	v28 =	vld [tilespmem:s15+$0x170];
	s23 =	spop (v2sf)  }
.Ltmp0:
0x1cb: {  	v30 =	vld [tilespmem:s15+$0x130];
	(v2sf) =	vpush v0, $0xF;
	v0, _, _ =	vpop (xrf2);
	v15 =	vsel vm0, s18, v15;
	s18 =	ssub.f32 $0.0e+00, s23;
	(pc) =	sbr.rel @p0 .LBB2_3-.Ltmp0, $4  }
0x1cc: {  	v59 =	vld [tilespmem:s15+$0xFFFFFDE0];
	(v2sf) =	vpush v0, $0xF;
	v0, _, _ =	vpop (xrf2);
	s24 =	spop (v2sf)  }
0x1cd: {  	v60 =	vld [tilespmem:s15+$0xFFFFFDA0];
	(v2sf) =	vpush v0, $0xF;
	v0, _, _ =	vpop (xrf2);
	v16 =	vsel vm0, s18, v16;
	s18 =	ssub.f32 $0.0e+00, s24  }
0x1ce: {  	v61 =	vld [tilespmem:s15+$0xFFFFFD80];
	(v2sf) =	vpush v0, $0xF;
	v0, _, _ =	vpop (xrf2)  }
0x1cf: {  	s1 =	smov.u32 s17;
	s17 =	sadd.s32 $0x1, s17;
	v62 =	vld [tilespmem:s15+$0xFFFFFD90];
	(xrf2) =	vadd.scan.msk.f32 $0xffff, v63;
	v14 =	vsel vm0, s18, v14;
	s18 =	spop (v2sf);
	(v2sf) =	vpush v0, $0xF  }
0x1d0: {  	v20 =	vld [tilespmem:s15+$0xFFFFFE40];
	_ =	sdelay $0x4  }
0x1d1: {  	[tilespmem:$0x1FA20] =	vst v20;
	v20 =	vld [tilespmem:s15+$0xFFFFFE80];
	_ =	sdelay $0x4  }
0x1d2: {  	[tilespmem:$0x1FA30] =	vst v20;
	v20 =	vld [tilespmem:s15+$0xFFFFFE90];
	_ =	sdelay $0x4  }
0x1d3: {  	[tilespmem:$0x1FA40] =	vst v20;
	v20 =	vld [tilespmem:s15+$0xFFFFFEC0];
	_ =	sdelay $0x4  }
0x1d4: {  	[tilespmem:$0x1FA50] =	vst v20;
	v20 =	vld [tilespmem:s15+$0xFFFFFED0];
	_ =	sdelay $0x4  }
0x1d5: {  	[tilespmem:$0x1FA60] =	vst v20;
	v20 =	vld [tilespmem:s15+$0xFFFFFF00];
	_ =	sdelay $0x4  }
0x1d6: {  	[tilespmem:$0x1FA70] =	vst v20;
	v20 =	vld [tilespmem:s15+$0xFFFFFF10];
	_ =	sdelay $0x4  }
0x1d7: {  	[tilespmem:$0x1FA80] =	vst v20;
	v20 =	vld [tilespmem:s15+$0xFFFFFF40];
	_ =	sdelay $0x4  }
0x1d8: {  	[tilespmem:$0x1FA90] =	vst v20;
	v20 =	vld [tilespmem:s15+$0xFFFFFF50];
	_ =	sdelay $0x4  }
0x1d9: {  	[tilespmem:$0x1FAA0] =	vst v20;
	v20 =	vld [tilespmem:s15+$0xFFFFFF80];
	_ =	sdelay $0x4  }
0x1da: {  	[tilespmem:$0x1FAB0] =	vst v20;
	v20 =	vld [tilespmem:s15+$0xFFFFFF90];
	_ =	sdelay $0x4  }
0x1db: {  	[tilespmem:$0x1FAC0] =	vst v20;
	v20 =	vld [tilespmem:s15+$0xFFFFFFC0];
	_ =	sdelay $0x4  }
0x1dc: {  	[tilespmem:$0x1FAD0] =	vst v20;
	v20 =	vld [tilespmem:s15+$0xFFFFFFD0];
	_ =	sdelay $0x4  }
0x1dd: {  	[tilespmem:$0x1FAE0] =	vst v20;
	v20 =	vld [tilespmem:s15+$0x0];
	_ =	sdelay $0x4  }
0x1de: {  	[tilespmem:$0x1FAF0] =	vst v20;
	v20 =	vld [tilespmem:s15+$0x10];
	_ =	sdelay $0x4  }
0x1df: {  	[tilespmem:$0x1FB00] =	vst v20;
	v20 =	vld [tilespmem:s15+$0x40];
	_ =	sdelay $0x4  }
0x1e0: {  	[tilespmem:$0x1FB10] =	vst v20;
	v20 =	vld [tilespmem:s15+$0x50];
	_ =	sdelay $0x4  }
0x1e1: {  	[tilespmem:$0x1FB20] =	vst v20;
	v20 =	vld [tilespmem:s15+$0x80];
	_ =	sdelay $0x2  }
0x1e2: {  	v0 =	vld [tilespmem:s15+$0xFFFFFDC0]  }
0x1e3: {  	v1 =	vld [tilespmem:s15+$0xFFFFFDD0]  }
0x1e4: {  	[tilespmem:$0x1FB30] =	vst v20;
	v20 =	vld [tilespmem:s15+$0x90]  }
0x1e5: {  	v18 =	vld [tilespmem:s15+$0xFFFFFE00]  }
0x1e6: {  	v19 =	vld [tilespmem:s15+$0xFFFFFE10];
	v60 =	vadd.f32 $0.0e+00, v60  }
0x1e7: {  	v63 =	vld [tilespmem:s15+$0xFFFFFE50]  }
0x1e8: {  	v61 =	vadd.f32 $0.0e+00, v61;
	v59 =	vadd.f32 v59, v60;
	v60 =	vld [tilespmem:s15+$0x100]  }
0x1e9: {  	v62 =	vadd.f32 $0.0e+00, v62;
	[tilespmem:$0x1FB40] =	vst v20;
	v20 =	vld [tilespmem:s15+$0xC0]  }
0x1ea: {  	v58 =	vadd.f32 $0.0e+00, v58;
	v0 =	vadd.f32 v0, v61;
	v61 =	vld [tilespmem:s15+$0xD0]  }
0x1eb: {  	v1 =	vadd.f32 v1, v62;
	v62 =	vadd.f32 v57, v59;
	v57 =	vld [tilespmem:s15+$0x140]  }
0x1ec: {  	v0 =	vadd.f32 v18, v0;
	v18 =	vld [tilespmem:s15+$0x110]  }
0x1ed: {  	v1 =	vadd.f32 v19, v1;
	v19 =	vadd.f32 v56, v58;
	v56 =	vld [tilespmem:s15+$0x190]  }
0x1ee: {  	[tilespmem:$0x1FB50] =	vst v20;
	v20 =	vld [tilespmem:$0x1FA20]  }
0x1ef: {  	v19 =	vadd.f32 v54, v19;
	v54 =	vadd.f32 v55, v62;
	v55 =	vld [tilespmem:s15+$0x180]  }
0x1f0: {  	v62 =	vld [tilespmem:$0x1FA30]  }
0x1f1: {  	v1 =	vadd.f32 v63, v1;
	v63 =	vld [tilespmem:$0x1FA40]  }
0x1f2: {  	v58 =	vadd.f32 v53, v54;
	v53 =	vld [tilespmem:s15+$0x1C0]  }
0x1f3: {  	v19 =	vadd.f32 v52, v19;
	v0 =	vadd.f32 v20, v0;
	v20 =	vld [tilespmem:s15+$0x150]  }
0x1f4: {  	v59 =	vld [tilespmem:$0x1FA50]  }
0x1f5: {  	v19 =	vadd.f32 v50, v19;
	v54 =	vld [tilespmem:s15+$0x1D0]  }
0x1f6: {  	v1 =	vadd.f32 v63, v1;
	v63 =	vadd.f32 v51, v58;
	v51 =	vld [tilespmem:s15+$0x200]  }
0x1f7: {  	v19 =	vadd.f32 v48, v19;
	v58 =	vld [tilespmem:$0x1FA70]  }
0x1f8: {  	v52 =	vld [tilespmem:s15+$0x210]  }
0x1f9: {  	s3 =	sadd.s32 $0x400, s3;
	v19 =	vadd.f32 v46, v19;
	v50 =	vld [tilespmem:s15+$0x250]  }
0x1fa: {  	v48 =	vld [tilespmem:s3+$0x1D0]  }
0x1fb: {  	v19 =	vadd.f32 v44, v19;
	v0 =	vadd.f32 v62, v0;
	v62 =	vld [tilespmem:$0x1FA60]  }
0x1fc: {  	v46 =	vld [tilespmem:s3+$0x1E0]  }
0x1fd: {  	v19 =	vadd.f32 v42, v19;
	v44 =	vld [tilespmem:s3+$0x1F0]  }
0x1fe: {  	v42 =	vld [tilespmem:s3+$0xFFFFFE40]  }
0x1ff: {  	v19 =	vadd.f32 v40, v19;
	v0 =	vadd.f32 v59, v0;
	v59 =	vld [tilespmem:$0x1FA80]  }
0x200: {  	v1 =	vadd.f32 v62, v1;
	v62 =	vadd.f32 v49, v63;
	v63 =	vld [tilespmem:$0x1FA90]  }
0x201: {  	v19 =	vadd.f32 v38, v19;
	v40 =	vld [tilespmem:s3+$0xFFFFFE80]  }
0x202: {  	v38 =	vld [tilespmem:s3+$0xFFFFFEC0]  }
0x203: {  	v19 =	vadd.f32 v36, v19;
	v0 =	vadd.f32 v58, v0;
	v58 =	vld [tilespmem:$0x1FAA0]  }
0x204: {  	v1 =	vadd.f32 v59, v1;
	v59 =	vadd.f32 v47, v62;
	v62 =	vld [tilespmem:$0x1FAB0]  }
0x205: {  	v0 =	vadd.f32 v63, v0;
	v63 =	vld [tilespmem:$0x1FAC0]  }
0x206: {  	v19 =	vadd.f32 v34, v19;
	v34 =	vld [tilespmem:s3+$0x50]  }
0x207: {  	v36 =	vld [tilespmem:s3+$0xC0]  }
0x208: {  	v1 =	vadd.f32 v58, v1;
	v58 =	vadd.f32 v45, v59;
	v59 =	vld [tilespmem:$0x1FAD0]  }
0x209: {  	v19 =	vadd.f32 v32, v19;
	v0 =	vadd.f32 v62, v0;
	v62 =	vld [tilespmem:$0x1FAE0]  }
0x20a: {  	v1 =	vadd.f32 v63, v1;
	v63 =	vadd.f32 v43, v58;
	v58 =	vld [tilespmem:$0x1FAF0]  }
0x20b: {  	v19 =	vadd.f32 v30, v19;
	v49 =	vld [tilespmem:s15+$0x240]  }
0x20c: {  	v47 =	vld [tilespmem:s3+$0x1C0]  }
0x20d: {  	v19 =	vadd.f32 v28, v19;
	v0 =	vadd.f32 v59, v0;
	v59 =	vld [tilespmem:$0x1FB00]  }
0x20e: {  	v1 =	vadd.f32 v62, v1;
	v62 =	vadd.f32 v41, v63;
	v63 =	vld [tilespmem:$0x1FB10]  }
0x20f: {  	v19 =	vadd.f32 v26, v19;
	v0 =	vadd.f32 v58, v0;
	v58 =	vld [tilespmem:$0x1FB20]  }
0x210: {  	v45 =	vld [tilespmem:s15+$0x270]  }
0x211: {  	v19 =	vadd.f32 v24, v19;
	v43 =	vld [tilespmem:s3+$0xFFFFFE00]  }
0x212: {  	v1 =	vadd.f32 v59, v1;
	v59 =	vadd.f32 v39, v62;
	v62 =	vld [tilespmem:$0x1FB30]  }
0x213: {  	v19 =	vadd.f32 v22, v19;
	v0 =	vadd.f32 v63, v0;
	v63 =	vld [tilespmem:$0x1FB40]  }
0x214: {  	v1 =	vadd.f32 v58, v1;
	v58 =	vadd.f32 v37, v59;
	v59 =	vld [tilespmem:$0x1FB50]  }
0x215: {  	v22 =	vadd.f32 v45, v19;
	v45 =	vld [tilespmem:s3+$0xD0]  }
0x216: {  	v41 =	vld [tilespmem:s3+$0xFFFFFE10]  }
0x217: {  	v39 =	vld [tilespmem:s3+$0xFFFFFE50];
	v0 =	vadd.f32 v62, v0  }
0x218: {  	v37 =	vld [tilespmem:s3+$0xFFFFFE90];
	v1 =	vadd.f32 v63, v1  }
0x219: {  	v63 =	vld [tilespmem:s3+$0xFFFFFF80];
	v0 =	vadd.f32 v59, v0  }
0x21a: {  	v1 =	vadd.f32 v61, v1;
	v61 =	vadd.f32 v35, v58;
	v35 =	vld [tilespmem:s3+$0xFFFFFED0]  }
0x21b: {  	v58 =	vld [tilespmem:$0x1FFC0]  }
0x21c: {  	v59 =	vld [tilespmem:s3+$0x190];
	v0 =	vadd.f32 v60, v0  }
0x21d: {  	v1 =	vadd.f32 v18, v1;
	v18 =	vld [tilespmem:s3+$0xFFFFFF00]  }
0x21e: {  	v62 =	vadd.f32 v33, v61;
	v33 =	vld [tilespmem:s3+$0xFFFFFF10];
	v0 =	vadd.f32 v57, v0  }
0x21f: {  	v60 =	vld [tilespmem:s3+$0xFFFFFE20];
	v1 =	vadd.f32 v20, v1  }
0x220: {  	v61 =	vld [tilespmem:s3+$0xFFFFFE60];
	v30 =	vadd.f32 v31, v62;
	v0 =	vadd.f32 v55, v0  }
0x221: {  	v20 =	vld [tilespmem:s3+$0xFFFFFF40];
	v1 =	vadd.f32 v56, v1  }
0x222: {  	v31 =	vld [tilespmem:s3+$0xFFFFFF50];
	v28 =	vadd.f32 v29, v30;
	v0 =	vadd.f32 v53, v0  }
0x223: {  	v62 =	vld [tilespmem:s3+$0xFFFFFEA0];
	v1 =	vadd.f32 v54, v1  }
0x224: {  	v29 =	vld [tilespmem:s3+$0xFFFFFF90];
	v26 =	vadd.f32 v27, v28;
	v0 =	vadd.f32 v51, v0  }
0x225: {  	v30 =	vld [tilespmem:s3+$0xFFFFFFC0];
	v1 =	vadd.f32 v52, v1  }
0x226: {  	v55 =	vld [tilespmem:$0x1FFE0];
	v24 =	vadd.f32 v25, v26;
	v0 =	vadd.f32 v49, v0  }
0x227: {  	v56 =	vld [tilespmem:$0x1FFD0];
	v1 =	vadd.f32 v50, v1  }
0x228: {  	v27 =	vld [tilespmem:s3+$0xFFFFFFD0];
	v52 =	vmul.f32 v58, v22;
	v23 =	vadd.f32 v23, v24;
	v24 =	vmul.f32 v47, v0  }
0x229: {  	v28 =	vld [tilespmem:s3+$0x0];
	v54 =	vmul.f32 v48, v1;
	v21 =	vmul.f32 v21, v1  }
0x22a: {  	v53 =	vld [tilespmem:s3+$0x60];
	v43 =	vmul.f32 v43, v0;
	v41 =	vmul.f32 v41, v1  }
0x22b: {  	v25 =	vld [tilespmem:s3+$0x10];
	v42 =	vmul.f32 v42, v0;
	v39 =	vmul.f32 v39, v1  }
0x22c: {  	v26 =	vld [tilespmem:s3+$0x40];
	v40 =	vmul.f32 v40, v0;
	v37 =	vmul.f32 v37, v1  }
0x22d: {  	v51 =	vld [tilespmem:s3+$0xFFFFFEF0];
	v38 =	vmul.f32 v38, v0;
	v35 =	vmul.f32 v35, v1  }
0x22e: {  	v49 =	vld [tilespmem:s3+$0x110];
	v18 =	vmul.f32 v18, v0;
	v33 =	vmul.f32 v33, v1  }
0x22f: {  	v50 =	vld [tilespmem:s3+$0x150];
	v20 =	vmul.f32 v20, v0;
	v31 =	vmul.f32 v31, v1  }
0x230: {  	v47 =	vld [tilespmem:s3+$0x80];
	v32 =	vmul.f32 v63, v0;
	v29 =	vmul.f32 v29, v1  }
0x231: {  	v57, _, _ =	vpop (xrf2);
	v48 =	vld [tilespmem:s3+$0x90];
	v30 =	vmul.f32 v30, v0;
	v19 =	vadd.f32 v54, v24;
	v24 =	vmul.f32 v46, v23  }
0x232: {  	(v2sf) =	vpush v57, $0xF;
	v27 =	vmul.f32 v27, v1;
	v58 =	vmul.f32 v60, v23;
	v60 =	vld [tilespmem:s3+$0xFFFFFE30]  }
0x233: {  	v39 =	vadd.f32 v39, v42;
	v42 =	vld [tilespmem:s3+$0xFFFFFEE0];
	v19 =	vadd.f32 v24, v19;
	v24 =	vmul.f32 v44, v22  }
0x234: {  	v28 =	vmul.f32 v28, v0;
	v34 =	vmul.f32 v34, v1;
	v37 =	vadd.f32 v37, v40;
	v40 =	vld [tilespmem:s3+$0xFFFFFF20]  }
0x235: {  	v36 =	vmul.f32 v36, v0;
	v35 =	vadd.f32 v35, v38;
	v38 =	vld [tilespmem:s3+$0xFFFFFF60];
	v19 =	vadd.f32 v24, v19  }
0x236: {  	v25 =	vmul.f32 v25, v1;
	v26 =	vmul.f32 v26, v0;
	v18 =	vadd.f32 v33, v18;
	v33 =	vld [tilespmem:s3+$0xFFFFFFA0]  }
0x237: {  	v46 =	vmul.f32 v55, v0;
	v41 =	vadd.f32 v41, v43;
	v20 =	vadd.f32 v31, v20;
	v31 =	vld [tilespmem:s3+$0xFFFFFFE0];
	(xrf2) =	vadd.scan.msk.f32 $0xffff, v19  }
0x238: {  	v29 =	vadd.f32 v29, v32;
	v32 =	vld [tilespmem:s3+$0x20];
	v25 =	vadd.f32 v25, v28;
	v28 =	vmul.f32 v45, v1  }
0x239: {  	v55 =	vld [tilespmem:s3+$0xFFFFFF70];
	v57 =	vmul.f32 v50, v1;
	v21 =	vadd.f32 v21, v46;
	v46 =	vmul.f32 v56, v23  }
0x23a: {  	v27 =	vadd.f32 v27, v30;
	v45 =	vld [tilespmem:s3+$0xE0];
	v56 =	vmul.f32 v49, v1;
	v47 =	vmul.f32 v47, v0  }
0x23b: {  	v26 =	vadd.f32 v34, v26;
	v44 =	vld [tilespmem:s3+$0x100];
	v30 =	vmul.f32 v48, v1;
	v1 =	vmul.f32 v59, v1  }
0x23c: {  	v28 =	vadd.f32 v28, v36;
	v59 =	vmul.f32 v61, v23;
	v61 =	vmul.f32 v62, v23;
	v24 =	vld [tilespmem:s3+$0x140]  }
0x23d: {  	v54 =	vmul.f32 v60, v22;
	v21 =	vadd.f32 v46, v21;
	v30 =	vadd.f32 v30, v47;
	v19 =	vld [tilespmem:s3+$0x180]  }
0x23e: {  	v49 =	vld [tilespmem:s3+$0x120];
	v39 =	vadd.f32 v59, v39;
	v42 =	vmul.f32 v42, v23;
	v40 =	vmul.f32 v40, v23  }
0x23f: {  	v48 =	vld [tilespmem:s3+$0xA0];
	v36 =	vadd.f32 v61, v37;
	v50 =	vmul.f32 v38, v23;
	v33 =	vmul.f32 v33, v23  }
0x240: {  	v62 =	vld [tilespmem:s3+$0xFFFFFE70];
	v31 =	vmul.f32 v31, v23;
	v21 =	vadd.f32 v52, v21;
	v35 =	vadd.f32 v42, v35  }
0x241: {  	v60 =	vld [tilespmem:s3+$0x30];
	v44 =	vmul.f32 v44, v0;
	v18 =	vadd.f32 v40, v18;
	v20 =	vadd.f32 v50, v20;
	v63, _, _ =	vpop (xrf2)  }
0x242: {  	v24 =	vmul.f32 v24, v0;
	v0 =	vmul.f32 v19, v0;
	(v2sf) =	vpush v63, $0xF;
	v63 =	vld [tilespmem:s3+$0xFFFFFEB0]  }
0x243: {  	v32 =	vmul.f32 v32, v23;
	v52 =	vld [tilespmem:s3+$0xFFFFFF30];
	v29 =	vadd.f32 v33, v29;
	v27 =	vadd.f32 v31, v27  }
0x244: {  	v46 =	vld [tilespmem:s3+$0x1A0];
	v0 =	vadd.f32 v1, v0;
	v1 =	vadd.f32 v58, v41  }
0x245: {  	v31 =	vmul.f32 v62, v22;
	(xrf2) =	vadd.scan.msk.f32 $0xffff, v21;
	v21 =	vadd.f32 v32, v25;
	v34 =	vadd.f32 v56, v44;
	v56 =	vld [tilespmem:s3+$0xFFFFFFB0]  }
0x246: {  	v59 =	vld [tilespmem:s3+$0xFFFFFFF0];
	v24 =	vadd.f32 v57, v24;
	v57 =	vmul.f32 v53, v23;
	v1 =	vadd.f32 v54, v1  }
0x247: {  	v25 =	vadd.f32 v31, v39;
	v31 =	vmul.f32 v51, v22;
	v19 =	vld [tilespmem:s3+$0x160];
	v58 =	vmul.f32 v63, v22  }
0x248: {  	v61 =	vmul.f32 v48, v23;
	v62 =	vmul.f32 v52, v22;
	(xrf2) =	vadd.scan.msk.f32 $0xffff, v1;
	v1 =	vadd.f32 v57, v26;
	v63 =	vld [tilespmem:s3+$0x70]  }
0x249: {  	v40 =	vld [tilespmem:s3+$0xB0];
	v26 =	vadd.f32 v31, v35;
	v31 =	vmul.f32 v55, v22;
	v33 =	vadd.f32 v58, v36  }
0x24a: {  	v42 =	vld [tilespmem:s3+$0xF0];
	v32 =	vmul.f32 v60, v22;
	v18 =	vadd.f32 v62, v18;
	v41 =	vmul.f32 v56, v22;
	(xrf2) =	vadd.scan.msk.f32 $0xffff, v25  }
0x24b: {  	v43 =	vld [tilespmem:s3+$0x130];
	v25 =	vmul.f32 v45, v23;
	v20 =	vadd.f32 v31, v20;
	v31 =	vmul.f32 v59, v22;
	(xrf2) =	vadd.scan.msk.f32 $0xffff, v33  }
0x24c: {  	v44 =	vld [tilespmem:s3+$0x170];
	v30 =	vadd.f32 v61, v30;
	v29 =	vadd.f32 v41, v29;
	v19 =	vmul.f32 v19, v23;
	(xrf2) =	vadd.scan.msk.f32 $0xffff, v26  }
0x24d: {  	(xrf2) =	vadd.scan.msk.f32 $0xffff, v18;
	v18 =	vadd.f32 v25, v28;
	v25 =	vadd.f32 v31, v27;
	v27 =	vmul.f32 v63, v22;
	v28 =	vld [tilespmem:s3+$0x1B0]  }
0x24e: {  	v26 =	vmul.f32 v49, v23;
	(xrf2) =	vadd.scan.msk.f32 $0xffff, v20;
	v20 =	vadd.f32 v32, v21;
	v21 =	vmul.f32 v40, v22  }
0x24f: {  	v23 =	vmul.f32 v46, v23;
	(xrf2) =	vadd.scan.msk.f32 $0xffff, v29;
	v1 =	vadd.f32 v27, v1;
	v27 =	vmul.f32 v42, v22  }
0x250: {  	v26 =	vadd.f32 v26, v34;
	(xrf2) =	vadd.scan.msk.f32 $0xffff, v25;
	v21 =	vadd.f32 v21, v30;
	v25 =	vmul.f32 v43, v22  }
0x251: {  	v19 =	vadd.f32 v19, v24;
	v24 =	vmul.f32 v44, v22;
	(xrf2) =	vadd.scan.msk.f32 $0xffff, v20;
	v18 =	vadd.f32 v27, v18  }
0x252: {  	v0 =	vadd.f32 v23, v0;
	v20, _, _ =	vpop (xrf2);
	(xrf2) =	vadd.scan.msk.f32 $0xffff, v1;
	v1 =	vadd.f32 v25, v26;
	v22 =	vmul.f32 v28, v22  }
0x253: {  	v23, _, _ =	vpop (xrf2);
	(xrf2) =	vadd.scan.msk.f32 $0xffff, v21  }
0x254: {  	(v2sf) =	vpush v23, $0xF;
	v21, _, _ =	vpop (xrf2);
	(xrf2) =	vadd.scan.msk.f32 $0xffff, v18;
	v0 =	vadd.f32 v22, v0  }
0x255: {  	v19 =	vadd.f32 v24, v19;
	(v2sf) =	vpush v21, $0xF;
	v18, _, _ =	vpop (xrf2);
	(xrf2) =	vadd.scan.msk.f32 $0xffff, v1  }
0x256: {  	(v2sf) =	vpush v18, $0xF;
	v1, _, _ =	vpop (xrf2)  }
0x257: {  	(xrf2) =	vadd.scan.msk.f32 $0xffff, v19;
	(v2sf) =	vpush v1, $0xF;
	v1, _, _ =	vpop (xrf2)  }
0x258: {  	(xrf2) =	vadd.scan.msk.f32 $0xffff, v0;
	v0, _, _ =	vpop (xrf2);
	(v2sf) =	vpush v1, $0xF  }
0x259: {  	v1, _, _ =	vpop (xrf2);
	(v2sf) =	vpush v0, $0xF  }
0x25a: {  	(v2sf) =	vpush v1, $0xF;
	v0, _, _ =	vpop (xrf2)  }
0x25b: {  	(v2sf) =	vpush v0, $0xF;
	v0, _, _ =	vpop (xrf2)  }
0x25c: {  	s16 =	spop (v2sf);
	(v2sf) =	vpush v0, $0xF;
	v0, _, _ =	vpop (xrf2)  }
0x25d: {  	s17 =	spop (v2sf);
	(v2sf) =	vpush v0, $0xF;
	v0, _, _ =	vpop (xrf2)  }
0x25e: {  	s20 =	ssub.f32 $0.0e+00, s18;
	s18 =	spop (v2sf);
	(v2sf) =	vpush v0, $0xF;
	v0, _, _ =	vpop (xrf2)  }
0x25f: {  	s22 =	spop (v2sf);
	(v2sf) =	vpush v0, $0xF;
	v0, _, _ =	vpop (xrf2)  }
0x260: {  	s21 =	ssub.f32 $0.0e+00, s16;
	s23 =	spop (v2sf);
	(v2sf) =	vpush v0, $0xF  }
0x261: {  	s19 =	ssub.f32 $0.0e+00, s17;
	s16 =	spop (v2sf)  }
0x262: {  	s17 =	ssub.f32 $0.0e+00, s22;
	s3 =	spop (v2sf);
	v0, _, _ =	vpop (xrf2)  }
0x263: {  	s15 =	ssub.f32 $0.0e+00, s23;
	v18 =	vlaneseq.u32;
	(v2sf) =	vpush v0, $0xF;
	v0, _, _ =	vpop (xrf2);
	s22 =	spop (v2sf)  }
0x264: {  	v1 =	vmov s1;
	(v2sf) =	vpush v0, $0xF;
	v0 =	vbroadcast v20, $0xF;
	s24 =	spop (v2sf);
	s22 =	ssub.f32 $0.0e+00, s22  }
0x265: {  	vm1 =	veq.s32 v1, v18;
	s23 =	spop (v2sf);
	s1 =	ssub.f32 $0.0e+00, s24  }
0x266: {  	v0 =	vsel vm1, v0, v17;
	s24 =	spop (v2sf);
	s23 =	ssub.f32 $0.0e+00, s23  }
0x267: {  	[tilespmem:s10+$0x12CA0] =	vst v0;
	v1 =	vsel vm1, s22, v9;
	v0 =	vsel vm1, s1, v7;
	s1 =	spop (v2sf);
	s22 =	ssub.f32 $0.0e+00, s24  }
0x268: {  	[tilespmem:s10+$0x12EA0] =	vst v1;
	s24 =	spop (v2sf);
	s1 =	ssub.f32 $0.0e+00, s1  }
0x269: {  	v1 =	vsel vm1, s23, v10;
	[tilespmem:s10+$0x130A0] =	vst v0;
	v0 =	vsel vm1, s22, v11;
	s22 =	ssub.f32 $0.0e+00, s24;
	s24 =	spop (v2sf)  }
0x26a: {  	[tilespmem:s10+$0x132A0] =	vst v1;
	v1 =	vsel vm1, s1, v13;
	s1 =	ssub.f32 $0.0e+00, s24;
	s24 =	spop (v2sf)  }
0x26b: {  	[tilespmem:s10+$0x134A0] =	vst v0;
	v0 =	vsel vm1, s22, v15;
	s22 =	ssub.f32 $0.0e+00, s24;
	s24 =	spop (v2sf)  }
0x26c: {  	[tilespmem:s10+$0x136A0] =	vst v1;
	v1 =	vsel vm1, s1, v16;
	s1 =	ssub.f32 $0.0e+00, s24;
	s24 =	spop (v2sf)  }
0x26d: {  	s23 =	ssub.f32 $0.0e+00, s24;
	s24 =	spop (v2sf)  }
0x26e: {  	[tilespmem:s10+$0x138A0] =	vst v0;
	v0 =	vsel vm0, s20, v2;
	v2 =	vsel vm1, s22, v14;
	s22 =	spop (v2sf)  }
0x26f: {  	[tilespmem:s10+$0x13AA0] =	vst v1;
	v1 =	vsel vm0, s21, v12;
	v0 =	vsel vm1, s1, v0;
	s1 =	ssub.f32 $0.0e+00, s24;
	s24 =	spop (v2sf)  }
0x270: {  	[tilespmem:s10+$0x13CA0] =	vst v2;
	v1 =	vsel vm1, s23, v1;
	s21 =	ssub.f32 $0.0e+00, s24  }
0x271: {  	s18 =	ssub.f32 $0.0e+00, s18;
	[tilespmem:s10+$0x140A0] =	vst v1;
	v1 =	vsel vm0, s17, v6  }
0x272: {  	s23 =	ssub.f32 $0.0e+00, s22;
	[tilespmem:s10+$0x13EA0] =	vst v0;
	v1 =	vsel vm1, s21, v1  }
0x273: {  	s16 =	ssub.f32 $0.0e+00, s16;
	v2 =	vsel vm0, s19, v8;
	v0 =	vsel vm0, s18, v5;
	s22 =	spop (v2sf);
	[tilespmem:s10+$0x146A0] =	vst v1;
	v1 =	vld [tilespmem:$0x1FFF0]  }
0x274: {  	v2 =	vsel vm1, s1, v2;
	v0 =	vsel vm1, s23, v0;
	s23 =	ssub.f32 $0.0e+00, s22;
	s24 =	spop (v2sf)  }
0x275: {  	[tilespmem:s10+$0x142A0] =	vst v2;
	v2 =	vsel vm0, s15, v4;
	s15 =	ssub.f32 $0.0e+00, s24  }
0x276: {  	s3 =	ssub.f32 $0.0e+00, s3;
	[tilespmem:s10+$0x144A0] =	vst v0;
	v0 =	vsel vm0, s16, v3;
	v2 =	vsel vm1, s23, v2  }
0x277: {  	v0 =	vsel vm1, s15, v0;
	[tilespmem:s10+$0x148A0] =	vst v2  }
0x278: {  	[tilespmem:s10+$0x14AA0] =	vst v0;
	v1 =	vsel vm1, s3, v1  }
0x279: {  	s17 =	simm.s32 $0x8D0;
	[tilespmem:s10+$0x14CA0] =	vst v1  }
0x27a: {  	v0 =	vld [tilespmem:s17+$0x0];
	_ =	sdelay $0x4  }
0x27b: {  	[tilespmem:$0x1FD00] =	vst v0;
	v0 =	vld [tilespmem:s17+$0xFFFFFFF0];
	_ =	sdelay $0x4  }
0x27c: {  	[tilespmem:$0x1FCE0] =	vst v0;
	v0 =	vld [tilespmem:s17+$0xFFFFFFD0];
	_ =	sdelay $0x4  }
0x27d: {  	[tilespmem:$0x1FCA0] =	vst v0;
	v0 =	vld [tilespmem:s17+$0xFFFFFFE0];
	_ =	sdelay $0x3  }
0x27e: {  	s18 =	simm.s32 $0xECA0  }
0x27f: {  	[tilespmem:$0x1FCB0] =	vst v0;
	v0 =	vld [tilespmem:s18+$0x3C0];
	_ =	sdelay $0x4  }
0x280: {  	[tilespmem:$0x1FC80] =	vst v0;
	v0 =	vld [tilespmem:s18+$0x3D0];
	_ =	sdelay $0x3  }
0x281: {  	s19 =	simm.s32 $0x0  }
0x282: {  	[tilespmem:$0x1FC90] =	vst v0;
	v0 =	vld [tilespmem:s19+$0x6110];
	_ =	sdelay $0x4  }
0x283: {  	[tilespmem:$0x1FC60] =	vst v0;
	v0 =	vld [tilespmem:s19+$0x6140];
	_ =	sdelay $0x4  }
0x284: {  	[tilespmem:$0x1FC70] =	vst v0;
	v0 =	vld [tilespmem:s19+$0x60D0];
	_ =	sdelay $0x4  }
0x285: {  	[tilespmem:$0x1FC40] =	vst v0;
	v0 =	vld [tilespmem:s19+$0x6100];
	_ =	sdelay $0x4  }
0x286: {  	[tilespmem:$0x1FC50] =	vst v0;
	v0 =	vld [tilespmem:s19+$0x6090];
	_ =	sdelay $0x4  }
0x287: {  	[tilespmem:$0x1FC20] =	vst v0;
	v0 =	vld [tilespmem:s19+$0x60C0];
	_ =	sdelay $0x4  }
0x288: {  	[tilespmem:$0x1FC30] =	vst v0;
	v0 =	vld [tilespmem:s19+$0x6050];
	_ =	sdelay $0x4  }
0x289: {  	[tilespmem:$0x1FC00] =	vst v0;
	v0 =	vld [tilespmem:s19+$0x6080];
	_ =	sdelay $0x4  }
0x28a: {  	[tilespmem:$0x1FC10] =	vst v0;
	v0 =	vld [tilespmem:s19+$0x6010];
	_ =	sdelay $0x4  }
0x28b: {  	[tilespmem:$0x1FBE0] =	vst v0;
	v0 =	vld [tilespmem:s19+$0x6040];
	_ =	sdelay $0x4  }
0x28c: {  	[tilespmem:$0x1FBF0] =	vst v0;
	v0 =	vld [tilespmem:s19+$0x5FD0];
	_ =	sdelay $0x4  }
0x28d: {  	[tilespmem:$0x1FBC0] =	vst v0;
	v0 =	vld [tilespmem:s19+$0x6000];
	_ =	sdelay $0x4  }
0x28e: {  	[tilespmem:$0x1FBD0] =	vst v0;
	v0 =	vld [tilespmem:s19+$0x5F90];
	_ =	sdelay $0x4  }
0x28f: {  	[tilespmem:$0x1FBA0] =	vst v0;
	v0 =	vld [tilespmem:s19+$0x5FC0];
	_ =	sdelay $0x4  }
0x290: {  	[tilespmem:$0x1FBB0] =	vst v0;
	v0 =	vld [tilespmem:s19+$0x5F50];
	_ =	sdelay $0x4  }
0x291: {  	[tilespmem:$0x1FB80] =	vst v0;
	v0 =	vld [tilespmem:s19+$0x5F80];
	_ =	sdelay $0x4  }
0x292: {  	[tilespmem:$0x1FB90] =	vst v0;
	v0 =	vld [tilespmem:s19+$0x5F10];
	_ =	sdelay $0x4  }
0x293: {  	[tilespmem:$0x1FB60] =	vst v0;
	v0 =	vld [tilespmem:s19+$0x5F40];
	_ =	sdelay $0x4  }
0x294: {  	[tilespmem:$0x1FB70] =	vst v0;
	v0 =	vld [tilespmem:s18+$0x3E0];
	_ =	sdelay $0x4  }
0x295: {  	[tilespmem:$0x1FCD0] =	vst v0;
	v0 =	vld [tilespmem:s19+$0x6190];
	_ =	sdelay $0x4  }
0x296: {  	[tilespmem:$0x1FCC0] =	vst v0;
	v0 =	vld [tilespmem:s18+$0x0];
	_ =	sdelay $0x4  }
0x297: {  	[tilespmem:$0x1FCF0] =	vst v0;
	v0 =	vld [tilespmem:s18+$0x3F0]  }
0x298: {  	v59 =	vld [tilespmem:s19+$0x5F00]  }
0x299: {  	v52 =	vld [tilespmem:s19+$0x5EC0]  }
0x29a: {  	v34 =	vld [tilespmem:s19+$0x5E80]  }
0x29b: {  	v21 =	vld [tilespmem:s19+$0x5E10]  }
0x29c: {  	[tilespmem:$0x1FD10] =	vst v0;
	v0 =	vld [tilespmem:s18+$0x10]  }
0x29d: {  	v24 =	vld [tilespmem:s19+$0x5E40]  }
0x29e: {  	v16 =	vld [tilespmem:s19+$0x5DD0]  }
0x29f: {  	v30 =	vld [tilespmem:s19+$0x5E00]  }
0x2a0: {  	v27 =	vld [tilespmem:s19+$0x5D90]  }
0x2a1: {  	[tilespmem:$0x1FD20] =	vst v0;
	v0 =	vld [tilespmem:s18+$0x40]  }
0x2a2: {  	v29 =	vld [tilespmem:s19+$0x5DC0]  }
0x2a3: {  	v32 =	vld [tilespmem:s19+$0x5D50]  }
0x2a4: {  	v39 =	vld [tilespmem:s19+$0x5D80]  }
0x2a5: {  	v40 =	vld [tilespmem:s19+$0x5D10]  }
0x2a6: {  	[tilespmem:$0x1FD30] =	vst v0;
	v0 =	vld [tilespmem:s18+$0x50]  }
0x2a7: {  	v42 =	vld [tilespmem:s19+$0x5D40]  }
0x2a8: {  	v45 =	vld [tilespmem:s19+$0x5CD0]  }
0x2a9: {  	v46 =	vld [tilespmem:s19+$0x5D00]  }
0x2aa: {  	v43 =	vld [tilespmem:s19+$0x5CB0]  }
0x2ab: {  	[tilespmem:$0x1FD40] =	vst v0;
	v0 =	vld [tilespmem:s18+$0x80]  }
0x2ac: {  	v48 =	vld [tilespmem:s19+$0x5CC0]  }
0x2ad: {  	v49 =	vld [tilespmem:s19+$0x5CF0]  }
0x2ae: {  	v41 =	vld [tilespmem:s19+$0x5CA0]  }
0x2af: {  	v51 =	vld [tilespmem:s19+$0x5D30]  }
0x2b0: {  	v1 =	vadd.f32 $0.0e+00, v43;
	[tilespmem:$0x1FD50] =	vst v0;
	v0 =	vld [tilespmem:s18+$0x90]  }
0x2b1: {  	v55 =	vld [tilespmem:s19+$0x5D70];
	v2 =	vadd.f32 $0.0e+00, v48  }
0x2b2: {  	v44 =	vld [tilespmem:s19+$0x5CE0];
	v1 =	vadd.f32 v49, v1  }
0x2b3: {  	v62 =	vld [tilespmem:s19+$0x5DB0];
	v2 =	vadd.f32 v46, v2  }
0x2b4: {  	v50 =	vld [tilespmem:s19+$0x5D20];
	v1 =	vadd.f32 v51, v1  }
0x2b5: {  	v3 =	vld [tilespmem:s19+$0x5DF0];
	v2 =	vadd.f32 v42, v2;
	[tilespmem:$0x1FD60] =	vst v0;
	v0 =	vadd.f32 $0.0e+00, v41  }
0x2b6: {  	v54 =	vld [tilespmem:s19+$0x5D60];
	v45 =	vadd.f32 $0.0e+00, v45;
	v1 =	vadd.f32 v55, v1  }
0x2b7: {  	v4 =	vld [tilespmem:s19+$0x5E30];
	v2 =	vadd.f32 v39, v2;
	v0 =	vadd.f32 v44, v0  }
0x2b8: {  	v61 =	vld [tilespmem:s19+$0x5DA0];
	v40 =	vadd.f32 v40, v45;
	v1 =	vadd.f32 v62, v1  }
0x2b9: {  	v6 =	vld [tilespmem:s19+$0x5E70];
	v2 =	vadd.f32 v29, v2;
	v0 =	vadd.f32 v50, v0  }
0x2ba: {  	v63 =	vld [tilespmem:s19+$0x5DE0];
	v32 =	vadd.f32 v32, v40;
	v1 =	vadd.f32 v3, v1  }
0x2bb: {  	v8 =	vld [tilespmem:s19+$0x5EB0];
	v2 =	vadd.f32 v30, v2;
	v0 =	vadd.f32 v54, v0  }
0x2bc: {  	v5 =	vld [tilespmem:s19+$0x5E20];
	v32 =	vadd.f32 v27, v32;
	v1 =	vadd.f32 v4, v1  }
0x2bd: {  	v28 =	vld [tilespmem:s19+$0x5E50];
	v2 =	vadd.f32 v24, v2;
	v0 =	vadd.f32 v61, v0  }
0x2be: {  	v7 =	vld [tilespmem:s19+$0x5E60];
	v3 =	vadd.f32 v16, v32;
	v1 =	vadd.f32 v6, v1  }
0x2bf: {  	v37 =	vld [tilespmem:s19+$0x5E90];
	v2 =	vadd.f32 v34, v2;
	v45 =	vadd.f32 v63, v0  }
0x2c0: {  	v3 =	vadd.f32 v21, v3;
	v1 =	vadd.f32 v8, v1;
	v8 =	vld [tilespmem:$0x1FB70]  }
0x2c1: {  	v57 =	vld [tilespmem:s19+$0x5ED0];
	v2 =	vadd.f32 v52, v2;
	v5 =	vadd.f32 v5, v45  }
0x2c2: {  	v3 =	vadd.f32 v28, v3  }
0x2c3: {  	v4 =	vadd.f32 v7, v5;
	v7 =	vadd.f32 v59, v2;
	v2 =	vld [tilespmem:$0x1FB60]  }
0x2c4: {  	v3 =	vadd.f32 v37, v3  }
0x2c5: {  	v7 =	vadd.f32 v8, v7;
	v8 =	vld [tilespmem:$0x1FB80]  }
0x2c6: {  	v3 =	vadd.f32 v57, v3;
	_ =	sdelay $0x1  }
0x2c7: {  	v9 =	vld [tilespmem:s19+$0x5EA0];
	v3 =	vadd.f32 v2, v3  }
0x2c8: {  	v11 =	vld [tilespmem:s19+$0x5EE0]  }
0x2c9: {  	v3 =	vadd.f32 v8, v3;
	v8 =	vld [tilespmem:$0x1FB90]  }
0x2ca: {  	v10 =	vld [tilespmem:s19+$0x5EF0]  }
0x2cb: {  	v13 =	vld [tilespmem:s19+$0x5F20]  }
0x2cc: {  	v12 =	vld [tilespmem:s19+$0x5F30]  }
0x2cd: {  	v15 =	vld [tilespmem:s19+$0x5F60]  }
0x2ce: {  	v7 =	vadd.f32 v8, v7;
	v8 =	vld [tilespmem:$0x1FBA0]  }
0x2cf: {  	v14 =	vld [tilespmem:s19+$0x5F70]  }
0x2d0: {  	v18 =	vld [tilespmem:s19+$0x5FA0]  }
0x2d1: {  	v17 =	vld [tilespmem:s19+$0x5FB0]  }
0x2d2: {  	v20 =	vld [tilespmem:s19+$0x5FE0]  }
0x2d3: {  	v3 =	vadd.f32 v8, v3;
	v8 =	vld [tilespmem:$0x1FBB0]  }
0x2d4: {  	v19 =	vld [tilespmem:s19+$0x5FF0]  }
0x2d5: {  	v23 =	vld [tilespmem:s19+$0x6020]  }
0x2d6: {  	v22 =	vld [tilespmem:s19+$0x6030]  }
0x2d7: {  	v26 =	vld [tilespmem:s19+$0x6060]  }
0x2d8: {  	v7 =	vadd.f32 v8, v7;
	v8 =	vld [tilespmem:$0x1FBC0]  }
0x2d9: {  	v25 =	vld [tilespmem:s19+$0x6070]  }
0x2da: {  	v33 =	vld [tilespmem:s19+$0x60A0]  }
0x2db: {  	v31 =	vld [tilespmem:s19+$0x60B0]  }
0x2dc: {  	v36 =	vld [tilespmem:s19+$0x60E0]  }
0x2dd: {  	v3 =	vadd.f32 v8, v3;
	v8 =	vld [tilespmem:$0x1FBD0]  }
0x2de: {  	v35 =	vld [tilespmem:s19+$0x60F0]  }
0x2df: {  	v47 =	vld [tilespmem:s19+$0x6120]  }
0x2e0: {  	v38 =	vld [tilespmem:s19+$0x6130]  }
0x2e1: {  	v56 =	vld [tilespmem:s19+$0x6160]  }
0x2e2: {  	v7 =	vadd.f32 v8, v7;
	v8 =	vld [tilespmem:$0x1FBE0]  }
0x2e3: {  	v53 =	vld [tilespmem:s19+$0x6170]  }
0x2e4: {  	v58 =	vld [tilespmem:s19+$0x6150]  }
0x2e5: {  	v60 =	vld [tilespmem:s19+$0x6180]  }
0x2e6: {  	v43 =	vld [tilespmem:s18+$0xD0]  }
0x2e7: {  	v3 =	vadd.f32 v8, v3;
	v8 =	vld [tilespmem:$0x1FBF0]  }
0x2e8: {  	v48 =	vld [tilespmem:s18+$0x110]  }
0x2e9: {  	v49 =	vld [tilespmem:s18+$0x140]  }
0x2ea: {  	v46 =	vld [tilespmem:s18+$0x1D0]  }
0x2eb: {  	v51 =	vld [tilespmem:s18+$0x180]  }
0x2ec: {  	v7 =	vadd.f32 v8, v7;
	v8 =	vld [tilespmem:$0x1FC00]  }
0x2ed: {  	v40 =	vld [tilespmem:s18+$0x2E0]  }
0x2ee: {  	v42 =	vld [tilespmem:s18+$0x320]  }
0x2ef: {  	v55 =	vld [tilespmem:s18+$0x1C0]  }
0x2f0: {  	v27 =	vld [tilespmem:s18+$0x200]  }
0x2f1: {  	v3 =	vadd.f32 v8, v3;
	v8 =	vld [tilespmem:$0x1FC10]  }
0x2f2: {  	v39 =	vld [tilespmem:s18+$0x2A0];
	v4 =	vadd.f32 v9, v4  }
0x2f3: {  	v29 =	vld [tilespmem:s18+$0x240]  }
0x2f4: {  	v62 =	vld [tilespmem:s18+$0x300];
	v4 =	vadd.f32 v11, v4  }
0x2f5: {  	v30 =	vld [tilespmem:s18+$0x250]  }
0x2f6: {  	v4 =	vadd.f32 v13, v4;
	v7 =	vadd.f32 v8, v7;
	v8 =	vld [tilespmem:$0x1FC20]  }
0x2f7: {  	v32 =	vld [tilespmem:s18+$0x2C0]  }
0x2f8: {  	v16 =	vld [tilespmem:s18+$0x2D0];
	v4 =	vadd.f32 v15, v4  }
0x2f9: {  	v21 =	vld [tilespmem:s18+$0x120]  }
0x2fa: {  	v24 =	vld [tilespmem:s18+$0x1A0];
	v4 =	vadd.f32 v18, v4  }
0x2fb: {  	v3 =	vadd.f32 v8, v3;
	v8 =	vld [tilespmem:$0x1FC30]  }
0x2fc: {  	v6 =	vld [tilespmem:s18+$0x280];
	v4 =	vadd.f32 v20, v4  }
0x2fd: {  	v28 =	vld [tilespmem:s18+$0x1E0]  }
0x2fe: {  	v52 =	vld [tilespmem:s18+$0x230];
	v4 =	vadd.f32 v23, v4  }
0x2ff: {  	v57 =	vld [tilespmem:s18+$0x390]  }
0x300: {  	v4 =	vadd.f32 v26, v4;
	v7 =	vadd.f32 v8, v7;
	v8 =	vld [tilespmem:$0x1FC40]  }
0x301: {  	v41 =	vld [tilespmem:s18+$0xC0]  }
0x302: {  	v44 =	vld [tilespmem:s18+$0x100];
	v5 =	vadd.f32 v10, v1;
	v4 =	vadd.f32 v33, v4  }
0x303: {  	v50 =	vld [tilespmem:s18+$0x150]  }
0x304: {  	v54 =	vld [tilespmem:s18+$0x190];
	v5 =	vadd.f32 v12, v5;
	v4 =	vadd.f32 v36, v4  }
0x305: {  	v3 =	vadd.f32 v8, v3;
	v8 =	vld [tilespmem:$0x1FC50]  }
0x306: {  	v61 =	vld [tilespmem:s18+$0x340];
	v5 =	vadd.f32 v14, v5;
	v4 =	vadd.f32 v47, v4  }
0x307: {  	v0 =	vld [tilespmem:s18+$0x210]  }
0x308: {  	v5 =	vadd.f32 v17, v5;
	v9 =	vadd.f32 v56, v4;
	v4 =	vld [tilespmem:$0x1FC70]  }
0x309: {  	v63 =	vld [tilespmem:s18+$0x290]  }
0x30a: {  	v5 =	vadd.f32 v19, v5;
	v7 =	vadd.f32 v8, v7;
	v8 =	vld [tilespmem:$0x1FC60]  }
0x30b: {  	v45 =	vld [tilespmem:s18+$0x360]  }
0x30c: {  	v1 =	vld [tilespmem:s18+$0x310];
	v5 =	vadd.f32 v22, v5  }
0x30d: {  	v59 =	vld [tilespmem:s18+$0x380];
	v4 =	vadd.f32 v4, v7  }
0x30e: {  	v14 =	vld [tilespmem:s18+$0x260];
	v5 =	vadd.f32 v25, v5  }
0x30f: {  	v3 =	vadd.f32 v8, v3;
	v8 =	vadd.f32 v60, v4;
	v4 =	vld [tilespmem:$0x1FCA0]  }
0x310: {  	v2 =	vld [tilespmem:s18+$0x350];
	v5 =	vadd.f32 v31, v5  }
0x311: {  	v17 =	vld [tilespmem:s18+$0x20]  }
0x312: {  	v13 =	vld [tilespmem:s18+$0x220];
	v5 =	vadd.f32 v35, v5  }
0x313: {  	v19 =	vld [tilespmem:s18+$0xA0]  }
0x314: {  	v5 =	vadd.f32 v38, v5;
	v11 =	vmul.f32 v4, v9;
	v4 =	vld [tilespmem:$0x1FCB0]  }
0x315: {  	v15 =	vld [tilespmem:s18+$0x3A0]  }
0x316: {  	v10 =	vadd.f32 v53, v5;
	v5 =	vld [tilespmem:$0x1FC80]  }
0x317: {  	v7 =	vld [tilespmem:$0x1FC90]  }
0x318: {  	v18 =	vld [tilespmem:s18+$0x60]  }
0x319: {  	v12 =	vmul.f32 v4, v10;
	v4 =	vld [tilespmem:$0x1FCC0]  }
0x31a: {  	v22 =	vld [tilespmem:s18+$0x160]  }
0x31b: {  	v20 =	vld [tilespmem:s18+$0xE0]  }
0x31c: {  	v25 =	vld [tilespmem:s18+$0x70];
	v5 =	vmul.f32 v5, v9;
	v3 =	vadd.f32 v58, v3;
	v7 =	vmul.f32 v7, v10  }
0x31d: {  	v58 =	vld [tilespmem:$0x1FD30]  }
0x31e: {  	v4 =	vadd.f32 v4, v3;
	v3 =	vadd.f32 v7, v5;
	v5 =	vld [tilespmem:$0x1FCD0]  }
0x31f: {  	v23 =	vld [tilespmem:s18+$0x30]  }
0x320: {  	v31 =	vld [tilespmem:s18+$0xF0]  }
0x321: {  	v26 =	vld [tilespmem:s18+$0xB0]  }
0x322: {  	v7 =	vadd.f32 v12, v11;
	v11 =	vld [tilespmem:$0x1FCE0]  }
0x323: {  	s15 =	simm.s32 $0x910;
	v56 =	vld [tilespmem:$0x1FD00];
	v37 =	vmul.f32 v58, v9;
	v5 =	vmul.f32 v5, v8  }
0x324: {  	v58 =	vmul.f32 v50, v10;
	v50 =	vmul.f32 v18, v8;
	v18 =	vld [tilespmem:s15+$0x0]  }
0x325: {  	v3 =	vadd.f32 v5, v3;
	v5 =	vld [tilespmem:$0x1FD10]  }
0x326: {  	v35 =	vld [tilespmem:s18+$0x170]  }
0x327: {  	v33 =	vld [tilespmem:s18+$0x130];
	v11 =	vmul.f32 v11, v8  }
0x328: {  	v12 =	vld [tilespmem:$0x1FCF0]  }
0x329: {  	v34 =	vmul.f32 v56, v4;
	v7 =	vadd.f32 v11, v7;
	v11 =	vld [tilespmem:$0x1FD20]  }
0x32a: {  	[tilespmem:$0x1FD70] =	vst v18;
	v18 =	vld [tilespmem:s15+$0xFFFFFFF0];
	v5 =	vmul.f32 v5, v4  }
0x32b: {  	v34 =	vadd.f32 v34, v7;
	v7 =	vld [tilespmem:$0x1FD60]  }
0x32c: {  	v54 =	vmul.f32 v54, v10;
	v46 =	vmul.f32 v46, v10;
	v53 =	vadd.f32 v5, v3;
	v3 =	vld [tilespmem:$0x1FD40]  }
0x32d: {  	v16 =	vmul.f32 v16, v10;
	v60 =	vmul.f32 v48, v10;
	v5 =	vld [tilespmem:$0x1FD50]  }
0x32e: {  	v36 =	vld [tilespmem:s18+$0x1B0];
	v12 =	vmul.f32 v12, v9;
	v11 =	vmul.f32 v11, v10  }
0x32f: {  	v38 =	vld [tilespmem:s18+$0x1F0];
	v17 =	vmul.f32 v17, v8;
	v23 =	vmul.f32 v23, v4  }
0x330: {  	v47 =	vld [tilespmem:s18+$0x270];
	v25 =	vmul.f32 v25, v4;
	v26 =	vmul.f32 v26, v4;
	v56 =	vadd.f32 v11, v12  }
0x331: {  	[tilespmem:$0x1FD80] =	vst v18;
	v18 =	vld [tilespmem:s15+$0xFFFFFFD0];
	v11 =	vmul.f32 v7, v10;
	v3 =	vmul.f32 v3, v10  }
0x332: {  	s17 =	simm.s32 $0x500;
	v12 =	vmul.f32 v43, v10;
	v7 =	vld [tilespmem:s18+$0x2B0];
	v17 =	vadd.f32 v17, v56;
	v5 =	vmul.f32 v5, v9  }
0x333: {  	s3 =	simm.s32 $0xF0A0;
	v56 =	vmul.f32 v36, v4;
	v36 =	vld [tilespmem:s17+$0x5F90];
	v37 =	vadd.f32 v3, v37;
	v3 =	vmul.f32 v41, v9  }
0x334: {  	v17 =	vadd.f32 v23, v17;
	v23 =	vld [tilespmem:s3+$0x3D0];
	v41 =	vadd.f32 v11, v5;
	v5 =	vmul.f32 v44, v9  }
0x335: {  	v31 =	vmul.f32 v31, v4;
	v33 =	vmul.f32 v33, v4;
	v11 =	vld [tilespmem:s18+$0x2F0];
	v44 =	vadd.f32 v12, v3  }
0x336: {  	v3 =	vmul.f32 v49, v9;
	v12 =	vld [tilespmem:s18+$0x330];
	v43 =	vadd.f32 v60, v5;
	v60 =	vmul.f32 v51, v9  }
0x337: {  	v5 =	vld [tilespmem:s18+$0x370];
	v51 =	vmul.f32 v55, v9;
	v37 =	vadd.f32 v50, v37;
	v55 =	vmul.f32 v24, v8  }
0x338: {  	(xrf2) =	vadd.scan.msk.f32 $0xffff, v53;
	v24 =	vld [tilespmem:s17+$0x6110];
	v50 =	vmul.f32 v32, v9;
	v48 =	vadd.f32 v58, v3;
	v58 =	vmul.f32 v19, v8  }
0x339: {  	(xrf2) =	vadd.scan.msk.f32 $0xffff, v34;
	v32 =	vld [tilespmem:s17+$0x6010];
	v49 =	vadd.f32 v54, v60;
	v60 =	vmul.f32 v20, v8;
	v25 =	vadd.f32 v25, v37  }
0x33a: {  	(xrf2) =	vadd.scan.msk.f32 $0xffff, v17;
	v3 =	vld [tilespmem:s18+$0x3B0];
	v16 =	vadd.f32 v16, v50;
	v41 =	vadd.f32 v58, v41;
	v58 =	vmul.f32 v21, v8  }
0x33b: {  	v50 =	vld [tilespmem:s17+$0x5DD0];
	v44 =	vadd.f32 v60, v44;
	v60 =	vmul.f32 v22, v8;
	v37 =	vadd.f32 v55, v49  }
0x33c: {  	v35 =	vmul.f32 v35, v4;
	v21 =	vld [tilespmem:s15+$0xFFFFFFE0];
	(xrf2) =	vadd.scan.msk.f32 $0xffff, v25;
	v54 =	vadd.f32 v58, v43;
	v26 =	vadd.f32 v26, v41  }
0x33d: {  	v22 =	vld [tilespmem:s3+$0x3C0];
	v49 =	vmul.f32 v63, v10;
	v17 =	vadd.f32 v60, v48;
	v31 =	vadd.f32 v31, v44  }
0x33e: {  	v25 =	vld [tilespmem:s17+$0x6140];
	v60 =	vadd.f32 v46, v51;
	v44 =	vmul.f32 v28, v8;
	v33 =	vadd.f32 v33, v54;
	(xrf2) =	vadd.scan.msk.f32 $0xffff, v26  }
0x33f: {  	v63 =	vmul.f32 v47, v4;
	v47 =	vld [tilespmem:s17+$0x5E80];
	v58 =	vmul.f32 v27, v9;
	v17 =	vadd.f32 v35, v17;
	(xrf2) =	vadd.scan.msk.f32 $0xffff, v31  }
0x340: {  	v27 =	vld [tilespmem:s17+$0x6100];
	v34 =	vadd.f32 v56, v37;
	v48 =	vmul.f32 v38, v4;
	v35 =	vadd.f32 v44, v60;
	(xrf2) =	vadd.scan.msk.f32 $0xffff, v33  }
0x341: {  	v28 =	vld [tilespmem:s17+$0x6090];
	(xrf2) =	vadd.scan.msk.f32 $0xffff, v17  }
0x342: {  	v6 =	vmul.f32 v6, v9;
	v46 =	vmul.f32 v29, v9;
	v29 =	vld [tilespmem:s17+$0x60C0];
	v31, _, _ =	vpop (xrf2);
	v35 =	vadd.f32 v48, v35;
	(xrf2) =	vadd.scan.msk.f32 $0xffff, v34  }
0x343: {  	v0 =	vmul.f32 v0, v10;
	v1 =	vmul.f32 v1, v10;
	v37 =	vld [tilespmem:s17+$0x5FC0];
	v54, _, _ =	vpop (xrf2)  }
0x344: {  	v2 =	vmul.f32 v2, v10;
	v6 =	vadd.f32 v49, v6;
	v51 =	vmul.f32 v62, v9;
	v38 =	vld [tilespmem:s17+$0x5F50];
	v53, _, _ =	vpop (xrf2);
	(xrf2) =	vadd.scan.msk.f32 $0xffff, v35  }
0x345: {  	v56 =	vmul.f32 v61, v9;
	v61 =	vmul.f32 v39, v8;
	v39 =	vld [tilespmem:s17+$0x5F80];
	(v2sf) =	vpush v31, $0xF  }
0x346: {  	v13 =	vmul.f32 v13, v8;
	v41 =	vld [tilespmem:s17+$0x5F40];
	v0 =	vadd.f32 v0, v58;
	(v2sf) =	vpush v53, $0xF;
	v55, _, _ =	vpop (xrf2)  }
0x347: {  	v43 =	vld [tilespmem:s17+$0x5F00];
	v1 =	vadd.f32 v1, v51;
	v17 =	vmul.f32 v30, v10;
	(v2sf) =	vpush v55, $0xF  }
0x348: {  	v62 =	vmul.f32 v52, v4;
	v49 =	vld [tilespmem:s17+$0x5E40];
	v2 =	vadd.f32 v2, v56;
	v0 =	vadd.f32 v13, v0;
	v58, _, _ =	vpop (xrf2)  }
0x349: {  	v14 =	vmul.f32 v14, v8;
	v52 =	vld [tilespmem:s17+$0x5D90];
	v17 =	vadd.f32 v17, v46;
	(v2sf) =	vpush v58, $0xF;
	v60, _, _ =	vpop (xrf2)  }
0x34a: {  	v7 =	vmul.f32 v7, v4;
	v26 =	vld [tilespmem:s17+$0x60D0];
	v0 =	vadd.f32 v62, v0;
	(v2sf) =	vpush v60, $0xF;
	v13, _, _ =	vpop (xrf2)  }
0x34b: {  	v11 =	vmul.f32 v11, v4;
	v44 =	vld [tilespmem:s17+$0x5E90];
	v14 =	vadd.f32 v14, v17;
	(v2sf) =	vpush v13, $0xF;
	v13, _, _ =	vpop (xrf2)  }
0x34c: {  	v6 =	vadd.f32 v61, v6;
	v51 =	vld [tilespmem:s17+$0x5E00];
	v17 =	vmul.f32 v40, v8;
	(v2sf) =	vpush v13, $0xF;
	v13, _, _ =	vpop (xrf2)  }
0x34d: {  	v56 =	vld [tilespmem:s17+$0x5D80];
	v14 =	vadd.f32 v63, v14;
	(v2sf) =	vpush v13, $0xF;
	v13 =	vmul.f32 v42, v8  }
0x34e: {  	v61 =	vld [tilespmem:s17+$0x5CC0];
	v6 =	vadd.f32 v7, v6;
	v7 =	vmul.f32 v12, v4;
	(xrf2) =	vadd.scan.msk.f32 $0xffff, v0;
	v16 =	vadd.f32 v17, v16;
	v0, _, _ =	vpop (xrf2)  }
0x34f: {  	v33 =	vld [tilespmem:s17+$0x6040];
	v12 =	vmul.f32 v45, v8;
	(xrf2) =	vadd.scan.msk.f32 $0xffff, v14;
	(v2sf) =	vpush v0, $0xF;
	v1 =	vadd.f32 v13, v1  }
0x350: {  	v45 =	vld [tilespmem:s17+$0x5EC0];
	v11 =	vadd.f32 v11, v16  }
0x351: {  	v48 =	vld [tilespmem:s17+$0x5E10];
	(xrf2) =	vadd.scan.msk.f32 $0xffff, v6;
	v0 =	vadd.f32 v7, v1;
	v1 =	vadd.f32 v12, v2;
	v2 =	vmul.f32 v5, v4  }
0x352: {  	v30 =	vld [tilespmem:s17+$0x6050];
	(xrf2) =	vadd.scan.msk.f32 $0xffff, v11  }
0x353: {  	v31 =	vld [tilespmem:s17+$0x6080];
	(xrf2) =	vadd.scan.msk.f32 $0xffff, v0;
	v0 =	vadd.f32 v2, v1  }
0x354: {  	s1 =	simm.s32 $0x0;
	v34 =	vld [tilespmem:s17+$0x5FD0];
	s20 =	spop (v2sf)  }
0x355: {  	v62 =	vld [tilespmem:s17+$0x5CA0];
	v6 =	vmov s1;
	s16 =	ssub.f32 $0.0e+00, s20;
	v5 =	vmul.f32 v57, v10;
	s21 =	spop (v2sf);
	v1 =	vmul.f32 v59, v9;
	(xrf2) =	vadd.scan.msk.f32 $0xffff, v0  }
0x356: {  	v3 =	vmul.f32 v3, v4;
	v35 =	vld [tilespmem:s17+$0x6000];
	v14 =	vimm.f32 $0.0e+00;
	s18 =	ssub.f32 $0.0e+00, s21;
	s22 =	spop (v2sf);
	v0 =	vlaneseq.u32  }
0x357: {  	v46 =	vld [tilespmem:s17+$0x5E50];
	v2 =	vimm.f32 $0.0e+00;
	s19 =	ssub.f32 $0.0e+00, s22;
	vm0 =	veq.s32 v6, v0;
	v0 =	vadd.f32 v5, v1  }
0x358: {  	v53 =	vld [tilespmem:s17+$0x5DC0];
	v5 =	vmul.f32 v15, v8;
	v6, _, _ =	vpop (xrf2);
	v8 =	vbroadcast v54, $0xF;
	v1 =	vsel vm0, s16, v2;
	s23 =	spop (v2sf)  }
0x359: {  	v40 =	vld [tilespmem:s17+$0x5F10];
	v9 =	vsel vm0, s18, v2;
	v7 =	vsel vm0, s19, v2;
	v12, _, _ =	vpop (xrf2);
	(v2sf) =	vpush v6, $0xF;
	s24 =	ssub.f32 $0.0e+00, s23;
	s21 =	spop (v2sf)  }
0x35a: {  	v55 =	vld [tilespmem:s17+$0x5D50];
	v6 =	vimm.f32 $0.0e+00;
	v0 =	vadd.f32 v5, v0;
	(v2sf) =	vpush v12, $0xF;
	s22 =	ssub.f32 $0.0e+00, s21;
	s23 =	spop (v2sf)  }
0x35b: {  	v58 =	vld [tilespmem:s17+$0x5D40];
	v4, _, _ =	vpop (xrf2);
	v17 =	vsel vm0, v8, v2;
	v12 =	vimm.f32 $0.0e+00;
	v10 =	vsel vm0, s24, v2;
	s24 =	ssub.f32 $0.0e+00, s23;
	s20 =	spop (v2sf)  }
0x35c: {  	v60 =	vld [tilespmem:s17+$0x5D00];
	v8 =	vimm.f32 $0.0e+00;
	(v2sf) =	vpush v4, $0xF;
	v4, _, _ =	vpop (xrf2);
	v11 =	vsel vm0, s22, v2;
	s21 =	ssub.f32 $0.0e+00, s20;
	s22 =	spop (v2sf)  }
0x35d: {  	[tilespmem:$0x1FD90] =	vst v18;
	v42 =	vld [tilespmem:s17+$0x5ED0];
	v5 =	vimm.f32 $0.0e+00;
	v0 =	vadd.f32 v3, v0;
	(v2sf) =	vpush v4, $0xF;
	s23 =	ssub.f32 $0.0e+00, s22  }
0x35e: {  	v57 =	vld [tilespmem:s17+$0x5D10];
	[tilespmem:$0x1FDA0] =	vst v1;
	v4 =	vimm.f32 $0.0e+00;
	v13 =	vsel vm0, s24, v2;
	v3, _, _ =	vpop (xrf2);
	s24 =	spop (v2sf);
	v15 =	vsel vm0, s21, v2  }
0x35f: {  	v59 =	vld [tilespmem:s17+$0x5CD0];
	s16 =	simm.s32 $0x2800;
	(xrf2) =	vadd.scan.msk.f32 $0xffff, v0;
	(v2sf) =	vpush v3, $0xF;
	s18 =	ssub.f32 $0.0e+00, s24;
	v3 =	vimm.f32 $0.0e+00;
	v16 =	vsel vm0, s23, v2;
	v54, _, _ =	vpop (xrf2)  }
.LBB2_5:
0x360: {  	_ =	sdelay $0x5  }
0x361: {  	v0 =	vld [tilespmem:s17+$0x5CB0]  }
0x362: {  	v63 =	vld [tilespmem:s17+$0x5CF0]  }
0x363: {  	v19 =	vld [tilespmem:s17+$0x5D20]  }
0x364: {  	v1 =	vld [tilespmem:s17+$0x5D60]  }
0x365: {  	v18, _, _ =	vpop (xrf2);
	s21 =	spop (v2sf);
	(v2sf) =	vpush v54, $0xF;
	v54 =	vld [tilespmem:s17+$0x5CE0]  }
0x366: {  	v61 =	vadd.f32 $0.0e+00, v61;
	s22 =	spop (v2sf);
	(v2sf) =	vpush v18, $0xF;
	v18 =	vld [tilespmem:s17+$0x5D30]  }
0x367: {  	v20 =	vld [tilespmem:s17+$0x5D70];
	v59 =	vadd.f32 $0.0e+00, v59;
	v0 =	vadd.f32 $0.0e+00, v0  }
0x368: {  	v62 =	vadd.f32 $0.0e+00, v62;
	v60 =	vadd.f32 v60, v61;
	v61 =	vld [tilespmem:s17+$0x5DB0]  }
0x369: {  	v0 =	vadd.f32 v63, v0;
	v63 =	vadd.f32 v57, v59;
	v57 =	vld [tilespmem:s17+$0x5EB0]  }
0x36a: {  	v59 =	vld [tilespmem:s17+$0x5EF0];
	v60 =	vadd.f32 v58, v60  }
0x36b: {  	v58 =	vld [tilespmem:s17+$0x5DF0];
	v54 =	vadd.f32 v54, v62;
	v0 =	vadd.f32 v18, v0  }
0x36c: {  	v62 =	vld [tilespmem:s17+$0x5DA0]  }
0x36d: {  	v18 =	vld [tilespmem:s17+$0x5DE0];
	v19 =	vadd.f32 v19, v54;
	v0 =	vadd.f32 v20, v0  }
0x36e: {  	v20 =	vadd.f32 v55, v63;
	v63 =	vadd.f32 v56, v60;
	v60 =	vld [tilespmem:s17+$0x5E30]  }
0x36f: {  	v55 =	vld [tilespmem:s17+$0x5FF0]  }
0x370: {  	v1 =	vadd.f32 v1, v19;
	v19 =	vld [tilespmem:s17+$0x5E20]  }
0x371: {  	v0 =	vadd.f32 v61, v0;
	v61 =	vld [tilespmem:s17+$0x5E60]  }
0x372: {  	v20 =	vadd.f32 v52, v20;
	v52 =	vld [tilespmem:s17+$0x5FB0]  }
0x373: {  	v1 =	vadd.f32 v62, v1;
	v62 =	vadd.f32 v53, v63;
	v63 =	vld [tilespmem:s17+$0x5E70]  }
0x374: {  	v53 =	vld [tilespmem:s17+$0x5FE0]  }
0x375: {  	v20 =	vadd.f32 v50, v20;
	v50 =	vld [tilespmem:s3+$0x350]  }
0x376: {  	v0 =	vadd.f32 v58, v0;
	v1 =	vadd.f32 v18, v1;
	v18 =	vld [tilespmem:s17+$0x5EA0]  }
0x377: {  	v54 =	vadd.f32 v51, v62;
	v62 =	vld [tilespmem:s17+$0x5F30]  }
0x378: {  	v0 =	vadd.f32 v60, v0;
	v60 =	vld [tilespmem:s17+$0x5F20]  }
0x379: {  	v20 =	vadd.f32 v48, v20;
	v48 =	vld [tilespmem:s17+$0x5F70]  }
0x37a: {  	v1 =	vadd.f32 v19, v1;
	v19 =	vld [tilespmem:s17+$0x5EE0]  }
0x37b: {  	v58 =	vadd.f32 v49, v54;
	v49 =	vld [tilespmem:s3+$0x340]  }
0x37c: {  	v0 =	vadd.f32 v63, v0;
	v20 =	vadd.f32 v46, v20;
	v46 =	vld [tilespmem:s3+$0x2D0]  }
0x37d: {  	v1 =	vadd.f32 v61, v1;
	v61 =	vadd.f32 v47, v58;
	v47 =	vld [tilespmem:s3+$0x300]  }
0x37e: {  	v0 =	vadd.f32 v57, v0;
	v57 =	vld [tilespmem:s17+$0x6030]  }
0x37f: {  	v20 =	vadd.f32 v44, v20;
	v44 =	vld [tilespmem:s3+$0x2C0]  }
0x380: {  	v1 =	vadd.f32 v18, v1;
	v18 =	vld [tilespmem:s17+$0x5F60]  }
0x381: {  	v63 =	vadd.f32 v45, v61;
	v0 =	vadd.f32 v59, v0;
	v59 =	vld [tilespmem:s17+$0x6070]  }
0x382: {  	v1 =	vadd.f32 v19, v1;
	v19 =	vld [tilespmem:s17+$0x5FA0]  }
0x383: {  	v20 =	vadd.f32 v42, v20;
	v51 =	vadd.f32 v43, v63;
	v43 =	vld [tilespmem:s3+$0x290]  }
0x384: {  	v0 =	vadd.f32 v62, v0;
	v62 =	vld [tilespmem:s17+$0x60B0]  }
0x385: {  	v20 =	vadd.f32 v40, v20;
	v40 =	vld [tilespmem:s3+$0x210]  }
0x386: {  	v1 =	vadd.f32 v60, v1;
	v60 =	vld [tilespmem:s17+$0x60A0]  }
0x387: {  	v54 =	vadd.f32 v41, v51;
	v41 =	vld [tilespmem:s3+$0x250]  }
0x388: {  	v51 =	vld [tilespmem:s3+$0x380]  }
0x389: {  	v0 =	vadd.f32 v48, v0;
	v20 =	vadd.f32 v38, v20;
	v48 =	vld [tilespmem:s3+$0x310]  }
0x38a: {  	v1 =	vadd.f32 v18, v1;
	v18 =	vld [tilespmem:s17+$0x6020];
	v56 =	vadd.f32 v39, v54  }
0x38b: {  	v39 =	vld [tilespmem:s17+$0x6160];
	v0 =	vadd.f32 v52, v0;
	v20 =	vadd.f32 v36, v20  }
0x38c: {  	v36 =	vld [tilespmem:s17+$0x60F0];
	v1 =	vadd.f32 v19, v1;
	v58 =	vadd.f32 v37, v56  }
0x38d: {  	v19 =	vld [tilespmem:s17+$0x6060];
	v0 =	vadd.f32 v55, v0;
	v20 =	vadd.f32 v34, v20  }
0x38e: {  	v52 =	vld [tilespmem:s3+$0x390];
	v1 =	vadd.f32 v53, v1;
	v61 =	vadd.f32 v35, v58  }
0x38f: {  	v56 =	vld [tilespmem:s3+$0xA0];
	v0 =	vadd.f32 v57, v0;
	v20 =	vadd.f32 v32, v20  }
0x390: {  	v55 =	vld [tilespmem:s3+$0x60];
	v1 =	vadd.f32 v18, v1;
	v63 =	vadd.f32 v33, v61  }
0x391: {  	v18 =	vld [tilespmem:s17+$0x60E0];
	v0 =	vadd.f32 v59, v0;
	v20 =	vadd.f32 v30, v20  }
0x392: {  	v1 =	vadd.f32 v19, v1;
	v30 =	vadd.f32 v31, v63;
	v31 =	vld [tilespmem:s17+$0x6130]  }
0x393: {  	v19 =	vld [tilespmem:s17+$0x6120];
	v0 =	vadd.f32 v62, v0;
	v20 =	vadd.f32 v28, v20  }
0x394: {  	v1 =	vadd.f32 v60, v1;
	v28 =	vadd.f32 v29, v30;
	v29 =	vld [tilespmem:s17+$0x6170]  }
0x395: {  	v53 =	vld [tilespmem:s3+$0x20];
	v0 =	vadd.f32 v36, v0;
	v20 =	vadd.f32 v26, v20  }
0x396: {  	v1 =	vadd.f32 v18, v1;
	v26 =	vadd.f32 v27, v28;
	v27 =	vld [tilespmem:s17+$0x6180]  }
0x397: {  	v58 =	vld [tilespmem:s3+$0xE0];
	v0 =	vadd.f32 v31, v0  }
0x398: {  	v30 =	vld [tilespmem:s3+$0x40];
	v20 =	vadd.f32 v24, v20;
	v1 =	vadd.f32 v19, v1  }
0x399: {  	v18 =	vld [tilespmem:s17+$0x6150];
	v24 =	vadd.f32 v25, v26;
	v25 =	vadd.f32 v29, v0  }
0x39a: {  	v28 =	vld [tilespmem:s17+$0x6190]  }
0x39b: {  	v26 =	vadd.f32 v39, v1;
	v24 =	vadd.f32 v27, v24;
	v27 =	vmul.f32 v23, v25;
	v23 =	vld [tilespmem:$0x1FD90]  }
0x39c: {  	v19 =	vld [tilespmem:s3+$0x3E0]  }
0x39d: {  	v0 =	vld [tilespmem:s3+$0x0];
	v22 =	vmul.f32 v22, v26  }
0x39e: {  	v1 =	vadd.f32 v18, v20;
	v18 =	vld [tilespmem:s3+$0x3F0]  }
0x39f: {  	v22 =	vadd.f32 v27, v22;
	v27 =	vld [tilespmem:$0x1FD80]  }
0x3a0: {  	v20 =	vld [tilespmem:s3+$0x10];
	v21 =	vmul.f32 v21, v25;
	v29 =	vmul.f32 v23, v26  }
0x3a1: {  	v19 =	vmul.f32 v19, v24;
	v23 =	vadd.f32 v28, v1;
	v1 =	vld [tilespmem:s3+$0x50]  }
0x3a2: {  	v21 =	vadd.f32 v21, v29;
	v29 =	vld [tilespmem:$0x1FD70]  }
0x3a3: {  	v31 =	vld [tilespmem:s3+$0x90];
	v19 =	vadd.f32 v19, v22;
	v18 =	vmul.f32 v18, v23  }
0x3a4: {  	v28 =	vld [tilespmem:s3+$0x80];
	v27 =	vmul.f32 v27, v24  }
0x3a5: {  	v0 =	vmul.f32 v0, v26;
	v20 =	vmul.f32 v20, v25;
	v22 =	vld [tilespmem:s3+$0xC0];
	v18 =	vadd.f32 v18, v19  }
0x3a6: {  	v21 =	vadd.f32 v27, v21;
	v27 =	vmul.f32 v30, v26;
	v30 =	vld [tilespmem:s3+$0xD0];
	v1 =	vmul.f32 v1, v25  }
0x3a7: {  	v0 =	vadd.f32 v20, v0;
	v20 =	vld [tilespmem:s3+$0x100];
	(xrf2) =	vadd.scan.msk.f32 $0xffff, v18;
	v29 =	vmul.f32 v29, v23  }
0x3a8: {  	v1 =	vadd.f32 v1, v27;
	v27 =	vld [tilespmem:s3+$0x140]  }
0x3a9: {  	v18 =	vmul.f32 v31, v25;
	v19 =	vadd.f32 v29, v21;
	v21 =	vmul.f32 v28, v26;
	v28 =	vld [tilespmem:s3+$0x110]  }
0x3aa: {  	v29 =	vld [tilespmem:s3+$0x150]  }
0x3ab: {  	v18 =	vadd.f32 v18, v21;
	v21 =	vmul.f32 v30, v25;
	v30 =	vld [tilespmem:s3+$0x180]  }
0x3ac: {  	v22 =	vmul.f32 v22, v26;
	(xrf2) =	vadd.scan.msk.f32 $0xffff, v19;
	v19 =	vmul.f32 v20, v26;
	v20 =	vld [tilespmem:s3+$0x190]  }
0x3ad: {  	v31 =	vld [tilespmem:s3+$0x1D0]  }
0x3ae: {  	s23 =	spop (v2sf);
	v21 =	vadd.f32 v21, v22;
	v22 =	vmul.f32 v28, v25;
	v28 =	vld [tilespmem:s3+$0x1C0]  }
0x3af: {  	v2 =	vsel vm0, s18, v2;
	s18 =	ssub.f32 $0.0e+00, s21;
	s24 =	spop (v2sf);
	v61 =	vld [tilespmem:s3+$0x160];
	v54 =	vmul.f32 v48, v25  }
0x3b0: {  	s19 =	spop (v2sf);
	v27 =	vmul.f32 v27, v26;
	v19 =	vadd.f32 v22, v19;
	v22 =	vmul.f32 v29, v25;
	v29 =	vld [tilespmem:s3+$0x200]  }
0x3b1: {  	v14 =	vsel vm0, s18, v14;
	s20 =	spop (v2sf);
	v59 =	vld [tilespmem:s3+$0x120];
	v30 =	vmul.f32 v30, v26;
	v20 =	vmul.f32 v20, v25;
	v42, _, _ =	vpop (xrf2)  }
0x3b2: {  	s18 =	ssub.f32 $0.0e+00, s22;
	s21 =	spop (v2sf);
	v57 =	vmul.f32 v50, v25;
	(v2sf) =	vpush v42, $0xF;
	v22 =	vadd.f32 v22, v27;
	v27 =	vld [tilespmem:s3+$0x240]  }
0x3b3: {  	v63 =	vld [tilespmem:s3+$0x1A0];
	v20 =	vadd.f32 v20, v30;
	v30 =	vmul.f32 v31, v25;
	v28 =	vmul.f32 v28, v26  }
0x3b4: {  	v12 =	vsel vm0, s18, v12;
	s18 =	ssub.f32 $0.0e+00, s23;
	v32 =	vmul.f32 v44, v26;
	v34 =	vmul.f32 v49, v26;
	v31 =	vld [tilespmem:s3+$0x280]  }
0x3b5: {  	v49 =	vld [tilespmem:s3+$0x260];
	v29 =	vmul.f32 v29, v26;
	v28 =	vadd.f32 v30, v28;
	v30 =	vmul.f32 v40, v25  }
0x3b6: {  	v8 =	vsel vm0, s18, v8;
	s18 =	ssub.f32 $0.0e+00, s24;
	v48 =	vld [tilespmem:$0x1FDA0];
	v33 =	vmul.f32 v47, v26;
	v60 =	vmul.f32 v53, v24  }
0x3b7: {  	v47 =	vld [tilespmem:s3+$0x220];
	v27 =	vmul.f32 v27, v26;
	v29 =	vadd.f32 v30, v29;
	v30 =	vmul.f32 v41, v25  }
0x3b8: {  	v5 =	vsel vm0, s18, v5;
	s18 =	ssub.f32 $0.0e+00, s19;
	v44 =	vld [tilespmem:s3+$0x1F0];
	v37 =	vmul.f32 v55, v24;
	v50 =	vmul.f32 v61, v24  }
0x3b9: {  	v53 =	vld [tilespmem:s3+$0x320];
	v31 =	vmul.f32 v31, v26;
	v27 =	vadd.f32 v30, v27;
	v30 =	vmul.f32 v43, v25  }
0x3ba: {  	v6 =	vsel vm0, s18, v6;
	s18 =	ssub.f32 $0.0e+00, s20;
	v61 =	vld [tilespmem:s3+$0xF0];
	v55 =	vmul.f32 v49, v24;
	v26 =	vmul.f32 v51, v26  }
0x3bb: {  	s1 =	sadd.s32 $0x1, s1;
	v49 =	vld [tilespmem:s3+$0x2F0];
	v30 =	vadd.f32 v30, v31;
	v31 =	vmul.f32 v46, v25;
	v25 =	vmul.f32 v52, v25  }
0x3bc: {  	v4 =	vsel vm0, s18, v4;
	s18 =	ssub.f32 $0.0e+00, s21;
	v62 =	vmov s1;
	v0 =	vadd.f32 v60, v0;
	v60 =	vld [tilespmem:s3+$0xB0];
	v45, _, _ =	vpop (xrf2)  }
0x3bd: {  	v35 =	vbroadcast v45, $0xF;
	v45 =	vld [tilespmem:s3+$0x1E0];
	v25 =	vadd.f32 v25, v26;
	v26 =	vlaneseq.u32  }
0x3be: {  	v3 =	vsel vm0, s18, v3;
	v51 =	vld [tilespmem:s3+$0x2A0];
	vm0 =	veq.s32 v62, v26;
	v26 =	vmul.f32 v56, v24  }
0x3bf: {  	v52 =	vld [tilespmem:s3+$0x2E0];
	v31 =	vadd.f32 v31, v32;
	v32 =	vadd.f32 v54, v33  }
0x3c0: {  	v33 =	vadd.f32 v57, v34;
	v57 =	vld [tilespmem:s3+$0x30];
	v18 =	vadd.f32 v26, v18;
	v26 =	vmul.f32 v59, v24  }
0x3c1: {  	v46 =	vmul.f32 v58, v24;
	v58 =	vld [tilespmem:s3+$0x70];
	s22 =	spop (v2sf)  }
0x3c2: {  	v54 =	vld [tilespmem:s3+$0x360];
	s17 =	ssub.f32 $0.0e+00, s22;
	v19 =	vadd.f32 v26, v19;
	v26 =	vmul.f32 v63, v24  }
0x3c3: {  	v1 =	vadd.f32 v37, v1;
	v56 =	vld [tilespmem:s3+$0x3A0]  }
0x3c4: {  	v41 =	vld [tilespmem:s3+$0x170];
	v40 =	vsel vm0, s17, v48;
	v20 =	vadd.f32 v26, v20;
	v26 =	vmul.f32 v47, v24  }
0x3c5: {  	v43 =	vld [tilespmem:s3+$0x1B0];
	v21 =	vadd.f32 v46, v21;
	v34 =	vmul.f32 v45, v24;
	[tilespmem:$0x1FDA0] =	vst v40;
	v40 =	vmul.f32 v57, v23  }
0x3c6: {  	s15 =	sadd.s32 $0x40, s15;
	v46 =	vld [tilespmem:s3+$0x230];
	v59 =	vmul.f32 v52, v24;
	v26 =	vadd.f32 v26, v29;
	v29 =	vmul.f32 v51, v24  }
0x3c7: {  	v42 =	vmul.f32 v58, v23;
	v58 =	vld [tilespmem:s15+$0x0];
	v62 =	vmul.f32 v54, v24;
	v0 =	vadd.f32 v40, v0  }
0x3c8: {  	v63 =	vld [tilespmem:s3+$0x130];
	v29 =	vadd.f32 v29, v30;
	v30 =	vmul.f32 v53, v24;
	v24 =	vmul.f32 v56, v24  }
0x3c9: {  	v31 =	vadd.f32 v59, v31;
	v59 =	vmul.f32 v49, v23;
	v48 =	vld [tilespmem:s3+$0x2B0]  }
0x3ca: {  	v1 =	vadd.f32 v42, v1;
	s17 =	sshra.s32 s16, $0x2;
	v47 =	vld [tilespmem:s3+$0x270];
	(xrf2) =	vadd.scan.msk.f32 $0xffff, v0;
	v25 =	vadd.f32 v24, v25;
	v24 =	vmul.f32 v60, v23  }
0x3cb: {  	v45 =	vmul.f32 v61, v23;
	v61 =	vadd.f32 v59, v31;
	v31 =	vld [tilespmem:s17+$0x6080]  }
0x3cc: {  	v28 =	vadd.f32 v34, v28;
	v34 =	vld [tilespmem:s17+$0x5FD0];
	(xrf2) =	vadd.scan.msk.f32 $0xffff, v1;
	v18 =	vadd.f32 v24, v18  }
0x3cd: {  	v17 =	vsel vm0, v35, v17;
	v35 =	vld [tilespmem:s17+$0x6000]  }
0x3ce: {  	v22 =	vadd.f32 v50, v22;
	v36 =	vld [tilespmem:s17+$0x5F90];
	v0 =	vadd.f32 v45, v21;
	v21 =	vmul.f32 v41, v23;
	(xrf2) =	vadd.scan.msk.f32 $0xffff, v18  }
0x3cf: {  	v27 =	vadd.f32 v55, v27;
	v18 =	vld [tilespmem:s15+$0xFFFFFFF0]  }
0x3d0: {  	v37 =	vld [tilespmem:s17+$0x5FC0];
	v50 =	vadd.f32 v21, v22;
	v21 =	vmul.f32 v44, v23;
	v24 =	vmul.f32 v63, v23  }
0x3d1: {  	v38 =	vld [tilespmem:s17+$0x5F50]  }
0x3d2: {  	v39 =	vld [tilespmem:s17+$0x5F80];
	v57 =	vadd.f32 v21, v28;
	v21 =	vmul.f32 v47, v23;
	v19 =	vadd.f32 v24, v19  }
0x3d3: {  	v42 =	vld [tilespmem:s17+$0x5ED0];
	(xrf2) =	vadd.scan.msk.f32 $0xffff, v0  }
0x3d4: {  	v49 =	vld [tilespmem:s17+$0x5E40];
	[tilespmem:$0x1FD80] =	vst v18;
	v18 =	vadd.f32 v21, v27;
	v27, _, _ =	vpop (xrf2)  }
0x3d5: {  	v52 =	vld [tilespmem:s17+$0x5D90];
	(v2sf) =	vpush v27, $0xF  }
0x3d6: {  	v55 =	vld [tilespmem:s17+$0x5D50];
	(xrf2) =	vadd.scan.msk.f32 $0xffff, v19;
	v19, _, _ =	vpop (xrf2)  }
0x3d7: {  	v59 =	vld [tilespmem:s17+$0x5CD0];
	v24 =	vmul.f32 v43, v23;
	(v2sf) =	vpush v19, $0xF  }
0x3d8: {  	[tilespmem:$0x1FD70] =	vst v58;
	v58 =	vld [tilespmem:s17+$0x5D40];
	v19, _, _ =	vpop (xrf2)  }
0x3d9: {  	v40 =	vld [tilespmem:s17+$0x5F10];
	v1 =	vadd.f32 v24, v20;
	(xrf2) =	vadd.scan.msk.f32 $0xffff, v50;
	(v2sf) =	vpush v19, $0xF  }
0x3da: {  	v51 =	vld [tilespmem:s17+$0x5E00]  }
0x3db: {  	v41 =	vld [tilespmem:s17+$0x5F40];
	(xrf2) =	vadd.scan.msk.f32 $0xffff, v1  }
0x3dc: {  	v45 =	vld [tilespmem:s17+$0x5EC0]  }
0x3dd: {  	v53 =	vld [tilespmem:s17+$0x5DC0];
	v1, _, _ =	vpop (xrf2);
	(xrf2) =	vadd.scan.msk.f32 $0xffff, v57  }
0x3de: {  	v56 =	vld [tilespmem:s17+$0x5D80]  }
0x3df: {  	v22 =	vld [tilespmem:s3+$0x330];
	v20 =	vmul.f32 v46, v23  }
0x3e0: {  	v30 =	vadd.f32 v30, v32;
	v32 =	vld [tilespmem:s17+$0x6010];
	(v2sf) =	vpush v1, $0xF  }
0x3e1: {  	v44 =	vld [tilespmem:s17+$0x5E90];
	v20 =	vadd.f32 v20, v26;
	v1, _, _ =	vpop (xrf2)  }
0x3e2: {  	v28 =	vld [tilespmem:s3+$0x3B0];
	(v2sf) =	vpush v1, $0xF  }
0x3e3: {  	v47 =	vld [tilespmem:s17+$0x5E80];
	(xrf2) =	vadd.scan.msk.f32 $0xffff, v20;
	v1, _, _ =	vpop (xrf2)  }
0x3e4: {  	v43 =	vld [tilespmem:s17+$0x5F00];
	(xrf2) =	vadd.scan.msk.f32 $0xffff, v18;
	s23 =	spop (v2sf);
	(v2sf) =	vpush v1, $0xF  }
0x3e5: {  	v24 =	vld [tilespmem:s3+$0x370];
	v1, _, _ =	vpop (xrf2)  }
0x3e6: {  	v46 =	vld [tilespmem:s17+$0x5E50];
	v26 =	vmul.f32 v48, v23;
	s24 =	spop (v2sf);
	(v2sf) =	vpush v1, $0xF  }
0x3e7: {  	v48 =	vld [tilespmem:s17+$0x5E10];
	v1, _, _ =	vpop (xrf2)  }
0x3e8: {  	s3 =	sadd.s32 $0x400, s3;
	v21 =	vld [tilespmem:s15+$0xFFFFFFD0];
	v60 =	vadd.f32 v26, v29;
	v26 =	vmul.f32 v22, v23;
	s19 =	spop (v2sf);
	(v2sf) =	vpush v1, $0xF  }
0x3e9: {  	v22 =	vld [tilespmem:s3+$0x3C0]  }
0x3ea: {  	v33 =	vadd.f32 v62, v33;
	v27 =	vld [tilespmem:s17+$0x6100];
	v24 =	vmul.f32 v24, v23;
	v0 =	vadd.f32 v26, v30;
	s18 =	ssub.f32 $0.0e+00, s23  }
0x3eb: {  	v29 =	vld [tilespmem:s17+$0x60C0];
	(xrf2) =	vadd.scan.msk.f32 $0xffff, v60  }
0x3ec: {  	v50 =	vld [tilespmem:s17+$0x5DD0];
	v62 =	vadd.f32 v24, v33;
	(xrf2) =	vadd.scan.msk.f32 $0xffff, v61;
	v9 =	vsel vm0, s18, v9;
	s18 =	ssub.f32 $0.0e+00, s24  }
0x3ed: {  	v26 =	vmul.f32 v28, v23;
	v23 =	vld [tilespmem:s3+$0x3D0];
	v1, _, _ =	vpop (xrf2);
	(xrf2) =	vadd.scan.msk.f32 $0xffff, v0  }
0x3ee: {  	v28 =	vld [tilespmem:s17+$0x6090];
	v7 =	vsel vm0, s18, v7;
	s18 =	ssub.f32 $0.0e+00, s19;
	v0, _, _ =	vpop (xrf2);
	(xrf2) =	vadd.scan.msk.f32 $0xffff, v62  }
0x3ef: {  	v30 =	vld [tilespmem:s17+$0x6050];
	s20 =	spop (v2sf)  }
0x3f0: {  	v24 =	vld [tilespmem:s17+$0x6110];
	v10 =	vsel vm0, s18, v10;
	s18 =	ssub.f32 $0.0e+00, s20  }
0x3f1: {  	v33 =	vld [tilespmem:s17+$0x6040];
	s21 =	spop (v2sf)  }
0x3f2: {  	[tilespmem:$0x1FD90] =	vst v21;
	v21 =	vld [tilespmem:s15+$0xFFFFFFE0];
	v11 =	vsel vm0, s18, v11;
	s18 =	ssub.f32 $0.0e+00, s21  }
0x3f3: {  	p0 =	sne.s32 s16, $0x12C00;
	v63 =	vadd.f32 v26, v25;
	v25 =	vld [tilespmem:s17+$0x6140];
	s22 =	spop (v2sf)  }
.Ltmp1:
0x3f4: {  	v26 =	vld [tilespmem:s17+$0x60D0];
	(v2sf) =	vpush v1, $0xF;
	v13 =	vsel vm0, s18, v13;
	s18 =	ssub.f32 $0.0e+00, s22;
	(pc) =	sbr.rel @p0 .LBB2_5-.Ltmp1, $4  }
0x3f5: {  	v57 =	vld [tilespmem:s17+$0x5D10];
	(v2sf) =	vpush v0, $0xF;
	v0, _, _ =	vpop (xrf2);
	s23 =	spop (v2sf)  }
0x3f6: {  	v60 =	vld [tilespmem:s17+$0x5D00];
	(v2sf) =	vpush v0, $0xF;
	v0, _, _ =	vpop (xrf2);
	v15 =	vsel vm0, s18, v15;
	s18 =	ssub.f32 $0.0e+00, s23  }
0x3f7: {  	v61 =	vld [tilespmem:s17+$0x5CC0];
	(v2sf) =	vpush v0, $0xF;
	v0, _, _ =	vpop (xrf2);
	s24 =	spop (v2sf)  }
0x3f8: {  	s16 =	sadd.s32 $0x1400, s16;
	v62 =	vld [tilespmem:s17+$0x5CA0];
	(xrf2) =	vadd.scan.msk.f32 $0xffff, v63;
	v54, _, _ =	vpop (xrf2);
	v16 =	vsel vm0, s18, v16;
	(v2sf) =	vpush v0, $0xF;
	s18 =	ssub.f32 $0.0e+00, s24  }
0x3f9: {  	v63 =	vld [tilespmem:s17+$0x5D60];
	_ =	sdelay $0x4  }
0x3fa: {  	[tilespmem:$0x1F8F0] =	vst v63;
	v63 =	vld [tilespmem:s17+$0x5D70];
	_ =	sdelay $0x4  }
0x3fb: {  	[tilespmem:$0x1F900] =	vst v63;
	v63 =	vld [tilespmem:s17+$0x5DA0];
	_ =	sdelay $0x4  }
0x3fc: {  	[tilespmem:$0x1F910] =	vst v63;
	v63 =	vld [tilespmem:s17+$0x5DB0];
	_ =	sdelay $0x4  }
0x3fd: {  	[tilespmem:$0x1F920] =	vst v63;
	v63 =	vld [tilespmem:s17+$0x5DE0];
	_ =	sdelay $0x4  }
0x3fe: {  	[tilespmem:$0x1F930] =	vst v63;
	v63 =	vld [tilespmem:s17+$0x5DF0];
	_ =	sdelay $0x4  }
0x3ff: {  	[tilespmem:$0x1F940] =	vst v63;
	v63 =	vld [tilespmem:s17+$0x5E20];
	_ =	sdelay $0x4  }
0x400: {  	[tilespmem:$0x1F950] =	vst v63;
	v63 =	vld [tilespmem:s17+$0x5E30]  }
0x401: {  	v0 =	vld [tilespmem:s17+$0x5CB0]  }
0x402: {  	v1 =	vld [tilespmem:s17+$0x5CE0]  }
0x403: {  	v18 =	vld [tilespmem:s17+$0x5CF0]  }
0x404: {  	v19 =	vld [tilespmem:s17+$0x5D20]  }
0x405: {  	[tilespmem:$0x1F960] =	vst v63;
	v63 =	vld [tilespmem:s17+$0x5E60]  }
0x406: {  	v20 =	vld [tilespmem:s17+$0x5D30];
	v61 =	vadd.f32 $0.0e+00, v61  }
0x407: {  	v62 =	vadd.f32 $0.0e+00, v62;
	v0 =	vadd.f32 $0.0e+00, v0  }
0x408: {  	v60 =	vadd.f32 v60, v61;
	v61 =	vld [tilespmem:s17+$0x5FF0]  }
0x409: {  	v1 =	vadd.f32 v1, v62;
	v0 =	vadd.f32 v18, v0;
	v18 =	vld [tilespmem:s17+$0x5FE0]  }
0x40a: {  	v59 =	vadd.f32 $0.0e+00, v59;
	[tilespmem:$0x1F970] =	vst v63;
	v63 =	vld [tilespmem:s17+$0x5E70]  }
0x40b: {  	v1 =	vadd.f32 v19, v1;
	v19 =	vld [tilespmem:s17+$0x6020];
	v0 =	vadd.f32 v20, v0  }
0x40c: {  	v20 =	vadd.f32 v57, v59;
	v57 =	vadd.f32 v58, v60;
	v58 =	vld [tilespmem:s17+$0x6030]  }
0x40d: {  	v60 =	vld [tilespmem:$0x1F8F0]  }
0x40e: {  	v59 =	vld [tilespmem:s17+$0x6060]  }
0x40f: {  	[tilespmem:$0x1F980] =	vst v63;
	v63 =	vld [tilespmem:s17+$0x5EA0]  }
0x410: {  	v62 =	vld [tilespmem:$0x1F900]  }
0x411: {  	v20 =	vadd.f32 v55, v20;
	v55 =	vadd.f32 v56, v57;
	v56 =	vld [tilespmem:s17+$0x6070]  }
0x412: {  	v57 =	vld [tilespmem:s17+$0x60A0]  }
0x413: {  	v20 =	vadd.f32 v52, v20;
	v52 =	vadd.f32 v53, v55;
	v53 =	vld [tilespmem:s17+$0x60B0]  }
0x414: {  	[tilespmem:$0x1F990] =	vst v63;
	v63 =	vld [tilespmem:s17+$0x5EB0]  }
0x415: {  	v0 =	vadd.f32 v62, v0;
	v62 =	vld [tilespmem:$0x1F920]  }
0x416: {  	v55 =	vld [tilespmem:s17+$0x60E0]  }
0x417: {  	v1 =	vadd.f32 v60, v1;
	v60 =	vld [tilespmem:$0x1F910]  }
0x418: {  	v20 =	vadd.f32 v50, v20;
	v50 =	vadd.f32 v51, v52;
	v51 =	vld [tilespmem:s17+$0x60F0]  }
0x419: {  	[tilespmem:$0x1F9A0] =	vst v63;
	v63 =	vld [tilespmem:s17+$0x5EE0]  }
0x41a: {  	v0 =	vadd.f32 v62, v0;
	v62 =	vld [tilespmem:$0x1F940]  }
0x41b: {  	v52 =	vld [tilespmem:s17+$0x6120]  }
0x41c: {  	v1 =	vadd.f32 v60, v1;
	v60 =	vld [tilespmem:$0x1F930]  }
0x41d: {  	v20 =	vadd.f32 v48, v20;
	v48 =	vadd.f32 v49, v50;
	v49 =	vld [tilespmem:s17+$0x6130]  }
0x41e: {  	[tilespmem:$0x1F9B0] =	vst v63;
	v63 =	vld [tilespmem:s17+$0x5EF0]  }
0x41f: {  	v0 =	vadd.f32 v62, v0;
	v62 =	vld [tilespmem:$0x1F960]  }
0x420: {  	v50 =	vld [tilespmem:s17+$0x6160]  }
0x421: {  	v1 =	vadd.f32 v60, v1;
	v60 =	vld [tilespmem:$0x1F950]  }
0x422: {  	v20 =	vadd.f32 v46, v20;
	v46 =	vadd.f32 v47, v48;
	v47 =	vld [tilespmem:s17+$0x6170]  }
0x423: {  	[tilespmem:$0x1F9C0] =	vst v63;
	v63 =	vld [tilespmem:s17+$0x5F20]  }
0x424: {  	v0 =	vadd.f32 v62, v0;
	v62 =	vld [tilespmem:$0x1F980]  }
0x425: {  	v48 =	vld [tilespmem:s17+$0x6150]  }
0x426: {  	v1 =	vadd.f32 v60, v1;
	v60 =	vld [tilespmem:$0x1F970]  }
0x427: {  	v20 =	vadd.f32 v44, v20;
	v44 =	vadd.f32 v45, v46;
	v45 =	vld [tilespmem:s17+$0x6180]  }
0x428: {  	[tilespmem:$0x1F9D0] =	vst v63;
	v63 =	vld [tilespmem:s17+$0x5F30]  }
0x429: {  	v0 =	vadd.f32 v62, v0;
	v62 =	vld [tilespmem:$0x1F9A0]  }
0x42a: {  	v46 =	vld [tilespmem:s3+$0x3E0]  }
0x42b: {  	v1 =	vadd.f32 v60, v1;
	v60 =	vld [tilespmem:$0x1F990]  }
0x42c: {  	v20 =	vadd.f32 v42, v20;
	v42 =	vadd.f32 v43, v44;
	v43 =	vld [tilespmem:s17+$0x6190]  }
0x42d: {  	[tilespmem:$0x1F9E0] =	vst v63;
	v63 =	vld [tilespmem:s17+$0x5F60]  }
0x42e: {  	v0 =	vadd.f32 v62, v0;
	v62 =	vld [tilespmem:$0x1F9C0]  }
0x42f: {  	v44 =	vld [tilespmem:s3+$0x0]  }
0x430: {  	v20 =	vadd.f32 v40, v20;
	v1 =	vadd.f32 v60, v1;
	v60 =	vld [tilespmem:$0x1F9B0]  }
0x431: {  	v40 =	vadd.f32 v41, v42;
	v41 =	vld [tilespmem:s3+$0x3F0]  }
0x432: {  	v20 =	vadd.f32 v38, v20;
	[tilespmem:$0x1F9F0] =	vst v63;
	v63 =	vld [tilespmem:s17+$0x5F70]  }
0x433: {  	v0 =	vadd.f32 v62, v0;
	v62 =	vld [tilespmem:$0x1F9E0]  }
0x434: {  	v42 =	vld [tilespmem:s3+$0x10];
	v20 =	vadd.f32 v36, v20  }
0x435: {  	v1 =	vadd.f32 v60, v1;
	v60 =	vld [tilespmem:$0x1F9D0]  }
0x436: {  	v20 =	vadd.f32 v34, v20;
	v34 =	vld [tilespmem:s3+$0x110]  }
0x437: {  	[tilespmem:$0x1FA00] =	vst v63;
	v63 =	vld [tilespmem:s17+$0x5FA0]  }
0x438: {  	v20 =	vadd.f32 v32, v20;
	v0 =	vadd.f32 v62, v0;
	v62 =	vld [tilespmem:$0x1FA00]  }
0x439: {  	v32 =	vld [tilespmem:s3+$0x150]  }
0x43a: {  	v20 =	vadd.f32 v30, v20;
	v1 =	vadd.f32 v60, v1;
	v60 =	vld [tilespmem:$0x1F9F0]  }
0x43b: {  	v30 =	vld [tilespmem:s3+$0x190]  }
0x43c: {  	v20 =	vadd.f32 v28, v20;
	[tilespmem:$0x1FA10] =	vst v63;
	v63 =	vld [tilespmem:s17+$0x5FB0]  }
0x43d: {  	v0 =	vadd.f32 v62, v0;
	v62 =	vld [tilespmem:$0x1FA10]  }
0x43e: {  	v28 =	vld [tilespmem:s3+$0x1D0];
	v20 =	vadd.f32 v26, v20  }
0x43f: {  	v26 =	vld [tilespmem:s3+$0x210];
	v1 =	vadd.f32 v60, v1;
	v60 =	vadd.f32 v39, v40  }
0x440: {  	v39 =	vld [tilespmem:s3+$0x40]  }
0x441: {  	v40 =	vld [tilespmem:s3+$0x50];
	v60 =	vadd.f32 v37, v60;
	v0 =	vadd.f32 v63, v0  }
0x442: {  	v37 =	vld [tilespmem:s3+$0x80];
	v1 =	vadd.f32 v62, v1  }
0x443: {  	v0 =	vadd.f32 v61, v0;
	v61 =	vadd.f32 v35, v60;
	v35 =	vld [tilespmem:s3+$0xC0]  }
0x444: {  	v60 =	vld [tilespmem:s3+$0x390]  }
0x445: {  	v1 =	vadd.f32 v18, v1;
	v18 =	vld [tilespmem:s3+$0x90]  }
0x446: {  	v0 =	vadd.f32 v58, v0;
	v62 =	vadd.f32 v33, v61;
	v33 =	vld [tilespmem:s3+$0x100]  }
0x447: {  	v61 =	vld [tilespmem:s3+$0x20];
	v1 =	vadd.f32 v19, v1  }
0x448: {  	v19 =	vld [tilespmem:s3+$0xD0];
	v0 =	vadd.f32 v56, v0;
	v63 =	vadd.f32 v31, v62  }
0x449: {  	v31 =	vld [tilespmem:s3+$0x140]  }
0x44a: {  	v56 =	vld [tilespmem:$0x1FD90];
	v0 =	vadd.f32 v53, v0;
	v36 =	vadd.f32 v29, v63  }
0x44b: {  	v62 =	vld [tilespmem:s3+$0x60];
	v1 =	vadd.f32 v59, v1  }
0x44c: {  	v59 =	vld [tilespmem:$0x1FD70];
	v0 =	vadd.f32 v51, v0;
	v38 =	vadd.f32 v27, v36  }
0x44d: {  	v29 =	vld [tilespmem:s3+$0x180]  }
0x44e: {  	v63 =	vld [tilespmem:s3+$0xE0];
	v0 =	vadd.f32 v49, v0;
	v49 =	vadd.f32 v25, v38  }
0x44f: {  	v20 =	vadd.f32 v24, v20;
	v1 =	vadd.f32 v57, v1;
	v57 =	vld [tilespmem:$0x1FD80]  }
0x450: {  	v27 =	vld [tilespmem:s3+$0x1C0];
	v0 =	vadd.f32 v47, v0;
	v24 =	vadd.f32 v45, v49  }
0x451: {  	v36 =	vld [tilespmem:s3+$0x240]  }
0x452: {  	v1 =	vadd.f32 v55, v1;
	v25 =	vld [tilespmem:s3+$0x200];
	v23 =	vmul.f32 v23, v0;
	v53 =	vmul.f32 v46, v24  }
0x453: {  	v38 =	vld [tilespmem:s3+$0x290];
	v21 =	vmul.f32 v21, v0;
	v42 =	vmul.f32 v42, v0  }
0x454: {  	v1 =	vadd.f32 v52, v1;
	v45 =	vld [tilespmem:s3+$0x250];
	v40 =	vmul.f32 v40, v0;
	v18 =	vmul.f32 v18, v0  }
0x455: {  	v20 =	vadd.f32 v48, v20;
	v47 =	vld [tilespmem:s3+$0x280];
	v19 =	vmul.f32 v19, v0;
	v34 =	vmul.f32 v34, v0  }
0x456: {  	v49 =	vld [tilespmem:s3+$0x340];
	v1 =	vadd.f32 v50, v1;
	v32 =	vmul.f32 v32, v0;
	v30 =	vmul.f32 v30, v0  }
0x457: {  	v50 =	vld [tilespmem:s3+$0x380];
	v28 =	vmul.f32 v28, v0;
	v26 =	vmul.f32 v26, v0  }
0x458: {  	v46 =	vld [tilespmem:s3+$0x300];
	v51 =	vmul.f32 v22, v1;
	v22 =	vadd.f32 v43, v20;
	v48 =	vmul.f32 v56, v1  }
0x459: {  	(v2sf) =	vpush v54, $0xF;
	v58, _, _ =	vpop (xrf2);
	v43 =	vld [tilespmem:s3+$0x2C0];
	v44 =	vmul.f32 v44, v1;
	v39 =	vmul.f32 v39, v1  }
0x45a: {  	(v2sf) =	vpush v58, $0xF;
	v37 =	vmul.f32 v37, v1;
	v55 =	vmul.f32 v41, v22;
	v41 =	vld [tilespmem:s3+$0x2D0]  }
0x45b: {  	v35 =	vmul.f32 v35, v1;
	v33 =	vmul.f32 v33, v1;
	v52 =	vadd.f32 v23, v51;
	v23 =	vld [tilespmem:s3+$0x310]  }
0x45c: {  	v31 =	vmul.f32 v31, v1;
	v29 =	vmul.f32 v29, v1;
	v42 =	vadd.f32 v42, v44;
	v44 =	vld [tilespmem:s3+$0xA0]  }
0x45d: {  	v27 =	vmul.f32 v27, v1;
	v25 =	vmul.f32 v25, v1;
	v18 =	vadd.f32 v18, v37;
	v37 =	vld [tilespmem:s3+$0x120]  }
0x45e: {  	v54 =	vmul.f32 v36, v1;
	v19 =	vadd.f32 v19, v35;
	v35 =	vld [tilespmem:s3+$0x160];
	v20 =	vadd.f32 v53, v52  }
0x45f: {  	v38 =	vmul.f32 v38, v0;
	v21 =	vadd.f32 v21, v48;
	v31 =	vadd.f32 v32, v31;
	v32 =	vld [tilespmem:s3+$0x1A0]  }
0x460: {  	v48 =	vmul.f32 v57, v24;
	v29 =	vadd.f32 v30, v29;
	v30 =	vld [tilespmem:s3+$0x1E0];
	v20 =	vadd.f32 v55, v20  }
0x461: {  	v39 =	vadd.f32 v40, v39;
	v33 =	vadd.f32 v34, v33;
	v34 =	vld [tilespmem:s3+$0x220];
	v56 =	vmul.f32 v47, v1  }
0x462: {  	v27 =	vadd.f32 v28, v27;
	v40 =	vmul.f32 v63, v24;
	v52 =	vmul.f32 v59, v22;
	(xrf2) =	vadd.scan.msk.f32 $0xffff, v20;
	v20 =	vld [tilespmem:s3+$0x350]  }
0x463: {  	v25 =	vadd.f32 v26, v25;
	v47 =	vld [tilespmem:s3+$0x2A0];
	v58 =	vmul.f32 v46, v1;
	v59 =	vmul.f32 v49, v1  }
0x464: {  	v63 =	vld [tilespmem:s3+$0x70];
	v21 =	vadd.f32 v48, v21;
	v57 =	vmul.f32 v43, v1;
	v1 =	vmul.f32 v50, v1  }
0x465: {  	v51 =	vld [tilespmem:s3+$0xB0];
	v26 =	vadd.f32 v38, v56;
	v55 =	vmul.f32 v45, v0;
	v41 =	vmul.f32 v41, v0  }
0x466: {  	v46 =	vld [tilespmem:s3+$0x320];
	v21 =	vadd.f32 v52, v21;
	v23 =	vmul.f32 v23, v0;
	v37 =	vmul.f32 v37, v24  }
0x467: {  	v28 =	vadd.f32 v55, v54;
	v55 =	vld [tilespmem:s3+$0x130];
	v20 =	vmul.f32 v20, v0;
	v0 =	vmul.f32 v60, v0  }
0x468: {  	v52 =	vadd.f32 v40, v19;
	v60 =	vmul.f32 v61, v24;
	v61 =	vmul.f32 v62, v24;
	v62 =	vld [tilespmem:s3+$0x30]  }
0x469: {  	v49 =	vld [tilespmem:s3+$0x360];
	v32 =	vmul.f32 v32, v24;
	v30 =	vmul.f32 v30, v24;
	v36 =	vadd.f32 v41, v57  }
0x46a: {  	v50 =	vld [tilespmem:s3+$0x2B0];
	v56 =	vmul.f32 v34, v24;
	v23 =	vadd.f32 v23, v58;
	v33 =	vadd.f32 v37, v33  }
0x46b: {  	v58 =	vld [tilespmem:s3+$0x170];
	v29 =	vadd.f32 v32, v29;
	v27 =	vadd.f32 v30, v27  }
0x46c: {  	v45 =	vld [tilespmem:s3+$0x260];
	v25 =	vadd.f32 v56, v25;
	v37 =	vmul.f32 v55, v22;
	v0 =	vadd.f32 v0, v1  }
0x46d: {  	v54 =	vld [tilespmem:s3+$0xF0];
	v1 =	vmul.f32 v44, v24;
	v41 =	vadd.f32 v60, v42;
	v57 =	vmul.f32 v62, v22  }
0x46e: {  	v43 =	vld [tilespmem:s3+$0x2E0];
	v20 =	vadd.f32 v20, v59;
	v39 =	vadd.f32 v61, v39;
	v59 =	vmul.f32 v63, v22  }
0x46f: {  	v60 =	vld [tilespmem:s3+$0x1B0];
	v1 =	vadd.f32 v1, v18;
	v62 =	vmul.f32 v51, v22;
	v61 =	vadd.f32 v57, v41  }
0x470: {  	(xrf2) =	vadd.scan.msk.f32 $0xffff, v21;
	v48 =	vmul.f32 v58, v22;
	v58 =	vmul.f32 v50, v22;
	v63 =	vld [tilespmem:s3+$0x1F0];
	v30 =	vadd.f32 v59, v39  }
0x471: {  	v42 =	vmul.f32 v45, v24;
	v44 =	vld [tilespmem:s3+$0x230];
	v45 =	vmul.f32 v47, v24;
	v53, _, _ =	vpop (xrf2);
	v1 =	vadd.f32 v62, v1;
	(xrf2) =	vadd.scan.msk.f32 $0xffff, v61  }
0x472: {  	v47 =	vld [tilespmem:s3+$0x270];
	(v2sf) =	vpush v53, $0xF;
	v53 =	vmul.f32 v35, v24;
	v35 =	vmul.f32 v54, v22;
	(xrf2) =	vadd.scan.msk.f32 $0xffff, v30  }
0x473: {  	v33 =	vadd.f32 v37, v33;
	v26 =	vadd.f32 v45, v26;
	v59 =	vmul.f32 v49, v24;
	(xrf2) =	vadd.scan.msk.f32 $0xffff, v1;
	v1 =	vld [tilespmem:s3+$0x2F0]  }
0x474: {  	v38 =	vld [tilespmem:s3+$0x3A0];
	v51 =	vmul.f32 v43, v24;
	v19 =	vadd.f32 v53, v31;
	v18 =	vadd.f32 v35, v52  }
0x475: {  	v21 =	vadd.f32 v42, v28;
	v54 =	vmul.f32 v46, v24;
	v32 =	vmul.f32 v60, v22;
	v57 =	vld [tilespmem:s3+$0x3B0]  }
0x476: {  	v26 =	vadd.f32 v58, v26;
	v52 =	vmul.f32 v63, v22;
	v53 =	vld [tilespmem:s3+$0x330];
	v19 =	vadd.f32 v48, v19;
	(xrf2) =	vadd.scan.msk.f32 $0xffff, v18  }
0x477: {  	v56 =	vld [tilespmem:s3+$0x370];
	v55 =	vmul.f32 v44, v22;
	v28 =	vadd.f32 v51, v36;
	v29 =	vadd.f32 v32, v29;
	(xrf2) =	vadd.scan.msk.f32 $0xffff, v33  }
0x478: {  	v31 =	vmul.f32 v47, v22;
	v27 =	vadd.f32 v52, v27;
	(xrf2) =	vadd.scan.msk.f32 $0xffff, v19;
	v1 =	vmul.f32 v1, v22  }
0x479: {  	v24 =	vmul.f32 v38, v24;
	v23 =	vadd.f32 v54, v23;
	v25 =	vadd.f32 v55, v25;
	(xrf2) =	vadd.scan.msk.f32 $0xffff, v29  }
0x47a: {  	v21 =	vadd.f32 v31, v21;
	(xrf2) =	vadd.scan.msk.f32 $0xffff, v27;
	v1 =	vadd.f32 v1, v28  }
0x47b: {  	v0 =	vadd.f32 v24, v0;
	v18 =	vmul.f32 v53, v22;
	v19 =	vmul.f32 v57, v22;
	(xrf2) =	vadd.scan.msk.f32 $0xffff, v25  }
0x47c: {  	v20 =	vadd.f32 v59, v20;
	v60, _, _ =	vpop (xrf2);
	v61 =	vmul.f32 v56, v22;
	(xrf2) =	vadd.scan.msk.f32 $0xffff, v21  }
0x47d: {  	v18 =	vadd.f32 v18, v23;
	v0 =	vadd.f32 v19, v0;
	(xrf2) =	vadd.scan.msk.f32 $0xffff, v26;
	v62, _, _ =	vpop (xrf2)  }
0x47e: {  	v20 =	vadd.f32 v61, v20;
	(v2sf) =	vpush v62, $0xF;
	(xrf2) =	vadd.scan.msk.f32 $0xffff, v1;
	v1, _, _ =	vpop (xrf2)  }
0x47f: {  	(xrf2) =	vadd.scan.msk.f32 $0xffff, v18;
	(v2sf) =	vpush v1, $0xF;
	v1, _, _ =	vpop (xrf2)  }
0x480: {  	(xrf2) =	vadd.scan.msk.f32 $0xffff, v20;
	(v2sf) =	vpush v1, $0xF;
	v1, _, _ =	vpop (xrf2)  }
0x481: {  	(xrf2) =	vadd.scan.msk.f32 $0xffff, v0;
	(v2sf) =	vpush v1, $0xF;
	v0, _, _ =	vpop (xrf2)  }
0x482: {  	(v2sf) =	vpush v0, $0xF;
	v0, _, _ =	vpop (xrf2)  }
0x483: {  	(v2sf) =	vpush v0, $0xF;
	v0, _, _ =	vpop (xrf2)  }
0x484: {  	(v2sf) =	vpush v0, $0xF;
	v0, _, _ =	vpop (xrf2)  }
0x485: {  	s21 =	spop (v2sf);
	(v2sf) =	vpush v0, $0xF;
	v0, _, _ =	vpop (xrf2)  }
0x486: {  	s15 =	spop (v2sf);
	(v2sf) =	vpush v0, $0xF;
	v0, _, _ =	vpop (xrf2)  }
0x487: {  	s21 =	ssub.f32 $0.0e+00, s21;
	s16 =	spop (v2sf);
	(v2sf) =	vpush v0, $0xF;
	v0, _, _ =	vpop (xrf2)  }
0x488: {  	s20 =	ssub.f32 $0.0e+00, s15;
	s22 =	spop (v2sf);
	(v2sf) =	vpush v0, $0xF;
	v0, _, _ =	vpop (xrf2)  }
0x489: {  	s19 =	ssub.f32 $0.0e+00, s16;
	s23 =	spop (v2sf);
	(v2sf) =	vpush v0, $0xF;
	v0, _, _ =	vpop (xrf2)  }
0x48a: {  	s24 =	spop (v2sf);
	s16 =	ssub.f32 $0.0e+00, s23;
	(v2sf) =	vpush v0, $0xF;
	v0, _, _ =	vpop (xrf2)  }
0x48b: {  	s17 =	ssub.f32 $0.0e+00, s22;
	s22 =	spop (v2sf);
	(v2sf) =	vpush v0, $0xF;
	v0, _, _ =	vpop (xrf2)  }
0x48c: {  	s23 =	sadd.s32 $0x1, s1;
	s15 =	ssub.f32 $0.0e+00, s24;
	s3 =	spop (v2sf);
	(v2sf) =	vpush v0, $0xF  }
0x48d: {  	s1 =	ssub.f32 $0.0e+00, s22;
	v63 =	vlaneseq.u32;
	v1 =	vmov s23;
	s24 =	spop (v2sf);
	v0 =	vbroadcast v60, $0xF  }
0x48e: {  	vm1 =	veq.s32 v1, v63;
	s23 =	ssub.f32 $0.0e+00, s24;
	s22 =	spop (v2sf)  }
0x48f: {  	v0 =	vsel vm1, v0, v17;
	s24 =	spop (v2sf);
	s22 =	ssub.f32 $0.0e+00, s22  }
0x490: {  	[tilespmem:s10+$0x12CB0] =	vst v0;
	v0 =	vsel vm1, s23, v9;
	s23 =	spop (v2sf);
	s24 =	ssub.f32 $0.0e+00, s24  }
0x491: {  	[tilespmem:s10+$0x12EB0] =	vst v0;
	v0 =	vsel vm1, s22, v7;
	s22 =	spop (v2sf);
	s23 =	ssub.f32 $0.0e+00, s23  }
0x492: {  	[tilespmem:s10+$0x130B0] =	vst v0;
	v0 =	vsel vm1, s24, v10;
	s24 =	spop (v2sf);
	s22 =	ssub.f32 $0.0e+00, s22  }
0x493: {  	[tilespmem:s10+$0x132B0] =	vst v0;
	v0 =	vsel vm1, s23, v11;
	s23 =	spop (v2sf);
	s24 =	ssub.f32 $0.0e+00, s24  }
0x494: {  	[tilespmem:s10+$0x134B0] =	vst v0;
	v0 =	vsel vm1, s22, v13;
	s22 =	spop (v2sf);
	s23 =	ssub.f32 $0.0e+00, s23  }
0x495: {  	[tilespmem:s10+$0x136B0] =	vst v0;
	v0 =	vsel vm1, s24, v15;
	s24 =	spop (v2sf);
	s22 =	ssub.f32 $0.0e+00, s22  }
0x496: {  	[tilespmem:s10+$0x138B0] =	vst v0;
	v0 =	vsel vm0, s18, v2;
	v1 =	vsel vm1, s23, v16;
	s23 =	spop (v2sf);
	s24 =	ssub.f32 $0.0e+00, s24  }
0x497: {  	[tilespmem:s10+$0x13AB0] =	vst v1;
	v1 =	vsel vm0, s21, v14;
	v0 =	vsel vm1, s22, v0;
	s18 =	ssub.f32 $0.0e+00, s23;
	s22 =	spop (v2sf)  }
0x498: {  	[tilespmem:s10+$0x13CB0] =	vst v0;
	v0 =	vsel vm0, s20, v12;
	v1 =	vsel vm1, s24, v1;
	s20 =	ssub.f32 $0.0e+00, s22;
	s24 =	spop (v2sf)  }
0x499: {  	[tilespmem:s10+$0x13EB0] =	vst v1;
	v1 =	vsel vm0, s19, v8;
	v0 =	vsel vm1, s18, v0;
	s22 =	ssub.f32 $0.0e+00, s24;
	s23 =	spop (v2sf)  }
0x49a: {  	[tilespmem:s10+$0x140B0] =	vst v0;
	v0 =	vsel vm0, s17, v5;
	v1 =	vsel vm1, s20, v1;
	s24 =	ssub.f32 $0.0e+00, s23;
	s20 =	spop (v2sf)  }
0x49b: {  	[tilespmem:s10+$0x142B0] =	vst v1;
	v1 =	vsel vm0, s16, v6;
	v0 =	vsel vm1, s22, v0;
	s21 =	ssub.f32 $0.0e+00, s20;
	s22 =	spop (v2sf)  }
0x49c: {  	[tilespmem:s10+$0x144B0] =	vst v0;
	v0 =	vsel vm0, s15, v4;
	v1 =	vsel vm1, s24, v1;
	s23 =	ssub.f32 $0.0e+00, s22  }
0x49d: {  	[tilespmem:s10+$0x146B0] =	vst v1;
	v1 =	vsel vm0, s1, v3;
	v0 =	vsel vm1, s21, v0  }
0x49e: {  	[tilespmem:s10+$0x148B0] =	vst v0;
	v0 =	vsel vm1, s23, v1  }
0x49f: {  	s9 =	sadd.s32 $0x1, s9;
	[tilespmem:s10+$0x14AB0] =	vst v0;
	v0 =	vld [tilespmem:$0x1FDA0]  }
0x4a0: {  	p0 =	sne.s32 s9, $0x10  }
.Ltmp2:
0x4a1: {  	_ = 	snop;
	(pc) =	sbr.rel @p0 .LBB2_2-.Ltmp2, $3  }
0x4a2: {  	s24 =	ssub.f32 $0.0e+00, s3;
	_ =	sdelay $0x1  }
0x4a3: {  	v0 =	vsel vm1, s24, v0  }
0x4a4: {  	[tilespmem:s10+$0x14CB0] =	vst v0;
	v0 =	vlaneseq.u32  }
0x4a5: {  	s1 =	simm.s32 $0x0;
	s3 =	rddreg [dreg:$0x3];
	s9 =	simm.s32 $0x12CA0  }
0x4a6: {  	[hbm4b:s3+s1] =	stream.linear.scatter [tilespmem:s9], [sflag:$0x2], $0x2200, $0x38;
	[tilespmem:$0x14EA0] =	vst v63  }
0x4a7: {  	_ =	swait.ge [sflag:s11], $0x2200  }
0x4a8: {  	s23 =	rddreg [dreg:$0x5]  }
0x4a9: {  	s24 =	rddreg [dreg:$0x4];
	s3 =	sadd.s32 $0x1, s23  }
0x4aa: {  	p0 =	sne.s32 s3, s24  }
.Ltmp3:
0x4ab: {  	_ = 	snop;
	(pc) =	sbr.rel @p0 .LBB2_1-.Ltmp3, $3  }
0x4ac: {  	_ =	sdelay $0x1  }
0x4ad: {  	[sflag:s11] =	ssyncset.done $0x0  }
0x4ae: {  	[sflag:s11] =	ssyncadd.s32 $0xFFFFDE00  }
0x4af: {  	_ =	sfence.sel $0x180000  }
0x4b0: {  	[bflag:$0x0] =	sbarrier.arrive $0xFFFF  }
0x4b1: {  	_ =	strace $0x90000047  }
0x4b2: {  	s0 =	stileid.u32;
	[bflag:$0x2] =	sbarrier.arrive $0xFFFF  }
0x4b3: {  	p0 =	sne.s32 s0, $0x0;
	s0 =	rddreg [dreg:$0x2]  }
0x4b4: {  	s0 =	sadd.s32 @!p0 $0x100000, s0  }
0x4b5: {  	[sflag:s0] =	ssyncadd.tile.s32 @!p0 $0x1;
	_ =	shalt  }
.Lfunc_end2:
_tile_overlayer_lowered:
.L_overlay_start_2:
0x4b6: {  	(tag) =	ssettag $0x2  }
0x4b7: {  	s0 =	rddreg [dreg:$0x0];
	s2 =	stileid.u32  }
0x4b8: {  	s1 =	rddreg [dreg:$0x1];
	p0 =	sne.s32 s2, $0x0  }
0x4b9: {  	s3 =	rddreg [dreg:$0x2];
	[bflag:$0x3] =	sbarrier.arrive $0xFFFF;
	s2 =	simm.s32 @!p0 $0x1C02  }
0x4ba: {  	[timem:s3], [sflag:s2] =	dma.local @!p0 [hbm:s0], s1  }
0x4bb: {  	s0 =	simm.s32 @!p0 $0x2  }
0x4bc: {  	_ =	swait.ge @!p0 [sflag:s0], s1  }
0x4bd: {  	s1 =	ssub.s32 @!p0 $0x0, s1;
	[sflag:s0] =	ssyncset.done @!p0 $0x0  }
0x4be: {  	[sflag:s0] =	ssyncadd.s32 @!p0 s1  }
0x4bf: {  	[bflag:$0x3] =	sbarrier.arrive $0xFFFF  }
0x4c0: {  	_ =	shalt  }

</sc_bundles>
